<compile_context>
chip_gen: v7x
topology: tpu7x:2x2x1
jax: 0.10.2.dev20260603
libtpu: 0.0.44.dev20260713+nightly
codegen_flags: <defaults>
</compile_context>

<pallas_src>
import functools

import jax
import jax.numpy as jnp
from jax import lax
from jax.experimental import pallas as pl
from jax.experimental.pallas import tpu as pltpu
from jax.experimental.pallas import tpu_sc as plsc

LOCAL_ATTN_SIZE = 1024
SINK_SIZE = 4

NB = 8
S = 2048
W = LOCAL_ATTN_SIZE
NNEW = 16
CHUNK = 16
CHUNKS_PER_CACHE = NB * W // CHUNK
NWORK = 32
CHUNKS_PER_WORKER = CHUNKS_PER_CACHE // NWORK

NBUF = 4
DEPTH = 2


def _sc_k_body(ck, kk, par_a, ok,
               par_v,
               b0, b1, b2, b3,
               g0, g1, g2, g3, s0, s1, s2, s3):
    bufs = (b0, b1, b2, b3)
    gsem = (g0, g1, g2, g3)
    ssem = (s0, s1, s2, s3)
    wid = lax.axis_index("s") * 2 + lax.axis_index("c")

    pltpu.sync_copy(par_a, par_v)
    ws = par_v[pl.ds(0, 16)][0]
    ne = par_v[pl.ds(16, 16)][0]
    ls = par_v[pl.ds(32, 16)][0]
    r0 = ls - ws

    nt = CHUNKS_PER_WORKER

    def params(t):
        cid = wid * CHUNKS_PER_WORKER + t
        b = cid // (W // CHUNK)
        r = (cid % (W // CHUNK)) * CHUNK
        p = ws + r
        shift = jnp.where((p >= SINK_SIZE) & (p < ls), ne, 0)
        src = jnp.minimum(p + shift, S - CHUNK)
        is_new = r == r0
        return b, src, r, is_new

    def start_gather(i):
        s = i % NBUF
        b, src, _, _ = params(i)
        return pltpu.async_copy(ck.at[b, pl.ds(src, CHUNK)], bufs[s],
                                gsem[s])

    gh = [None] * NBUF
    sh = [None] * NBUF
    for j in range(DEPTH):
        gh[j % NBUF] = start_gather(j)
    for i in range(nt):
        s = i % NBUF
        b, _, r, is_new = params(i)
        gh[s].wait()

        @pl.when(is_new)
        def _(b=b, s=s):
            pltpu.sync_copy(kk.at[b], bufs[s])

        sh[s] = pltpu.async_copy(bufs[s], ok.at[b, pl.ds(r, CHUNK)],
                                 ssem[s])
        j = i + DEPTH
        if j < nt:
            sj = j % NBUF
            if sh[sj] is not None:
                sh[sj].wait()
                sh[sj] = None
            gh[sj] = start_gather(j)
    for s in range(NBUF):
        if sh[s] is not None:
            sh[s].wait()


TCC = 504
TC_NCH = (W - NNEW) // TCC
TC_NBUF = 6
TC_DEPTH = 3


def _tc_v_body(cv, vv, ws_r, ne_r, r0_r, ov,
               b0, b1, b2, b3, b4, b5, nb0,
               g0, g1, g2, g3, g4, g5, s0, s1, s2, s3, s4, s5, nsem):
    bufs = (b0, b1, b2, b3, b4, b5)
    gsem = (g0, g1, g2, g3, g4, g5)
    ssem = (s0, s1, s2, s3, s4, s5)
    ws = ws_r[0]
    ne = ne_r[0]
    r0 = r0_r[0]
    bsrc = ws + ne
    tasks = [(b, c) for b in range(NB) for c in range(TC_NCH)]
    nt = len(tasks)

    def start_gather(i):
        b, c = tasks[i]
        s = i % TC_NBUF
        return pltpu.async_copy(cv.at[b, pl.ds(bsrc + c * TCC, TCC)],
                                bufs[s], gsem[s])

    gh = [None] * TC_NBUF
    sh = [None] * TC_NBUF
    for j in range(TC_DEPTH):
        gh[j % TC_NBUF] = start_gather(j)
    for i in range(nt):
        b, c = tasks[i]
        s = i % TC_NBUF
        gh[s].wait()
        sh[s] = pltpu.async_copy(bufs[s], ov.at[b, pl.ds(c * TCC, TCC)],
                                 ssem[s])
        j = i + TC_DEPTH
        if j < nt:
            sj = j % TC_NBUF
            if sh[sj] is not None:
                sh[sj].wait()
                sh[sj] = None
            gh[sj] = start_gather(j)
    nh = [pltpu.make_async_copy(vv, nb0, nsem)]
    nh[0].start()
    nh[0].wait()
    outh = []
    for b in range(NB):
        outh.append(pltpu.make_async_copy(
            nb0.at[b], ov.at[b, pl.ds(r0, NNEW)], nsem))
    for h in outh:
        h.start()
    for h in outh:
        h.wait()
    for s in range(TC_NBUF):
        if sh[s] is not None:
            sh[s].wait()


@jax.jit
def _windows(ck, cv, kk, vv, par_a, ws1, ne1, r01):
    mesh = plsc.VectorSubcoreMesh(core_axis_name="c", subcore_axis_name="s")
    sc_fn = functools.partial(
        pl.kernel,
        mesh=mesh,
        out_type=jax.ShapeDtypeStruct((NB, W, 8, 128), jnp.float32),
        scratch_types=(
            [pltpu.VMEM((48,), jnp.int32)]
            + [pltpu.VMEM((CHUNK, 8, 128), jnp.float32)] * NBUF
            + [pltpu.SemaphoreType.DMA] * (2 * NBUF)
        ),
    )(_sc_k_body)
    kw = sc_fn(ck, kk, par_a)

    vw = pl.pallas_call(
        _tc_v_body,
        in_specs=[
            pl.BlockSpec(memory_space=pltpu.MemorySpace.HBM),
            pl.BlockSpec(memory_space=pltpu.MemorySpace.HBM),
            pl.BlockSpec(memory_space=pltpu.SMEM),
            pl.BlockSpec(memory_space=pltpu.SMEM),
            pl.BlockSpec(memory_space=pltpu.SMEM),
        ],
        out_specs=pl.BlockSpec(memory_space=pltpu.MemorySpace.HBM),
        out_shape=jax.ShapeDtypeStruct((NB, W, 8, 128), jnp.float32),
        scratch_shapes=(
            [pltpu.VMEM((TCC, 8, 128), jnp.float32)] * TC_NBUF
            + [pltpu.VMEM((NB, NNEW, 8, 128), jnp.float32)]
            + [pltpu.SemaphoreType.DMA] * (2 * TC_NBUF + 1)
        ),
    )(cv, vv, ws1, ne1, r01)
    return kw, vw


def kernel(cache_k, cache_v, k, v, num_new_tokens, global_end_index,
           local_end_index):
    nn = jnp.asarray(num_new_tokens, jnp.int32)
    le = jnp.asarray(local_end_index, jnp.int32)
    cond = (nn > 0) & (nn + le > S)
    ne = jnp.where(cond, nn + le - S, 0)
    local_end = le + nn - ne
    local_start = local_end - nn
    ws = jnp.maximum(0, local_end - LOCAL_ATTN_SIZE)

    bc = lambda x: jnp.broadcast_to(x.astype(jnp.int32), (16,))
    s1 = lambda x: x.astype(jnp.int32).reshape(1)
    par_a = jnp.concatenate([bc(ws), bc(ne), bc(local_start)])
    kw, vw = _windows(cache_k, cache_v, k, v, par_a,
                      s1(ws), s1(ne), s1(local_start - ws))
    return (kw, vw, local_start.astype(jnp.int32), local_end.astype(jnp.int32))

# --- scband reference (transcript-rebuilt; emitter-appended) ---
"""Pipeline reference for scband-kvcache-manager-88338887344307 (READ-ONLY COPY).

The authoritative reference and input builder live on the scoring server;
editing this copy changes nothing except your own understanding.
"""

import jax, jax.numpy as jnp
import numpy as np

LOCAL_ATTN_SIZE = 1024
SINK_SIZE = 4

def setup_inputs(seed: int = 0) -> dict:
    key = jax.random.key(seed)
    k1, k2, k3, k4 = jax.random.split(key, 4)
    return {
        "cache_k": jax.random.normal(k1, (8, 2048, 8, 128), dtype=jnp.float32),
        "cache_v": jax.random.normal(k2, (8, 2048, 8, 128), dtype=jnp.float32),
        "k": jax.random.normal(k3, (8, 16, 8, 128), dtype=jnp.float32),
        "v": jax.random.normal(k4, (8, 16, 8, 128), dtype=jnp.float32),
        "num_new_tokens": 16,
        "global_end_index": 5000,
        "local_end_index": 2040,
    }

def reference(cache_k, cache_v, k, v, num_new_tokens, global_end_index, local_end_index):
    num_new = jnp.asarray(num_new_tokens, jnp.int32)
    current_start = jnp.asarray(global_end_index, jnp.int32)
    current_end = current_start + num_new
    cache_size = cache_k.shape[1]
    sink = SINK_SIZE
    le = jnp.asarray(local_end_index, jnp.int32)
    cond = (current_end > current_start) & (num_new + le > cache_size)
    num_evicted = jnp.where(cond, num_new + le - cache_size, 0)
    num_rolled = le - num_evicted - sink
    pos = jnp.arange(cache_size, dtype=jnp.int32)
    # roll (shift-left) non-sink tokens: scatter-overwrite of a contiguous block
    src = jnp.where((pos >= sink) & (pos < sink + num_rolled), pos + num_evicted, pos)
    cache_k = jnp.take(cache_k, src, axis=1)
    cache_v = jnp.take(cache_v, src, axis=1)
    local_end = le + current_end - current_start - num_evicted
    local_start = local_end - num_new
    cache_k = jax.lax.dynamic_update_slice_in_dim(cache_k, k, local_start, axis=1)
    cache_v = jax.lax.dynamic_update_slice_in_dim(cache_v, v, local_start, axis=1)
    window_start = jnp.maximum(0, local_end - LOCAL_ATTN_SIZE)
    k_window = jax.lax.dynamic_slice_in_dim(cache_k, window_start, LOCAL_ATTN_SIZE, axis=1)
    v_window = jax.lax.dynamic_slice_in_dim(cache_v, window_start, LOCAL_ATTN_SIZE, axis=1)
    return (k_window, v_window, jnp.asarray(local_start, jnp.int32), jnp.asarray(local_end, jnp.int32))

if __name__ == "__main__":
    import jax
    _d = setup_inputs()
    print(jax.jit(kernel)(*tuple(_d.values())))

</pallas_src>

<mosaic_0001>
#map = affine_map<(d0, d1) -> (0, 0, 0, 0)>
#map1 = affine_map<(d0, d1) -> (0)>
module attributes {stable_mosaic.version = 14 : i64} {
  func.func @_sc_k_body(%arg0: i32, %arg1: i32, %arg2: memref<8x2048x8x128xf32, #tpu.memory_space<hbm>>, %arg3: memref<8x16x8x128xf32, #tpu.memory_space<hbm>>, %arg4: memref<48xi32, #tpu.memory_space<hbm>>, %arg5: memref<8x1024x8x128xf32, #tpu.memory_space<hbm>>, %arg6: memref<48xi32, #tpu.memory_space<vmem>>, %arg7: memref<16x8x128xf32, #tpu.memory_space<vmem>>, %arg8: memref<16x8x128xf32, #tpu.memory_space<vmem>>, %arg9: memref<16x8x128xf32, #tpu.memory_space<vmem>>, %arg10: memref<16x8x128xf32, #tpu.memory_space<vmem>>, %arg11: memref<!tpu.dma_semaphore, #tpu.memory_space<semaphore_mem>>, %arg12: memref<!tpu.dma_semaphore, #tpu.memory_space<semaphore_mem>>, %arg13: memref<!tpu.dma_semaphore, #tpu.memory_space<semaphore_mem>>, %arg14: memref<!tpu.dma_semaphore, #tpu.memory_space<semaphore_mem>>, %arg15: memref<!tpu.dma_semaphore, #tpu.memory_space<semaphore_mem>>, %arg16: memref<!tpu.dma_semaphore, #tpu.memory_space<semaphore_mem>>, %arg17: memref<!tpu.dma_semaphore, #tpu.memory_space<semaphore_mem>>, %arg18: memref<!tpu.dma_semaphore, #tpu.memory_space<semaphore_mem>>) attributes {dimension_semantics = [#tpu.dimension_semantics<core_parallel>, #tpu.dimension_semantics<subcore_parallel>], iteration_bounds = array<i64: 2, 16>, scalar_prefetch = 0 : i64, scratch_operands = 13 : i64, tpu.core_type = #tpu.core_type<sc_vector_subcore>, window_params = [{transform_indices = #map}, {transform_indices = #map}, {transform_indices = #map1}, {transform_indices = #map}]} {
    %mul3A = arith.constant 2 : i32
    %mul3A_0 = arith.muli %arg1, %mul3A : i32
    %add3A = arith.addi %mul3A_0, %arg0 : i32
    "tpu.region"() ({
      %run_scoped3A = tpu.sem_alloc : memref<!tpu.dma_semaphore, #tpu.memory_space<semaphore_mem>>
      tpu.enqueue_dma source(%arg4 : memref<48xi32, #tpu.memory_space<hbm>>) target(%arg6 : memref<48xi32, #tpu.memory_space<vmem>>) target_semaphore(%run_scoped3A : memref<!tpu.dma_semaphore, #tpu.memory_space<semaphore_mem>>)
      tpu.wait_dma2 semaphore(%run_scoped3A : memref<!tpu.dma_semaphore, #tpu.memory_space<semaphore_mem>>) src(%arg4 : memref<48xi32, #tpu.memory_space<hbm>>) dst(%arg6 : memref<48xi32, #tpu.memory_space<vmem>>)
      tpu.yield
    }) : () -> ()
    %get3A = arith.constant 0 : index
    %get3A_1 = tpu.vector_load %arg6[%get3A] {strides = array<i32>} : memref<48xi32, #tpu.memory_space<vmem>>, vector<16xi32>,
    %get3A_2 = vector.shape_cast %get3A_1 : vector<16xi32> to vector<16xi32>
    %slice3A = vector.extract_strided_slice %get3A_2 {offsets = [0], sizes = [1], strides = [1]} : vector<16xi32> to vector<1xi32>
    %squeeze3A = vector.extract %slice3A[0] : i32 from vector<1xi32>
    %get3A_3 = arith.constant 16 : index
    %get3A_4 = tpu.vector_load %arg6[%get3A_3] {strides = array<i32>} : memref<48xi32, #tpu.memory_space<vmem>>, vector<16xi32>,
    %get3A_5 = vector.shape_cast %get3A_4 : vector<16xi32> to vector<16xi32>
    %slice3A_6 = vector.extract_strided_slice %get3A_5 {offsets = [0], sizes = [1], strides = [1]} : vector<16xi32> to vector<1xi32>
    %squeeze3A_7 = vector.extract %slice3A_6[0] : i32 from vector<1xi32>
    %get3A_8 = arith.constant 32 : index
    %get3A_9 = tpu.vector_load %arg6[%get3A_8] {strides = array<i32>} : memref<48xi32, #tpu.memory_space<vmem>>, vector<16xi32>,
    %get3A_10 = vector.shape_cast %get3A_9 : vector<16xi32> to vector<16xi32>
    %slice3A_11 = vector.extract_strided_slice %get3A_10 {offsets = [0], sizes = [1], strides = [1]} : vector<16xi32> to vector<1xi32>
    %squeeze3A_12 = vector.extract %slice3A_11[0] : i32 from vector<1xi32>
    %sub3A = arith.subi %squeeze3A_12, %squeeze3A : i32
    %mul3A_13 = arith.constant 16 : i32
    %mul3A_14 = arith.muli %add3A, %mul3A_13 : i32
    %add3A_15 = arith.constant 0 : i32
    %add3A_16 = arith.addi %mul3A_14, %add3A_15 : i32
    %jit3A = arith.constant 64 : i32
    %div3A = arith.divsi %add3A_16, %jit3A : i32
    %sign3A = arith.constant 0 : i32
    %sign3A_17 = arith.cmpi sgt, %add3A_16, %sign3A : i32
    %sign3A_18 = arith.extui %sign3A_17 : i1 to i32
    %sign3A_19 = arith.constant 0 : i32
    %sign3A_20 = arith.cmpi slt, %add3A_16, %sign3A_19 : i32
    %sign3A_21 = arith.extui %sign3A_20 : i1 to i32
    %sign3A_22 = arith.subi %sign3A_18, %sign3A_21 : i32
    %sign3A_23 = arith.constant 0 : i32
    %sign3A_24 = arith.cmpi sgt, %jit3A, %sign3A_23 : i32
    %sign3A_25 = arith.extui %sign3A_24 : i1 to i32
    %sign3A_26 = arith.constant 0 : i32
    %sign3A_27 = arith.cmpi slt, %jit3A, %sign3A_26 : i32
    %sign3A_28 = arith.extui %sign3A_27 : i1 to i32
    %sign3A_29 = arith.subi %sign3A_25, %sign3A_28 : i32
    %ne3A = arith.cmpi ne, %sign3A_22, %sign3A_29 : i32
    %rem3A = arith.remsi %add3A_16, %jit3A : i32
    %ne3A_30 = arith.constant 0 : i32
    %ne3A_31 = arith.cmpi ne, %rem3A, %ne3A_30 : i32
    %and3A = arith.andi %ne3A, %ne3A_31 : i1
    %sub3A_32 = arith.constant 1 : i32
    %sub3A_33 = arith.subi %div3A, %sub3A_32 : i32
    %select_n3A = arith.select %and3A, %sub3A_33, %div3A : i32
    %jit3A_34 = arith.constant 64 : i32
    %eq3A = arith.constant 0 : i32
    %eq3A_35 = arith.cmpi eq, %jit3A_34, %eq3A : i32
    %jit3A_36 = arith.constant 1 : i32
    %select_n3A_37 = arith.select %eq3A_35, %jit3A_36, %jit3A_34 : i32
    %rem3A_38 = arith.remsi %add3A_16, %select_n3A_37 : i32
    %ne3A_39 = arith.constant 0 : i32
    %ne3A_40 = arith.cmpi ne, %rem3A_38, %ne3A_39 : i32
    %lt3A = arith.constant 0 : i32
    %lt3A_41 = arith.cmpi slt, %rem3A_38, %lt3A : i32
    %lt3A_42 = arith.constant 0 : i32
    %lt3A_43 = arith.cmpi slt, %select_n3A_37, %lt3A_42 : i32
    %ne3A_44 = arith.xori %lt3A_41, %lt3A_43 : i1
    %and3A_45 = arith.andi %ne3A_44, %ne3A_40 : i1
    %add3A_46 = arith.addi %rem3A_38, %select_n3A_37 : i32
    %select_n3A_47 = arith.select %and3A_45, %add3A_46, %rem3A_38 : i32
    %mul3A_48 = arith.constant 16 : i32
    %mul3A_49 = arith.muli %select_n3A_47, %mul3A_48 : i32
    %add3A_50 = arith.addi %squeeze3A, %mul3A_49 : i32
    %ge3A = arith.constant 4 : i32
    %ge3A_51 = arith.cmpi sge, %add3A_50, %ge3A : i32
    %lt3A_52 = arith.cmpi slt, %add3A_50, %squeeze3A_12 : i32
    %and3A_53 = arith.andi %ge3A_51, %lt3A_52 : i1
    %jit3A_54 = arith.constant 0 : i32
    %select_n3A_55 = arith.select %and3A_53, %squeeze3A_7, %jit3A_54 : i32
    %add3A_56 = arith.addi %add3A_50, %select_n3A_55 : i32
    %min3A = arith.constant 2032 : i32
    %min3A_57 = arith.minsi %add3A_56, %min3A : i32
    %eq3A_58 = arith.cmpi eq, %mul3A_49, %sub3A : i32
    %dma_start3A = arith.constant 0 : i32
    %dma_start3A_59 = arith.constant 0 : i32
    %dma_start3A_60 = tpu.memref_slice %arg2[%select_n3A, %min3A_57, %dma_start3A, %dma_start3A_59] : memref<8x2048x8x128xf32, #tpu.memory_space<hbm>> -> memref<1x16x8x128xf32, #tpu.memory_space<hbm>>
    %dma_start3A_61 = tpu.memref_squeeze %dma_start3A_60 : memref<1x16x8x128xf32, #tpu.memory_space<hbm>> -> memref<16x8x128xf32, #tpu.memory_space<hbm>>
    %dma_start3A_62 = arith.constant 0 : i32
    %dma_start3A_63 = arith.constant 0 : i32
    %dma_start3A_64 = tpu.memref_slice %arg2[%select_n3A, %min3A_57, %dma_start3A_62, %dma_start3A_63] : memref<8x2048x8x128xf32, #tpu.memory_space<hbm>> -> memref<1x16x8x128xf32, #tpu.memory_space<hbm>>
    %dma_start3A_65 = tpu.memref_squeeze %dma_start3A_64 : memref<1x16x8x128xf32, #tpu.memory_space<hbm>> -> memref<16x8x128xf32, #tpu.memory_space<hbm>>
    tpu.enqueue_dma source(%dma_start3A_65 : memref<16x8x128xf32, #tpu.memory_space<hbm>>) target(%arg7 : memref<16x8x128xf32, #tpu.memory_space<vmem>>) target_semaphore(%arg11 : memref<!tpu.dma_semaphore, #tpu.memory_space<semaphore_mem>>)
    %mul3A_66 = arith.constant 16 : i32
    %mul3A_67 = arith.muli %add3A, %mul3A_66 : i32
    %add3A_68 = arith.constant 1 : i32
    %add3A_69 = arith.addi %mul3A_67, %add3A_68 : i32
    %jit3A_70 = arith.constant 64 : i32
    %div3A_71 = arith.divsi %add3A_69, %jit3A_70 : i32
    %sign3A_72 = arith.constant 0 : i32
    %sign3A_73 = arith.cmpi sgt, %add3A_69, %sign3A_72 : i32
    %sign3A_74 = arith.extui %sign3A_73 : i1 to i32
    %sign3A_75 = arith.constant 0 : i32
    %sign3A_76 = arith.cmpi slt, %add3A_69, %sign3A_75 : i32
    %sign3A_77 = arith.extui %sign3A_76 : i1 to i32
    %sign3A_78 = arith.subi %sign3A_74, %sign3A_77 : i32
    %sign3A_79 = arith.constant 0 : i32
    %sign3A_80 = arith.cmpi sgt, %jit3A_70, %sign3A_79 : i32
    %sign3A_81 = arith.extui %sign3A_80 : i1 to i32
    %sign3A_82 = arith.constant 0 : i32
    %sign3A_83 = arith.cmpi slt, %jit3A_70, %sign3A_82 : i32
    %sign3A_84 = arith.extui %sign3A_83 : i1 to i32
    %sign3A_85 = arith.subi %sign3A_81, %sign3A_84 : i32
    %ne3A_86 = arith.cmpi ne, %sign3A_78, %sign3A_85 : i32
    %rem3A_87 = arith.remsi %add3A_69, %jit3A_70 : i32
    %ne3A_88 = arith.constant 0 : i32
    %ne3A_89 = arith.cmpi ne, %rem3A_87, %ne3A_88 : i32
    %and3A_90 = arith.andi %ne3A_86, %ne3A_89 : i1
    %sub3A_91 = arith.constant 1 : i32
    %sub3A_92 = arith.subi %div3A_71, %sub3A_91 : i32
    %select_n3A_93 = arith.select %and3A_90, %sub3A_92, %div3A_71 : i32
    %jit3A_94 = arith.constant 64 : i32
    %eq3A_95 = arith.constant 0 : i32
    %eq3A_96 = arith.cmpi eq, %jit3A_94, %eq3A_95 : i32
    %jit3A_97 = arith.constant 1 : i32
    %select_n3A_98 = arith.select %eq3A_96, %jit3A_97, %jit3A_94 : i32
    %rem3A_99 = arith.remsi %add3A_69, %select_n3A_98 : i32
    %ne3A_100 = arith.constant 0 : i32
    %ne3A_101 = arith.cmpi ne, %rem3A_99, %ne3A_100 : i32
    %lt3A_102 = arith.constant 0 : i32
    %lt3A_103 = arith.cmpi slt, %rem3A_99, %lt3A_102 : i32
    %lt3A_104 = arith.constant 0 : i32
    %lt3A_105 = arith.cmpi slt, %select_n3A_98, %lt3A_104 : i32
    %ne3A_106 = arith.xori %lt3A_103, %lt3A_105 : i1
    %and3A_107 = arith.andi %ne3A_106, %ne3A_101 : i1
    %add3A_108 = arith.addi %rem3A_99, %select_n3A_98 : i32
    %select_n3A_109 = arith.select %and3A_107, %add3A_108, %rem3A_99 : i32
    %mul3A_110 = arith.constant 16 : i32
    %mul3A_111 = arith.muli %select_n3A_109, %mul3A_110 : i32
    %add3A_112 = arith.addi %squeeze3A, %mul3A_111 : i32
    %ge3A_113 = arith.constant 4 : i32
    %ge3A_114 = arith.cmpi sge, %add3A_112, %ge3A_113 : i32
    %lt3A_115 = arith.cmpi slt, %add3A_112, %squeeze3A_12 : i32
    %and3A_116 = arith.andi %ge3A_114, %lt3A_115 : i1
    %jit3A_117 = arith.constant 0 : i32
    %select_n3A_118 = arith.select %and3A_116, %squeeze3A_7, %jit3A_117 : i32
    %add3A_119 = arith.addi %add3A_112, %select_n3A_118 : i32
    %min3A_120 = arith.constant 2032 : i32
    %min3A_121 = arith.minsi %add3A_119, %min3A_120 : i32
    %eq3A_122 = arith.cmpi eq, %mul3A_111, %sub3A : i32
    %dma_start3A_123 = arith.constant 0 : i32
    %dma_start3A_124 = arith.constant 0 : i32
    %dma_start3A_125 = tpu.memref_slice %arg2[%select_n3A_93, %min3A_121, %dma_start3A_123, %dma_start3A_124] : memref<8x2048x8x128xf32, #tpu.memory_space<hbm>> -> memref<1x16x8x128xf32, #tpu.memory_space<hbm>>
    %dma_start3A_126 = tpu.memref_squeeze %dma_start3A_125 : memref<1x16x8x128xf32, #tpu.memory_space<hbm>> -> memref<16x8x128xf32, #tpu.memory_space<hbm>>
    %dma_start3A_127 = arith.constant 0 : i32
    %dma_start3A_128 = arith.constant 0 : i32
    %dma_start3A_129 = tpu.memref_slice %arg2[%select_n3A_93, %min3A_121, %dma_start3A_127, %dma_start3A_128] : memref<8x2048x8x128xf32, #tpu.memory_space<hbm>> -> memref<1x16x8x128xf32, #tpu.memory_space<hbm>>
    %dma_start3A_130 = tpu.memref_squeeze %dma_start3A_129 : memref<1x16x8x128xf32, #tpu.memory_space<hbm>> -> memref<16x8x128xf32, #tpu.memory_space<hbm>>
    tpu.enqueue_dma source(%dma_start3A_130 : memref<16x8x128xf32, #tpu.memory_space<hbm>>) target(%arg8 : memref<16x8x128xf32, #tpu.memory_space<vmem>>) target_semaphore(%arg12 : memref<!tpu.dma_semaphore, #tpu.memory_space<semaphore_mem>>)
    %mul3A_131 = arith.constant 16 : i32
    %mul3A_132 = arith.muli %add3A, %mul3A_131 : i32
    %add3A_133 = arith.constant 0 : i32
    %add3A_134 = arith.addi %mul3A_132, %add3A_133 : i32
    %jit3A_135 = arith.constant 64 : i32
    %div3A_136 = arith.divsi %add3A_134, %jit3A_135 : i32
    %sign3A_137 = arith.constant 0 : i32
    %sign3A_138 = arith.cmpi sgt, %add3A_134, %sign3A_137 : i32
    %sign3A_139 = arith.extui %sign3A_138 : i1 to i32
    %sign3A_140 = arith.constant 0 : i32
    %sign3A_141 = arith.cmpi slt, %add3A_134, %sign3A_140 : i32
    %sign3A_142 = arith.extui %sign3A_141 : i1 to i32
    %sign3A_143 = arith.subi %sign3A_139, %sign3A_142 : i32
    %sign3A_144 = arith.constant 0 : i32
    %sign3A_145 = arith.cmpi sgt, %jit3A_135, %sign3A_144 : i32
    %sign3A_146 = arith.extui %sign3A_145 : i1 to i32
    %sign3A_147 = arith.constant 0 : i32
    %sign3A_148 = arith.cmpi slt, %jit3A_135, %sign3A_147 : i32
    %sign3A_149 = arith.extui %sign3A_148 : i1 to i32
    %sign3A_150 = arith.subi %sign3A_146, %sign3A_149 : i32
    %ne3A_151 = arith.cmpi ne, %sign3A_143, %sign3A_150 : i32
    %rem3A_152 = arith.remsi %add3A_134, %jit3A_135 : i32
    %ne3A_153 = arith.constant 0 : i32
    %ne3A_154 = arith.cmpi ne, %rem3A_152, %ne3A_153 : i32
    %and3A_155 = arith.andi %ne3A_151, %ne3A_154 : i1
    %sub3A_156 = arith.constant 1 : i32
    %sub3A_157 = arith.subi %div3A_136, %sub3A_156 : i32
    %select_n3A_158 = arith.select %and3A_155, %sub3A_157, %div3A_136 : i32
    %jit3A_159 = arith.constant 64 : i32
    %eq3A_160 = arith.constant 0 : i32
    %eq3A_161 = arith.cmpi eq, %jit3A_159, %eq3A_160 : i32
    %jit3A_162 = arith.constant 1 : i32
    %select_n3A_163 = arith.select %eq3A_161, %jit3A_162, %jit3A_159 : i32
    %rem3A_164 = arith.remsi %add3A_134, %select_n3A_163 : i32
    %ne3A_165 = arith.constant 0 : i32
    %ne3A_166 = arith.cmpi ne, %rem3A_164, %ne3A_165 : i32
    %lt3A_167 = arith.constant 0 : i32
    %lt3A_168 = arith.cmpi slt, %rem3A_164, %lt3A_167 : i32
    %lt3A_169 = arith.constant 0 : i32
    %lt3A_170 = arith.cmpi slt, %select_n3A_163, %lt3A_169 : i32
    %ne3A_171 = arith.xori %lt3A_168, %lt3A_170 : i1
    %and3A_172 = arith.andi %ne3A_171, %ne3A_166 : i1
    %add3A_173 = arith.addi %rem3A_164, %select_n3A_163 : i32
    %select_n3A_174 = arith.select %and3A_172, %add3A_173, %rem3A_164 : i32
    %mul3A_175 = arith.constant 16 : i32
    %mul3A_176 = arith.muli %select_n3A_174, %mul3A_175 : i32
    %add3A_177 = arith.addi %squeeze3A, %mul3A_176 : i32
    %ge3A_178 = arith.constant 4 : i32
    %ge3A_179 = arith.cmpi sge, %add3A_177, %ge3A_178 : i32
    %lt3A_180 = arith.cmpi slt, %add3A_177, %squeeze3A_12 : i32
    %and3A_181 = arith.andi %ge3A_179, %lt3A_180 : i1
    %jit3A_182 = arith.constant 0 : i32
    %select_n3A_183 = arith.select %and3A_181, %squeeze3A_7, %jit3A_182 : i32
    %add3A_184 = arith.addi %add3A_177, %select_n3A_183 : i32
    %min3A_185 = arith.constant 2032 : i32
    %min3A_186 = arith.minsi %add3A_184, %min3A_185 : i32
    %eq3A_187 = arith.cmpi eq, %mul3A_176, %sub3A : i32
    %dma_wait3A = arith.constant 0 : i32
    %dma_wait3A_188 = arith.constant 0 : i32
    %dma_wait3A_189 = tpu.memref_slice %arg2[%select_n3A, %min3A_57, %dma_wait3A, %dma_wait3A_188] : memref<8x2048x8x128xf32, #tpu.memory_space<hbm>> -> memref<1x16x8x128xf32, #tpu.memory_space<hbm>>
    %dma_wait3A_190 = tpu.memref_squeeze %dma_wait3A_189 : memref<1x16x8x128xf32, #tpu.memory_space<hbm>> -> memref<16x8x128xf32, #tpu.memory_space<hbm>>
    %dma_wait3A_191 = arith.constant 0 : i32
    %dma_wait3A_192 = arith.constant 0 : i32
    %dma_wait3A_193 = tpu.memref_slice %arg2[%select_n3A, %min3A_57, %dma_wait3A_191, %dma_wait3A_192] : memref<8x2048x8x128xf32, #tpu.memory_space<hbm>> -> memref<1x16x8x128xf32, #tpu.memory_space<hbm>>
    %dma_wait3A_194 = tpu.memref_squeeze %dma_wait3A_193 : memref<1x16x8x128xf32, #tpu.memory_space<hbm>> -> memref<16x8x128xf32, #tpu.memory_space<hbm>>
    tpu.wait_dma2 semaphore(%arg11 : memref<!tpu.dma_semaphore, #tpu.memory_space<semaphore_mem>>) src(%dma_wait3A_194 : memref<16x8x128xf32, #tpu.memory_space<hbm>>) dst(%arg7 : memref<16x8x128xf32, #tpu.memory_space<vmem>>)
    %convert_element_type3A = arith.extui %eq3A_187 : i1 to i32
    %cond3A = arith.constant 0 : i32
    %cond3A_195 = arith.cmpi ne, %convert_element_type3A, %cond3A : i32
    scf.if %cond3A_195 {
      "tpu.region"() ({
        %run_scoped3A = tpu.sem_alloc : memref<!tpu.dma_semaphore, #tpu.memory_space<semaphore_mem>>
        %dma_start3A_2382 = arith.constant 0 : i32
        %dma_start3A_2383 = arith.constant 0 : i32
        %dma_start3A_2384 = arith.constant 0 : i32
        %dma_start3A_2385 = tpu.memref_slice %arg3[%select_n3A_158, %dma_start3A_2382, %dma_start3A_2383, %dma_start3A_2384] : memref<8x16x8x128xf32, #tpu.memory_space<hbm>> -> memref<1x16x8x128xf32, #tpu.memory_space<hbm>>
        %dma_start3A_2386 = tpu.memref_squeeze %dma_start3A_2385 : memref<1x16x8x128xf32, #tpu.memory_space<hbm>> -> memref<16x8x128xf32, #tpu.memory_space<hbm>>
        %dma_start3A_2387 = arith.constant 0 : i32
        %dma_start3A_2388 = arith.constant 0 : i32
        %dma_start3A_2389 = arith.constant 0 : i32
        %dma_start3A_2390 = tpu.memref_slice %arg3[%select_n3A_158, %dma_start3A_2387, %dma_start3A_2388, %dma_start3A_2389] : memref<8x16x8x128xf32, #tpu.memory_space<hbm>> -> memref<1x16x8x128xf32, #tpu.memory_space<hbm>>
        %dma_start3A_2391 = tpu.memref_squeeze %dma_start3A_2390 : memref<1x16x8x128xf32, #tpu.memory_space<hbm>> -> memref<16x8x128xf32, #tpu.memory_space<hbm>>
        tpu.enqueue_dma source(%dma_start3A_2391 : memref<16x8x128xf32, #tpu.memory_space<hbm>>) target(%arg7 : memref<16x8x128xf32, #tpu.memory_space<vmem>>) target_semaphore(%run_scoped3A : memref<!tpu.dma_semaphore, #tpu.memory_space<semaphore_mem>>)
        %dma_wait3A_2392 = arith.constant 0 : i32
        %dma_wait3A_2393 = arith.constant 0 : i32
        %dma_wait3A_2394 = arith.constant 0 : i32
        %dma_wait3A_2395 = tpu.memref_slice %arg3[%select_n3A_158, %dma_wait3A_2392, %dma_wait3A_2393, %dma_wait3A_2394] : memref<8x16x8x128xf32, #tpu.memory_space<hbm>> -> memref<1x16x8x128xf32, #tpu.memory_space<hbm>>
        %dma_wait3A_2396 = tpu.memref_squeeze %dma_wait3A_2395 : memref<1x16x8x128xf32, #tpu.memory_space<hbm>> -> memref<16x8x128xf32, #tpu.memory_space<hbm>>
        %dma_wait3A_2397 = arith.constant 0 : i32
        %dma_wait3A_2398 = arith.constant 0 : i32
        %dma_wait3A_2399 = arith.constant 0 : i32
        %dma_wait3A_2400 = tpu.memref_slice %arg3[%select_n3A_158, %dma_wait3A_2397, %dma_wait3A_2398, %dma_wait3A_2399] : memref<8x16x8x128xf32, #tpu.memory_space<hbm>> -> memref<1x16x8x128xf32, #tpu.memory_space<hbm>>
        %dma_wait3A_2401 = tpu.memref_squeeze %dma_wait3A_2400 : memref<1x16x8x128xf32, #tpu.memory_space<hbm>> -> memref<16x8x128xf32, #tpu.memory_space<hbm>>
        tpu.wait_dma2 semaphore(%run_scoped3A : memref<!tpu.dma_semaphore, #tpu.memory_space<semaphore_mem>>) src(%dma_wait3A_2401 : memref<16x8x128xf32, #tpu.memory_space<hbm>>) dst(%arg7 : memref<16x8x128xf32, #tpu.memory_space<vmem>>)
        tpu.yield
      }) : () -> ()
    } else {
    }
    %dma_start3A_196 = arith.constant 0 : i32
    %dma_start3A_197 = arith.constant 0 : i32
    %dma_start3A_198 = tpu.memref_slice %arg5[%select_n3A_158, %mul3A_176, %dma_start3A_196, %dma_start3A_197] : memref<8x1024x8x128xf32, #tpu.memory_space<hbm>> -> memref<1x16x8x128xf32, #tpu.memory_space<hbm>>
    %dma_start3A_199 = tpu.memref_squeeze %dma_start3A_198 : memref<1x16x8x128xf32, #tpu.memory_space<hbm>> -> memref<16x8x128xf32, #tpu.memory_space<hbm>>
    %dma_start3A_200 = arith.constant 0 : i32
    %dma_start3A_201 = arith.constant 0 : i32
    %dma_start3A_202 = tpu.memref_slice %arg5[%select_n3A_158, %mul3A_176, %dma_start3A_200, %dma_start3A_201] : memref<8x1024x8x128xf32, #tpu.memory_space<hbm>> -> memref<1x16x8x128xf32, #tpu.memory_space<hbm>>
    %dma_start3A_203 = tpu.memref_squeeze %dma_start3A_202 : memref<1x16x8x128xf32, #tpu.memory_space<hbm>> -> memref<16x8x128xf32, #tpu.memory_space<hbm>>
    tpu.enqueue_dma source(%arg7 : memref<16x8x128xf32, #tpu.memory_space<vmem>>) target(%dma_start3A_203 : memref<16x8x128xf32, #tpu.memory_space<hbm>>) target_semaphore(%arg15 : memref<!tpu.dma_semaphore, #tpu.memory_space<semaphore_mem>>)
    %mul3A_204 = arith.constant 16 : i32
    %mul3A_205 = arith.muli %add3A, %mul3A_204 : i32
    %add3A_206 = arith.constant 2 : i32
    %add3A_207 = arith.addi %mul3A_205, %add3A_206 : i32
    %jit3A_208 = arith.constant 64 : i32
    %div3A_209 = arith.divsi %add3A_207, %jit3A_208 : i32
    %sign3A_210 = arith.constant 0 : i32
    %sign3A_211 = arith.cmpi sgt, %add3A_207, %sign3A_210 : i32
    %sign3A_212 = arith.extui %sign3A_211 : i1 to i32
    %sign3A_213 = arith.constant 0 : i32
    %sign3A_214 = arith.cmpi slt, %add3A_207, %sign3A_213 : i32
    %sign3A_215 = arith.extui %sign3A_214 : i1 to i32
    %sign3A_216 = arith.subi %sign3A_212, %sign3A_215 : i32
    %sign3A_217 = arith.constant 0 : i32
    %sign3A_218 = arith.cmpi sgt, %jit3A_208, %sign3A_217 : i32
    %sign3A_219 = arith.extui %sign3A_218 : i1 to i32
    %sign3A_220 = arith.constant 0 : i32
    %sign3A_221 = arith.cmpi slt, %jit3A_208, %sign3A_220 : i32
    %sign3A_222 = arith.extui %sign3A_221 : i1 to i32
    %sign3A_223 = arith.subi %sign3A_219, %sign3A_222 : i32
    %ne3A_224 = arith.cmpi ne, %sign3A_216, %sign3A_223 : i32
    %rem3A_225 = arith.remsi %add3A_207, %jit3A_208 : i32
    %ne3A_226 = arith.constant 0 : i32
    %ne3A_227 = arith.cmpi ne, %rem3A_225, %ne3A_226 : i32
    %and3A_228 = arith.andi %ne3A_224, %ne3A_227 : i1
    %sub3A_229 = arith.constant 1 : i32
    %sub3A_230 = arith.subi %div3A_209, %sub3A_229 : i32
    %select_n3A_231 = arith.select %and3A_228, %sub3A_230, %div3A_209 : i32
    %jit3A_232 = arith.constant 64 : i32
    %eq3A_233 = arith.constant 0 : i32
    %eq3A_234 = arith.cmpi eq, %jit3A_232, %eq3A_233 : i32
    %jit3A_235 = arith.constant 1 : i32
    %select_n3A_236 = arith.select %eq3A_234, %jit3A_235, %jit3A_232 : i32
    %rem3A_237 = arith.remsi %add3A_207, %select_n3A_236 : i32
    %ne3A_238 = arith.constant 0 : i32
    %ne3A_239 = arith.cmpi ne, %rem3A_237, %ne3A_238 : i32
    %lt3A_240 = arith.constant 0 : i32
    %lt3A_241 = arith.cmpi slt, %rem3A_237, %lt3A_240 : i32
    %lt3A_242 = arith.constant 0 : i32
    %lt3A_243 = arith.cmpi slt, %select_n3A_236, %lt3A_242 : i32
    %ne3A_244 = arith.xori %lt3A_241, %lt3A_243 : i1
    %and3A_245 = arith.andi %ne3A_244, %ne3A_239 : i1
    %add3A_246 = arith.addi %rem3A_237, %select_n3A_236 : i32
    %select_n3A_247 = arith.select %and3A_245, %add3A_246, %rem3A_237 : i32
    %mul3A_248 = arith.constant 16 : i32
    %mul3A_249 = arith.muli %select_n3A_247, %mul3A_248 : i32
    %add3A_250 = arith.addi %squeeze3A, %mul3A_249 : i32
    %ge3A_251 = arith.constant 4 : i32
    %ge3A_252 = arith.cmpi sge, %add3A_250, %ge3A_251 : i32
    %lt3A_253 = arith.cmpi slt, %add3A_250, %squeeze3A_12 : i32
    %and3A_254 = arith.andi %ge3A_252, %lt3A_253 : i1
    %jit3A_255 = arith.constant 0 : i32
    %select_n3A_256 = arith.select %and3A_254, %squeeze3A_7, %jit3A_255 : i32
    %add3A_257 = arith.addi %add3A_250, %select_n3A_256 : i32
    %min3A_258 = arith.constant 2032 : i32
    %min3A_259 = arith.minsi %add3A_257, %min3A_258 : i32
    %eq3A_260 = arith.cmpi eq, %mul3A_249, %sub3A : i32
    %dma_start3A_261 = arith.constant 0 : i32
    %dma_start3A_262 = arith.constant 0 : i32
    %dma_start3A_263 = tpu.memref_slice %arg2[%select_n3A_231, %min3A_259, %dma_start3A_261, %dma_start3A_262] : memref<8x2048x8x128xf32, #tpu.memory_space<hbm>> -> memref<1x16x8x128xf32, #tpu.memory_space<hbm>>
    %dma_start3A_264 = tpu.memref_squeeze %dma_start3A_263 : memref<1x16x8x128xf32, #tpu.memory_space<hbm>> -> memref<16x8x128xf32, #tpu.memory_space<hbm>>
    %dma_start3A_265 = arith.constant 0 : i32
    %dma_start3A_266 = arith.constant 0 : i32
    %dma_start3A_267 = tpu.memref_slice %arg2[%select_n3A_231, %min3A_259, %dma_start3A_265, %dma_start3A_266] : memref<8x2048x8x128xf32, #tpu.memory_space<hbm>> -> memref<1x16x8x128xf32, #tpu.memory_space<hbm>>
    %dma_start3A_268 = tpu.memref_squeeze %dma_start3A_267 : memref<1x16x8x128xf32, #tpu.memory_space<hbm>> -> memref<16x8x128xf32, #tpu.memory_space<hbm>>
    tpu.enqueue_dma source(%dma_start3A_268 : memref<16x8x128xf32, #tpu.memory_space<hbm>>) target(%arg9 : memref<16x8x128xf32, #tpu.memory_space<vmem>>) target_semaphore(%arg13 : memref<!tpu.dma_semaphore, #tpu.memory_space<semaphore_mem>>)
    %mul3A_269 = arith.constant 16 : i32
    %mul3A_270 = arith.muli %add3A, %mul3A_269 : i32
    %add3A_271 = arith.constant 1 : i32
    %add3A_272 = arith.addi %mul3A_270, %add3A_271 : i32
    %jit3A_273 = arith.constant 64 : i32
    %div3A_274 = arith.divsi %add3A_272, %jit3A_273 : i32
    %sign3A_275 = arith.constant 0 : i32
    %sign3A_276 = arith.cmpi sgt, %add3A_272, %sign3A_275 : i32
    %sign3A_277 = arith.extui %sign3A_276 : i1 to i32
    %sign3A_278 = arith.constant 0 : i32
    %sign3A_279 = arith.cmpi slt, %add3A_272, %sign3A_278 : i32
    %sign3A_280 = arith.extui %sign3A_279 : i1 to i32
    %sign3A_281 = arith.subi %sign3A_277, %sign3A_280 : i32
    %sign3A_282 = arith.constant 0 : i32
    %sign3A_283 = arith.cmpi sgt, %jit3A_273, %sign3A_282 : i32
    %sign3A_284 = arith.extui %sign3A_283 : i1 to i32
    %sign3A_285 = arith.constant 0 : i32
    %sign3A_286 = arith.cmpi slt, %jit3A_273, %sign3A_285 : i32
    %sign3A_287 = arith.extui %sign3A_286 : i1 to i32
    %sign3A_288 = arith.subi %sign3A_284, %sign3A_287 : i32
    %ne3A_289 = arith.cmpi ne, %sign3A_281, %sign3A_288 : i32
    %rem3A_290 = arith.remsi %add3A_272, %jit3A_273 : i32
    %ne3A_291 = arith.constant 0 : i32
    %ne3A_292 = arith.cmpi ne, %rem3A_290, %ne3A_291 : i32
    %and3A_293 = arith.andi %ne3A_289, %ne3A_292 : i1
    %sub3A_294 = arith.constant 1 : i32
    %sub3A_295 = arith.subi %div3A_274, %sub3A_294 : i32
    %select_n3A_296 = arith.select %and3A_293, %sub3A_295, %div3A_274 : i32
    %jit3A_297 = arith.constant 64 : i32
    %eq3A_298 = arith.constant 0 : i32
    %eq3A_299 = arith.cmpi eq, %jit3A_297, %eq3A_298 : i32
    %jit3A_300 = arith.constant 1 : i32
    %select_n3A_301 = arith.select %eq3A_299, %jit3A_300, %jit3A_297 : i32
    %rem3A_302 = arith.remsi %add3A_272, %select_n3A_301 : i32
    %ne3A_303 = arith.constant 0 : i32
    %ne3A_304 = arith.cmpi ne, %rem3A_302, %ne3A_303 : i32
    %lt3A_305 = arith.constant 0 : i32
    %lt3A_306 = arith.cmpi slt, %rem3A_302, %lt3A_305 : i32
    %lt3A_307 = arith.constant 0 : i32
    %lt3A_308 = arith.cmpi slt, %select_n3A_301, %lt3A_307 : i32
    %ne3A_309 = arith.xori %lt3A_306, %lt3A_308 : i1
    %and3A_310 = arith.andi %ne3A_309, %ne3A_304 : i1
    %add3A_311 = arith.addi %rem3A_302, %select_n3A_301 : i32
    %select_n3A_312 = arith.select %and3A_310, %add3A_311, %rem3A_302 : i32
    %mul3A_313 = arith.constant 16 : i32
    %mul3A_314 = arith.muli %select_n3A_312, %mul3A_313 : i32
    %add3A_315 = arith.addi %squeeze3A, %mul3A_314 : i32
    %ge3A_316 = arith.constant 4 : i32
    %ge3A_317 = arith.cmpi sge, %add3A_315, %ge3A_316 : i32
    %lt3A_318 = arith.cmpi slt, %add3A_315, %squeeze3A_12 : i32
    %and3A_319 = arith.andi %ge3A_317, %lt3A_318 : i1
    %jit3A_320 = arith.constant 0 : i32
    %select_n3A_321 = arith.select %and3A_319, %squeeze3A_7, %jit3A_320 : i32
    %add3A_322 = arith.addi %add3A_315, %select_n3A_321 : i32
    %min3A_323 = arith.constant 2032 : i32
    %min3A_324 = arith.minsi %add3A_322, %min3A_323 : i32
    %eq3A_325 = arith.cmpi eq, %mul3A_314, %sub3A : i32
    %dma_wait3A_326 = arith.constant 0 : i32
    %dma_wait3A_327 = arith.constant 0 : i32
    %dma_wait3A_328 = tpu.memref_slice %arg2[%select_n3A_93, %min3A_121, %dma_wait3A_326, %dma_wait3A_327] : memref<8x2048x8x128xf32, #tpu.memory_space<hbm>> -> memref<1x16x8x128xf32, #tpu.memory_space<hbm>>
    %dma_wait3A_329 = tpu.memref_squeeze %dma_wait3A_328 : memref<1x16x8x128xf32, #tpu.memory_space<hbm>> -> memref<16x8x128xf32, #tpu.memory_space<hbm>>
    %dma_wait3A_330 = arith.constant 0 : i32
    %dma_wait3A_331 = arith.constant 0 : i32
    %dma_wait3A_332 = tpu.memref_slice %arg2[%select_n3A_93, %min3A_121, %dma_wait3A_330, %dma_wait3A_331] : memref<8x2048x8x128xf32, #tpu.memory_space<hbm>> -> memref<1x16x8x128xf32, #tpu.memory_space<hbm>>
    %dma_wait3A_333 = tpu.memref_squeeze %dma_wait3A_332 : memref<1x16x8x128xf32, #tpu.memory_space<hbm>> -> memref<16x8x128xf32, #tpu.memory_space<hbm>>
    tpu.wait_dma2 semaphore(%arg12 : memref<!tpu.dma_semaphore, #tpu.memory_space<semaphore_mem>>) src(%dma_wait3A_333 : memref<16x8x128xf32, #tpu.memory_space<hbm>>) dst(%arg8 : memref<16x8x128xf32, #tpu.memory_space<vmem>>)
    %convert_element_type3A_334 = arith.extui %eq3A_325 : i1 to i32
    %cond3A_335 = arith.constant 0 : i32
    %cond3A_336 = arith.cmpi ne, %convert_element_type3A_334, %cond3A_335 : i32
    scf.if %cond3A_336 {
      "tpu.region"() ({
        %run_scoped3A = tpu.sem_alloc : memref<!tpu.dma_semaphore, #tpu.memory_space<semaphore_mem>>
        %dma_start3A_2382 = arith.constant 0 : i32
        %dma_start3A_2383 = arith.constant 0 : i32
        %dma_start3A_2384 = arith.constant 0 : i32
        %dma_start3A_2385 = tpu.memref_slice %arg3[%select_n3A_296, %dma_start3A_2382, %dma_start3A_2383, %dma_start3A_2384] : memref<8x16x8x128xf32, #tpu.memory_space<hbm>> -> memref<1x16x8x128xf32, #tpu.memory_space<hbm>>
        %dma_start3A_2386 = tpu.memref_squeeze %dma_start3A_2385 : memref<1x16x8x128xf32, #tpu.memory_space<hbm>> -> memref<16x8x128xf32, #tpu.memory_space<hbm>>
        %dma_start3A_2387 = arith.constant 0 : i32
        %dma_start3A_2388 = arith.constant 0 : i32
        %dma_start3A_2389 = arith.constant 0 : i32
        %dma_start3A_2390 = tpu.memref_slice %arg3[%select_n3A_296, %dma_start3A_2387, %dma_start3A_2388, %dma_start3A_2389] : memref<8x16x8x128xf32, #tpu.memory_space<hbm>> -> memref<1x16x8x128xf32, #tpu.memory_space<hbm>>
        %dma_start3A_2391 = tpu.memref_squeeze %dma_start3A_2390 : memref<1x16x8x128xf32, #tpu.memory_space<hbm>> -> memref<16x8x128xf32, #tpu.memory_space<hbm>>
        tpu.enqueue_dma source(%dma_start3A_2391 : memref<16x8x128xf32, #tpu.memory_space<hbm>>) target(%arg8 : memref<16x8x128xf32, #tpu.memory_space<vmem>>) target_semaphore(%run_scoped3A : memref<!tpu.dma_semaphore, #tpu.memory_space<semaphore_mem>>)
        %dma_wait3A_2392 = arith.constant 0 : i32
        %dma_wait3A_2393 = arith.constant 0 : i32
        %dma_wait3A_2394 = arith.constant 0 : i32
        %dma_wait3A_2395 = tpu.memref_slice %arg3[%select_n3A_296, %dma_wait3A_2392, %dma_wait3A_2393, %dma_wait3A_2394] : memref<8x16x8x128xf32, #tpu.memory_space<hbm>> -> memref<1x16x8x128xf32, #tpu.memory_space<hbm>>
        %dma_wait3A_2396 = tpu.memref_squeeze %dma_wait3A_2395 : memref<1x16x8x128xf32, #tpu.memory_space<hbm>> -> memref<16x8x128xf32, #tpu.memory_space<hbm>>
        %dma_wait3A_2397 = arith.constant 0 : i32
        %dma_wait3A_2398 = arith.constant 0 : i32
        %dma_wait3A_2399 = arith.constant 0 : i32
        %dma_wait3A_2400 = tpu.memref_slice %arg3[%select_n3A_296, %dma_wait3A_2397, %dma_wait3A_2398, %dma_wait3A_2399] : memref<8x16x8x128xf32, #tpu.memory_space<hbm>> -> memref<1x16x8x128xf32, #tpu.memory_space<hbm>>
        %dma_wait3A_2401 = tpu.memref_squeeze %dma_wait3A_2400 : memref<1x16x8x128xf32, #tpu.memory_space<hbm>> -> memref<16x8x128xf32, #tpu.memory_space<hbm>>
        tpu.wait_dma2 semaphore(%run_scoped3A : memref<!tpu.dma_semaphore, #tpu.memory_space<semaphore_mem>>) src(%dma_wait3A_2401 : memref<16x8x128xf32, #tpu.memory_space<hbm>>) dst(%arg8 : memref<16x8x128xf32, #tpu.memory_space<vmem>>)
        tpu.yield
      }) : () -> ()
    } else {
    }
    %dma_start3A_337 = arith.constant 0 : i32
    %dma_start3A_338 = arith.constant 0 : i32
    %dma_start3A_339 = tpu.memref_slice %arg5[%select_n3A_296, %mul3A_314, %dma_start3A_337, %dma_start3A_338] : memref<8x1024x8x128xf32, #tpu.memory_space<hbm>> -> memref<1x16x8x128xf32, #tpu.memory_space<hbm>>
    %dma_start3A_340 = tpu.memref_squeeze %dma_start3A_339 : memref<1x16x8x128xf32, #tpu.memory_space<hbm>> -> memref<16x8x128xf32, #tpu.memory_space<hbm>>
    %dma_start3A_341 = arith.constant 0 : i32
    %dma_start3A_342 = arith.constant 0 : i32
    %dma_start3A_343 = tpu.memref_slice %arg5[%select_n3A_296, %mul3A_314, %dma_start3A_341, %dma_start3A_342] : memref<8x1024x8x128xf32, #tpu.memory_space<hbm>> -> memref<1x16x8x128xf32, #tpu.memory_space<hbm>>
    %dma_start3A_344 = tpu.memref_squeeze %dma_start3A_343 : memref<1x16x8x128xf32, #tpu.memory_space<hbm>> -> memref<16x8x128xf32, #tpu.memory_space<hbm>>
    tpu.enqueue_dma source(%arg8 : memref<16x8x128xf32, #tpu.memory_space<vmem>>) target(%dma_start3A_344 : memref<16x8x128xf32, #tpu.memory_space<hbm>>) target_semaphore(%arg16 : memref<!tpu.dma_semaphore, #tpu.memory_space<semaphore_mem>>)
    %mul3A_345 = arith.constant 16 : i32
    %mul3A_346 = arith.muli %add3A, %mul3A_345 : i32
    %add3A_347 = arith.constant 3 : i32
    %add3A_348 = arith.addi %mul3A_346, %add3A_347 : i32
    %jit3A_349 = arith.constant 64 : i32
    %div3A_350 = arith.divsi %add3A_348, %jit3A_349 : i32
    %sign3A_351 = arith.constant 0 : i32
    %sign3A_352 = arith.cmpi sgt, %add3A_348, %sign3A_351 : i32
    %sign3A_353 = arith.extui %sign3A_352 : i1 to i32
    %sign3A_354 = arith.constant 0 : i32
    %sign3A_355 = arith.cmpi slt, %add3A_348, %sign3A_354 : i32
    %sign3A_356 = arith.extui %sign3A_355 : i1 to i32
    %sign3A_357 = arith.subi %sign3A_353, %sign3A_356 : i32
    %sign3A_358 = arith.constant 0 : i32
    %sign3A_359 = arith.cmpi sgt, %jit3A_349, %sign3A_358 : i32
    %sign3A_360 = arith.extui %sign3A_359 : i1 to i32
    %sign3A_361 = arith.constant 0 : i32
    %sign3A_362 = arith.cmpi slt, %jit3A_349, %sign3A_361 : i32
    %sign3A_363 = arith.extui %sign3A_362 : i1 to i32
    %sign3A_364 = arith.subi %sign3A_360, %sign3A_363 : i32
    %ne3A_365 = arith.cmpi ne, %sign3A_357, %sign3A_364 : i32
    %rem3A_366 = arith.remsi %add3A_348, %jit3A_349 : i32
    %ne3A_367 = arith.constant 0 : i32
    %ne3A_368 = arith.cmpi ne, %rem3A_366, %ne3A_367 : i32
    %and3A_369 = arith.andi %ne3A_365, %ne3A_368 : i1
    %sub3A_370 = arith.constant 1 : i32
    %sub3A_371 = arith.subi %div3A_350, %sub3A_370 : i32
    %select_n3A_372 = arith.select %and3A_369, %sub3A_371, %div3A_350 : i32
    %jit3A_373 = arith.constant 64 : i32
    %eq3A_374 = arith.constant 0 : i32
    %eq3A_375 = arith.cmpi eq, %jit3A_373, %eq3A_374 : i32
    %jit3A_376 = arith.constant 1 : i32
    %select_n3A_377 = arith.select %eq3A_375, %jit3A_376, %jit3A_373 : i32
    %rem3A_378 = arith.remsi %add3A_348, %select_n3A_377 : i32
    %ne3A_379 = arith.constant 0 : i32
    %ne3A_380 = arith.cmpi ne, %rem3A_378, %ne3A_379 : i32
    %lt3A_381 = arith.constant 0 : i32
    %lt3A_382 = arith.cmpi slt, %rem3A_378, %lt3A_381 : i32
    %lt3A_383 = arith.constant 0 : i32
    %lt3A_384 = arith.cmpi slt, %select_n3A_377, %lt3A_383 : i32
    %ne3A_385 = arith.xori %lt3A_382, %lt3A_384 : i1
    %and3A_386 = arith.andi %ne3A_385, %ne3A_380 : i1
    %add3A_387 = arith.addi %rem3A_378, %select_n3A_377 : i32
    %select_n3A_388 = arith.select %and3A_386, %add3A_387, %rem3A_378 : i32
    %mul3A_389 = arith.constant 16 : i32
    %mul3A_390 = arith.muli %select_n3A_388, %mul3A_389 : i32
    %add3A_391 = arith.addi %squeeze3A, %mul3A_390 : i32
    %ge3A_392 = arith.constant 4 : i32
    %ge3A_393 = arith.cmpi sge, %add3A_391, %ge3A_392 : i32
    %lt3A_394 = arith.cmpi slt, %add3A_391, %squeeze3A_12 : i32
    %and3A_395 = arith.andi %ge3A_393, %lt3A_394 : i1
    %jit3A_396 = arith.constant 0 : i32
    %select_n3A_397 = arith.select %and3A_395, %squeeze3A_7, %jit3A_396 : i32
    %add3A_398 = arith.addi %add3A_391, %select_n3A_397 : i32
    %min3A_399 = arith.constant 2032 : i32
    %min3A_400 = arith.minsi %add3A_398, %min3A_399 : i32
    %eq3A_401 = arith.cmpi eq, %mul3A_390, %sub3A : i32
    %dma_start3A_402 = arith.constant 0 : i32
    %dma_start3A_403 = arith.constant 0 : i32
    %dma_start3A_404 = tpu.memref_slice %arg2[%select_n3A_372, %min3A_400, %dma_start3A_402, %dma_start3A_403] : memref<8x2048x8x128xf32, #tpu.memory_space<hbm>> -> memref<1x16x8x128xf32, #tpu.memory_space<hbm>>
    %dma_start3A_405 = tpu.memref_squeeze %dma_start3A_404 : memref<1x16x8x128xf32, #tpu.memory_space<hbm>> -> memref<16x8x128xf32, #tpu.memory_space<hbm>>
    %dma_start3A_406 = arith.constant 0 : i32
    %dma_start3A_407 = arith.constant 0 : i32
    %dma_start3A_408 = tpu.memref_slice %arg2[%select_n3A_372, %min3A_400, %dma_start3A_406, %dma_start3A_407] : memref<8x2048x8x128xf32, #tpu.memory_space<hbm>> -> memref<1x16x8x128xf32, #tpu.memory_space<hbm>>
    %dma_start3A_409 = tpu.memref_squeeze %dma_start3A_408 : memref<1x16x8x128xf32, #tpu.memory_space<hbm>> -> memref<16x8x128xf32, #tpu.memory_space<hbm>>
    tpu.enqueue_dma source(%dma_start3A_409 : memref<16x8x128xf32, #tpu.memory_space<hbm>>) target(%arg10 : memref<16x8x128xf32, #tpu.memory_space<vmem>>) target_semaphore(%arg14 : memref<!tpu.dma_semaphore, #tpu.memory_space<semaphore_mem>>)
    %mul3A_410 = arith.constant 16 : i32
    %mul3A_411 = arith.muli %add3A, %mul3A_410 : i32
    %add3A_412 = arith.constant 2 : i32
    %add3A_413 = arith.addi %mul3A_411, %add3A_412 : i32
    %jit3A_414 = arith.constant 64 : i32
    %div3A_415 = arith.divsi %add3A_413, %jit3A_414 : i32
    %sign3A_416 = arith.constant 0 : i32
    %sign3A_417 = arith.cmpi sgt, %add3A_413, %sign3A_416 : i32
    %sign3A_418 = arith.extui %sign3A_417 : i1 to i32
    %sign3A_419 = arith.constant 0 : i32
    %sign3A_420 = arith.cmpi slt, %add3A_413, %sign3A_419 : i32
    %sign3A_421 = arith.extui %sign3A_420 : i1 to i32
    %sign3A_422 = arith.subi %sign3A_418, %sign3A_421 : i32
    %sign3A_423 = arith.constant 0 : i32
    %sign3A_424 = arith.cmpi sgt, %jit3A_414, %sign3A_423 : i32
    %sign3A_425 = arith.extui %sign3A_424 : i1 to i32
    %sign3A_426 = arith.constant 0 : i32
    %sign3A_427 = arith.cmpi slt, %jit3A_414, %sign3A_426 : i32
    %sign3A_428 = arith.extui %sign3A_427 : i1 to i32
    %sign3A_429 = arith.subi %sign3A_425, %sign3A_428 : i32
    %ne3A_430 = arith.cmpi ne, %sign3A_422, %sign3A_429 : i32
    %rem3A_431 = arith.remsi %add3A_413, %jit3A_414 : i32
    %ne3A_432 = arith.constant 0 : i32
    %ne3A_433 = arith.cmpi ne, %rem3A_431, %ne3A_432 : i32
    %and3A_434 = arith.andi %ne3A_430, %ne3A_433 : i1
    %sub3A_435 = arith.constant 1 : i32
    %sub3A_436 = arith.subi %div3A_415, %sub3A_435 : i32
    %select_n3A_437 = arith.select %and3A_434, %sub3A_436, %div3A_415 : i32
    %jit3A_438 = arith.constant 64 : i32
    %eq3A_439 = arith.constant 0 : i32
    %eq3A_440 = arith.cmpi eq, %jit3A_438, %eq3A_439 : i32
    %jit3A_441 = arith.constant 1 : i32
    %select_n3A_442 = arith.select %eq3A_440, %jit3A_441, %jit3A_438 : i32
    %rem3A_443 = arith.remsi %add3A_413, %select_n3A_442 : i32
    %ne3A_444 = arith.constant 0 : i32
    %ne3A_445 = arith.cmpi ne, %rem3A_443, %ne3A_444 : i32
    %lt3A_446 = arith.constant 0 : i32
    %lt3A_447 = arith.cmpi slt, %rem3A_443, %lt3A_446 : i32
    %lt3A_448 = arith.constant 0 : i32
    %lt3A_449 = arith.cmpi slt, %select_n3A_442, %lt3A_448 : i32
    %ne3A_450 = arith.xori %lt3A_447, %lt3A_449 : i1
    %and3A_451 = arith.andi %ne3A_450, %ne3A_445 : i1
    %add3A_452 = arith.addi %rem3A_443, %select_n3A_442 : i32
    %select_n3A_453 = arith.select %and3A_451, %add3A_452, %rem3A_443 : i32
    %mul3A_454 = arith.constant 16 : i32
    %mul3A_455 = arith.muli %select_n3A_453, %mul3A_454 : i32
    %add3A_456 = arith.addi %squeeze3A, %mul3A_455 : i32
    %ge3A_457 = arith.constant 4 : i32
    %ge3A_458 = arith.cmpi sge, %add3A_456, %ge3A_457 : i32
    %lt3A_459 = arith.cmpi slt, %add3A_456, %squeeze3A_12 : i32
    %and3A_460 = arith.andi %ge3A_458, %lt3A_459 : i1
    %jit3A_461 = arith.constant 0 : i32
    %select_n3A_462 = arith.select %and3A_460, %squeeze3A_7, %jit3A_461 : i32
    %add3A_463 = arith.addi %add3A_456, %select_n3A_462 : i32
    %min3A_464 = arith.constant 2032 : i32
    %min3A_465 = arith.minsi %add3A_463, %min3A_464 : i32
    %eq3A_466 = arith.cmpi eq, %mul3A_455, %sub3A : i32
    %dma_wait3A_467 = arith.constant 0 : i32
    %dma_wait3A_468 = arith.constant 0 : i32
    %dma_wait3A_469 = tpu.memref_slice %arg2[%select_n3A_231, %min3A_259, %dma_wait3A_467, %dma_wait3A_468] : memref<8x2048x8x128xf32, #tpu.memory_space<hbm>> -> memref<1x16x8x128xf32, #tpu.memory_space<hbm>>
    %dma_wait3A_470 = tpu.memref_squeeze %dma_wait3A_469 : memref<1x16x8x128xf32, #tpu.memory_space<hbm>> -> memref<16x8x128xf32, #tpu.memory_space<hbm>>
    %dma_wait3A_471 = arith.constant 0 : i32
    %dma_wait3A_472 = arith.constant 0 : i32
    %dma_wait3A_473 = tpu.memref_slice %arg2[%select_n3A_231, %min3A_259, %dma_wait3A_471, %dma_wait3A_472] : memref<8x2048x8x128xf32, #tpu.memory_space<hbm>> -> memref<1x16x8x128xf32, #tpu.memory_space<hbm>>
    %dma_wait3A_474 = tpu.memref_squeeze %dma_wait3A_473 : memref<1x16x8x128xf32, #tpu.memory_space<hbm>> -> memref<16x8x128xf32, #tpu.memory_space<hbm>>
    tpu.wait_dma2 semaphore(%arg13 : memref<!tpu.dma_semaphore, #tpu.memory_space<semaphore_mem>>) src(%dma_wait3A_474 : memref<16x8x128xf32, #tpu.memory_space<hbm>>) dst(%arg9 : memref<16x8x128xf32, #tpu.memory_space<vmem>>)
    %convert_element_type3A_475 = arith.extui %eq3A_466 : i1 to i32
    %cond3A_476 = arith.constant 0 : i32
    %cond3A_477 = arith.cmpi ne, %convert_element_type3A_475, %cond3A_476 : i32
    scf.if %cond3A_477 {
      "tpu.region"() ({
        %run_scoped3A = tpu.sem_alloc : memref<!tpu.dma_semaphore, #tpu.memory_space<semaphore_mem>>
        %dma_start3A_2382 = arith.constant 0 : i32
        %dma_start3A_2383 = arith.constant 0 : i32
        %dma_start3A_2384 = arith.constant 0 : i32
        %dma_start3A_2385 = tpu.memref_slice %arg3[%select_n3A_437, %dma_start3A_2382, %dma_start3A_2383, %dma_start3A_2384] : memref<8x16x8x128xf32, #tpu.memory_space<hbm>> -> memref<1x16x8x128xf32, #tpu.memory_space<hbm>>
        %dma_start3A_2386 = tpu.memref_squeeze %dma_start3A_2385 : memref<1x16x8x128xf32, #tpu.memory_space<hbm>> -> memref<16x8x128xf32, #tpu.memory_space<hbm>>
        %dma_start3A_2387 = arith.constant 0 : i32
        %dma_start3A_2388 = arith.constant 0 : i32
        %dma_start3A_2389 = arith.constant 0 : i32
        %dma_start3A_2390 = tpu.memref_slice %arg3[%select_n3A_437, %dma_start3A_2387, %dma_start3A_2388, %dma_start3A_2389] : memref<8x16x8x128xf32, #tpu.memory_space<hbm>> -> memref<1x16x8x128xf32, #tpu.memory_space<hbm>>
        %dma_start3A_2391 = tpu.memref_squeeze %dma_start3A_2390 : memref<1x16x8x128xf32, #tpu.memory_space<hbm>> -> memref<16x8x128xf32, #tpu.memory_space<hbm>>
        tpu.enqueue_dma source(%dma_start3A_2391 : memref<16x8x128xf32, #tpu.memory_space<hbm>>) target(%arg9 : memref<16x8x128xf32, #tpu.memory_space<vmem>>) target_semaphore(%run_scoped3A : memref<!tpu.dma_semaphore, #tpu.memory_space<semaphore_mem>>)
        %dma_wait3A_2392 = arith.constant 0 : i32
        %dma_wait3A_2393 = arith.constant 0 : i32
        %dma_wait3A_2394 = arith.constant 0 : i32
        %dma_wait3A_2395 = tpu.memref_slice %arg3[%select_n3A_437, %dma_wait3A_2392, %dma_wait3A_2393, %dma_wait3A_2394] : memref<8x16x8x128xf32, #tpu.memory_space<hbm>> -> memref<1x16x8x128xf32, #tpu.memory_space<hbm>>
        %dma_wait3A_2396 = tpu.memref_squeeze %dma_wait3A_2395 : memref<1x16x8x128xf32, #tpu.memory_space<hbm>> -> memref<16x8x128xf32, #tpu.memory_space<hbm>>
        %dma_wait3A_2397 = arith.constant 0 : i32
        %dma_wait3A_2398 = arith.constant 0 : i32
        %dma_wait3A_2399 = arith.constant 0 : i32
        %dma_wait3A_2400 = tpu.memref_slice %arg3[%select_n3A_437, %dma_wait3A_2397, %dma_wait3A_2398, %dma_wait3A_2399] : memref<8x16x8x128xf32, #tpu.memory_space<hbm>> -> memref<1x16x8x128xf32, #tpu.memory_space<hbm>>
        %dma_wait3A_2401 = tpu.memref_squeeze %dma_wait3A_2400 : memref<1x16x8x128xf32, #tpu.memory_space<hbm>> -> memref<16x8x128xf32, #tpu.memory_space<hbm>>
        tpu.wait_dma2 semaphore(%run_scoped3A : memref<!tpu.dma_semaphore, #tpu.memory_space<semaphore_mem>>) src(%dma_wait3A_2401 : memref<16x8x128xf32, #tpu.memory_space<hbm>>) dst(%arg9 : memref<16x8x128xf32, #tpu.memory_space<vmem>>)
        tpu.yield
      }) : () -> ()
    } else {
    }
    %dma_start3A_478 = arith.constant 0 : i32
    %dma_start3A_479 = arith.constant 0 : i32
    %dma_start3A_480 = tpu.memref_slice %arg5[%select_n3A_437, %mul3A_455, %dma_start3A_478, %dma_start3A_479] : memref<8x1024x8x128xf32, #tpu.memory_space<hbm>> -> memref<1x16x8x128xf32, #tpu.memory_space<hbm>>
    %dma_start3A_481 = tpu.memref_squeeze %dma_start3A_480 : memref<1x16x8x128xf32, #tpu.memory_space<hbm>> -> memref<16x8x128xf32, #tpu.memory_space<hbm>>
    %dma_start3A_482 = arith.constant 0 : i32
    %dma_start3A_483 = arith.constant 0 : i32
    %dma_start3A_484 = tpu.memref_slice %arg5[%select_n3A_437, %mul3A_455, %dma_start3A_482, %dma_start3A_483] : memref<8x1024x8x128xf32, #tpu.memory_space<hbm>> -> memref<1x16x8x128xf32, #tpu.memory_space<hbm>>
    %dma_start3A_485 = tpu.memref_squeeze %dma_start3A_484 : memref<1x16x8x128xf32, #tpu.memory_space<hbm>> -> memref<16x8x128xf32, #tpu.memory_space<hbm>>
    tpu.enqueue_dma source(%arg9 : memref<16x8x128xf32, #tpu.memory_space<vmem>>) target(%dma_start3A_485 : memref<16x8x128xf32, #tpu.memory_space<hbm>>) target_semaphore(%arg17 : memref<!tpu.dma_semaphore, #tpu.memory_space<semaphore_mem>>)
    %dma_wait3A_486 = arith.constant 0 : i32
    %dma_wait3A_487 = arith.constant 0 : i32
    %dma_wait3A_488 = tpu.memref_slice %arg5[%select_n3A_158, %mul3A_176, %dma_wait3A_486, %dma_wait3A_487] : memref<8x1024x8x128xf32, #tpu.memory_space<hbm>> -> memref<1x16x8x128xf32, #tpu.memory_space<hbm>>
    %dma_wait3A_489 = tpu.memref_squeeze %dma_wait3A_488 : memref<1x16x8x128xf32, #tpu.memory_space<hbm>> -> memref<16x8x128xf32, #tpu.memory_space<hbm>>
    %dma_wait3A_490 = arith.constant 0 : i32
    %dma_wait3A_491 = arith.constant 0 : i32
    %dma_wait3A_492 = tpu.memref_slice %arg5[%select_n3A_158, %mul3A_176, %dma_wait3A_490, %dma_wait3A_491] : memref<8x1024x8x128xf32, #tpu.memory_space<hbm>> -> memref<1x16x8x128xf32, #tpu.memory_space<hbm>>
    %dma_wait3A_493 = tpu.memref_squeeze %dma_wait3A_492 : memref<1x16x8x128xf32, #tpu.memory_space<hbm>> -> memref<16x8x128xf32, #tpu.memory_space<hbm>>
    tpu.wait_dma2 semaphore(%arg15 : memref<!tpu.dma_semaphore, #tpu.memory_space<semaphore_mem>>) src(%arg7 : memref<16x8x128xf32, #tpu.memory_space<vmem>>) dst(%dma_wait3A_493 : memref<16x8x128xf32, #tpu.memory_space<hbm>>)
    %mul3A_494 = arith.constant 16 : i32
    %mul3A_495 = arith.muli %add3A, %mul3A_494 : i32
    %add3A_496 = arith.constant 4 : i32
    %add3A_497 = arith.addi %mul3A_495, %add3A_496 : i32
    %jit3A_498 = arith.constant 64 : i32
    %div3A_499 = arith.divsi %add3A_497, %jit3A_498 : i32
    %sign3A_500 = arith.constant 0 : i32
    %sign3A_501 = arith.cmpi sgt, %add3A_497, %sign3A_500 : i32
    %sign3A_502 = arith.extui %sign3A_501 : i1 to i32
    %sign3A_503 = arith.constant 0 : i32
    %sign3A_504 = arith.cmpi slt, %add3A_497, %sign3A_503 : i32
    %sign3A_505 = arith.extui %sign3A_504 : i1 to i32
    %sign3A_506 = arith.subi %sign3A_502, %sign3A_505 : i32
    %sign3A_507 = arith.constant 0 : i32
    %sign3A_508 = arith.cmpi sgt, %jit3A_498, %sign3A_507 : i32
    %sign3A_509 = arith.extui %sign3A_508 : i1 to i32
    %sign3A_510 = arith.constant 0 : i32
    %sign3A_511 = arith.cmpi slt, %jit3A_498, %sign3A_510 : i32
    %sign3A_512 = arith.extui %sign3A_511 : i1 to i32
    %sign3A_513 = arith.subi %sign3A_509, %sign3A_512 : i32
    %ne3A_514 = arith.cmpi ne, %sign3A_506, %sign3A_513 : i32
    %rem3A_515 = arith.remsi %add3A_497, %jit3A_498 : i32
    %ne3A_516 = arith.constant 0 : i32
    %ne3A_517 = arith.cmpi ne, %rem3A_515, %ne3A_516 : i32
    %and3A_518 = arith.andi %ne3A_514, %ne3A_517 : i1
    %sub3A_519 = arith.constant 1 : i32
    %sub3A_520 = arith.subi %div3A_499, %sub3A_519 : i32
    %select_n3A_521 = arith.select %and3A_518, %sub3A_520, %div3A_499 : i32
    %jit3A_522 = arith.constant 64 : i32
    %eq3A_523 = arith.constant 0 : i32
    %eq3A_524 = arith.cmpi eq, %jit3A_522, %eq3A_523 : i32
    %jit3A_525 = arith.constant 1 : i32
    %select_n3A_526 = arith.select %eq3A_524, %jit3A_525, %jit3A_522 : i32
    %rem3A_527 = arith.remsi %add3A_497, %select_n3A_526 : i32
    %ne3A_528 = arith.constant 0 : i32
    %ne3A_529 = arith.cmpi ne, %rem3A_527, %ne3A_528 : i32
    %lt3A_530 = arith.constant 0 : i32
    %lt3A_531 = arith.cmpi slt, %rem3A_527, %lt3A_530 : i32
    %lt3A_532 = arith.constant 0 : i32
    %lt3A_533 = arith.cmpi slt, %select_n3A_526, %lt3A_532 : i32
    %ne3A_534 = arith.xori %lt3A_531, %lt3A_533 : i1
    %and3A_535 = arith.andi %ne3A_534, %ne3A_529 : i1
    %add3A_536 = arith.addi %rem3A_527, %select_n3A_526 : i32
    %select_n3A_537 = arith.select %and3A_535, %add3A_536, %rem3A_527 : i32
    %mul3A_538 = arith.constant 16 : i32
    %mul3A_539 = arith.muli %select_n3A_537, %mul3A_538 : i32
    %add3A_540 = arith.addi %squeeze3A, %mul3A_539 : i32
    %ge3A_541 = arith.constant 4 : i32
    %ge3A_542 = arith.cmpi sge, %add3A_540, %ge3A_541 : i32
    %lt3A_543 = arith.cmpi slt, %add3A_540, %squeeze3A_12 : i32
    %and3A_544 = arith.andi %ge3A_542, %lt3A_543 : i1
    %jit3A_545 = arith.constant 0 : i32
    %select_n3A_546 = arith.select %and3A_544, %squeeze3A_7, %jit3A_545 : i32
    %add3A_547 = arith.addi %add3A_540, %select_n3A_546 : i32
    %min3A_548 = arith.constant 2032 : i32
    %min3A_549 = arith.minsi %add3A_547, %min3A_548 : i32
    %eq3A_550 = arith.cmpi eq, %mul3A_539, %sub3A : i32
    %dma_start3A_551 = arith.constant 0 : i32
    %dma_start3A_552 = arith.constant 0 : i32
    %dma_start3A_553 = tpu.memref_slice %arg2[%select_n3A_521, %min3A_549, %dma_start3A_551, %dma_start3A_552] : memref<8x2048x8x128xf32, #tpu.memory_space<hbm>> -> memref<1x16x8x128xf32, #tpu.memory_space<hbm>>
    %dma_start3A_554 = tpu.memref_squeeze %dma_start3A_553 : memref<1x16x8x128xf32, #tpu.memory_space<hbm>> -> memref<16x8x128xf32, #tpu.memory_space<hbm>>
    %dma_start3A_555 = arith.constant 0 : i32
    %dma_start3A_556 = arith.constant 0 : i32
    %dma_start3A_557 = tpu.memref_slice %arg2[%select_n3A_521, %min3A_549, %dma_start3A_555, %dma_start3A_556] : memref<8x2048x8x128xf32, #tpu.memory_space<hbm>> -> memref<1x16x8x128xf32, #tpu.memory_space<hbm>>
    %dma_start3A_558 = tpu.memref_squeeze %dma_start3A_557 : memref<1x16x8x128xf32, #tpu.memory_space<hbm>> -> memref<16x8x128xf32, #tpu.memory_space<hbm>>
    tpu.enqueue_dma source(%dma_start3A_558 : memref<16x8x128xf32, #tpu.memory_space<hbm>>) target(%arg7 : memref<16x8x128xf32, #tpu.memory_space<vmem>>) target_semaphore(%arg11 : memref<!tpu.dma_semaphore, #tpu.memory_space<semaphore_mem>>)
    %mul3A_559 = arith.constant 16 : i32
    %mul3A_560 = arith.muli %add3A, %mul3A_559 : i32
    %add3A_561 = arith.constant 3 : i32
    %add3A_562 = arith.addi %mul3A_560, %add3A_561 : i32
    %jit3A_563 = arith.constant 64 : i32
    %div3A_564 = arith.divsi %add3A_562, %jit3A_563 : i32
    %sign3A_565 = arith.constant 0 : i32
    %sign3A_566 = arith.cmpi sgt, %add3A_562, %sign3A_565 : i32
    %sign3A_567 = arith.extui %sign3A_566 : i1 to i32
    %sign3A_568 = arith.constant 0 : i32
    %sign3A_569 = arith.cmpi slt, %add3A_562, %sign3A_568 : i32
    %sign3A_570 = arith.extui %sign3A_569 : i1 to i32
    %sign3A_571 = arith.subi %sign3A_567, %sign3A_570 : i32
    %sign3A_572 = arith.constant 0 : i32
    %sign3A_573 = arith.cmpi sgt, %jit3A_563, %sign3A_572 : i32
    %sign3A_574 = arith.extui %sign3A_573 : i1 to i32
    %sign3A_575 = arith.constant 0 : i32
    %sign3A_576 = arith.cmpi slt, %jit3A_563, %sign3A_575 : i32
    %sign3A_577 = arith.extui %sign3A_576 : i1 to i32
    %sign3A_578 = arith.subi %sign3A_574, %sign3A_577 : i32
    %ne3A_579 = arith.cmpi ne, %sign3A_571, %sign3A_578 : i32
    %rem3A_580 = arith.remsi %add3A_562, %jit3A_563 : i32
    %ne3A_581 = arith.constant 0 : i32
    %ne3A_582 = arith.cmpi ne, %rem3A_580, %ne3A_581 : i32
    %and3A_583 = arith.andi %ne3A_579, %ne3A_582 : i1
    %sub3A_584 = arith.constant 1 : i32
    %sub3A_585 = arith.subi %div3A_564, %sub3A_584 : i32
    %select_n3A_586 = arith.select %and3A_583, %sub3A_585, %div3A_564 : i32
    %jit3A_587 = arith.constant 64 : i32
    %eq3A_588 = arith.constant 0 : i32
    %eq3A_589 = arith.cmpi eq, %jit3A_587, %eq3A_588 : i32
    %jit3A_590 = arith.constant 1 : i32
    %select_n3A_591 = arith.select %eq3A_589, %jit3A_590, %jit3A_587 : i32
    %rem3A_592 = arith.remsi %add3A_562, %select_n3A_591 : i32
    %ne3A_593 = arith.constant 0 : i32
    %ne3A_594 = arith.cmpi ne, %rem3A_592, %ne3A_593 : i32
    %lt3A_595 = arith.constant 0 : i32
    %lt3A_596 = arith.cmpi slt, %rem3A_592, %lt3A_595 : i32
    %lt3A_597 = arith.constant 0 : i32
    %lt3A_598 = arith.cmpi slt, %select_n3A_591, %lt3A_597 : i32
    %ne3A_599 = arith.xori %lt3A_596, %lt3A_598 : i1
    %and3A_600 = arith.andi %ne3A_599, %ne3A_594 : i1
    %add3A_601 = arith.addi %rem3A_592, %select_n3A_591 : i32
    %select_n3A_602 = arith.select %and3A_600, %add3A_601, %rem3A_592 : i32
    %mul3A_603 = arith.constant 16 : i32
    %mul3A_604 = arith.muli %select_n3A_602, %mul3A_603 : i32
    %add3A_605 = arith.addi %squeeze3A, %mul3A_604 : i32
    %ge3A_606 = arith.constant 4 : i32
    %ge3A_607 = arith.cmpi sge, %add3A_605, %ge3A_606 : i32
    %lt3A_608 = arith.cmpi slt, %add3A_605, %squeeze3A_12 : i32
    %and3A_609 = arith.andi %ge3A_607, %lt3A_608 : i1
    %jit3A_610 = arith.constant 0 : i32
    %select_n3A_611 = arith.select %and3A_609, %squeeze3A_7, %jit3A_610 : i32
    %add3A_612 = arith.addi %add3A_605, %select_n3A_611 : i32
    %min3A_613 = arith.constant 2032 : i32
    %min3A_614 = arith.minsi %add3A_612, %min3A_613 : i32
    %eq3A_615 = arith.cmpi eq, %mul3A_604, %sub3A : i32
    %dma_wait3A_616 = arith.constant 0 : i32
    %dma_wait3A_617 = arith.constant 0 : i32
    %dma_wait3A_618 = tpu.memref_slice %arg2[%select_n3A_372, %min3A_400, %dma_wait3A_616, %dma_wait3A_617] : memref<8x2048x8x128xf32, #tpu.memory_space<hbm>> -> memref<1x16x8x128xf32, #tpu.memory_space<hbm>>
    %dma_wait3A_619 = tpu.memref_squeeze %dma_wait3A_618 : memref<1x16x8x128xf32, #tpu.memory_space<hbm>> -> memref<16x8x128xf32, #tpu.memory_space<hbm>>
    %dma_wait3A_620 = arith.constant 0 : i32
    %dma_wait3A_621 = arith.constant 0 : i32
    %dma_wait3A_622 = tpu.memref_slice %arg2[%select_n3A_372, %min3A_400, %dma_wait3A_620, %dma_wait3A_621] : memref<8x2048x8x128xf32, #tpu.memory_space<hbm>> -> memref<1x16x8x128xf32, #tpu.memory_space<hbm>>
    %dma_wait3A_623 = tpu.memref_squeeze %dma_wait3A_622 : memref<1x16x8x128xf32, #tpu.memory_space<hbm>> -> memref<16x8x128xf32, #tpu.memory_space<hbm>>
    tpu.wait_dma2 semaphore(%arg14 : memref<!tpu.dma_semaphore, #tpu.memory_space<semaphore_mem>>) src(%dma_wait3A_623 : memref<16x8x128xf32, #tpu.memory_space<hbm>>) dst(%arg10 : memref<16x8x128xf32, #tpu.memory_space<vmem>>)
    %convert_element_type3A_624 = arith.extui %eq3A_615 : i1 to i32
    %cond3A_625 = arith.constant 0 : i32
    %cond3A_626 = arith.cmpi ne, %convert_element_type3A_624, %cond3A_625 : i32
    scf.if %cond3A_626 {
      "tpu.region"() ({
        %run_scoped3A = tpu.sem_alloc : memref<!tpu.dma_semaphore, #tpu.memory_space<semaphore_mem>>
        %dma_start3A_2382 = arith.constant 0 : i32
        %dma_start3A_2383 = arith.constant 0 : i32
        %dma_start3A_2384 = arith.constant 0 : i32
        %dma_start3A_2385 = tpu.memref_slice %arg3[%select_n3A_586, %dma_start3A_2382, %dma_start3A_2383, %dma_start3A_2384] : memref<8x16x8x128xf32, #tpu.memory_space<hbm>> -> memref<1x16x8x128xf32, #tpu.memory_space<hbm>>
        %dma_start3A_2386 = tpu.memref_squeeze %dma_start3A_2385 : memref<1x16x8x128xf32, #tpu.memory_space<hbm>> -> memref<16x8x128xf32, #tpu.memory_space<hbm>>
        %dma_start3A_2387 = arith.constant 0 : i32
        %dma_start3A_2388 = arith.constant 0 : i32
        %dma_start3A_2389 = arith.constant 0 : i32
        %dma_start3A_2390 = tpu.memref_slice %arg3[%select_n3A_586, %dma_start3A_2387, %dma_start3A_2388, %dma_start3A_2389] : memref<8x16x8x128xf32, #tpu.memory_space<hbm>> -> memref<1x16x8x128xf32, #tpu.memory_space<hbm>>
        %dma_start3A_2391 = tpu.memref_squeeze %dma_start3A_2390 : memref<1x16x8x128xf32, #tpu.memory_space<hbm>> -> memref<16x8x128xf32, #tpu.memory_space<hbm>>
        tpu.enqueue_dma source(%dma_start3A_2391 : memref<16x8x128xf32, #tpu.memory_space<hbm>>) target(%arg10 : memref<16x8x128xf32, #tpu.memory_space<vmem>>) target_semaphore(%run_scoped3A : memref<!tpu.dma_semaphore, #tpu.memory_space<semaphore_mem>>)
        %dma_wait3A_2392 = arith.constant 0 : i32
        %dma_wait3A_2393 = arith.constant 0 : i32
        %dma_wait3A_2394 = arith.constant 0 : i32
        %dma_wait3A_2395 = tpu.memref_slice %arg3[%select_n3A_586, %dma_wait3A_2392, %dma_wait3A_2393, %dma_wait3A_2394] : memref<8x16x8x128xf32, #tpu.memory_space<hbm>> -> memref<1x16x8x128xf32, #tpu.memory_space<hbm>>
        %dma_wait3A_2396 = tpu.memref_squeeze %dma_wait3A_2395 : memref<1x16x8x128xf32, #tpu.memory_space<hbm>> -> memref<16x8x128xf32, #tpu.memory_space<hbm>>
        %dma_wait3A_2397 = arith.constant 0 : i32
        %dma_wait3A_2398 = arith.constant 0 : i32
        %dma_wait3A_2399 = arith.constant 0 : i32
        %dma_wait3A_2400 = tpu.memref_slice %arg3[%select_n3A_586, %dma_wait3A_2397, %dma_wait3A_2398, %dma_wait3A_2399] : memref<8x16x8x128xf32, #tpu.memory_space<hbm>> -> memref<1x16x8x128xf32, #tpu.memory_space<hbm>>
        %dma_wait3A_2401 = tpu.memref_squeeze %dma_wait3A_2400 : memref<1x16x8x128xf32, #tpu.memory_space<hbm>> -> memref<16x8x128xf32, #tpu.memory_space<hbm>>
        tpu.wait_dma2 semaphore(%run_scoped3A : memref<!tpu.dma_semaphore, #tpu.memory_space<semaphore_mem>>) src(%dma_wait3A_2401 : memref<16x8x128xf32, #tpu.memory_space<hbm>>) dst(%arg10 : memref<16x8x128xf32, #tpu.memory_space<vmem>>)
        tpu.yield
      }) : () -> ()
    } else {
    }
    %dma_start3A_627 = arith.constant 0 : i32
    %dma_start3A_628 = arith.constant 0 : i32
    %dma_start3A_629 = tpu.memref_slice %arg5[%select_n3A_586, %mul3A_604, %dma_start3A_627, %dma_start3A_628] : memref<8x1024x8x128xf32, #tpu.memory_space<hbm>> -> memref<1x16x8x128xf32, #tpu.memory_space<hbm>>
    %dma_start3A_630 = tpu.memref_squeeze %dma_start3A_629 : memref<1x16x8x128xf32, #tpu.memory_space<hbm>> -> memref<16x8x128xf32, #tpu.memory_space<hbm>>
    %dma_start3A_631 = arith.constant 0 : i32
    %dma_start3A_632 = arith.constant 0 : i32
    %dma_start3A_633 = tpu.memref_slice %arg5[%select_n3A_586, %mul3A_604, %dma_start3A_631, %dma_start3A_632] : memref<8x1024x8x128xf32, #tpu.memory_space<hbm>> -> memref<1x16x8x128xf32, #tpu.memory_space<hbm>>
    %dma_start3A_634 = tpu.memref_squeeze %dma_start3A_633 : memref<1x16x8x128xf32, #tpu.memory_space<hbm>> -> memref<16x8x128xf32, #tpu.memory_space<hbm>>
    tpu.enqueue_dma source(%arg10 : memref<16x8x128xf32, #tpu.memory_space<vmem>>) target(%dma_start3A_634 : memref<16x8x128xf32, #tpu.memory_space<hbm>>) target_semaphore(%arg18 : memref<!tpu.dma_semaphore, #tpu.memory_space<semaphore_mem>>)
    %dma_wait3A_635 = arith.constant 0 : i32
    %dma_wait3A_636 = arith.constant 0 : i32
    %dma_wait3A_637 = tpu.memref_slice %arg5[%select_n3A_296, %mul3A_314, %dma_wait3A_635, %dma_wait3A_636] : memref<8x1024x8x128xf32, #tpu.memory_space<hbm>> -> memref<1x16x8x128xf32, #tpu.memory_space<hbm>>
    %dma_wait3A_638 = tpu.memref_squeeze %dma_wait3A_637 : memref<1x16x8x128xf32, #tpu.memory_space<hbm>> -> memref<16x8x128xf32, #tpu.memory_space<hbm>>
    %dma_wait3A_639 = arith.constant 0 : i32
    %dma_wait3A_640 = arith.constant 0 : i32
    %dma_wait3A_641 = tpu.memref_slice %arg5[%select_n3A_296, %mul3A_314, %dma_wait3A_639, %dma_wait3A_640] : memref<8x1024x8x128xf32, #tpu.memory_space<hbm>> -> memref<1x16x8x128xf32, #tpu.memory_space<hbm>>
    %dma_wait3A_642 = tpu.memref_squeeze %dma_wait3A_641 : memref<1x16x8x128xf32, #tpu.memory_space<hbm>> -> memref<16x8x128xf32, #tpu.memory_space<hbm>>
    tpu.wait_dma2 semaphore(%arg16 : memref<!tpu.dma_semaphore, #tpu.memory_space<semaphore_mem>>) src(%arg8 : memref<16x8x128xf32, #tpu.memory_space<vmem>>) dst(%dma_wait3A_642 : memref<16x8x128xf32, #tpu.memory_space<hbm>>)
    %mul3A_643 = arith.constant 16 : i32
    %mul3A_644 = arith.muli %add3A, %mul3A_643 : i32
    %add3A_645 = arith.constant 5 : i32
    %add3A_646 = arith.addi %mul3A_644, %add3A_645 : i32
    %jit3A_647 = arith.constant 64 : i32
    %div3A_648 = arith.divsi %add3A_646, %jit3A_647 : i32
    %sign3A_649 = arith.constant 0 : i32
    %sign3A_650 = arith.cmpi sgt, %add3A_646, %sign3A_649 : i32
    %sign3A_651 = arith.extui %sign3A_650 : i1 to i32
    %sign3A_652 = arith.constant 0 : i32
    %sign3A_653 = arith.cmpi slt, %add3A_646, %sign3A_652 : i32
    %sign3A_654 = arith.extui %sign3A_653 : i1 to i32
    %sign3A_655 = arith.subi %sign3A_651, %sign3A_654 : i32
    %sign3A_656 = arith.constant 0 : i32
    %sign3A_657 = arith.cmpi sgt, %jit3A_647, %sign3A_656 : i32
    %sign3A_658 = arith.extui %sign3A_657 : i1 to i32
    %sign3A_659 = arith.constant 0 : i32
    %sign3A_660 = arith.cmpi slt, %jit3A_647, %sign3A_659 : i32
    %sign3A_661 = arith.extui %sign3A_660 : i1 to i32
    %sign3A_662 = arith.subi %sign3A_658, %sign3A_661 : i32
    %ne3A_663 = arith.cmpi ne, %sign3A_655, %sign3A_662 : i32
    %rem3A_664 = arith.remsi %add3A_646, %jit3A_647 : i32
    %ne3A_665 = arith.constant 0 : i32
    %ne3A_666 = arith.cmpi ne, %rem3A_664, %ne3A_665 : i32
    %and3A_667 = arith.andi %ne3A_663, %ne3A_666 : i1
    %sub3A_668 = arith.constant 1 : i32
    %sub3A_669 = arith.subi %div3A_648, %sub3A_668 : i32
    %select_n3A_670 = arith.select %and3A_667, %sub3A_669, %div3A_648 : i32
    %jit3A_671 = arith.constant 64 : i32
    %eq3A_672 = arith.constant 0 : i32
    %eq3A_673 = arith.cmpi eq, %jit3A_671, %eq3A_672 : i32
    %jit3A_674 = arith.constant 1 : i32
    %select_n3A_675 = arith.select %eq3A_673, %jit3A_674, %jit3A_671 : i32
    %rem3A_676 = arith.remsi %add3A_646, %select_n3A_675 : i32
    %ne3A_677 = arith.constant 0 : i32
    %ne3A_678 = arith.cmpi ne, %rem3A_676, %ne3A_677 : i32
    %lt3A_679 = arith.constant 0 : i32
    %lt3A_680 = arith.cmpi slt, %rem3A_676, %lt3A_679 : i32
    %lt3A_681 = arith.constant 0 : i32
    %lt3A_682 = arith.cmpi slt, %select_n3A_675, %lt3A_681 : i32
    %ne3A_683 = arith.xori %lt3A_680, %lt3A_682 : i1
    %and3A_684 = arith.andi %ne3A_683, %ne3A_678 : i1
    %add3A_685 = arith.addi %rem3A_676, %select_n3A_675 : i32
    %select_n3A_686 = arith.select %and3A_684, %add3A_685, %rem3A_676 : i32
    %mul3A_687 = arith.constant 16 : i32
    %mul3A_688 = arith.muli %select_n3A_686, %mul3A_687 : i32
    %add3A_689 = arith.addi %squeeze3A, %mul3A_688 : i32
    %ge3A_690 = arith.constant 4 : i32
    %ge3A_691 = arith.cmpi sge, %add3A_689, %ge3A_690 : i32
    %lt3A_692 = arith.cmpi slt, %add3A_689, %squeeze3A_12 : i32
    %and3A_693 = arith.andi %ge3A_691, %lt3A_692 : i1
    %jit3A_694 = arith.constant 0 : i32
    %select_n3A_695 = arith.select %and3A_693, %squeeze3A_7, %jit3A_694 : i32
    %add3A_696 = arith.addi %add3A_689, %select_n3A_695 : i32
    %min3A_697 = arith.constant 2032 : i32
    %min3A_698 = arith.minsi %add3A_696, %min3A_697 : i32
    %eq3A_699 = arith.cmpi eq, %mul3A_688, %sub3A : i32
    %dma_start3A_700 = arith.constant 0 : i32
    %dma_start3A_701 = arith.constant 0 : i32
    %dma_start3A_702 = tpu.memref_slice %arg2[%select_n3A_670, %min3A_698, %dma_start3A_700, %dma_start3A_701] : memref<8x2048x8x128xf32, #tpu.memory_space<hbm>> -> memref<1x16x8x128xf32, #tpu.memory_space<hbm>>
    %dma_start3A_703 = tpu.memref_squeeze %dma_start3A_702 : memref<1x16x8x128xf32, #tpu.memory_space<hbm>> -> memref<16x8x128xf32, #tpu.memory_space<hbm>>
    %dma_start3A_704 = arith.constant 0 : i32
    %dma_start3A_705 = arith.constant 0 : i32
    %dma_start3A_706 = tpu.memref_slice %arg2[%select_n3A_670, %min3A_698, %dma_start3A_704, %dma_start3A_705] : memref<8x2048x8x128xf32, #tpu.memory_space<hbm>> -> memref<1x16x8x128xf32, #tpu.memory_space<hbm>>
    %dma_start3A_707 = tpu.memref_squeeze %dma_start3A_706 : memref<1x16x8x128xf32, #tpu.memory_space<hbm>> -> memref<16x8x128xf32, #tpu.memory_space<hbm>>
    tpu.enqueue_dma source(%dma_start3A_707 : memref<16x8x128xf32, #tpu.memory_space<hbm>>) target(%arg8 : memref<16x8x128xf32, #tpu.memory_space<vmem>>) target_semaphore(%arg12 : memref<!tpu.dma_semaphore, #tpu.memory_space<semaphore_mem>>)
    %mul3A_708 = arith.constant 16 : i32
    %mul3A_709 = arith.muli %add3A, %mul3A_708 : i32
    %add3A_710 = arith.constant 4 : i32
    %add3A_711 = arith.addi %mul3A_709, %add3A_710 : i32
    %jit3A_712 = arith.constant 64 : i32
    %div3A_713 = arith.divsi %add3A_711, %jit3A_712 : i32
    %sign3A_714 = arith.constant 0 : i32
    %sign3A_715 = arith.cmpi sgt, %add3A_711, %sign3A_714 : i32
    %sign3A_716 = arith.extui %sign3A_715 : i1 to i32
    %sign3A_717 = arith.constant 0 : i32
    %sign3A_718 = arith.cmpi slt, %add3A_711, %sign3A_717 : i32
    %sign3A_719 = arith.extui %sign3A_718 : i1 to i32
    %sign3A_720 = arith.subi %sign3A_716, %sign3A_719 : i32
    %sign3A_721 = arith.constant 0 : i32
    %sign3A_722 = arith.cmpi sgt, %jit3A_712, %sign3A_721 : i32
    %sign3A_723 = arith.extui %sign3A_722 : i1 to i32
    %sign3A_724 = arith.constant 0 : i32
    %sign3A_725 = arith.cmpi slt, %jit3A_712, %sign3A_724 : i32
    %sign3A_726 = arith.extui %sign3A_725 : i1 to i32
    %sign3A_727 = arith.subi %sign3A_723, %sign3A_726 : i32
    %ne3A_728 = arith.cmpi ne, %sign3A_720, %sign3A_727 : i32
    %rem3A_729 = arith.remsi %add3A_711, %jit3A_712 : i32
    %ne3A_730 = arith.constant 0 : i32
    %ne3A_731 = arith.cmpi ne, %rem3A_729, %ne3A_730 : i32
    %and3A_732 = arith.andi %ne3A_728, %ne3A_731 : i1
    %sub3A_733 = arith.constant 1 : i32
    %sub3A_734 = arith.subi %div3A_713, %sub3A_733 : i32
    %select_n3A_735 = arith.select %and3A_732, %sub3A_734, %div3A_713 : i32
    %jit3A_736 = arith.constant 64 : i32
    %eq3A_737 = arith.constant 0 : i32
    %eq3A_738 = arith.cmpi eq, %jit3A_736, %eq3A_737 : i32
    %jit3A_739 = arith.constant 1 : i32
    %select_n3A_740 = arith.select %eq3A_738, %jit3A_739, %jit3A_736 : i32
    %rem3A_741 = arith.remsi %add3A_711, %select_n3A_740 : i32
    %ne3A_742 = arith.constant 0 : i32
    %ne3A_743 = arith.cmpi ne, %rem3A_741, %ne3A_742 : i32
    %lt3A_744 = arith.constant 0 : i32
    %lt3A_745 = arith.cmpi slt, %rem3A_741, %lt3A_744 : i32
    %lt3A_746 = arith.constant 0 : i32
    %lt3A_747 = arith.cmpi slt, %select_n3A_740, %lt3A_746 : i32
    %ne3A_748 = arith.xori %lt3A_745, %lt3A_747 : i1
    %and3A_749 = arith.andi %ne3A_748, %ne3A_743 : i1
    %add3A_750 = arith.addi %rem3A_741, %select_n3A_740 : i32
    %select_n3A_751 = arith.select %and3A_749, %add3A_750, %rem3A_741 : i32
    %mul3A_752 = arith.constant 16 : i32
    %mul3A_753 = arith.muli %select_n3A_751, %mul3A_752 : i32
    %add3A_754 = arith.addi %squeeze3A, %mul3A_753 : i32
    %ge3A_755 = arith.constant 4 : i32
    %ge3A_756 = arith.cmpi sge, %add3A_754, %ge3A_755 : i32
    %lt3A_757 = arith.cmpi slt, %add3A_754, %squeeze3A_12 : i32
    %and3A_758 = arith.andi %ge3A_756, %lt3A_757 : i1
    %jit3A_759 = arith.constant 0 : i32
    %select_n3A_760 = arith.select %and3A_758, %squeeze3A_7, %jit3A_759 : i32
    %add3A_761 = arith.addi %add3A_754, %select_n3A_760 : i32
    %min3A_762 = arith.constant 2032 : i32
    %min3A_763 = arith.minsi %add3A_761, %min3A_762 : i32
    %eq3A_764 = arith.cmpi eq, %mul3A_753, %sub3A : i32
    %dma_wait3A_765 = arith.constant 0 : i32
    %dma_wait3A_766 = arith.constant 0 : i32
    %dma_wait3A_767 = tpu.memref_slice %arg2[%select_n3A_521, %min3A_549, %dma_wait3A_765, %dma_wait3A_766] : memref<8x2048x8x128xf32, #tpu.memory_space<hbm>> -> memref<1x16x8x128xf32, #tpu.memory_space<hbm>>
    %dma_wait3A_768 = tpu.memref_squeeze %dma_wait3A_767 : memref<1x16x8x128xf32, #tpu.memory_space<hbm>> -> memref<16x8x128xf32, #tpu.memory_space<hbm>>
    %dma_wait3A_769 = arith.constant 0 : i32
    %dma_wait3A_770 = arith.constant 0 : i32
    %dma_wait3A_771 = tpu.memref_slice %arg2[%select_n3A_521, %min3A_549, %dma_wait3A_769, %dma_wait3A_770] : memref<8x2048x8x128xf32, #tpu.memory_space<hbm>> -> memref<1x16x8x128xf32, #tpu.memory_space<hbm>>
    %dma_wait3A_772 = tpu.memref_squeeze %dma_wait3A_771 : memref<1x16x8x128xf32, #tpu.memory_space<hbm>> -> memref<16x8x128xf32, #tpu.memory_space<hbm>>
    tpu.wait_dma2 semaphore(%arg11 : memref<!tpu.dma_semaphore, #tpu.memory_space<semaphore_mem>>) src(%dma_wait3A_772 : memref<16x8x128xf32, #tpu.memory_space<hbm>>) dst(%arg7 : memref<16x8x128xf32, #tpu.memory_space<vmem>>)
    %convert_element_type3A_773 = arith.extui %eq3A_764 : i1 to i32
    %cond3A_774 = arith.constant 0 : i32
    %cond3A_775 = arith.cmpi ne, %convert_element_type3A_773, %cond3A_774 : i32
    scf.if %cond3A_775 {
      "tpu.region"() ({
        %run_scoped3A = tpu.sem_alloc : memref<!tpu.dma_semaphore, #tpu.memory_space<semaphore_mem>>
        %dma_start3A_2382 = arith.constant 0 : i32
        %dma_start3A_2383 = arith.constant 0 : i32
        %dma_start3A_2384 = arith.constant 0 : i32
        %dma_start3A_2385 = tpu.memref_slice %arg3[%select_n3A_735, %dma_start3A_2382, %dma_start3A_2383, %dma_start3A_2384] : memref<8x16x8x128xf32, #tpu.memory_space<hbm>> -> memref<1x16x8x128xf32, #tpu.memory_space<hbm>>
        %dma_start3A_2386 = tpu.memref_squeeze %dma_start3A_2385 : memref<1x16x8x128xf32, #tpu.memory_space<hbm>> -> memref<16x8x128xf32, #tpu.memory_space<hbm>>
        %dma_start3A_2387 = arith.constant 0 : i32
        %dma_start3A_2388 = arith.constant 0 : i32
        %dma_start3A_2389 = arith.constant 0 : i32
        %dma_start3A_2390 = tpu.memref_slice %arg3[%select_n3A_735, %dma_start3A_2387, %dma_start3A_2388, %dma_start3A_2389] : memref<8x16x8x128xf32, #tpu.memory_space<hbm>> -> memref<1x16x8x128xf32, #tpu.memory_space<hbm>>
        %dma_start3A_2391 = tpu.memref_squeeze %dma_start3A_2390 : memref<1x16x8x128xf32, #tpu.memory_space<hbm>> -> memref<16x8x128xf32, #tpu.memory_space<hbm>>
        tpu.enqueue_dma source(%dma_start3A_2391 : memref<16x8x128xf32, #tpu.memory_space<hbm>>) target(%arg7 : memref<16x8x128xf32, #tpu.memory_space<vmem>>) target_semaphore(%run_scoped3A : memref<!tpu.dma_semaphore, #tpu.memory_space<semaphore_mem>>)
        %dma_wait3A_2392 = arith.constant 0 : i32
        %dma_wait3A_2393 = arith.constant 0 : i32
        %dma_wait3A_2394 = arith.constant 0 : i32
        %dma_wait3A_2395 = tpu.memref_slice %arg3[%select_n3A_735, %dma_wait3A_2392, %dma_wait3A_2393, %dma_wait3A_2394] : memref<8x16x8x128xf32, #tpu.memory_space<hbm>> -> memref<1x16x8x128xf32, #tpu.memory_space<hbm>>
        %dma_wait3A_2396 = tpu.memref_squeeze %dma_wait3A_2395 : memref<1x16x8x128xf32, #tpu.memory_space<hbm>> -> memref<16x8x128xf32, #tpu.memory_space<hbm>>
        %dma_wait3A_2397 = arith.constant 0 : i32
        %dma_wait3A_2398 = arith.constant 0 : i32
        %dma_wait3A_2399 = arith.constant 0 : i32
        %dma_wait3A_2400 = tpu.memref_slice %arg3[%select_n3A_735, %dma_wait3A_2397, %dma_wait3A_2398, %dma_wait3A_2399] : memref<8x16x8x128xf32, #tpu.memory_space<hbm>> -> memref<1x16x8x128xf32, #tpu.memory_space<hbm>>
        %dma_wait3A_2401 = tpu.memref_squeeze %dma_wait3A_2400 : memref<1x16x8x128xf32, #tpu.memory_space<hbm>> -> memref<16x8x128xf32, #tpu.memory_space<hbm>>
        tpu.wait_dma2 semaphore(%run_scoped3A : memref<!tpu.dma_semaphore, #tpu.memory_space<semaphore_mem>>) src(%dma_wait3A_2401 : memref<16x8x128xf32, #tpu.memory_space<hbm>>) dst(%arg7 : memref<16x8x128xf32, #tpu.memory_space<vmem>>)
        tpu.yield
      }) : () -> ()
    } else {
    }
    %dma_start3A_776 = arith.constant 0 : i32
    %dma_start3A_777 = arith.constant 0 : i32
    %dma_start3A_778 = tpu.memref_slice %arg5[%select_n3A_735, %mul3A_753, %dma_start3A_776, %dma_start3A_777] : memref<8x1024x8x128xf32, #tpu.memory_space<hbm>> -> memref<1x16x8x128xf32, #tpu.memory_space<hbm>>
    %dma_start3A_779 = tpu.memref_squeeze %dma_start3A_778 : memref<1x16x8x128xf32, #tpu.memory_space<hbm>> -> memref<16x8x128xf32, #tpu.memory_space<hbm>>
    %dma_start3A_780 = arith.constant 0 : i32
    %dma_start3A_781 = arith.constant 0 : i32
    %dma_start3A_782 = tpu.memref_slice %arg5[%select_n3A_735, %mul3A_753, %dma_start3A_780, %dma_start3A_781] : memref<8x1024x8x128xf32, #tpu.memory_space<hbm>> -> memref<1x16x8x128xf32, #tpu.memory_space<hbm>>
    %dma_start3A_783 = tpu.memref_squeeze %dma_start3A_782 : memref<1x16x8x128xf32, #tpu.memory_space<hbm>> -> memref<16x8x128xf32, #tpu.memory_space<hbm>>
    tpu.enqueue_dma source(%arg7 : memref<16x8x128xf32, #tpu.memory_space<vmem>>) target(%dma_start3A_783 : memref<16x8x128xf32, #tpu.memory_space<hbm>>) target_semaphore(%arg15 : memref<!tpu.dma_semaphore, #tpu.memory_space<semaphore_mem>>)
    %dma_wait3A_784 = arith.constant 0 : i32
    %dma_wait3A_785 = arith.constant 0 : i32
    %dma_wait3A_786 = tpu.memref_slice %arg5[%select_n3A_437, %mul3A_455, %dma_wait3A_784, %dma_wait3A_785] : memref<8x1024x8x128xf32, #tpu.memory_space<hbm>> -> memref<1x16x8x128xf32, #tpu.memory_space<hbm>>
    %dma_wait3A_787 = tpu.memref_squeeze %dma_wait3A_786 : memref<1x16x8x128xf32, #tpu.memory_space<hbm>> -> memref<16x8x128xf32, #tpu.memory_space<hbm>>
    %dma_wait3A_788 = arith.constant 0 : i32
    %dma_wait3A_789 = arith.constant 0 : i32
    %dma_wait3A_790 = tpu.memref_slice %arg5[%select_n3A_437, %mul3A_455, %dma_wait3A_788, %dma_wait3A_789] : memref<8x1024x8x128xf32, #tpu.memory_space<hbm>> -> memref<1x16x8x128xf32, #tpu.memory_space<hbm>>
    %dma_wait3A_791 = tpu.memref_squeeze %dma_wait3A_790 : memref<1x16x8x128xf32, #tpu.memory_space<hbm>> -> memref<16x8x128xf32, #tpu.memory_space<hbm>>
    tpu.wait_dma2 semaphore(%arg17 : memref<!tpu.dma_semaphore, #tpu.memory_space<semaphore_mem>>) src(%arg9 : memref<16x8x128xf32, #tpu.memory_space<vmem>>) dst(%dma_wait3A_791 : memref<16x8x128xf32, #tpu.memory_space<hbm>>)
    %mul3A_792 = arith.constant 16 : i32
    %mul3A_793 = arith.muli %add3A, %mul3A_792 : i32
    %add3A_794 = arith.constant 6 : i32
    %add3A_795 = arith.addi %mul3A_793, %add3A_794 : i32
    %jit3A_796 = arith.constant 64 : i32
    %div3A_797 = arith.divsi %add3A_795, %jit3A_796 : i32
    %sign3A_798 = arith.constant 0 : i32
    %sign3A_799 = arith.cmpi sgt, %add3A_795, %sign3A_798 : i32
    %sign3A_800 = arith.extui %sign3A_799 : i1 to i32
    %sign3A_801 = arith.constant 0 : i32
    %sign3A_802 = arith.cmpi slt, %add3A_795, %sign3A_801 : i32
    %sign3A_803 = arith.extui %sign3A_802 : i1 to i32
    %sign3A_804 = arith.subi %sign3A_800, %sign3A_803 : i32
    %sign3A_805 = arith.constant 0 : i32
    %sign3A_806 = arith.cmpi sgt, %jit3A_796, %sign3A_805 : i32
    %sign3A_807 = arith.extui %sign3A_806 : i1 to i32
    %sign3A_808 = arith.constant 0 : i32
    %sign3A_809 = arith.cmpi slt, %jit3A_796, %sign3A_808 : i32
    %sign3A_810 = arith.extui %sign3A_809 : i1 to i32
    %sign3A_811 = arith.subi %sign3A_807, %sign3A_810 : i32
    %ne3A_812 = arith.cmpi ne, %sign3A_804, %sign3A_811 : i32
    %rem3A_813 = arith.remsi %add3A_795, %jit3A_796 : i32
    %ne3A_814 = arith.constant 0 : i32
    %ne3A_815 = arith.cmpi ne, %rem3A_813, %ne3A_814 : i32
    %and3A_816 = arith.andi %ne3A_812, %ne3A_815 : i1
    %sub3A_817 = arith.constant 1 : i32
    %sub3A_818 = arith.subi %div3A_797, %sub3A_817 : i32
    %select_n3A_819 = arith.select %and3A_816, %sub3A_818, %div3A_797 : i32
    %jit3A_820 = arith.constant 64 : i32
    %eq3A_821 = arith.constant 0 : i32
    %eq3A_822 = arith.cmpi eq, %jit3A_820, %eq3A_821 : i32
    %jit3A_823 = arith.constant 1 : i32
    %select_n3A_824 = arith.select %eq3A_822, %jit3A_823, %jit3A_820 : i32
    %rem3A_825 = arith.remsi %add3A_795, %select_n3A_824 : i32
    %ne3A_826 = arith.constant 0 : i32
    %ne3A_827 = arith.cmpi ne, %rem3A_825, %ne3A_826 : i32
    %lt3A_828 = arith.constant 0 : i32
    %lt3A_829 = arith.cmpi slt, %rem3A_825, %lt3A_828 : i32
    %lt3A_830 = arith.constant 0 : i32
    %lt3A_831 = arith.cmpi slt, %select_n3A_824, %lt3A_830 : i32
    %ne3A_832 = arith.xori %lt3A_829, %lt3A_831 : i1
    %and3A_833 = arith.andi %ne3A_832, %ne3A_827 : i1
    %add3A_834 = arith.addi %rem3A_825, %select_n3A_824 : i32
    %select_n3A_835 = arith.select %and3A_833, %add3A_834, %rem3A_825 : i32
    %mul3A_836 = arith.constant 16 : i32
    %mul3A_837 = arith.muli %select_n3A_835, %mul3A_836 : i32
    %add3A_838 = arith.addi %squeeze3A, %mul3A_837 : i32
    %ge3A_839 = arith.constant 4 : i32
    %ge3A_840 = arith.cmpi sge, %add3A_838, %ge3A_839 : i32
    %lt3A_841 = arith.cmpi slt, %add3A_838, %squeeze3A_12 : i32
    %and3A_842 = arith.andi %ge3A_840, %lt3A_841 : i1
    %jit3A_843 = arith.constant 0 : i32
    %select_n3A_844 = arith.select %and3A_842, %squeeze3A_7, %jit3A_843 : i32
    %add3A_845 = arith.addi %add3A_838, %select_n3A_844 : i32
    %min3A_846 = arith.constant 2032 : i32
    %min3A_847 = arith.minsi %add3A_845, %min3A_846 : i32
    %eq3A_848 = arith.cmpi eq, %mul3A_837, %sub3A : i32
    %dma_start3A_849 = arith.constant 0 : i32
    %dma_start3A_850 = arith.constant 0 : i32
    %dma_start3A_851 = tpu.memref_slice %arg2[%select_n3A_819, %min3A_847, %dma_start3A_849, %dma_start3A_850] : memref<8x2048x8x128xf32, #tpu.memory_space<hbm>> -> memref<1x16x8x128xf32, #tpu.memory_space<hbm>>
    %dma_start3A_852 = tpu.memref_squeeze %dma_start3A_851 : memref<1x16x8x128xf32, #tpu.memory_space<hbm>> -> memref<16x8x128xf32, #tpu.memory_space<hbm>>
    %dma_start3A_853 = arith.constant 0 : i32
    %dma_start3A_854 = arith.constant 0 : i32
    %dma_start3A_855 = tpu.memref_slice %arg2[%select_n3A_819, %min3A_847, %dma_start3A_853, %dma_start3A_854] : memref<8x2048x8x128xf32, #tpu.memory_space<hbm>> -> memref<1x16x8x128xf32, #tpu.memory_space<hbm>>
    %dma_start3A_856 = tpu.memref_squeeze %dma_start3A_855 : memref<1x16x8x128xf32, #tpu.memory_space<hbm>> -> memref<16x8x128xf32, #tpu.memory_space<hbm>>
    tpu.enqueue_dma source(%dma_start3A_856 : memref<16x8x128xf32, #tpu.memory_space<hbm>>) target(%arg9 : memref<16x8x128xf32, #tpu.memory_space<vmem>>) target_semaphore(%arg13 : memref<!tpu.dma_semaphore, #tpu.memory_space<semaphore_mem>>)
    %mul3A_857 = arith.constant 16 : i32
    %mul3A_858 = arith.muli %add3A, %mul3A_857 : i32
    %add3A_859 = arith.constant 5 : i32
    %add3A_860 = arith.addi %mul3A_858, %add3A_859 : i32
    %jit3A_861 = arith.constant 64 : i32
    %div3A_862 = arith.divsi %add3A_860, %jit3A_861 : i32
    %sign3A_863 = arith.constant 0 : i32
    %sign3A_864 = arith.cmpi sgt, %add3A_860, %sign3A_863 : i32
    %sign3A_865 = arith.extui %sign3A_864 : i1 to i32
    %sign3A_866 = arith.constant 0 : i32
    %sign3A_867 = arith.cmpi slt, %add3A_860, %sign3A_866 : i32
    %sign3A_868 = arith.extui %sign3A_867 : i1 to i32
    %sign3A_869 = arith.subi %sign3A_865, %sign3A_868 : i32
    %sign3A_870 = arith.constant 0 : i32
    %sign3A_871 = arith.cmpi sgt, %jit3A_861, %sign3A_870 : i32
    %sign3A_872 = arith.extui %sign3A_871 : i1 to i32
    %sign3A_873 = arith.constant 0 : i32
    %sign3A_874 = arith.cmpi slt, %jit3A_861, %sign3A_873 : i32
    %sign3A_875 = arith.extui %sign3A_874 : i1 to i32
    %sign3A_876 = arith.subi %sign3A_872, %sign3A_875 : i32
    %ne3A_877 = arith.cmpi ne, %sign3A_869, %sign3A_876 : i32
    %rem3A_878 = arith.remsi %add3A_860, %jit3A_861 : i32
    %ne3A_879 = arith.constant 0 : i32
    %ne3A_880 = arith.cmpi ne, %rem3A_878, %ne3A_879 : i32
    %and3A_881 = arith.andi %ne3A_877, %ne3A_880 : i1
    %sub3A_882 = arith.constant 1 : i32
    %sub3A_883 = arith.subi %div3A_862, %sub3A_882 : i32
    %select_n3A_884 = arith.select %and3A_881, %sub3A_883, %div3A_862 : i32
    %jit3A_885 = arith.constant 64 : i32
    %eq3A_886 = arith.constant 0 : i32
    %eq3A_887 = arith.cmpi eq, %jit3A_885, %eq3A_886 : i32
    %jit3A_888 = arith.constant 1 : i32
    %select_n3A_889 = arith.select %eq3A_887, %jit3A_888, %jit3A_885 : i32
    %rem3A_890 = arith.remsi %add3A_860, %select_n3A_889 : i32
    %ne3A_891 = arith.constant 0 : i32
    %ne3A_892 = arith.cmpi ne, %rem3A_890, %ne3A_891 : i32
    %lt3A_893 = arith.constant 0 : i32
    %lt3A_894 = arith.cmpi slt, %rem3A_890, %lt3A_893 : i32
    %lt3A_895 = arith.constant 0 : i32
    %lt3A_896 = arith.cmpi slt, %select_n3A_889, %lt3A_895 : i32
    %ne3A_897 = arith.xori %lt3A_894, %lt3A_896 : i1
    %and3A_898 = arith.andi %ne3A_897, %ne3A_892 : i1
    %add3A_899 = arith.addi %rem3A_890, %select_n3A_889 : i32
    %select_n3A_900 = arith.select %and3A_898, %add3A_899, %rem3A_890 : i32
    %mul3A_901 = arith.constant 16 : i32
    %mul3A_902 = arith.muli %select_n3A_900, %mul3A_901 : i32
    %add3A_903 = arith.addi %squeeze3A, %mul3A_902 : i32
    %ge3A_904 = arith.constant 4 : i32
    %ge3A_905 = arith.cmpi sge, %add3A_903, %ge3A_904 : i32
    %lt3A_906 = arith.cmpi slt, %add3A_903, %squeeze3A_12 : i32
    %and3A_907 = arith.andi %ge3A_905, %lt3A_906 : i1
    %jit3A_908 = arith.constant 0 : i32
    %select_n3A_909 = arith.select %and3A_907, %squeeze3A_7, %jit3A_908 : i32
    %add3A_910 = arith.addi %add3A_903, %select_n3A_909 : i32
    %min3A_911 = arith.constant 2032 : i32
    %min3A_912 = arith.minsi %add3A_910, %min3A_911 : i32
    %eq3A_913 = arith.cmpi eq, %mul3A_902, %sub3A : i32
    %dma_wait3A_914 = arith.constant 0 : i32
    %dma_wait3A_915 = arith.constant 0 : i32
    %dma_wait3A_916 = tpu.memref_slice %arg2[%select_n3A_670, %min3A_698, %dma_wait3A_914, %dma_wait3A_915] : memref<8x2048x8x128xf32, #tpu.memory_space<hbm>> -> memref<1x16x8x128xf32, #tpu.memory_space<hbm>>
    %dma_wait3A_917 = tpu.memref_squeeze %dma_wait3A_916 : memref<1x16x8x128xf32, #tpu.memory_space<hbm>> -> memref<16x8x128xf32, #tpu.memory_space<hbm>>
    %dma_wait3A_918 = arith.constant 0 : i32
    %dma_wait3A_919 = arith.constant 0 : i32
    %dma_wait3A_920 = tpu.memref_slice %arg2[%select_n3A_670, %min3A_698, %dma_wait3A_918, %dma_wait3A_919] : memref<8x2048x8x128xf32, #tpu.memory_space<hbm>> -> memref<1x16x8x128xf32, #tpu.memory_space<hbm>>
    %dma_wait3A_921 = tpu.memref_squeeze %dma_wait3A_920 : memref<1x16x8x128xf32, #tpu.memory_space<hbm>> -> memref<16x8x128xf32, #tpu.memory_space<hbm>>
    tpu.wait_dma2 semaphore(%arg12 : memref<!tpu.dma_semaphore, #tpu.memory_space<semaphore_mem>>) src(%dma_wait3A_921 : memref<16x8x128xf32, #tpu.memory_space<hbm>>) dst(%arg8 : memref<16x8x128xf32, #tpu.memory_space<vmem>>)
    %convert_element_type3A_922 = arith.extui %eq3A_913 : i1 to i32
    %cond3A_923 = arith.constant 0 : i32
    %cond3A_924 = arith.cmpi ne, %convert_element_type3A_922, %cond3A_923 : i32
    scf.if %cond3A_924 {
      "tpu.region"() ({
        %run_scoped3A = tpu.sem_alloc : memref<!tpu.dma_semaphore, #tpu.memory_space<semaphore_mem>>
        %dma_start3A_2382 = arith.constant 0 : i32
        %dma_start3A_2383 = arith.constant 0 : i32
        %dma_start3A_2384 = arith.constant 0 : i32
        %dma_start3A_2385 = tpu.memref_slice %arg3[%select_n3A_884, %dma_start3A_2382, %dma_start3A_2383, %dma_start3A_2384] : memref<8x16x8x128xf32, #tpu.memory_space<hbm>> -> memref<1x16x8x128xf32, #tpu.memory_space<hbm>>
        %dma_start3A_2386 = tpu.memref_squeeze %dma_start3A_2385 : memref<1x16x8x128xf32, #tpu.memory_space<hbm>> -> memref<16x8x128xf32, #tpu.memory_space<hbm>>
        %dma_start3A_2387 = arith.constant 0 : i32
        %dma_start3A_2388 = arith.constant 0 : i32
        %dma_start3A_2389 = arith.constant 0 : i32
        %dma_start3A_2390 = tpu.memref_slice %arg3[%select_n3A_884, %dma_start3A_2387, %dma_start3A_2388, %dma_start3A_2389] : memref<8x16x8x128xf32, #tpu.memory_space<hbm>> -> memref<1x16x8x128xf32, #tpu.memory_space<hbm>>
        %dma_start3A_2391 = tpu.memref_squeeze %dma_start3A_2390 : memref<1x16x8x128xf32, #tpu.memory_space<hbm>> -> memref<16x8x128xf32, #tpu.memory_space<hbm>>
        tpu.enqueue_dma source(%dma_start3A_2391 : memref<16x8x128xf32, #tpu.memory_space<hbm>>) target(%arg8 : memref<16x8x128xf32, #tpu.memory_space<vmem>>) target_semaphore(%run_scoped3A : memref<!tpu.dma_semaphore, #tpu.memory_space<semaphore_mem>>)
        %dma_wait3A_2392 = arith.constant 0 : i32
        %dma_wait3A_2393 = arith.constant 0 : i32
        %dma_wait3A_2394 = arith.constant 0 : i32
        %dma_wait3A_2395 = tpu.memref_slice %arg3[%select_n3A_884, %dma_wait3A_2392, %dma_wait3A_2393, %dma_wait3A_2394] : memref<8x16x8x128xf32, #tpu.memory_space<hbm>> -> memref<1x16x8x128xf32, #tpu.memory_space<hbm>>
        %dma_wait3A_2396 = tpu.memref_squeeze %dma_wait3A_2395 : memref<1x16x8x128xf32, #tpu.memory_space<hbm>> -> memref<16x8x128xf32, #tpu.memory_space<hbm>>
        %dma_wait3A_2397 = arith.constant 0 : i32
        %dma_wait3A_2398 = arith.constant 0 : i32
        %dma_wait3A_2399 = arith.constant 0 : i32
        %dma_wait3A_2400 = tpu.memref_slice %arg3[%select_n3A_884, %dma_wait3A_2397, %dma_wait3A_2398, %dma_wait3A_2399] : memref<8x16x8x128xf32, #tpu.memory_space<hbm>> -> memref<1x16x8x128xf32, #tpu.memory_space<hbm>>
        %dma_wait3A_2401 = tpu.memref_squeeze %dma_wait3A_2400 : memref<1x16x8x128xf32, #tpu.memory_space<hbm>> -> memref<16x8x128xf32, #tpu.memory_space<hbm>>
        tpu.wait_dma2 semaphore(%run_scoped3A : memref<!tpu.dma_semaphore, #tpu.memory_space<semaphore_mem>>) src(%dma_wait3A_2401 : memref<16x8x128xf32, #tpu.memory_space<hbm>>) dst(%arg8 : memref<16x8x128xf32, #tpu.memory_space<vmem>>)
        tpu.yield
      }) : () -> ()
    } else {
    }
    %dma_start3A_925 = arith.constant 0 : i32
    %dma_start3A_926 = arith.constant 0 : i32
    %dma_start3A_927 = tpu.memref_slice %arg5[%select_n3A_884, %mul3A_902, %dma_start3A_925, %dma_start3A_926] : memref<8x1024x8x128xf32, #tpu.memory_space<hbm>> -> memref<1x16x8x128xf32, #tpu.memory_space<hbm>>
    %dma_start3A_928 = tpu.memref_squeeze %dma_start3A_927 : memref<1x16x8x128xf32, #tpu.memory_space<hbm>> -> memref<16x8x128xf32, #tpu.memory_space<hbm>>
    %dma_start3A_929 = arith.constant 0 : i32
    %dma_start3A_930 = arith.constant 0 : i32
    %dma_start3A_931 = tpu.memref_slice %arg5[%select_n3A_884, %mul3A_902, %dma_start3A_929, %dma_start3A_930] : memref<8x1024x8x128xf32, #tpu.memory_space<hbm>> -> memref<1x16x8x128xf32, #tpu.memory_space<hbm>>
    %dma_start3A_932 = tpu.memref_squeeze %dma_start3A_931 : memref<1x16x8x128xf32, #tpu.memory_space<hbm>> -> memref<16x8x128xf32, #tpu.memory_space<hbm>>
    tpu.enqueue_dma source(%arg8 : memref<16x8x128xf32, #tpu.memory_space<vmem>>) target(%dma_start3A_932 : memref<16x8x128xf32, #tpu.memory_space<hbm>>) target_semaphore(%arg16 : memref<!tpu.dma_semaphore, #tpu.memory_space<semaphore_mem>>)
    %dma_wait3A_933 = arith.constant 0 : i32
    %dma_wait3A_934 = arith.constant 0 : i32
    %dma_wait3A_935 = tpu.memref_slice %arg5[%select_n3A_586, %mul3A_604, %dma_wait3A_933, %dma_wait3A_934] : memref<8x1024x8x128xf32, #tpu.memory_space<hbm>> -> memref<1x16x8x128xf32, #tpu.memory_space<hbm>>
    %dma_wait3A_936 = tpu.memref_squeeze %dma_wait3A_935 : memref<1x16x8x128xf32, #tpu.memory_space<hbm>> -> memref<16x8x128xf32, #tpu.memory_space<hbm>>
    %dma_wait3A_937 = arith.constant 0 : i32
    %dma_wait3A_938 = arith.constant 0 : i32
    %dma_wait3A_939 = tpu.memref_slice %arg5[%select_n3A_586, %mul3A_604, %dma_wait3A_937, %dma_wait3A_938] : memref<8x1024x8x128xf32, #tpu.memory_space<hbm>> -> memref<1x16x8x128xf32, #tpu.memory_space<hbm>>
    %dma_wait3A_940 = tpu.memref_squeeze %dma_wait3A_939 : memref<1x16x8x128xf32, #tpu.memory_space<hbm>> -> memref<16x8x128xf32, #tpu.memory_space<hbm>>
    tpu.wait_dma2 semaphore(%arg18 : memref<!tpu.dma_semaphore, #tpu.memory_space<semaphore_mem>>) src(%arg10 : memref<16x8x128xf32, #tpu.memory_space<vmem>>) dst(%dma_wait3A_940 : memref<16x8x128xf32, #tpu.memory_space<hbm>>)
    %mul3A_941 = arith.constant 16 : i32
    %mul3A_942 = arith.muli %add3A, %mul3A_941 : i32
    %add3A_943 = arith.constant 7 : i32
    %add3A_944 = arith.addi %mul3A_942, %add3A_943 : i32
    %jit3A_945 = arith.constant 64 : i32
    %div3A_946 = arith.divsi %add3A_944, %jit3A_945 : i32
    %sign3A_947 = arith.constant 0 : i32
    %sign3A_948 = arith.cmpi sgt, %add3A_944, %sign3A_947 : i32
    %sign3A_949 = arith.extui %sign3A_948 : i1 to i32
    %sign3A_950 = arith.constant 0 : i32
    %sign3A_951 = arith.cmpi slt, %add3A_944, %sign3A_950 : i32
    %sign3A_952 = arith.extui %sign3A_951 : i1 to i32
    %sign3A_953 = arith.subi %sign3A_949, %sign3A_952 : i32
    %sign3A_954 = arith.constant 0 : i32
    %sign3A_955 = arith.cmpi sgt, %jit3A_945, %sign3A_954 : i32
    %sign3A_956 = arith.extui %sign3A_955 : i1 to i32
    %sign3A_957 = arith.constant 0 : i32
    %sign3A_958 = arith.cmpi slt, %jit3A_945, %sign3A_957 : i32
    %sign3A_959 = arith.extui %sign3A_958 : i1 to i32
    %sign3A_960 = arith.subi %sign3A_956, %sign3A_959 : i32
    %ne3A_961 = arith.cmpi ne, %sign3A_953, %sign3A_960 : i32
    %rem3A_962 = arith.remsi %add3A_944, %jit3A_945 : i32
    %ne3A_963 = arith.constant 0 : i32
    %ne3A_964 = arith.cmpi ne, %rem3A_962, %ne3A_963 : i32
    %and3A_965 = arith.andi %ne3A_961, %ne3A_964 : i1
    %sub3A_966 = arith.constant 1 : i32
    %sub3A_967 = arith.subi %div3A_946, %sub3A_966 : i32
    %select_n3A_968 = arith.select %and3A_965, %sub3A_967, %div3A_946 : i32
    %jit3A_969 = arith.constant 64 : i32
    %eq3A_970 = arith.constant 0 : i32
    %eq3A_971 = arith.cmpi eq, %jit3A_969, %eq3A_970 : i32
    %jit3A_972 = arith.constant 1 : i32
    %select_n3A_973 = arith.select %eq3A_971, %jit3A_972, %jit3A_969 : i32
    %rem3A_974 = arith.remsi %add3A_944, %select_n3A_973 : i32
    %ne3A_975 = arith.constant 0 : i32
    %ne3A_976 = arith.cmpi ne, %rem3A_974, %ne3A_975 : i32
    %lt3A_977 = arith.constant 0 : i32
    %lt3A_978 = arith.cmpi slt, %rem3A_974, %lt3A_977 : i32
    %lt3A_979 = arith.constant 0 : i32
    %lt3A_980 = arith.cmpi slt, %select_n3A_973, %lt3A_979 : i32
    %ne3A_981 = arith.xori %lt3A_978, %lt3A_980 : i1
    %and3A_982 = arith.andi %ne3A_981, %ne3A_976 : i1
    %add3A_983 = arith.addi %rem3A_974, %select_n3A_973 : i32
    %select_n3A_984 = arith.select %and3A_982, %add3A_983, %rem3A_974 : i32
    %mul3A_985 = arith.constant 16 : i32
    %mul3A_986 = arith.muli %select_n3A_984, %mul3A_985 : i32
    %add3A_987 = arith.addi %squeeze3A, %mul3A_986 : i32
    %ge3A_988 = arith.constant 4 : i32
    %ge3A_989 = arith.cmpi sge, %add3A_987, %ge3A_988 : i32
    %lt3A_990 = arith.cmpi slt, %add3A_987, %squeeze3A_12 : i32
    %and3A_991 = arith.andi %ge3A_989, %lt3A_990 : i1
    %jit3A_992 = arith.constant 0 : i32
    %select_n3A_993 = arith.select %and3A_991, %squeeze3A_7, %jit3A_992 : i32
    %add3A_994 = arith.addi %add3A_987, %select_n3A_993 : i32
    %min3A_995 = arith.constant 2032 : i32
    %min3A_996 = arith.minsi %add3A_994, %min3A_995 : i32
    %eq3A_997 = arith.cmpi eq, %mul3A_986, %sub3A : i32
    %dma_start3A_998 = arith.constant 0 : i32
    %dma_start3A_999 = arith.constant 0 : i32
    %dma_start3A_1000 = tpu.memref_slice %arg2[%select_n3A_968, %min3A_996, %dma_start3A_998, %dma_start3A_999] : memref<8x2048x8x128xf32, #tpu.memory_space<hbm>> -> memref<1x16x8x128xf32, #tpu.memory_space<hbm>>
    %dma_start3A_1001 = tpu.memref_squeeze %dma_start3A_1000 : memref<1x16x8x128xf32, #tpu.memory_space<hbm>> -> memref<16x8x128xf32, #tpu.memory_space<hbm>>
    %dma_start3A_1002 = arith.constant 0 : i32
    %dma_start3A_1003 = arith.constant 0 : i32
    %dma_start3A_1004 = tpu.memref_slice %arg2[%select_n3A_968, %min3A_996, %dma_start3A_1002, %dma_start3A_1003] : memref<8x2048x8x128xf32, #tpu.memory_space<hbm>> -> memref<1x16x8x128xf32, #tpu.memory_space<hbm>>
    %dma_start3A_1005 = tpu.memref_squeeze %dma_start3A_1004 : memref<1x16x8x128xf32, #tpu.memory_space<hbm>> -> memref<16x8x128xf32, #tpu.memory_space<hbm>>
    tpu.enqueue_dma source(%dma_start3A_1005 : memref<16x8x128xf32, #tpu.memory_space<hbm>>) target(%arg10 : memref<16x8x128xf32, #tpu.memory_space<vmem>>) target_semaphore(%arg14 : memref<!tpu.dma_semaphore, #tpu.memory_space<semaphore_mem>>)
    %mul3A_1006 = arith.constant 16 : i32
    %mul3A_1007 = arith.muli %add3A, %mul3A_1006 : i32
    %add3A_1008 = arith.constant 6 : i32
    %add3A_1009 = arith.addi %mul3A_1007, %add3A_1008 : i32
    %jit3A_1010 = arith.constant 64 : i32
    %div3A_1011 = arith.divsi %add3A_1009, %jit3A_1010 : i32
    %sign3A_1012 = arith.constant 0 : i32
    %sign3A_1013 = arith.cmpi sgt, %add3A_1009, %sign3A_1012 : i32
    %sign3A_1014 = arith.extui %sign3A_1013 : i1 to i32
    %sign3A_1015 = arith.constant 0 : i32
    %sign3A_1016 = arith.cmpi slt, %add3A_1009, %sign3A_1015 : i32
    %sign3A_1017 = arith.extui %sign3A_1016 : i1 to i32
    %sign3A_1018 = arith.subi %sign3A_1014, %sign3A_1017 : i32
    %sign3A_1019 = arith.constant 0 : i32
    %sign3A_1020 = arith.cmpi sgt, %jit3A_1010, %sign3A_1019 : i32
    %sign3A_1021 = arith.extui %sign3A_1020 : i1 to i32
    %sign3A_1022 = arith.constant 0 : i32
    %sign3A_1023 = arith.cmpi slt, %jit3A_1010, %sign3A_1022 : i32
    %sign3A_1024 = arith.extui %sign3A_1023 : i1 to i32
    %sign3A_1025 = arith.subi %sign3A_1021, %sign3A_1024 : i32
    %ne3A_1026 = arith.cmpi ne, %sign3A_1018, %sign3A_1025 : i32
    %rem3A_1027 = arith.remsi %add3A_1009, %jit3A_1010 : i32
    %ne3A_1028 = arith.constant 0 : i32
    %ne3A_1029 = arith.cmpi ne, %rem3A_1027, %ne3A_1028 : i32
    %and3A_1030 = arith.andi %ne3A_1026, %ne3A_1029 : i1
    %sub3A_1031 = arith.constant 1 : i32
    %sub3A_1032 = arith.subi %div3A_1011, %sub3A_1031 : i32
    %select_n3A_1033 = arith.select %and3A_1030, %sub3A_1032, %div3A_1011 : i32
    %jit3A_1034 = arith.constant 64 : i32
    %eq3A_1035 = arith.constant 0 : i32
    %eq3A_1036 = arith.cmpi eq, %jit3A_1034, %eq3A_1035 : i32
    %jit3A_1037 = arith.constant 1 : i32
    %select_n3A_1038 = arith.select %eq3A_1036, %jit3A_1037, %jit3A_1034 : i32
    %rem3A_1039 = arith.remsi %add3A_1009, %select_n3A_1038 : i32
    %ne3A_1040 = arith.constant 0 : i32
    %ne3A_1041 = arith.cmpi ne, %rem3A_1039, %ne3A_1040 : i32
    %lt3A_1042 = arith.constant 0 : i32
    %lt3A_1043 = arith.cmpi slt, %rem3A_1039, %lt3A_1042 : i32
    %lt3A_1044 = arith.constant 0 : i32
    %lt3A_1045 = arith.cmpi slt, %select_n3A_1038, %lt3A_1044 : i32
    %ne3A_1046 = arith.xori %lt3A_1043, %lt3A_1045 : i1
    %and3A_1047 = arith.andi %ne3A_1046, %ne3A_1041 : i1
    %add3A_1048 = arith.addi %rem3A_1039, %select_n3A_1038 : i32
    %select_n3A_1049 = arith.select %and3A_1047, %add3A_1048, %rem3A_1039 : i32
    %mul3A_1050 = arith.constant 16 : i32
    %mul3A_1051 = arith.muli %select_n3A_1049, %mul3A_1050 : i32
    %add3A_1052 = arith.addi %squeeze3A, %mul3A_1051 : i32
    %ge3A_1053 = arith.constant 4 : i32
    %ge3A_1054 = arith.cmpi sge, %add3A_1052, %ge3A_1053 : i32
    %lt3A_1055 = arith.cmpi slt, %add3A_1052, %squeeze3A_12 : i32
    %and3A_1056 = arith.andi %ge3A_1054, %lt3A_1055 : i1
    %jit3A_1057 = arith.constant 0 : i32
    %select_n3A_1058 = arith.select %and3A_1056, %squeeze3A_7, %jit3A_1057 : i32
    %add3A_1059 = arith.addi %add3A_1052, %select_n3A_1058 : i32
    %min3A_1060 = arith.constant 2032 : i32
    %min3A_1061 = arith.minsi %add3A_1059, %min3A_1060 : i32
    %eq3A_1062 = arith.cmpi eq, %mul3A_1051, %sub3A : i32
    %dma_wait3A_1063 = arith.constant 0 : i32
    %dma_wait3A_1064 = arith.constant 0 : i32
    %dma_wait3A_1065 = tpu.memref_slice %arg2[%select_n3A_819, %min3A_847, %dma_wait3A_1063, %dma_wait3A_1064] : memref<8x2048x8x128xf32, #tpu.memory_space<hbm>> -> memref<1x16x8x128xf32, #tpu.memory_space<hbm>>
    %dma_wait3A_1066 = tpu.memref_squeeze %dma_wait3A_1065 : memref<1x16x8x128xf32, #tpu.memory_space<hbm>> -> memref<16x8x128xf32, #tpu.memory_space<hbm>>
    %dma_wait3A_1067 = arith.constant 0 : i32
    %dma_wait3A_1068 = arith.constant 0 : i32
    %dma_wait3A_1069 = tpu.memref_slice %arg2[%select_n3A_819, %min3A_847, %dma_wait3A_1067, %dma_wait3A_1068] : memref<8x2048x8x128xf32, #tpu.memory_space<hbm>> -> memref<1x16x8x128xf32, #tpu.memory_space<hbm>>
    %dma_wait3A_1070 = tpu.memref_squeeze %dma_wait3A_1069 : memref<1x16x8x128xf32, #tpu.memory_space<hbm>> -> memref<16x8x128xf32, #tpu.memory_space<hbm>>
    tpu.wait_dma2 semaphore(%arg13 : memref<!tpu.dma_semaphore, #tpu.memory_space<semaphore_mem>>) src(%dma_wait3A_1070 : memref<16x8x128xf32, #tpu.memory_space<hbm>>) dst(%arg9 : memref<16x8x128xf32, #tpu.memory_space<vmem>>)
    %convert_element_type3A_1071 = arith.extui %eq3A_1062 : i1 to i32
    %cond3A_1072 = arith.constant 0 : i32
    %cond3A_1073 = arith.cmpi ne, %convert_element_type3A_1071, %cond3A_1072 : i32
    scf.if %cond3A_1073 {
      "tpu.region"() ({
        %run_scoped3A = tpu.sem_alloc : memref<!tpu.dma_semaphore, #tpu.memory_space<semaphore_mem>>
        %dma_start3A_2382 = arith.constant 0 : i32
        %dma_start3A_2383 = arith.constant 0 : i32
        %dma_start3A_2384 = arith.constant 0 : i32
        %dma_start3A_2385 = tpu.memref_slice %arg3[%select_n3A_1033, %dma_start3A_2382, %dma_start3A_2383, %dma_start3A_2384] : memref<8x16x8x128xf32, #tpu.memory_space<hbm>> -> memref<1x16x8x128xf32, #tpu.memory_space<hbm>>
        %dma_start3A_2386 = tpu.memref_squeeze %dma_start3A_2385 : memref<1x16x8x128xf32, #tpu.memory_space<hbm>> -> memref<16x8x128xf32, #tpu.memory_space<hbm>>
        %dma_start3A_2387 = arith.constant 0 : i32
        %dma_start3A_2388 = arith.constant 0 : i32
        %dma_start3A_2389 = arith.constant 0 : i32
        %dma_start3A_2390 = tpu.memref_slice %arg3[%select_n3A_1033, %dma_start3A_2387, %dma_start3A_2388, %dma_start3A_2389] : memref<8x16x8x128xf32, #tpu.memory_space<hbm>> -> memref<1x16x8x128xf32, #tpu.memory_space<hbm>>
        %dma_start3A_2391 = tpu.memref_squeeze %dma_start3A_2390 : memref<1x16x8x128xf32, #tpu.memory_space<hbm>> -> memref<16x8x128xf32, #tpu.memory_space<hbm>>
        tpu.enqueue_dma source(%dma_start3A_2391 : memref<16x8x128xf32, #tpu.memory_space<hbm>>) target(%arg9 : memref<16x8x128xf32, #tpu.memory_space<vmem>>) target_semaphore(%run_scoped3A : memref<!tpu.dma_semaphore, #tpu.memory_space<semaphore_mem>>)
        %dma_wait3A_2392 = arith.constant 0 : i32
        %dma_wait3A_2393 = arith.constant 0 : i32
        %dma_wait3A_2394 = arith.constant 0 : i32
        %dma_wait3A_2395 = tpu.memref_slice %arg3[%select_n3A_1033, %dma_wait3A_2392, %dma_wait3A_2393, %dma_wait3A_2394] : memref<8x16x8x128xf32, #tpu.memory_space<hbm>> -> memref<1x16x8x128xf32, #tpu.memory_space<hbm>>
        %dma_wait3A_2396 = tpu.memref_squeeze %dma_wait3A_2395 : memref<1x16x8x128xf32, #tpu.memory_space<hbm>> -> memref<16x8x128xf32, #tpu.memory_space<hbm>>
        %dma_wait3A_2397 = arith.constant 0 : i32
        %dma_wait3A_2398 = arith.constant 0 : i32
        %dma_wait3A_2399 = arith.constant 0 : i32
        %dma_wait3A_2400 = tpu.memref_slice %arg3[%select_n3A_1033, %dma_wait3A_2397, %dma_wait3A_2398, %dma_wait3A_2399] : memref<8x16x8x128xf32, #tpu.memory_space<hbm>> -> memref<1x16x8x128xf32, #tpu.memory_space<hbm>>
        %dma_wait3A_2401 = tpu.memref_squeeze %dma_wait3A_2400 : memref<1x16x8x128xf32, #tpu.memory_space<hbm>> -> memref<16x8x128xf32, #tpu.memory_space<hbm>>
        tpu.wait_dma2 semaphore(%run_scoped3A : memref<!tpu.dma_semaphore, #tpu.memory_space<semaphore_mem>>) src(%dma_wait3A_2401 : memref<16x8x128xf32, #tpu.memory_space<hbm>>) dst(%arg9 : memref<16x8x128xf32, #tpu.memory_space<vmem>>)
        tpu.yield
      }) : () -> ()
    } else {
    }
    %dma_start3A_1074 = arith.constant 0 : i32
    %dma_start3A_1075 = arith.constant 0 : i32
    %dma_start3A_1076 = tpu.memref_slice %arg5[%select_n3A_1033, %mul3A_1051, %dma_start3A_1074, %dma_start3A_1075] : memref<8x1024x8x128xf32, #tpu.memory_space<hbm>> -> memref<1x16x8x128xf32, #tpu.memory_space<hbm>>
    %dma_start3A_1077 = tpu.memref_squeeze %dma_start3A_1076 : memref<1x16x8x128xf32, #tpu.memory_space<hbm>> -> memref<16x8x128xf32, #tpu.memory_space<hbm>>
    %dma_start3A_1078 = arith.constant 0 : i32
    %dma_start3A_1079 = arith.constant 0 : i32
    %dma_start3A_1080 = tpu.memref_slice %arg5[%select_n3A_1033, %mul3A_1051, %dma_start3A_1078, %dma_start3A_1079] : memref<8x1024x8x128xf32, #tpu.memory_space<hbm>> -> memref<1x16x8x128xf32, #tpu.memory_space<hbm>>
    %dma_start3A_1081 = tpu.memref_squeeze %dma_start3A_1080 : memref<1x16x8x128xf32, #tpu.memory_space<hbm>> -> memref<16x8x128xf32, #tpu.memory_space<hbm>>
    tpu.enqueue_dma source(%arg9 : memref<16x8x128xf32, #tpu.memory_space<vmem>>) target(%dma_start3A_1081 : memref<16x8x128xf32, #tpu.memory_space<hbm>>) target_semaphore(%arg17 : memref<!tpu.dma_semaphore, #tpu.memory_space<semaphore_mem>>)
    %dma_wait3A_1082 = arith.constant 0 : i32
    %dma_wait3A_1083 = arith.constant 0 : i32
    %dma_wait3A_1084 = tpu.memref_slice %arg5[%select_n3A_735, %mul3A_753, %dma_wait3A_1082, %dma_wait3A_1083] : memref<8x1024x8x128xf32, #tpu.memory_space<hbm>> -> memref<1x16x8x128xf32, #tpu.memory_space<hbm>>
    %dma_wait3A_1085 = tpu.memref_squeeze %dma_wait3A_1084 : memref<1x16x8x128xf32, #tpu.memory_space<hbm>> -> memref<16x8x128xf32, #tpu.memory_space<hbm>>
    %dma_wait3A_1086 = arith.constant 0 : i32
    %dma_wait3A_1087 = arith.constant 0 : i32
    %dma_wait3A_1088 = tpu.memref_slice %arg5[%select_n3A_735, %mul3A_753, %dma_wait3A_1086, %dma_wait3A_1087] : memref<8x1024x8x128xf32, #tpu.memory_space<hbm>> -> memref<1x16x8x128xf32, #tpu.memory_space<hbm>>
    %dma_wait3A_1089 = tpu.memref_squeeze %dma_wait3A_1088 : memref<1x16x8x128xf32, #tpu.memory_space<hbm>> -> memref<16x8x128xf32, #tpu.memory_space<hbm>>
    tpu.wait_dma2 semaphore(%arg15 : memref<!tpu.dma_semaphore, #tpu.memory_space<semaphore_mem>>) src(%arg7 : memref<16x8x128xf32, #tpu.memory_space<vmem>>) dst(%dma_wait3A_1089 : memref<16x8x128xf32, #tpu.memory_space<hbm>>)
    %mul3A_1090 = arith.constant 16 : i32
    %mul3A_1091 = arith.muli %add3A, %mul3A_1090 : i32
    %add3A_1092 = arith.constant 8 : i32
    %add3A_1093 = arith.addi %mul3A_1091, %add3A_1092 : i32
    %jit3A_1094 = arith.constant 64 : i32
    %div3A_1095 = arith.divsi %add3A_1093, %jit3A_1094 : i32
    %sign3A_1096 = arith.constant 0 : i32
    %sign3A_1097 = arith.cmpi sgt, %add3A_1093, %sign3A_1096 : i32
    %sign3A_1098 = arith.extui %sign3A_1097 : i1 to i32
    %sign3A_1099 = arith.constant 0 : i32
    %sign3A_1100 = arith.cmpi slt, %add3A_1093, %sign3A_1099 : i32
    %sign3A_1101 = arith.extui %sign3A_1100 : i1 to i32
    %sign3A_1102 = arith.subi %sign3A_1098, %sign3A_1101 : i32
    %sign3A_1103 = arith.constant 0 : i32
    %sign3A_1104 = arith.cmpi sgt, %jit3A_1094, %sign3A_1103 : i32
    %sign3A_1105 = arith.extui %sign3A_1104 : i1 to i32
    %sign3A_1106 = arith.constant 0 : i32
    %sign3A_1107 = arith.cmpi slt, %jit3A_1094, %sign3A_1106 : i32
    %sign3A_1108 = arith.extui %sign3A_1107 : i1 to i32
    %sign3A_1109 = arith.subi %sign3A_1105, %sign3A_1108 : i32
    %ne3A_1110 = arith.cmpi ne, %sign3A_1102, %sign3A_1109 : i32
    %rem3A_1111 = arith.remsi %add3A_1093, %jit3A_1094 : i32
    %ne3A_1112 = arith.constant 0 : i32
    %ne3A_1113 = arith.cmpi ne, %rem3A_1111, %ne3A_1112 : i32
    %and3A_1114 = arith.andi %ne3A_1110, %ne3A_1113 : i1
    %sub3A_1115 = arith.constant 1 : i32
    %sub3A_1116 = arith.subi %div3A_1095, %sub3A_1115 : i32
    %select_n3A_1117 = arith.select %and3A_1114, %sub3A_1116, %div3A_1095 : i32
    %jit3A_1118 = arith.constant 64 : i32
    %eq3A_1119 = arith.constant 0 : i32
    %eq3A_1120 = arith.cmpi eq, %jit3A_1118, %eq3A_1119 : i32
    %jit3A_1121 = arith.constant 1 : i32
    %select_n3A_1122 = arith.select %eq3A_1120, %jit3A_1121, %jit3A_1118 : i32
    %rem3A_1123 = arith.remsi %add3A_1093, %select_n3A_1122 : i32
    %ne3A_1124 = arith.constant 0 : i32
    %ne3A_1125 = arith.cmpi ne, %rem3A_1123, %ne3A_1124 : i32
    %lt3A_1126 = arith.constant 0 : i32
    %lt3A_1127 = arith.cmpi slt, %rem3A_1123, %lt3A_1126 : i32
    %lt3A_1128 = arith.constant 0 : i32
    %lt3A_1129 = arith.cmpi slt, %select_n3A_1122, %lt3A_1128 : i32
    %ne3A_1130 = arith.xori %lt3A_1127, %lt3A_1129 : i1
    %and3A_1131 = arith.andi %ne3A_1130, %ne3A_1125 : i1
    %add3A_1132 = arith.addi %rem3A_1123, %select_n3A_1122 : i32
    %select_n3A_1133 = arith.select %and3A_1131, %add3A_1132, %rem3A_1123 : i32
    %mul3A_1134 = arith.constant 16 : i32
    %mul3A_1135 = arith.muli %select_n3A_1133, %mul3A_1134 : i32
    %add3A_1136 = arith.addi %squeeze3A, %mul3A_1135 : i32
    %ge3A_1137 = arith.constant 4 : i32
    %ge3A_1138 = arith.cmpi sge, %add3A_1136, %ge3A_1137 : i32
    %lt3A_1139 = arith.cmpi slt, %add3A_1136, %squeeze3A_12 : i32
    %and3A_1140 = arith.andi %ge3A_1138, %lt3A_1139 : i1
    %jit3A_1141 = arith.constant 0 : i32
    %select_n3A_1142 = arith.select %and3A_1140, %squeeze3A_7, %jit3A_1141 : i32
    %add3A_1143 = arith.addi %add3A_1136, %select_n3A_1142 : i32
    %min3A_1144 = arith.constant 2032 : i32
    %min3A_1145 = arith.minsi %add3A_1143, %min3A_1144 : i32
    %eq3A_1146 = arith.cmpi eq, %mul3A_1135, %sub3A : i32
    %dma_start3A_1147 = arith.constant 0 : i32
    %dma_start3A_1148 = arith.constant 0 : i32
    %dma_start3A_1149 = tpu.memref_slice %arg2[%select_n3A_1117, %min3A_1145, %dma_start3A_1147, %dma_start3A_1148] : memref<8x2048x8x128xf32, #tpu.memory_space<hbm>> -> memref<1x16x8x128xf32, #tpu.memory_space<hbm>>
    %dma_start3A_1150 = tpu.memref_squeeze %dma_start3A_1149 : memref<1x16x8x128xf32, #tpu.memory_space<hbm>> -> memref<16x8x128xf32, #tpu.memory_space<hbm>>
    %dma_start3A_1151 = arith.constant 0 : i32
    %dma_start3A_1152 = arith.constant 0 : i32
    %dma_start3A_1153 = tpu.memref_slice %arg2[%select_n3A_1117, %min3A_1145, %dma_start3A_1151, %dma_start3A_1152] : memref<8x2048x8x128xf32, #tpu.memory_space<hbm>> -> memref<1x16x8x128xf32, #tpu.memory_space<hbm>>
    %dma_start3A_1154 = tpu.memref_squeeze %dma_start3A_1153 : memref<1x16x8x128xf32, #tpu.memory_space<hbm>> -> memref<16x8x128xf32, #tpu.memory_space<hbm>>
    tpu.enqueue_dma source(%dma_start3A_1154 : memref<16x8x128xf32, #tpu.memory_space<hbm>>) target(%arg7 : memref<16x8x128xf32, #tpu.memory_space<vmem>>) target_semaphore(%arg11 : memref<!tpu.dma_semaphore, #tpu.memory_space<semaphore_mem>>)
    %mul3A_1155 = arith.constant 16 : i32
    %mul3A_1156 = arith.muli %add3A, %mul3A_1155 : i32
    %add3A_1157 = arith.constant 7 : i32
    %add3A_1158 = arith.addi %mul3A_1156, %add3A_1157 : i32
    %jit3A_1159 = arith.constant 64 : i32
    %div3A_1160 = arith.divsi %add3A_1158, %jit3A_1159 : i32
    %sign3A_1161 = arith.constant 0 : i32
    %sign3A_1162 = arith.cmpi sgt, %add3A_1158, %sign3A_1161 : i32
    %sign3A_1163 = arith.extui %sign3A_1162 : i1 to i32
    %sign3A_1164 = arith.constant 0 : i32
    %sign3A_1165 = arith.cmpi slt, %add3A_1158, %sign3A_1164 : i32
    %sign3A_1166 = arith.extui %sign3A_1165 : i1 to i32
    %sign3A_1167 = arith.subi %sign3A_1163, %sign3A_1166 : i32
    %sign3A_1168 = arith.constant 0 : i32
    %sign3A_1169 = arith.cmpi sgt, %jit3A_1159, %sign3A_1168 : i32
    %sign3A_1170 = arith.extui %sign3A_1169 : i1 to i32
    %sign3A_1171 = arith.constant 0 : i32
    %sign3A_1172 = arith.cmpi slt, %jit3A_1159, %sign3A_1171 : i32
    %sign3A_1173 = arith.extui %sign3A_1172 : i1 to i32
    %sign3A_1174 = arith.subi %sign3A_1170, %sign3A_1173 : i32
    %ne3A_1175 = arith.cmpi ne, %sign3A_1167, %sign3A_1174 : i32
    %rem3A_1176 = arith.remsi %add3A_1158, %jit3A_1159 : i32
    %ne3A_1177 = arith.constant 0 : i32
    %ne3A_1178 = arith.cmpi ne, %rem3A_1176, %ne3A_1177 : i32
    %and3A_1179 = arith.andi %ne3A_1175, %ne3A_1178 : i1
    %sub3A_1180 = arith.constant 1 : i32
    %sub3A_1181 = arith.subi %div3A_1160, %sub3A_1180 : i32
    %select_n3A_1182 = arith.select %and3A_1179, %sub3A_1181, %div3A_1160 : i32
    %jit3A_1183 = arith.constant 64 : i32
    %eq3A_1184 = arith.constant 0 : i32
    %eq3A_1185 = arith.cmpi eq, %jit3A_1183, %eq3A_1184 : i32
    %jit3A_1186 = arith.constant 1 : i32
    %select_n3A_1187 = arith.select %eq3A_1185, %jit3A_1186, %jit3A_1183 : i32
    %rem3A_1188 = arith.remsi %add3A_1158, %select_n3A_1187 : i32
    %ne3A_1189 = arith.constant 0 : i32
    %ne3A_1190 = arith.cmpi ne, %rem3A_1188, %ne3A_1189 : i32
    %lt3A_1191 = arith.constant 0 : i32
    %lt3A_1192 = arith.cmpi slt, %rem3A_1188, %lt3A_1191 : i32
    %lt3A_1193 = arith.constant 0 : i32
    %lt3A_1194 = arith.cmpi slt, %select_n3A_1187, %lt3A_1193 : i32
    %ne3A_1195 = arith.xori %lt3A_1192, %lt3A_1194 : i1
    %and3A_1196 = arith.andi %ne3A_1195, %ne3A_1190 : i1
    %add3A_1197 = arith.addi %rem3A_1188, %select_n3A_1187 : i32
    %select_n3A_1198 = arith.select %and3A_1196, %add3A_1197, %rem3A_1188 : i32
    %mul3A_1199 = arith.constant 16 : i32
    %mul3A_1200 = arith.muli %select_n3A_1198, %mul3A_1199 : i32
    %add3A_1201 = arith.addi %squeeze3A, %mul3A_1200 : i32
    %ge3A_1202 = arith.constant 4 : i32
    %ge3A_1203 = arith.cmpi sge, %add3A_1201, %ge3A_1202 : i32
    %lt3A_1204 = arith.cmpi slt, %add3A_1201, %squeeze3A_12 : i32
    %and3A_1205 = arith.andi %ge3A_1203, %lt3A_1204 : i1
    %jit3A_1206 = arith.constant 0 : i32
    %select_n3A_1207 = arith.select %and3A_1205, %squeeze3A_7, %jit3A_1206 : i32
    %add3A_1208 = arith.addi %add3A_1201, %select_n3A_1207 : i32
    %min3A_1209 = arith.constant 2032 : i32
    %min3A_1210 = arith.minsi %add3A_1208, %min3A_1209 : i32
    %eq3A_1211 = arith.cmpi eq, %mul3A_1200, %sub3A : i32
    %dma_wait3A_1212 = arith.constant 0 : i32
    %dma_wait3A_1213 = arith.constant 0 : i32
    %dma_wait3A_1214 = tpu.memref_slice %arg2[%select_n3A_968, %min3A_996, %dma_wait3A_1212, %dma_wait3A_1213] : memref<8x2048x8x128xf32, #tpu.memory_space<hbm>> -> memref<1x16x8x128xf32, #tpu.memory_space<hbm>>
    %dma_wait3A_1215 = tpu.memref_squeeze %dma_wait3A_1214 : memref<1x16x8x128xf32, #tpu.memory_space<hbm>> -> memref<16x8x128xf32, #tpu.memory_space<hbm>>
    %dma_wait3A_1216 = arith.constant 0 : i32
    %dma_wait3A_1217 = arith.constant 0 : i32
    %dma_wait3A_1218 = tpu.memref_slice %arg2[%select_n3A_968, %min3A_996, %dma_wait3A_1216, %dma_wait3A_1217] : memref<8x2048x8x128xf32, #tpu.memory_space<hbm>> -> memref<1x16x8x128xf32, #tpu.memory_space<hbm>>
    %dma_wait3A_1219 = tpu.memref_squeeze %dma_wait3A_1218 : memref<1x16x8x128xf32, #tpu.memory_space<hbm>> -> memref<16x8x128xf32, #tpu.memory_space<hbm>>
    tpu.wait_dma2 semaphore(%arg14 : memref<!tpu.dma_semaphore, #tpu.memory_space<semaphore_mem>>) src(%dma_wait3A_1219 : memref<16x8x128xf32, #tpu.memory_space<hbm>>) dst(%arg10 : memref<16x8x128xf32, #tpu.memory_space<vmem>>)
    %convert_element_type3A_1220 = arith.extui %eq3A_1211 : i1 to i32
    %cond3A_1221 = arith.constant 0 : i32
    %cond3A_1222 = arith.cmpi ne, %convert_element_type3A_1220, %cond3A_1221 : i32
    scf.if %cond3A_1222 {
      "tpu.region"() ({
        %run_scoped3A = tpu.sem_alloc : memref<!tpu.dma_semaphore, #tpu.memory_space<semaphore_mem>>
        %dma_start3A_2382 = arith.constant 0 : i32
        %dma_start3A_2383 = arith.constant 0 : i32
        %dma_start3A_2384 = arith.constant 0 : i32
        %dma_start3A_2385 = tpu.memref_slice %arg3[%select_n3A_1182, %dma_start3A_2382, %dma_start3A_2383, %dma_start3A_2384] : memref<8x16x8x128xf32, #tpu.memory_space<hbm>> -> memref<1x16x8x128xf32, #tpu.memory_space<hbm>>
        %dma_start3A_2386 = tpu.memref_squeeze %dma_start3A_2385 : memref<1x16x8x128xf32, #tpu.memory_space<hbm>> -> memref<16x8x128xf32, #tpu.memory_space<hbm>>
        %dma_start3A_2387 = arith.constant 0 : i32
        %dma_start3A_2388 = arith.constant 0 : i32
        %dma_start3A_2389 = arith.constant 0 : i32
        %dma_start3A_2390 = tpu.memref_slice %arg3[%select_n3A_1182, %dma_start3A_2387, %dma_start3A_2388, %dma_start3A_2389] : memref<8x16x8x128xf32, #tpu.memory_space<hbm>> -> memref<1x16x8x128xf32, #tpu.memory_space<hbm>>
        %dma_start3A_2391 = tpu.memref_squeeze %dma_start3A_2390 : memref<1x16x8x128xf32, #tpu.memory_space<hbm>> -> memref<16x8x128xf32, #tpu.memory_space<hbm>>
        tpu.enqueue_dma source(%dma_start3A_2391 : memref<16x8x128xf32, #tpu.memory_space<hbm>>) target(%arg10 : memref<16x8x128xf32, #tpu.memory_space<vmem>>) target_semaphore(%run_scoped3A : memref<!tpu.dma_semaphore, #tpu.memory_space<semaphore_mem>>)
        %dma_wait3A_2392 = arith.constant 0 : i32
        %dma_wait3A_2393 = arith.constant 0 : i32
        %dma_wait3A_2394 = arith.constant 0 : i32
        %dma_wait3A_2395 = tpu.memref_slice %arg3[%select_n3A_1182, %dma_wait3A_2392, %dma_wait3A_2393, %dma_wait3A_2394] : memref<8x16x8x128xf32, #tpu.memory_space<hbm>> -> memref<1x16x8x128xf32, #tpu.memory_space<hbm>>
        %dma_wait3A_2396 = tpu.memref_squeeze %dma_wait3A_2395 : memref<1x16x8x128xf32, #tpu.memory_space<hbm>> -> memref<16x8x128xf32, #tpu.memory_space<hbm>>
        %dma_wait3A_2397 = arith.constant 0 : i32
        %dma_wait3A_2398 = arith.constant 0 : i32
        %dma_wait3A_2399 = arith.constant 0 : i32
        %dma_wait3A_2400 = tpu.memref_slice %arg3[%select_n3A_1182, %dma_wait3A_2397, %dma_wait3A_2398, %dma_wait3A_2399] : memref<8x16x8x128xf32, #tpu.memory_space<hbm>> -> memref<1x16x8x128xf32, #tpu.memory_space<hbm>>
        %dma_wait3A_2401 = tpu.memref_squeeze %dma_wait3A_2400 : memref<1x16x8x128xf32, #tpu.memory_space<hbm>> -> memref<16x8x128xf32, #tpu.memory_space<hbm>>
        tpu.wait_dma2 semaphore(%run_scoped3A : memref<!tpu.dma_semaphore, #tpu.memory_space<semaphore_mem>>) src(%dma_wait3A_2401 : memref<16x8x128xf32, #tpu.memory_space<hbm>>) dst(%arg10 : memref<16x8x128xf32, #tpu.memory_space<vmem>>)
        tpu.yield
      }) : () -> ()
    } else {
    }
    %dma_start3A_1223 = arith.constant 0 : i32
    %dma_start3A_1224 = arith.constant 0 : i32
    %dma_start3A_1225 = tpu.memref_slice %arg5[%select_n3A_1182, %mul3A_1200, %dma_start3A_1223, %dma_start3A_1224] : memref<8x1024x8x128xf32, #tpu.memory_space<hbm>> -> memref<1x16x8x128xf32, #tpu.memory_space<hbm>>
    %dma_start3A_1226 = tpu.memref_squeeze %dma_start3A_1225 : memref<1x16x8x128xf32, #tpu.memory_space<hbm>> -> memref<16x8x128xf32, #tpu.memory_space<hbm>>
    %dma_start3A_1227 = arith.constant 0 : i32
    %dma_start3A_1228 = arith.constant 0 : i32
    %dma_start3A_1229 = tpu.memref_slice %arg5[%select_n3A_1182, %mul3A_1200, %dma_start3A_1227, %dma_start3A_1228] : memref<8x1024x8x128xf32, #tpu.memory_space<hbm>> -> memref<1x16x8x128xf32, #tpu.memory_space<hbm>>
    %dma_start3A_1230 = tpu.memref_squeeze %dma_start3A_1229 : memref<1x16x8x128xf32, #tpu.memory_space<hbm>> -> memref<16x8x128xf32, #tpu.memory_space<hbm>>
    tpu.enqueue_dma source(%arg10 : memref<16x8x128xf32, #tpu.memory_space<vmem>>) target(%dma_start3A_1230 : memref<16x8x128xf32, #tpu.memory_space<hbm>>) target_semaphore(%arg18 : memref<!tpu.dma_semaphore, #tpu.memory_space<semaphore_mem>>)
    %dma_wait3A_1231 = arith.constant 0 : i32
    %dma_wait3A_1232 = arith.constant 0 : i32
    %dma_wait3A_1233 = tpu.memref_slice %arg5[%select_n3A_884, %mul3A_902, %dma_wait3A_1231, %dma_wait3A_1232] : memref<8x1024x8x128xf32, #tpu.memory_space<hbm>> -> memref<1x16x8x128xf32, #tpu.memory_space<hbm>>
    %dma_wait3A_1234 = tpu.memref_squeeze %dma_wait3A_1233 : memref<1x16x8x128xf32, #tpu.memory_space<hbm>> -> memref<16x8x128xf32, #tpu.memory_space<hbm>>
    %dma_wait3A_1235 = arith.constant 0 : i32
    %dma_wait3A_1236 = arith.constant 0 : i32
    %dma_wait3A_1237 = tpu.memref_slice %arg5[%select_n3A_884, %mul3A_902, %dma_wait3A_1235, %dma_wait3A_1236] : memref<8x1024x8x128xf32, #tpu.memory_space<hbm>> -> memref<1x16x8x128xf32, #tpu.memory_space<hbm>>
    %dma_wait3A_1238 = tpu.memref_squeeze %dma_wait3A_1237 : memref<1x16x8x128xf32, #tpu.memory_space<hbm>> -> memref<16x8x128xf32, #tpu.memory_space<hbm>>
    tpu.wait_dma2 semaphore(%arg16 : memref<!tpu.dma_semaphore, #tpu.memory_space<semaphore_mem>>) src(%arg8 : memref<16x8x128xf32, #tpu.memory_space<vmem>>) dst(%dma_wait3A_1238 : memref<16x8x128xf32, #tpu.memory_space<hbm>>)
    %mul3A_1239 = arith.constant 16 : i32
    %mul3A_1240 = arith.muli %add3A, %mul3A_1239 : i32
    %add3A_1241 = arith.constant 9 : i32
    %add3A_1242 = arith.addi %mul3A_1240, %add3A_1241 : i32
    %jit3A_1243 = arith.constant 64 : i32
    %div3A_1244 = arith.divsi %add3A_1242, %jit3A_1243 : i32
    %sign3A_1245 = arith.constant 0 : i32
    %sign3A_1246 = arith.cmpi sgt, %add3A_1242, %sign3A_1245 : i32
    %sign3A_1247 = arith.extui %sign3A_1246 : i1 to i32
    %sign3A_1248 = arith.constant 0 : i32
    %sign3A_1249 = arith.cmpi slt, %add3A_1242, %sign3A_1248 : i32
    %sign3A_1250 = arith.extui %sign3A_1249 : i1 to i32
    %sign3A_1251 = arith.subi %sign3A_1247, %sign3A_1250 : i32
    %sign3A_1252 = arith.constant 0 : i32
    %sign3A_1253 = arith.cmpi sgt, %jit3A_1243, %sign3A_1252 : i32
    %sign3A_1254 = arith.extui %sign3A_1253 : i1 to i32
    %sign3A_1255 = arith.constant 0 : i32
    %sign3A_1256 = arith.cmpi slt, %jit3A_1243, %sign3A_1255 : i32
    %sign3A_1257 = arith.extui %sign3A_1256 : i1 to i32
    %sign3A_1258 = arith.subi %sign3A_1254, %sign3A_1257 : i32
    %ne3A_1259 = arith.cmpi ne, %sign3A_1251, %sign3A_1258 : i32
    %rem3A_1260 = arith.remsi %add3A_1242, %jit3A_1243 : i32
    %ne3A_1261 = arith.constant 0 : i32
    %ne3A_1262 = arith.cmpi ne, %rem3A_1260, %ne3A_1261 : i32
    %and3A_1263 = arith.andi %ne3A_1259, %ne3A_1262 : i1
    %sub3A_1264 = arith.constant 1 : i32
    %sub3A_1265 = arith.subi %div3A_1244, %sub3A_1264 : i32
    %select_n3A_1266 = arith.select %and3A_1263, %sub3A_1265, %div3A_1244 : i32
    %jit3A_1267 = arith.constant 64 : i32
    %eq3A_1268 = arith.constant 0 : i32
    %eq3A_1269 = arith.cmpi eq, %jit3A_1267, %eq3A_1268 : i32
    %jit3A_1270 = arith.constant 1 : i32
    %select_n3A_1271 = arith.select %eq3A_1269, %jit3A_1270, %jit3A_1267 : i32
    %rem3A_1272 = arith.remsi %add3A_1242, %select_n3A_1271 : i32
    %ne3A_1273 = arith.constant 0 : i32
    %ne3A_1274 = arith.cmpi ne, %rem3A_1272, %ne3A_1273 : i32
    %lt3A_1275 = arith.constant 0 : i32
    %lt3A_1276 = arith.cmpi slt, %rem3A_1272, %lt3A_1275 : i32
    %lt3A_1277 = arith.constant 0 : i32
    %lt3A_1278 = arith.cmpi slt, %select_n3A_1271, %lt3A_1277 : i32
    %ne3A_1279 = arith.xori %lt3A_1276, %lt3A_1278 : i1
    %and3A_1280 = arith.andi %ne3A_1279, %ne3A_1274 : i1
    %add3A_1281 = arith.addi %rem3A_1272, %select_n3A_1271 : i32
    %select_n3A_1282 = arith.select %and3A_1280, %add3A_1281, %rem3A_1272 : i32
    %mul3A_1283 = arith.constant 16 : i32
    %mul3A_1284 = arith.muli %select_n3A_1282, %mul3A_1283 : i32
    %add3A_1285 = arith.addi %squeeze3A, %mul3A_1284 : i32
    %ge3A_1286 = arith.constant 4 : i32
    %ge3A_1287 = arith.cmpi sge, %add3A_1285, %ge3A_1286 : i32
    %lt3A_1288 = arith.cmpi slt, %add3A_1285, %squeeze3A_12 : i32
    %and3A_1289 = arith.andi %ge3A_1287, %lt3A_1288 : i1
    %jit3A_1290 = arith.constant 0 : i32
    %select_n3A_1291 = arith.select %and3A_1289, %squeeze3A_7, %jit3A_1290 : i32
    %add3A_1292 = arith.addi %add3A_1285, %select_n3A_1291 : i32
    %min3A_1293 = arith.constant 2032 : i32
    %min3A_1294 = arith.minsi %add3A_1292, %min3A_1293 : i32
    %eq3A_1295 = arith.cmpi eq, %mul3A_1284, %sub3A : i32
    %dma_start3A_1296 = arith.constant 0 : i32
    %dma_start3A_1297 = arith.constant 0 : i32
    %dma_start3A_1298 = tpu.memref_slice %arg2[%select_n3A_1266, %min3A_1294, %dma_start3A_1296, %dma_start3A_1297] : memref<8x2048x8x128xf32, #tpu.memory_space<hbm>> -> memref<1x16x8x128xf32, #tpu.memory_space<hbm>>
    %dma_start3A_1299 = tpu.memref_squeeze %dma_start3A_1298 : memref<1x16x8x128xf32, #tpu.memory_space<hbm>> -> memref<16x8x128xf32, #tpu.memory_space<hbm>>
    %dma_start3A_1300 = arith.constant 0 : i32
    %dma_start3A_1301 = arith.constant 0 : i32
    %dma_start3A_1302 = tpu.memref_slice %arg2[%select_n3A_1266, %min3A_1294, %dma_start3A_1300, %dma_start3A_1301] : memref<8x2048x8x128xf32, #tpu.memory_space<hbm>> -> memref<1x16x8x128xf32, #tpu.memory_space<hbm>>
    %dma_start3A_1303 = tpu.memref_squeeze %dma_start3A_1302 : memref<1x16x8x128xf32, #tpu.memory_space<hbm>> -> memref<16x8x128xf32, #tpu.memory_space<hbm>>
    tpu.enqueue_dma source(%dma_start3A_1303 : memref<16x8x128xf32, #tpu.memory_space<hbm>>) target(%arg8 : memref<16x8x128xf32, #tpu.memory_space<vmem>>) target_semaphore(%arg12 : memref<!tpu.dma_semaphore, #tpu.memory_space<semaphore_mem>>)
    %mul3A_1304 = arith.constant 16 : i32
    %mul3A_1305 = arith.muli %add3A, %mul3A_1304 : i32
    %add3A_1306 = arith.constant 8 : i32
    %add3A_1307 = arith.addi %mul3A_1305, %add3A_1306 : i32
    %jit3A_1308 = arith.constant 64 : i32
    %div3A_1309 = arith.divsi %add3A_1307, %jit3A_1308 : i32
    %sign3A_1310 = arith.constant 0 : i32
    %sign3A_1311 = arith.cmpi sgt, %add3A_1307, %sign3A_1310 : i32
    %sign3A_1312 = arith.extui %sign3A_1311 : i1 to i32
    %sign3A_1313 = arith.constant 0 : i32
    %sign3A_1314 = arith.cmpi slt, %add3A_1307, %sign3A_1313 : i32
    %sign3A_1315 = arith.extui %sign3A_1314 : i1 to i32
    %sign3A_1316 = arith.subi %sign3A_1312, %sign3A_1315 : i32
    %sign3A_1317 = arith.constant 0 : i32
    %sign3A_1318 = arith.cmpi sgt, %jit3A_1308, %sign3A_1317 : i32
    %sign3A_1319 = arith.extui %sign3A_1318 : i1 to i32
    %sign3A_1320 = arith.constant 0 : i32
    %sign3A_1321 = arith.cmpi slt, %jit3A_1308, %sign3A_1320 : i32
    %sign3A_1322 = arith.extui %sign3A_1321 : i1 to i32
    %sign3A_1323 = arith.subi %sign3A_1319, %sign3A_1322 : i32
    %ne3A_1324 = arith.cmpi ne, %sign3A_1316, %sign3A_1323 : i32
    %rem3A_1325 = arith.remsi %add3A_1307, %jit3A_1308 : i32
    %ne3A_1326 = arith.constant 0 : i32
    %ne3A_1327 = arith.cmpi ne, %rem3A_1325, %ne3A_1326 : i32
    %and3A_1328 = arith.andi %ne3A_1324, %ne3A_1327 : i1
    %sub3A_1329 = arith.constant 1 : i32
    %sub3A_1330 = arith.subi %div3A_1309, %sub3A_1329 : i32
    %select_n3A_1331 = arith.select %and3A_1328, %sub3A_1330, %div3A_1309 : i32
    %jit3A_1332 = arith.constant 64 : i32
    %eq3A_1333 = arith.constant 0 : i32
    %eq3A_1334 = arith.cmpi eq, %jit3A_1332, %eq3A_1333 : i32
    %jit3A_1335 = arith.constant 1 : i32
    %select_n3A_1336 = arith.select %eq3A_1334, %jit3A_1335, %jit3A_1332 : i32
    %rem3A_1337 = arith.remsi %add3A_1307, %select_n3A_1336 : i32
    %ne3A_1338 = arith.constant 0 : i32
    %ne3A_1339 = arith.cmpi ne, %rem3A_1337, %ne3A_1338 : i32
    %lt3A_1340 = arith.constant 0 : i32
    %lt3A_1341 = arith.cmpi slt, %rem3A_1337, %lt3A_1340 : i32
    %lt3A_1342 = arith.constant 0 : i32
    %lt3A_1343 = arith.cmpi slt, %select_n3A_1336, %lt3A_1342 : i32
    %ne3A_1344 = arith.xori %lt3A_1341, %lt3A_1343 : i1
    %and3A_1345 = arith.andi %ne3A_1344, %ne3A_1339 : i1
    %add3A_1346 = arith.addi %rem3A_1337, %select_n3A_1336 : i32
    %select_n3A_1347 = arith.select %and3A_1345, %add3A_1346, %rem3A_1337 : i32
    %mul3A_1348 = arith.constant 16 : i32
    %mul3A_1349 = arith.muli %select_n3A_1347, %mul3A_1348 : i32
    %add3A_1350 = arith.addi %squeeze3A, %mul3A_1349 : i32
    %ge3A_1351 = arith.constant 4 : i32
    %ge3A_1352 = arith.cmpi sge, %add3A_1350, %ge3A_1351 : i32
    %lt3A_1353 = arith.cmpi slt, %add3A_1350, %squeeze3A_12 : i32
    %and3A_1354 = arith.andi %ge3A_1352, %lt3A_1353 : i1
    %jit3A_1355 = arith.constant 0 : i32
    %select_n3A_1356 = arith.select %and3A_1354, %squeeze3A_7, %jit3A_1355 : i32
    %add3A_1357 = arith.addi %add3A_1350, %select_n3A_1356 : i32
    %min3A_1358 = arith.constant 2032 : i32
    %min3A_1359 = arith.minsi %add3A_1357, %min3A_1358 : i32
    %eq3A_1360 = arith.cmpi eq, %mul3A_1349, %sub3A : i32
    %dma_wait3A_1361 = arith.constant 0 : i32
    %dma_wait3A_1362 = arith.constant 0 : i32
    %dma_wait3A_1363 = tpu.memref_slice %arg2[%select_n3A_1117, %min3A_1145, %dma_wait3A_1361, %dma_wait3A_1362] : memref<8x2048x8x128xf32, #tpu.memory_space<hbm>> -> memref<1x16x8x128xf32, #tpu.memory_space<hbm>>
    %dma_wait3A_1364 = tpu.memref_squeeze %dma_wait3A_1363 : memref<1x16x8x128xf32, #tpu.memory_space<hbm>> -> memref<16x8x128xf32, #tpu.memory_space<hbm>>
    %dma_wait3A_1365 = arith.constant 0 : i32
    %dma_wait3A_1366 = arith.constant 0 : i32
    %dma_wait3A_1367 = tpu.memref_slice %arg2[%select_n3A_1117, %min3A_1145, %dma_wait3A_1365, %dma_wait3A_1366] : memref<8x2048x8x128xf32, #tpu.memory_space<hbm>> -> memref<1x16x8x128xf32, #tpu.memory_space<hbm>>
    %dma_wait3A_1368 = tpu.memref_squeeze %dma_wait3A_1367 : memref<1x16x8x128xf32, #tpu.memory_space<hbm>> -> memref<16x8x128xf32, #tpu.memory_space<hbm>>
    tpu.wait_dma2 semaphore(%arg11 : memref<!tpu.dma_semaphore, #tpu.memory_space<semaphore_mem>>) src(%dma_wait3A_1368 : memref<16x8x128xf32, #tpu.memory_space<hbm>>) dst(%arg7 : memref<16x8x128xf32, #tpu.memory_space<vmem>>)
    %convert_element_type3A_1369 = arith.extui %eq3A_1360 : i1 to i32
    %cond3A_1370 = arith.constant 0 : i32
    %cond3A_1371 = arith.cmpi ne, %convert_element_type3A_1369, %cond3A_1370 : i32
    scf.if %cond3A_1371 {
      "tpu.region"() ({
        %run_scoped3A = tpu.sem_alloc : memref<!tpu.dma_semaphore, #tpu.memory_space<semaphore_mem>>
        %dma_start3A_2382 = arith.constant 0 : i32
        %dma_start3A_2383 = arith.constant 0 : i32
        %dma_start3A_2384 = arith.constant 0 : i32
        %dma_start3A_2385 = tpu.memref_slice %arg3[%select_n3A_1331, %dma_start3A_2382, %dma_start3A_2383, %dma_start3A_2384] : memref<8x16x8x128xf32, #tpu.memory_space<hbm>> -> memref<1x16x8x128xf32, #tpu.memory_space<hbm>>
        %dma_start3A_2386 = tpu.memref_squeeze %dma_start3A_2385 : memref<1x16x8x128xf32, #tpu.memory_space<hbm>> -> memref<16x8x128xf32, #tpu.memory_space<hbm>>
        %dma_start3A_2387 = arith.constant 0 : i32
        %dma_start3A_2388 = arith.constant 0 : i32
        %dma_start3A_2389 = arith.constant 0 : i32
        %dma_start3A_2390 = tpu.memref_slice %arg3[%select_n3A_1331, %dma_start3A_2387, %dma_start3A_2388, %dma_start3A_2389] : memref<8x16x8x128xf32, #tpu.memory_space<hbm>> -> memref<1x16x8x128xf32, #tpu.memory_space<hbm>>
        %dma_start3A_2391 = tpu.memref_squeeze %dma_start3A_2390 : memref<1x16x8x128xf32, #tpu.memory_space<hbm>> -> memref<16x8x128xf32, #tpu.memory_space<hbm>>
        tpu.enqueue_dma source(%dma_start3A_2391 : memref<16x8x128xf32, #tpu.memory_space<hbm>>) target(%arg7 : memref<16x8x128xf32, #tpu.memory_space<vmem>>) target_semaphore(%run_scoped3A : memref<!tpu.dma_semaphore, #tpu.memory_space<semaphore_mem>>)
        %dma_wait3A_2392 = arith.constant 0 : i32
        %dma_wait3A_2393 = arith.constant 0 : i32
        %dma_wait3A_2394 = arith.constant 0 : i32
        %dma_wait3A_2395 = tpu.memref_slice %arg3[%select_n3A_1331, %dma_wait3A_2392, %dma_wait3A_2393, %dma_wait3A_2394] : memref<8x16x8x128xf32, #tpu.memory_space<hbm>> -> memref<1x16x8x128xf32, #tpu.memory_space<hbm>>
        %dma_wait3A_2396 = tpu.memref_squeeze %dma_wait3A_2395 : memref<1x16x8x128xf32, #tpu.memory_space<hbm>> -> memref<16x8x128xf32, #tpu.memory_space<hbm>>
        %dma_wait3A_2397 = arith.constant 0 : i32
        %dma_wait3A_2398 = arith.constant 0 : i32
        %dma_wait3A_2399 = arith.constant 0 : i32
        %dma_wait3A_2400 = tpu.memref_slice %arg3[%select_n3A_1331, %dma_wait3A_2397, %dma_wait3A_2398, %dma_wait3A_2399] : memref<8x16x8x128xf32, #tpu.memory_space<hbm>> -> memref<1x16x8x128xf32, #tpu.memory_space<hbm>>
        %dma_wait3A_2401 = tpu.memref_squeeze %dma_wait3A_2400 : memref<1x16x8x128xf32, #tpu.memory_space<hbm>> -> memref<16x8x128xf32, #tpu.memory_space<hbm>>
        tpu.wait_dma2 semaphore(%run_scoped3A : memref<!tpu.dma_semaphore, #tpu.memory_space<semaphore_mem>>) src(%dma_wait3A_2401 : memref<16x8x128xf32, #tpu.memory_space<hbm>>) dst(%arg7 : memref<16x8x128xf32, #tpu.memory_space<vmem>>)
        tpu.yield
      }) : () -> ()
    } else {
    }
    %dma_start3A_1372 = arith.constant 0 : i32
    %dma_start3A_1373 = arith.constant 0 : i32
    %dma_start3A_1374 = tpu.memref_slice %arg5[%select_n3A_1331, %mul3A_1349, %dma_start3A_1372, %dma_start3A_1373] : memref<8x1024x8x128xf32, #tpu.memory_space<hbm>> -> memref<1x16x8x128xf32, #tpu.memory_space<hbm>>
    %dma_start3A_1375 = tpu.memref_squeeze %dma_start3A_1374 : memref<1x16x8x128xf32, #tpu.memory_space<hbm>> -> memref<16x8x128xf32, #tpu.memory_space<hbm>>
    %dma_start3A_1376 = arith.constant 0 : i32
    %dma_start3A_1377 = arith.constant 0 : i32
    %dma_start3A_1378 = tpu.memref_slice %arg5[%select_n3A_1331, %mul3A_1349, %dma_start3A_1376, %dma_start3A_1377] : memref<8x1024x8x128xf32, #tpu.memory_space<hbm>> -> memref<1x16x8x128xf32, #tpu.memory_space<hbm>>
    %dma_start3A_1379 = tpu.memref_squeeze %dma_start3A_1378 : memref<1x16x8x128xf32, #tpu.memory_space<hbm>> -> memref<16x8x128xf32, #tpu.memory_space<hbm>>
    tpu.enqueue_dma source(%arg7 : memref<16x8x128xf32, #tpu.memory_space<vmem>>) target(%dma_start3A_1379 : memref<16x8x128xf32, #tpu.memory_space<hbm>>) target_semaphore(%arg15 : memref<!tpu.dma_semaphore, #tpu.memory_space<semaphore_mem>>)
    %dma_wait3A_1380 = arith.constant 0 : i32
    %dma_wait3A_1381 = arith.constant 0 : i32
    %dma_wait3A_1382 = tpu.memref_slice %arg5[%select_n3A_1033, %mul3A_1051, %dma_wait3A_1380, %dma_wait3A_1381] : memref<8x1024x8x128xf32, #tpu.memory_space<hbm>> -> memref<1x16x8x128xf32, #tpu.memory_space<hbm>>
    %dma_wait3A_1383 = tpu.memref_squeeze %dma_wait3A_1382 : memref<1x16x8x128xf32, #tpu.memory_space<hbm>> -> memref<16x8x128xf32, #tpu.memory_space<hbm>>
    %dma_wait3A_1384 = arith.constant 0 : i32
    %dma_wait3A_1385 = arith.constant 0 : i32
    %dma_wait3A_1386 = tpu.memref_slice %arg5[%select_n3A_1033, %mul3A_1051, %dma_wait3A_1384, %dma_wait3A_1385] : memref<8x1024x8x128xf32, #tpu.memory_space<hbm>> -> memref<1x16x8x128xf32, #tpu.memory_space<hbm>>
    %dma_wait3A_1387 = tpu.memref_squeeze %dma_wait3A_1386 : memref<1x16x8x128xf32, #tpu.memory_space<hbm>> -> memref<16x8x128xf32, #tpu.memory_space<hbm>>
    tpu.wait_dma2 semaphore(%arg17 : memref<!tpu.dma_semaphore, #tpu.memory_space<semaphore_mem>>) src(%arg9 : memref<16x8x128xf32, #tpu.memory_space<vmem>>) dst(%dma_wait3A_1387 : memref<16x8x128xf32, #tpu.memory_space<hbm>>)
    %mul3A_1388 = arith.constant 16 : i32
    %mul3A_1389 = arith.muli %add3A, %mul3A_1388 : i32
    %add3A_1390 = arith.constant 10 : i32
    %add3A_1391 = arith.addi %mul3A_1389, %add3A_1390 : i32
    %jit3A_1392 = arith.constant 64 : i32
    %div3A_1393 = arith.divsi %add3A_1391, %jit3A_1392 : i32
    %sign3A_1394 = arith.constant 0 : i32
    %sign3A_1395 = arith.cmpi sgt, %add3A_1391, %sign3A_1394 : i32
    %sign3A_1396 = arith.extui %sign3A_1395 : i1 to i32
    %sign3A_1397 = arith.constant 0 : i32
    %sign3A_1398 = arith.cmpi slt, %add3A_1391, %sign3A_1397 : i32
    %sign3A_1399 = arith.extui %sign3A_1398 : i1 to i32
    %sign3A_1400 = arith.subi %sign3A_1396, %sign3A_1399 : i32
    %sign3A_1401 = arith.constant 0 : i32
    %sign3A_1402 = arith.cmpi sgt, %jit3A_1392, %sign3A_1401 : i32
    %sign3A_1403 = arith.extui %sign3A_1402 : i1 to i32
    %sign3A_1404 = arith.constant 0 : i32
    %sign3A_1405 = arith.cmpi slt, %jit3A_1392, %sign3A_1404 : i32
    %sign3A_1406 = arith.extui %sign3A_1405 : i1 to i32
    %sign3A_1407 = arith.subi %sign3A_1403, %sign3A_1406 : i32
    %ne3A_1408 = arith.cmpi ne, %sign3A_1400, %sign3A_1407 : i32
    %rem3A_1409 = arith.remsi %add3A_1391, %jit3A_1392 : i32
    %ne3A_1410 = arith.constant 0 : i32
    %ne3A_1411 = arith.cmpi ne, %rem3A_1409, %ne3A_1410 : i32
    %and3A_1412 = arith.andi %ne3A_1408, %ne3A_1411 : i1
    %sub3A_1413 = arith.constant 1 : i32
    %sub3A_1414 = arith.subi %div3A_1393, %sub3A_1413 : i32
    %select_n3A_1415 = arith.select %and3A_1412, %sub3A_1414, %div3A_1393 : i32
    %jit3A_1416 = arith.constant 64 : i32
    %eq3A_1417 = arith.constant 0 : i32
    %eq3A_1418 = arith.cmpi eq, %jit3A_1416, %eq3A_1417 : i32
    %jit3A_1419 = arith.constant 1 : i32
    %select_n3A_1420 = arith.select %eq3A_1418, %jit3A_1419, %jit3A_1416 : i32
    %rem3A_1421 = arith.remsi %add3A_1391, %select_n3A_1420 : i32
    %ne3A_1422 = arith.constant 0 : i32
    %ne3A_1423 = arith.cmpi ne, %rem3A_1421, %ne3A_1422 : i32
    %lt3A_1424 = arith.constant 0 : i32
    %lt3A_1425 = arith.cmpi slt, %rem3A_1421, %lt3A_1424 : i32
    %lt3A_1426 = arith.constant 0 : i32
    %lt3A_1427 = arith.cmpi slt, %select_n3A_1420, %lt3A_1426 : i32
    %ne3A_1428 = arith.xori %lt3A_1425, %lt3A_1427 : i1
    %and3A_1429 = arith.andi %ne3A_1428, %ne3A_1423 : i1
    %add3A_1430 = arith.addi %rem3A_1421, %select_n3A_1420 : i32
    %select_n3A_1431 = arith.select %and3A_1429, %add3A_1430, %rem3A_1421 : i32
    %mul3A_1432 = arith.constant 16 : i32
    %mul3A_1433 = arith.muli %select_n3A_1431, %mul3A_1432 : i32
    %add3A_1434 = arith.addi %squeeze3A, %mul3A_1433 : i32
    %ge3A_1435 = arith.constant 4 : i32
    %ge3A_1436 = arith.cmpi sge, %add3A_1434, %ge3A_1435 : i32
    %lt3A_1437 = arith.cmpi slt, %add3A_1434, %squeeze3A_12 : i32
    %and3A_1438 = arith.andi %ge3A_1436, %lt3A_1437 : i1
    %jit3A_1439 = arith.constant 0 : i32
    %select_n3A_1440 = arith.select %and3A_1438, %squeeze3A_7, %jit3A_1439 : i32
    %add3A_1441 = arith.addi %add3A_1434, %select_n3A_1440 : i32
    %min3A_1442 = arith.constant 2032 : i32
    %min3A_1443 = arith.minsi %add3A_1441, %min3A_1442 : i32
    %eq3A_1444 = arith.cmpi eq, %mul3A_1433, %sub3A : i32
    %dma_start3A_1445 = arith.constant 0 : i32
    %dma_start3A_1446 = arith.constant 0 : i32
    %dma_start3A_1447 = tpu.memref_slice %arg2[%select_n3A_1415, %min3A_1443, %dma_start3A_1445, %dma_start3A_1446] : memref<8x2048x8x128xf32, #tpu.memory_space<hbm>> -> memref<1x16x8x128xf32, #tpu.memory_space<hbm>>
    %dma_start3A_1448 = tpu.memref_squeeze %dma_start3A_1447 : memref<1x16x8x128xf32, #tpu.memory_space<hbm>> -> memref<16x8x128xf32, #tpu.memory_space<hbm>>
    %dma_start3A_1449 = arith.constant 0 : i32
    %dma_start3A_1450 = arith.constant 0 : i32
    %dma_start3A_1451 = tpu.memref_slice %arg2[%select_n3A_1415, %min3A_1443, %dma_start3A_1449, %dma_start3A_1450] : memref<8x2048x8x128xf32, #tpu.memory_space<hbm>> -> memref<1x16x8x128xf32, #tpu.memory_space<hbm>>
    %dma_start3A_1452 = tpu.memref_squeeze %dma_start3A_1451 : memref<1x16x8x128xf32, #tpu.memory_space<hbm>> -> memref<16x8x128xf32, #tpu.memory_space<hbm>>
    tpu.enqueue_dma source(%dma_start3A_1452 : memref<16x8x128xf32, #tpu.memory_space<hbm>>) target(%arg9 : memref<16x8x128xf32, #tpu.memory_space<vmem>>) target_semaphore(%arg13 : memref<!tpu.dma_semaphore, #tpu.memory_space<semaphore_mem>>)
    %mul3A_1453 = arith.constant 16 : i32
    %mul3A_1454 = arith.muli %add3A, %mul3A_1453 : i32
    %add3A_1455 = arith.constant 9 : i32
    %add3A_1456 = arith.addi %mul3A_1454, %add3A_1455 : i32
    %jit3A_1457 = arith.constant 64 : i32
    %div3A_1458 = arith.divsi %add3A_1456, %jit3A_1457 : i32
    %sign3A_1459 = arith.constant 0 : i32
    %sign3A_1460 = arith.cmpi sgt, %add3A_1456, %sign3A_1459 : i32
    %sign3A_1461 = arith.extui %sign3A_1460 : i1 to i32
    %sign3A_1462 = arith.constant 0 : i32
    %sign3A_1463 = arith.cmpi slt, %add3A_1456, %sign3A_1462 : i32
    %sign3A_1464 = arith.extui %sign3A_1463 : i1 to i32
    %sign3A_1465 = arith.subi %sign3A_1461, %sign3A_1464 : i32
    %sign3A_1466 = arith.constant 0 : i32
    %sign3A_1467 = arith.cmpi sgt, %jit3A_1457, %sign3A_1466 : i32
    %sign3A_1468 = arith.extui %sign3A_1467 : i1 to i32
    %sign3A_1469 = arith.constant 0 : i32
    %sign3A_1470 = arith.cmpi slt, %jit3A_1457, %sign3A_1469 : i32
    %sign3A_1471 = arith.extui %sign3A_1470 : i1 to i32
    %sign3A_1472 = arith.subi %sign3A_1468, %sign3A_1471 : i32
    %ne3A_1473 = arith.cmpi ne, %sign3A_1465, %sign3A_1472 : i32
    %rem3A_1474 = arith.remsi %add3A_1456, %jit3A_1457 : i32
    %ne3A_1475 = arith.constant 0 : i32
    %ne3A_1476 = arith.cmpi ne, %rem3A_1474, %ne3A_1475 : i32
    %and3A_1477 = arith.andi %ne3A_1473, %ne3A_1476 : i1
    %sub3A_1478 = arith.constant 1 : i32
    %sub3A_1479 = arith.subi %div3A_1458, %sub3A_1478 : i32
    %select_n3A_1480 = arith.select %and3A_1477, %sub3A_1479, %div3A_1458 : i32
    %jit3A_1481 = arith.constant 64 : i32
    %eq3A_1482 = arith.constant 0 : i32
    %eq3A_1483 = arith.cmpi eq, %jit3A_1481, %eq3A_1482 : i32
    %jit3A_1484 = arith.constant 1 : i32
    %select_n3A_1485 = arith.select %eq3A_1483, %jit3A_1484, %jit3A_1481 : i32
    %rem3A_1486 = arith.remsi %add3A_1456, %select_n3A_1485 : i32
    %ne3A_1487 = arith.constant 0 : i32
    %ne3A_1488 = arith.cmpi ne, %rem3A_1486, %ne3A_1487 : i32
    %lt3A_1489 = arith.constant 0 : i32
    %lt3A_1490 = arith.cmpi slt, %rem3A_1486, %lt3A_1489 : i32
    %lt3A_1491 = arith.constant 0 : i32
    %lt3A_1492 = arith.cmpi slt, %select_n3A_1485, %lt3A_1491 : i32
    %ne3A_1493 = arith.xori %lt3A_1490, %lt3A_1492 : i1
    %and3A_1494 = arith.andi %ne3A_1493, %ne3A_1488 : i1
    %add3A_1495 = arith.addi %rem3A_1486, %select_n3A_1485 : i32
    %select_n3A_1496 = arith.select %and3A_1494, %add3A_1495, %rem3A_1486 : i32
    %mul3A_1497 = arith.constant 16 : i32
    %mul3A_1498 = arith.muli %select_n3A_1496, %mul3A_1497 : i32
    %add3A_1499 = arith.addi %squeeze3A, %mul3A_1498 : i32
    %ge3A_1500 = arith.constant 4 : i32
    %ge3A_1501 = arith.cmpi sge, %add3A_1499, %ge3A_1500 : i32
    %lt3A_1502 = arith.cmpi slt, %add3A_1499, %squeeze3A_12 : i32
    %and3A_1503 = arith.andi %ge3A_1501, %lt3A_1502 : i1
    %jit3A_1504 = arith.constant 0 : i32
    %select_n3A_1505 = arith.select %and3A_1503, %squeeze3A_7, %jit3A_1504 : i32
    %add3A_1506 = arith.addi %add3A_1499, %select_n3A_1505 : i32
    %min3A_1507 = arith.constant 2032 : i32
    %min3A_1508 = arith.minsi %add3A_1506, %min3A_1507 : i32
    %eq3A_1509 = arith.cmpi eq, %mul3A_1498, %sub3A : i32
    %dma_wait3A_1510 = arith.constant 0 : i32
    %dma_wait3A_1511 = arith.constant 0 : i32
    %dma_wait3A_1512 = tpu.memref_slice %arg2[%select_n3A_1266, %min3A_1294, %dma_wait3A_1510, %dma_wait3A_1511] : memref<8x2048x8x128xf32, #tpu.memory_space<hbm>> -> memref<1x16x8x128xf32, #tpu.memory_space<hbm>>
    %dma_wait3A_1513 = tpu.memref_squeeze %dma_wait3A_1512 : memref<1x16x8x128xf32, #tpu.memory_space<hbm>> -> memref<16x8x128xf32, #tpu.memory_space<hbm>>
    %dma_wait3A_1514 = arith.constant 0 : i32
    %dma_wait3A_1515 = arith.constant 0 : i32
    %dma_wait3A_1516 = tpu.memref_slice %arg2[%select_n3A_1266, %min3A_1294, %dma_wait3A_1514, %dma_wait3A_1515] : memref<8x2048x8x128xf32, #tpu.memory_space<hbm>> -> memref<1x16x8x128xf32, #tpu.memory_space<hbm>>
    %dma_wait3A_1517 = tpu.memref_squeeze %dma_wait3A_1516 : memref<1x16x8x128xf32, #tpu.memory_space<hbm>> -> memref<16x8x128xf32, #tpu.memory_space<hbm>>
    tpu.wait_dma2 semaphore(%arg12 : memref<!tpu.dma_semaphore, #tpu.memory_space<semaphore_mem>>) src(%dma_wait3A_1517 : memref<16x8x128xf32, #tpu.memory_space<hbm>>) dst(%arg8 : memref<16x8x128xf32, #tpu.memory_space<vmem>>)
    %convert_element_type3A_1518 = arith.extui %eq3A_1509 : i1 to i32
    %cond3A_1519 = arith.constant 0 : i32
    %cond3A_1520 = arith.cmpi ne, %convert_element_type3A_1518, %cond3A_1519 : i32
    scf.if %cond3A_1520 {
      "tpu.region"() ({
        %run_scoped3A = tpu.sem_alloc : memref<!tpu.dma_semaphore, #tpu.memory_space<semaphore_mem>>
        %dma_start3A_2382 = arith.constant 0 : i32
        %dma_start3A_2383 = arith.constant 0 : i32
        %dma_start3A_2384 = arith.constant 0 : i32
        %dma_start3A_2385 = tpu.memref_slice %arg3[%select_n3A_1480, %dma_start3A_2382, %dma_start3A_2383, %dma_start3A_2384] : memref<8x16x8x128xf32, #tpu.memory_space<hbm>> -> memref<1x16x8x128xf32, #tpu.memory_space<hbm>>
        %dma_start3A_2386 = tpu.memref_squeeze %dma_start3A_2385 : memref<1x16x8x128xf32, #tpu.memory_space<hbm>> -> memref<16x8x128xf32, #tpu.memory_space<hbm>>
        %dma_start3A_2387 = arith.constant 0 : i32
        %dma_start3A_2388 = arith.constant 0 : i32
        %dma_start3A_2389 = arith.constant 0 : i32
        %dma_start3A_2390 = tpu.memref_slice %arg3[%select_n3A_1480, %dma_start3A_2387, %dma_start3A_2388, %dma_start3A_2389] : memref<8x16x8x128xf32, #tpu.memory_space<hbm>> -> memref<1x16x8x128xf32, #tpu.memory_space<hbm>>
        %dma_start3A_2391 = tpu.memref_squeeze %dma_start3A_2390 : memref<1x16x8x128xf32, #tpu.memory_space<hbm>> -> memref<16x8x128xf32, #tpu.memory_space<hbm>>
        tpu.enqueue_dma source(%dma_start3A_2391 : memref<16x8x128xf32, #tpu.memory_space<hbm>>) target(%arg8 : memref<16x8x128xf32, #tpu.memory_space<vmem>>) target_semaphore(%run_scoped3A : memref<!tpu.dma_semaphore, #tpu.memory_space<semaphore_mem>>)
        %dma_wait3A_2392 = arith.constant 0 : i32
        %dma_wait3A_2393 = arith.constant 0 : i32
        %dma_wait3A_2394 = arith.constant 0 : i32
        %dma_wait3A_2395 = tpu.memref_slice %arg3[%select_n3A_1480, %dma_wait3A_2392, %dma_wait3A_2393, %dma_wait3A_2394] : memref<8x16x8x128xf32, #tpu.memory_space<hbm>> -> memref<1x16x8x128xf32, #tpu.memory_space<hbm>>
        %dma_wait3A_2396 = tpu.memref_squeeze %dma_wait3A_2395 : memref<1x16x8x128xf32, #tpu.memory_space<hbm>> -> memref<16x8x128xf32, #tpu.memory_space<hbm>>
        %dma_wait3A_2397 = arith.constant 0 : i32
        %dma_wait3A_2398 = arith.constant 0 : i32
        %dma_wait3A_2399 = arith.constant 0 : i32
        %dma_wait3A_2400 = tpu.memref_slice %arg3[%select_n3A_1480, %dma_wait3A_2397, %dma_wait3A_2398, %dma_wait3A_2399] : memref<8x16x8x128xf32, #tpu.memory_space<hbm>> -> memref<1x16x8x128xf32, #tpu.memory_space<hbm>>
        %dma_wait3A_2401 = tpu.memref_squeeze %dma_wait3A_2400 : memref<1x16x8x128xf32, #tpu.memory_space<hbm>> -> memref<16x8x128xf32, #tpu.memory_space<hbm>>
        tpu.wait_dma2 semaphore(%run_scoped3A : memref<!tpu.dma_semaphore, #tpu.memory_space<semaphore_mem>>) src(%dma_wait3A_2401 : memref<16x8x128xf32, #tpu.memory_space<hbm>>) dst(%arg8 : memref<16x8x128xf32, #tpu.memory_space<vmem>>)
        tpu.yield
      }) : () -> ()
    } else {
    }
    %dma_start3A_1521 = arith.constant 0 : i32
    %dma_start3A_1522 = arith.constant 0 : i32
    %dma_start3A_1523 = tpu.memref_slice %arg5[%select_n3A_1480, %mul3A_1498, %dma_start3A_1521, %dma_start3A_1522] : memref<8x1024x8x128xf32, #tpu.memory_space<hbm>> -> memref<1x16x8x128xf32, #tpu.memory_space<hbm>>
    %dma_start3A_1524 = tpu.memref_squeeze %dma_start3A_1523 : memref<1x16x8x128xf32, #tpu.memory_space<hbm>> -> memref<16x8x128xf32, #tpu.memory_space<hbm>>
    %dma_start3A_1525 = arith.constant 0 : i32
    %dma_start3A_1526 = arith.constant 0 : i32
    %dma_start3A_1527 = tpu.memref_slice %arg5[%select_n3A_1480, %mul3A_1498, %dma_start3A_1525, %dma_start3A_1526] : memref<8x1024x8x128xf32, #tpu.memory_space<hbm>> -> memref<1x16x8x128xf32, #tpu.memory_space<hbm>>
    %dma_start3A_1528 = tpu.memref_squeeze %dma_start3A_1527 : memref<1x16x8x128xf32, #tpu.memory_space<hbm>> -> memref<16x8x128xf32, #tpu.memory_space<hbm>>
    tpu.enqueue_dma source(%arg8 : memref<16x8x128xf32, #tpu.memory_space<vmem>>) target(%dma_start3A_1528 : memref<16x8x128xf32, #tpu.memory_space<hbm>>) target_semaphore(%arg16 : memref<!tpu.dma_semaphore, #tpu.memory_space<semaphore_mem>>)
    %dma_wait3A_1529 = arith.constant 0 : i32
    %dma_wait3A_1530 = arith.constant 0 : i32
    %dma_wait3A_1531 = tpu.memref_slice %arg5[%select_n3A_1182, %mul3A_1200, %dma_wait3A_1529, %dma_wait3A_1530] : memref<8x1024x8x128xf32, #tpu.memory_space<hbm>> -> memref<1x16x8x128xf32, #tpu.memory_space<hbm>>
    %dma_wait3A_1532 = tpu.memref_squeeze %dma_wait3A_1531 : memref<1x16x8x128xf32, #tpu.memory_space<hbm>> -> memref<16x8x128xf32, #tpu.memory_space<hbm>>
    %dma_wait3A_1533 = arith.constant 0 : i32
    %dma_wait3A_1534 = arith.constant 0 : i32
    %dma_wait3A_1535 = tpu.memref_slice %arg5[%select_n3A_1182, %mul3A_1200, %dma_wait3A_1533, %dma_wait3A_1534] : memref<8x1024x8x128xf32, #tpu.memory_space<hbm>> -> memref<1x16x8x128xf32, #tpu.memory_space<hbm>>
    %dma_wait3A_1536 = tpu.memref_squeeze %dma_wait3A_1535 : memref<1x16x8x128xf32, #tpu.memory_space<hbm>> -> memref<16x8x128xf32, #tpu.memory_space<hbm>>
    tpu.wait_dma2 semaphore(%arg18 : memref<!tpu.dma_semaphore, #tpu.memory_space<semaphore_mem>>) src(%arg10 : memref<16x8x128xf32, #tpu.memory_space<vmem>>) dst(%dma_wait3A_1536 : memref<16x8x128xf32, #tpu.memory_space<hbm>>)
    %mul3A_1537 = arith.constant 16 : i32
    %mul3A_1538 = arith.muli %add3A, %mul3A_1537 : i32
    %add3A_1539 = arith.constant 11 : i32
    %add3A_1540 = arith.addi %mul3A_1538, %add3A_1539 : i32
    %jit3A_1541 = arith.constant 64 : i32
    %div3A_1542 = arith.divsi %add3A_1540, %jit3A_1541 : i32
    %sign3A_1543 = arith.constant 0 : i32
    %sign3A_1544 = arith.cmpi sgt, %add3A_1540, %sign3A_1543 : i32
    %sign3A_1545 = arith.extui %sign3A_1544 : i1 to i32
    %sign3A_1546 = arith.constant 0 : i32
    %sign3A_1547 = arith.cmpi slt, %add3A_1540, %sign3A_1546 : i32
    %sign3A_1548 = arith.extui %sign3A_1547 : i1 to i32
    %sign3A_1549 = arith.subi %sign3A_1545, %sign3A_1548 : i32
    %sign3A_1550 = arith.constant 0 : i32
    %sign3A_1551 = arith.cmpi sgt, %jit3A_1541, %sign3A_1550 : i32
    %sign3A_1552 = arith.extui %sign3A_1551 : i1 to i32
    %sign3A_1553 = arith.constant 0 : i32
    %sign3A_1554 = arith.cmpi slt, %jit3A_1541, %sign3A_1553 : i32
    %sign3A_1555 = arith.extui %sign3A_1554 : i1 to i32
    %sign3A_1556 = arith.subi %sign3A_1552, %sign3A_1555 : i32
    %ne3A_1557 = arith.cmpi ne, %sign3A_1549, %sign3A_1556 : i32
    %rem3A_1558 = arith.remsi %add3A_1540, %jit3A_1541 : i32
    %ne3A_1559 = arith.constant 0 : i32
    %ne3A_1560 = arith.cmpi ne, %rem3A_1558, %ne3A_1559 : i32
    %and3A_1561 = arith.andi %ne3A_1557, %ne3A_1560 : i1
    %sub3A_1562 = arith.constant 1 : i32
    %sub3A_1563 = arith.subi %div3A_1542, %sub3A_1562 : i32
    %select_n3A_1564 = arith.select %and3A_1561, %sub3A_1563, %div3A_1542 : i32
    %jit3A_1565 = arith.constant 64 : i32
    %eq3A_1566 = arith.constant 0 : i32
    %eq3A_1567 = arith.cmpi eq, %jit3A_1565, %eq3A_1566 : i32
    %jit3A_1568 = arith.constant 1 : i32
    %select_n3A_1569 = arith.select %eq3A_1567, %jit3A_1568, %jit3A_1565 : i32
    %rem3A_1570 = arith.remsi %add3A_1540, %select_n3A_1569 : i32
    %ne3A_1571 = arith.constant 0 : i32
    %ne3A_1572 = arith.cmpi ne, %rem3A_1570, %ne3A_1571 : i32
    %lt3A_1573 = arith.constant 0 : i32
    %lt3A_1574 = arith.cmpi slt, %rem3A_1570, %lt3A_1573 : i32
    %lt3A_1575 = arith.constant 0 : i32
    %lt3A_1576 = arith.cmpi slt, %select_n3A_1569, %lt3A_1575 : i32
    %ne3A_1577 = arith.xori %lt3A_1574, %lt3A_1576 : i1
    %and3A_1578 = arith.andi %ne3A_1577, %ne3A_1572 : i1
    %add3A_1579 = arith.addi %rem3A_1570, %select_n3A_1569 : i32
    %select_n3A_1580 = arith.select %and3A_1578, %add3A_1579, %rem3A_1570 : i32
    %mul3A_1581 = arith.constant 16 : i32
    %mul3A_1582 = arith.muli %select_n3A_1580, %mul3A_1581 : i32
    %add3A_1583 = arith.addi %squeeze3A, %mul3A_1582 : i32
    %ge3A_1584 = arith.constant 4 : i32
    %ge3A_1585 = arith.cmpi sge, %add3A_1583, %ge3A_1584 : i32
    %lt3A_1586 = arith.cmpi slt, %add3A_1583, %squeeze3A_12 : i32
    %and3A_1587 = arith.andi %ge3A_1585, %lt3A_1586 : i1
    %jit3A_1588 = arith.constant 0 : i32
    %select_n3A_1589 = arith.select %and3A_1587, %squeeze3A_7, %jit3A_1588 : i32
    %add3A_1590 = arith.addi %add3A_1583, %select_n3A_1589 : i32
    %min3A_1591 = arith.constant 2032 : i32
    %min3A_1592 = arith.minsi %add3A_1590, %min3A_1591 : i32
    %eq3A_1593 = arith.cmpi eq, %mul3A_1582, %sub3A : i32
    %dma_start3A_1594 = arith.constant 0 : i32
    %dma_start3A_1595 = arith.constant 0 : i32
    %dma_start3A_1596 = tpu.memref_slice %arg2[%select_n3A_1564, %min3A_1592, %dma_start3A_1594, %dma_start3A_1595] : memref<8x2048x8x128xf32, #tpu.memory_space<hbm>> -> memref<1x16x8x128xf32, #tpu.memory_space<hbm>>
    %dma_start3A_1597 = tpu.memref_squeeze %dma_start3A_1596 : memref<1x16x8x128xf32, #tpu.memory_space<hbm>> -> memref<16x8x128xf32, #tpu.memory_space<hbm>>
    %dma_start3A_1598 = arith.constant 0 : i32
    %dma_start3A_1599 = arith.constant 0 : i32
    %dma_start3A_1600 = tpu.memref_slice %arg2[%select_n3A_1564, %min3A_1592, %dma_start3A_1598, %dma_start3A_1599] : memref<8x2048x8x128xf32, #tpu.memory_space<hbm>> -> memref<1x16x8x128xf32, #tpu.memory_space<hbm>>
    %dma_start3A_1601 = tpu.memref_squeeze %dma_start3A_1600 : memref<1x16x8x128xf32, #tpu.memory_space<hbm>> -> memref<16x8x128xf32, #tpu.memory_space<hbm>>
    tpu.enqueue_dma source(%dma_start3A_1601 : memref<16x8x128xf32, #tpu.memory_space<hbm>>) target(%arg10 : memref<16x8x128xf32, #tpu.memory_space<vmem>>) target_semaphore(%arg14 : memref<!tpu.dma_semaphore, #tpu.memory_space<semaphore_mem>>)
    %mul3A_1602 = arith.constant 16 : i32
    %mul3A_1603 = arith.muli %add3A, %mul3A_1602 : i32
    %add3A_1604 = arith.constant 10 : i32
    %add3A_1605 = arith.addi %mul3A_1603, %add3A_1604 : i32
    %jit3A_1606 = arith.constant 64 : i32
    %div3A_1607 = arith.divsi %add3A_1605, %jit3A_1606 : i32
    %sign3A_1608 = arith.constant 0 : i32
    %sign3A_1609 = arith.cmpi sgt, %add3A_1605, %sign3A_1608 : i32
    %sign3A_1610 = arith.extui %sign3A_1609 : i1 to i32
    %sign3A_1611 = arith.constant 0 : i32
    %sign3A_1612 = arith.cmpi slt, %add3A_1605, %sign3A_1611 : i32
    %sign3A_1613 = arith.extui %sign3A_1612 : i1 to i32
    %sign3A_1614 = arith.subi %sign3A_1610, %sign3A_1613 : i32
    %sign3A_1615 = arith.constant 0 : i32
    %sign3A_1616 = arith.cmpi sgt, %jit3A_1606, %sign3A_1615 : i32
    %sign3A_1617 = arith.extui %sign3A_1616 : i1 to i32
    %sign3A_1618 = arith.constant 0 : i32
    %sign3A_1619 = arith.cmpi slt, %jit3A_1606, %sign3A_1618 : i32
    %sign3A_1620 = arith.extui %sign3A_1619 : i1 to i32
    %sign3A_1621 = arith.subi %sign3A_1617, %sign3A_1620 : i32
    %ne3A_1622 = arith.cmpi ne, %sign3A_1614, %sign3A_1621 : i32
    %rem3A_1623 = arith.remsi %add3A_1605, %jit3A_1606 : i32
    %ne3A_1624 = arith.constant 0 : i32
    %ne3A_1625 = arith.cmpi ne, %rem3A_1623, %ne3A_1624 : i32
    %and3A_1626 = arith.andi %ne3A_1622, %ne3A_1625 : i1
    %sub3A_1627 = arith.constant 1 : i32
    %sub3A_1628 = arith.subi %div3A_1607, %sub3A_1627 : i32
    %select_n3A_1629 = arith.select %and3A_1626, %sub3A_1628, %div3A_1607 : i32
    %jit3A_1630 = arith.constant 64 : i32
    %eq3A_1631 = arith.constant 0 : i32
    %eq3A_1632 = arith.cmpi eq, %jit3A_1630, %eq3A_1631 : i32
    %jit3A_1633 = arith.constant 1 : i32
    %select_n3A_1634 = arith.select %eq3A_1632, %jit3A_1633, %jit3A_1630 : i32
    %rem3A_1635 = arith.remsi %add3A_1605, %select_n3A_1634 : i32
    %ne3A_1636 = arith.constant 0 : i32
    %ne3A_1637 = arith.cmpi ne, %rem3A_1635, %ne3A_1636 : i32
    %lt3A_1638 = arith.constant 0 : i32
    %lt3A_1639 = arith.cmpi slt, %rem3A_1635, %lt3A_1638 : i32
    %lt3A_1640 = arith.constant 0 : i32
    %lt3A_1641 = arith.cmpi slt, %select_n3A_1634, %lt3A_1640 : i32
    %ne3A_1642 = arith.xori %lt3A_1639, %lt3A_1641 : i1
    %and3A_1643 = arith.andi %ne3A_1642, %ne3A_1637 : i1
    %add3A_1644 = arith.addi %rem3A_1635, %select_n3A_1634 : i32
    %select_n3A_1645 = arith.select %and3A_1643, %add3A_1644, %rem3A_1635 : i32
    %mul3A_1646 = arith.constant 16 : i32
    %mul3A_1647 = arith.muli %select_n3A_1645, %mul3A_1646 : i32
    %add3A_1648 = arith.addi %squeeze3A, %mul3A_1647 : i32
    %ge3A_1649 = arith.constant 4 : i32
    %ge3A_1650 = arith.cmpi sge, %add3A_1648, %ge3A_1649 : i32
    %lt3A_1651 = arith.cmpi slt, %add3A_1648, %squeeze3A_12 : i32
    %and3A_1652 = arith.andi %ge3A_1650, %lt3A_1651 : i1
    %jit3A_1653 = arith.constant 0 : i32
    %select_n3A_1654 = arith.select %and3A_1652, %squeeze3A_7, %jit3A_1653 : i32
    %add3A_1655 = arith.addi %add3A_1648, %select_n3A_1654 : i32
    %min3A_1656 = arith.constant 2032 : i32
    %min3A_1657 = arith.minsi %add3A_1655, %min3A_1656 : i32
    %eq3A_1658 = arith.cmpi eq, %mul3A_1647, %sub3A : i32
    %dma_wait3A_1659 = arith.constant 0 : i32
    %dma_wait3A_1660 = arith.constant 0 : i32
    %dma_wait3A_1661 = tpu.memref_slice %arg2[%select_n3A_1415, %min3A_1443, %dma_wait3A_1659, %dma_wait3A_1660] : memref<8x2048x8x128xf32, #tpu.memory_space<hbm>> -> memref<1x16x8x128xf32, #tpu.memory_space<hbm>>
    %dma_wait3A_1662 = tpu.memref_squeeze %dma_wait3A_1661 : memref<1x16x8x128xf32, #tpu.memory_space<hbm>> -> memref<16x8x128xf32, #tpu.memory_space<hbm>>
    %dma_wait3A_1663 = arith.constant 0 : i32
    %dma_wait3A_1664 = arith.constant 0 : i32
    %dma_wait3A_1665 = tpu.memref_slice %arg2[%select_n3A_1415, %min3A_1443, %dma_wait3A_1663, %dma_wait3A_1664] : memref<8x2048x8x128xf32, #tpu.memory_space<hbm>> -> memref<1x16x8x128xf32, #tpu.memory_space<hbm>>
    %dma_wait3A_1666 = tpu.memref_squeeze %dma_wait3A_1665 : memref<1x16x8x128xf32, #tpu.memory_space<hbm>> -> memref<16x8x128xf32, #tpu.memory_space<hbm>>
    tpu.wait_dma2 semaphore(%arg13 : memref<!tpu.dma_semaphore, #tpu.memory_space<semaphore_mem>>) src(%dma_wait3A_1666 : memref<16x8x128xf32, #tpu.memory_space<hbm>>) dst(%arg9 : memref<16x8x128xf32, #tpu.memory_space<vmem>>)
    %convert_element_type3A_1667 = arith.extui %eq3A_1658 : i1 to i32
    %cond3A_1668 = arith.constant 0 : i32
    %cond3A_1669 = arith.cmpi ne, %convert_element_type3A_1667, %cond3A_1668 : i32
    scf.if %cond3A_1669 {
      "tpu.region"() ({
        %run_scoped3A = tpu.sem_alloc : memref<!tpu.dma_semaphore, #tpu.memory_space<semaphore_mem>>
        %dma_start3A_2382 = arith.constant 0 : i32
        %dma_start3A_2383 = arith.constant 0 : i32
        %dma_start3A_2384 = arith.constant 0 : i32
        %dma_start3A_2385 = tpu.memref_slice %arg3[%select_n3A_1629, %dma_start3A_2382, %dma_start3A_2383, %dma_start3A_2384] : memref<8x16x8x128xf32, #tpu.memory_space<hbm>> -> memref<1x16x8x128xf32, #tpu.memory_space<hbm>>
        %dma_start3A_2386 = tpu.memref_squeeze %dma_start3A_2385 : memref<1x16x8x128xf32, #tpu.memory_space<hbm>> -> memref<16x8x128xf32, #tpu.memory_space<hbm>>
        %dma_start3A_2387 = arith.constant 0 : i32
        %dma_start3A_2388 = arith.constant 0 : i32
        %dma_start3A_2389 = arith.constant 0 : i32
        %dma_start3A_2390 = tpu.memref_slice %arg3[%select_n3A_1629, %dma_start3A_2387, %dma_start3A_2388, %dma_start3A_2389] : memref<8x16x8x128xf32, #tpu.memory_space<hbm>> -> memref<1x16x8x128xf32, #tpu.memory_space<hbm>>
        %dma_start3A_2391 = tpu.memref_squeeze %dma_start3A_2390 : memref<1x16x8x128xf32, #tpu.memory_space<hbm>> -> memref<16x8x128xf32, #tpu.memory_space<hbm>>
        tpu.enqueue_dma source(%dma_start3A_2391 : memref<16x8x128xf32, #tpu.memory_space<hbm>>) target(%arg9 : memref<16x8x128xf32, #tpu.memory_space<vmem>>) target_semaphore(%run_scoped3A : memref<!tpu.dma_semaphore, #tpu.memory_space<semaphore_mem>>)
        %dma_wait3A_2392 = arith.constant 0 : i32
        %dma_wait3A_2393 = arith.constant 0 : i32
        %dma_wait3A_2394 = arith.constant 0 : i32
        %dma_wait3A_2395 = tpu.memref_slice %arg3[%select_n3A_1629, %dma_wait3A_2392, %dma_wait3A_2393, %dma_wait3A_2394] : memref<8x16x8x128xf32, #tpu.memory_space<hbm>> -> memref<1x16x8x128xf32, #tpu.memory_space<hbm>>
        %dma_wait3A_2396 = tpu.memref_squeeze %dma_wait3A_2395 : memref<1x16x8x128xf32, #tpu.memory_space<hbm>> -> memref<16x8x128xf32, #tpu.memory_space<hbm>>
        %dma_wait3A_2397 = arith.constant 0 : i32
        %dma_wait3A_2398 = arith.constant 0 : i32
        %dma_wait3A_2399 = arith.constant 0 : i32
        %dma_wait3A_2400 = tpu.memref_slice %arg3[%select_n3A_1629, %dma_wait3A_2397, %dma_wait3A_2398, %dma_wait3A_2399] : memref<8x16x8x128xf32, #tpu.memory_space<hbm>> -> memref<1x16x8x128xf32, #tpu.memory_space<hbm>>
        %dma_wait3A_2401 = tpu.memref_squeeze %dma_wait3A_2400 : memref<1x16x8x128xf32, #tpu.memory_space<hbm>> -> memref<16x8x128xf32, #tpu.memory_space<hbm>>
        tpu.wait_dma2 semaphore(%run_scoped3A : memref<!tpu.dma_semaphore, #tpu.memory_space<semaphore_mem>>) src(%dma_wait3A_2401 : memref<16x8x128xf32, #tpu.memory_space<hbm>>) dst(%arg9 : memref<16x8x128xf32, #tpu.memory_space<vmem>>)
        tpu.yield
      }) : () -> ()
    } else {
    }
    %dma_start3A_1670 = arith.constant 0 : i32
    %dma_start3A_1671 = arith.constant 0 : i32
    %dma_start3A_1672 = tpu.memref_slice %arg5[%select_n3A_1629, %mul3A_1647, %dma_start3A_1670, %dma_start3A_1671] : memref<8x1024x8x128xf32, #tpu.memory_space<hbm>> -> memref<1x16x8x128xf32, #tpu.memory_space<hbm>>
    %dma_start3A_1673 = tpu.memref_squeeze %dma_start3A_1672 : memref<1x16x8x128xf32, #tpu.memory_space<hbm>> -> memref<16x8x128xf32, #tpu.memory_space<hbm>>
    %dma_start3A_1674 = arith.constant 0 : i32
    %dma_start3A_1675 = arith.constant 0 : i32
    %dma_start3A_1676 = tpu.memref_slice %arg5[%select_n3A_1629, %mul3A_1647, %dma_start3A_1674, %dma_start3A_1675] : memref<8x1024x8x128xf32, #tpu.memory_space<hbm>> -> memref<1x16x8x128xf32, #tpu.memory_space<hbm>>
    %dma_start3A_1677 = tpu.memref_squeeze %dma_start3A_1676 : memref<1x16x8x128xf32, #tpu.memory_space<hbm>> -> memref<16x8x128xf32, #tpu.memory_space<hbm>>
    tpu.enqueue_dma source(%arg9 : memref<16x8x128xf32, #tpu.memory_space<vmem>>) target(%dma_start3A_1677 : memref<16x8x128xf32, #tpu.memory_space<hbm>>) target_semaphore(%arg17 : memref<!tpu.dma_semaphore, #tpu.memory_space<semaphore_mem>>)
    %dma_wait3A_1678 = arith.constant 0 : i32
    %dma_wait3A_1679 = arith.constant 0 : i32
    %dma_wait3A_1680 = tpu.memref_slice %arg5[%select_n3A_1331, %mul3A_1349, %dma_wait3A_1678, %dma_wait3A_1679] : memref<8x1024x8x128xf32, #tpu.memory_space<hbm>> -> memref<1x16x8x128xf32, #tpu.memory_space<hbm>>
    %dma_wait3A_1681 = tpu.memref_squeeze %dma_wait3A_1680 : memref<1x16x8x128xf32, #tpu.memory_space<hbm>> -> memref<16x8x128xf32, #tpu.memory_space<hbm>>
    %dma_wait3A_1682 = arith.constant 0 : i32
    %dma_wait3A_1683 = arith.constant 0 : i32
    %dma_wait3A_1684 = tpu.memref_slice %arg5[%select_n3A_1331, %mul3A_1349, %dma_wait3A_1682, %dma_wait3A_1683] : memref<8x1024x8x128xf32, #tpu.memory_space<hbm>> -> memref<1x16x8x128xf32, #tpu.memory_space<hbm>>
    %dma_wait3A_1685 = tpu.memref_squeeze %dma_wait3A_1684 : memref<1x16x8x128xf32, #tpu.memory_space<hbm>> -> memref<16x8x128xf32, #tpu.memory_space<hbm>>
    tpu.wait_dma2 semaphore(%arg15 : memref<!tpu.dma_semaphore, #tpu.memory_space<semaphore_mem>>) src(%arg7 : memref<16x8x128xf32, #tpu.memory_space<vmem>>) dst(%dma_wait3A_1685 : memref<16x8x128xf32, #tpu.memory_space<hbm>>)
    %mul3A_1686 = arith.constant 16 : i32
    %mul3A_1687 = arith.muli %add3A, %mul3A_1686 : i32
    %add3A_1688 = arith.constant 12 : i32
    %add3A_1689 = arith.addi %mul3A_1687, %add3A_1688 : i32
    %jit3A_1690 = arith.constant 64 : i32
    %div3A_1691 = arith.divsi %add3A_1689, %jit3A_1690 : i32
    %sign3A_1692 = arith.constant 0 : i32
    %sign3A_1693 = arith.cmpi sgt, %add3A_1689, %sign3A_1692 : i32
    %sign3A_1694 = arith.extui %sign3A_1693 : i1 to i32
    %sign3A_1695 = arith.constant 0 : i32
    %sign3A_1696 = arith.cmpi slt, %add3A_1689, %sign3A_1695 : i32
    %sign3A_1697 = arith.extui %sign3A_1696 : i1 to i32
    %sign3A_1698 = arith.subi %sign3A_1694, %sign3A_1697 : i32
    %sign3A_1699 = arith.constant 0 : i32
    %sign3A_1700 = arith.cmpi sgt, %jit3A_1690, %sign3A_1699 : i32
    %sign3A_1701 = arith.extui %sign3A_1700 : i1 to i32
    %sign3A_1702 = arith.constant 0 : i32
    %sign3A_1703 = arith.cmpi slt, %jit3A_1690, %sign3A_1702 : i32
    %sign3A_1704 = arith.extui %sign3A_1703 : i1 to i32
    %sign3A_1705 = arith.subi %sign3A_1701, %sign3A_1704 : i32
    %ne3A_1706 = arith.cmpi ne, %sign3A_1698, %sign3A_1705 : i32
    %rem3A_1707 = arith.remsi %add3A_1689, %jit3A_1690 : i32
    %ne3A_1708 = arith.constant 0 : i32
    %ne3A_1709 = arith.cmpi ne, %rem3A_1707, %ne3A_1708 : i32
    %and3A_1710 = arith.andi %ne3A_1706, %ne3A_1709 : i1
    %sub3A_1711 = arith.constant 1 : i32
    %sub3A_1712 = arith.subi %div3A_1691, %sub3A_1711 : i32
    %select_n3A_1713 = arith.select %and3A_1710, %sub3A_1712, %div3A_1691 : i32
    %jit3A_1714 = arith.constant 64 : i32
    %eq3A_1715 = arith.constant 0 : i32
    %eq3A_1716 = arith.cmpi eq, %jit3A_1714, %eq3A_1715 : i32
    %jit3A_1717 = arith.constant 1 : i32
    %select_n3A_1718 = arith.select %eq3A_1716, %jit3A_1717, %jit3A_1714 : i32
    %rem3A_1719 = arith.remsi %add3A_1689, %select_n3A_1718 : i32
    %ne3A_1720 = arith.constant 0 : i32
    %ne3A_1721 = arith.cmpi ne, %rem3A_1719, %ne3A_1720 : i32
    %lt3A_1722 = arith.constant 0 : i32
    %lt3A_1723 = arith.cmpi slt, %rem3A_1719, %lt3A_1722 : i32
    %lt3A_1724 = arith.constant 0 : i32
    %lt3A_1725 = arith.cmpi slt, %select_n3A_1718, %lt3A_1724 : i32
    %ne3A_1726 = arith.xori %lt3A_1723, %lt3A_1725 : i1
    %and3A_1727 = arith.andi %ne3A_1726, %ne3A_1721 : i1
    %add3A_1728 = arith.addi %rem3A_1719, %select_n3A_1718 : i32
    %select_n3A_1729 = arith.select %and3A_1727, %add3A_1728, %rem3A_1719 : i32
    %mul3A_1730 = arith.constant 16 : i32
    %mul3A_1731 = arith.muli %select_n3A_1729, %mul3A_1730 : i32
    %add3A_1732 = arith.addi %squeeze3A, %mul3A_1731 : i32
    %ge3A_1733 = arith.constant 4 : i32
    %ge3A_1734 = arith.cmpi sge, %add3A_1732, %ge3A_1733 : i32
    %lt3A_1735 = arith.cmpi slt, %add3A_1732, %squeeze3A_12 : i32
    %and3A_1736 = arith.andi %ge3A_1734, %lt3A_1735 : i1
    %jit3A_1737 = arith.constant 0 : i32
    %select_n3A_1738 = arith.select %and3A_1736, %squeeze3A_7, %jit3A_1737 : i32
    %add3A_1739 = arith.addi %add3A_1732, %select_n3A_1738 : i32
    %min3A_1740 = arith.constant 2032 : i32
    %min3A_1741 = arith.minsi %add3A_1739, %min3A_1740 : i32
    %eq3A_1742 = arith.cmpi eq, %mul3A_1731, %sub3A : i32
    %dma_start3A_1743 = arith.constant 0 : i32
    %dma_start3A_1744 = arith.constant 0 : i32
    %dma_start3A_1745 = tpu.memref_slice %arg2[%select_n3A_1713, %min3A_1741, %dma_start3A_1743, %dma_start3A_1744] : memref<8x2048x8x128xf32, #tpu.memory_space<hbm>> -> memref<1x16x8x128xf32, #tpu.memory_space<hbm>>
    %dma_start3A_1746 = tpu.memref_squeeze %dma_start3A_1745 : memref<1x16x8x128xf32, #tpu.memory_space<hbm>> -> memref<16x8x128xf32, #tpu.memory_space<hbm>>
    %dma_start3A_1747 = arith.constant 0 : i32
    %dma_start3A_1748 = arith.constant 0 : i32
    %dma_start3A_1749 = tpu.memref_slice %arg2[%select_n3A_1713, %min3A_1741, %dma_start3A_1747, %dma_start3A_1748] : memref<8x2048x8x128xf32, #tpu.memory_space<hbm>> -> memref<1x16x8x128xf32, #tpu.memory_space<hbm>>
    %dma_start3A_1750 = tpu.memref_squeeze %dma_start3A_1749 : memref<1x16x8x128xf32, #tpu.memory_space<hbm>> -> memref<16x8x128xf32, #tpu.memory_space<hbm>>
    tpu.enqueue_dma source(%dma_start3A_1750 : memref<16x8x128xf32, #tpu.memory_space<hbm>>) target(%arg7 : memref<16x8x128xf32, #tpu.memory_space<vmem>>) target_semaphore(%arg11 : memref<!tpu.dma_semaphore, #tpu.memory_space<semaphore_mem>>)
    %mul3A_1751 = arith.constant 16 : i32
    %mul3A_1752 = arith.muli %add3A, %mul3A_1751 : i32
    %add3A_1753 = arith.constant 11 : i32
    %add3A_1754 = arith.addi %mul3A_1752, %add3A_1753 : i32
    %jit3A_1755 = arith.constant 64 : i32
    %div3A_1756 = arith.divsi %add3A_1754, %jit3A_1755 : i32
    %sign3A_1757 = arith.constant 0 : i32
    %sign3A_1758 = arith.cmpi sgt, %add3A_1754, %sign3A_1757 : i32
    %sign3A_1759 = arith.extui %sign3A_1758 : i1 to i32
    %sign3A_1760 = arith.constant 0 : i32
    %sign3A_1761 = arith.cmpi slt, %add3A_1754, %sign3A_1760 : i32
    %sign3A_1762 = arith.extui %sign3A_1761 : i1 to i32
    %sign3A_1763 = arith.subi %sign3A_1759, %sign3A_1762 : i32
    %sign3A_1764 = arith.constant 0 : i32
    %sign3A_1765 = arith.cmpi sgt, %jit3A_1755, %sign3A_1764 : i32
    %sign3A_1766 = arith.extui %sign3A_1765 : i1 to i32
    %sign3A_1767 = arith.constant 0 : i32
    %sign3A_1768 = arith.cmpi slt, %jit3A_1755, %sign3A_1767 : i32
    %sign3A_1769 = arith.extui %sign3A_1768 : i1 to i32
    %sign3A_1770 = arith.subi %sign3A_1766, %sign3A_1769 : i32
    %ne3A_1771 = arith.cmpi ne, %sign3A_1763, %sign3A_1770 : i32
    %rem3A_1772 = arith.remsi %add3A_1754, %jit3A_1755 : i32
    %ne3A_1773 = arith.constant 0 : i32
    %ne3A_1774 = arith.cmpi ne, %rem3A_1772, %ne3A_1773 : i32
    %and3A_1775 = arith.andi %ne3A_1771, %ne3A_1774 : i1
    %sub3A_1776 = arith.constant 1 : i32
    %sub3A_1777 = arith.subi %div3A_1756, %sub3A_1776 : i32
    %select_n3A_1778 = arith.select %and3A_1775, %sub3A_1777, %div3A_1756 : i32
    %jit3A_1779 = arith.constant 64 : i32
    %eq3A_1780 = arith.constant 0 : i32
    %eq3A_1781 = arith.cmpi eq, %jit3A_1779, %eq3A_1780 : i32
    %jit3A_1782 = arith.constant 1 : i32
    %select_n3A_1783 = arith.select %eq3A_1781, %jit3A_1782, %jit3A_1779 : i32
    %rem3A_1784 = arith.remsi %add3A_1754, %select_n3A_1783 : i32
    %ne3A_1785 = arith.constant 0 : i32
    %ne3A_1786 = arith.cmpi ne, %rem3A_1784, %ne3A_1785 : i32
    %lt3A_1787 = arith.constant 0 : i32
    %lt3A_1788 = arith.cmpi slt, %rem3A_1784, %lt3A_1787 : i32
    %lt3A_1789 = arith.constant 0 : i32
    %lt3A_1790 = arith.cmpi slt, %select_n3A_1783, %lt3A_1789 : i32
    %ne3A_1791 = arith.xori %lt3A_1788, %lt3A_1790 : i1
    %and3A_1792 = arith.andi %ne3A_1791, %ne3A_1786 : i1
    %add3A_1793 = arith.addi %rem3A_1784, %select_n3A_1783 : i32
    %select_n3A_1794 = arith.select %and3A_1792, %add3A_1793, %rem3A_1784 : i32
    %mul3A_1795 = arith.constant 16 : i32
    %mul3A_1796 = arith.muli %select_n3A_1794, %mul3A_1795 : i32
    %add3A_1797 = arith.addi %squeeze3A, %mul3A_1796 : i32
    %ge3A_1798 = arith.constant 4 : i32
    %ge3A_1799 = arith.cmpi sge, %add3A_1797, %ge3A_1798 : i32
    %lt3A_1800 = arith.cmpi slt, %add3A_1797, %squeeze3A_12 : i32
    %and3A_1801 = arith.andi %ge3A_1799, %lt3A_1800 : i1
    %jit3A_1802 = arith.constant 0 : i32
    %select_n3A_1803 = arith.select %and3A_1801, %squeeze3A_7, %jit3A_1802 : i32
    %add3A_1804 = arith.addi %add3A_1797, %select_n3A_1803 : i32
    %min3A_1805 = arith.constant 2032 : i32
    %min3A_1806 = arith.minsi %add3A_1804, %min3A_1805 : i32
    %eq3A_1807 = arith.cmpi eq, %mul3A_1796, %sub3A : i32
    %dma_wait3A_1808 = arith.constant 0 : i32
    %dma_wait3A_1809 = arith.constant 0 : i32
    %dma_wait3A_1810 = tpu.memref_slice %arg2[%select_n3A_1564, %min3A_1592, %dma_wait3A_1808, %dma_wait3A_1809] : memref<8x2048x8x128xf32, #tpu.memory_space<hbm>> -> memref<1x16x8x128xf32, #tpu.memory_space<hbm>>
    %dma_wait3A_1811 = tpu.memref_squeeze %dma_wait3A_1810 : memref<1x16x8x128xf32, #tpu.memory_space<hbm>> -> memref<16x8x128xf32, #tpu.memory_space<hbm>>
    %dma_wait3A_1812 = arith.constant 0 : i32
    %dma_wait3A_1813 = arith.constant 0 : i32
    %dma_wait3A_1814 = tpu.memref_slice %arg2[%select_n3A_1564, %min3A_1592, %dma_wait3A_1812, %dma_wait3A_1813] : memref<8x2048x8x128xf32, #tpu.memory_space<hbm>> -> memref<1x16x8x128xf32, #tpu.memory_space<hbm>>
    %dma_wait3A_1815 = tpu.memref_squeeze %dma_wait3A_1814 : memref<1x16x8x128xf32, #tpu.memory_space<hbm>> -> memref<16x8x128xf32, #tpu.memory_space<hbm>>
    tpu.wait_dma2 semaphore(%arg14 : memref<!tpu.dma_semaphore, #tpu.memory_space<semaphore_mem>>) src(%dma_wait3A_1815 : memref<16x8x128xf32, #tpu.memory_space<hbm>>) dst(%arg10 : memref<16x8x128xf32, #tpu.memory_space<vmem>>)
    %convert_element_type3A_1816 = arith.extui %eq3A_1807 : i1 to i32
    %cond3A_1817 = arith.constant 0 : i32
    %cond3A_1818 = arith.cmpi ne, %convert_element_type3A_1816, %cond3A_1817 : i32
    scf.if %cond3A_1818 {
      "tpu.region"() ({
        %run_scoped3A = tpu.sem_alloc : memref<!tpu.dma_semaphore, #tpu.memory_space<semaphore_mem>>
        %dma_start3A_2382 = arith.constant 0 : i32
        %dma_start3A_2383 = arith.constant 0 : i32
        %dma_start3A_2384 = arith.constant 0 : i32
        %dma_start3A_2385 = tpu.memref_slice %arg3[%select_n3A_1778, %dma_start3A_2382, %dma_start3A_2383, %dma_start3A_2384] : memref<8x16x8x128xf32, #tpu.memory_space<hbm>> -> memref<1x16x8x128xf32, #tpu.memory_space<hbm>>
        %dma_start3A_2386 = tpu.memref_squeeze %dma_start3A_2385 : memref<1x16x8x128xf32, #tpu.memory_space<hbm>> -> memref<16x8x128xf32, #tpu.memory_space<hbm>>
        %dma_start3A_2387 = arith.constant 0 : i32
        %dma_start3A_2388 = arith.constant 0 : i32
        %dma_start3A_2389 = arith.constant 0 : i32
        %dma_start3A_2390 = tpu.memref_slice %arg3[%select_n3A_1778, %dma_start3A_2387, %dma_start3A_2388, %dma_start3A_2389] : memref<8x16x8x128xf32, #tpu.memory_space<hbm>> -> memref<1x16x8x128xf32, #tpu.memory_space<hbm>>
        %dma_start3A_2391 = tpu.memref_squeeze %dma_start3A_2390 : memref<1x16x8x128xf32, #tpu.memory_space<hbm>> -> memref<16x8x128xf32, #tpu.memory_space<hbm>>
        tpu.enqueue_dma source(%dma_start3A_2391 : memref<16x8x128xf32, #tpu.memory_space<hbm>>) target(%arg10 : memref<16x8x128xf32, #tpu.memory_space<vmem>>) target_semaphore(%run_scoped3A : memref<!tpu.dma_semaphore, #tpu.memory_space<semaphore_mem>>)
        %dma_wait3A_2392 = arith.constant 0 : i32
        %dma_wait3A_2393 = arith.constant 0 : i32
        %dma_wait3A_2394 = arith.constant 0 : i32
        %dma_wait3A_2395 = tpu.memref_slice %arg3[%select_n3A_1778, %dma_wait3A_2392, %dma_wait3A_2393, %dma_wait3A_2394] : memref<8x16x8x128xf32, #tpu.memory_space<hbm>> -> memref<1x16x8x128xf32, #tpu.memory_space<hbm>>
        %dma_wait3A_2396 = tpu.memref_squeeze %dma_wait3A_2395 : memref<1x16x8x128xf32, #tpu.memory_space<hbm>> -> memref<16x8x128xf32, #tpu.memory_space<hbm>>
        %dma_wait3A_2397 = arith.constant 0 : i32
        %dma_wait3A_2398 = arith.constant 0 : i32
        %dma_wait3A_2399 = arith.constant 0 : i32
        %dma_wait3A_2400 = tpu.memref_slice %arg3[%select_n3A_1778, %dma_wait3A_2397, %dma_wait3A_2398, %dma_wait3A_2399] : memref<8x16x8x128xf32, #tpu.memory_space<hbm>> -> memref<1x16x8x128xf32, #tpu.memory_space<hbm>>
        %dma_wait3A_2401 = tpu.memref_squeeze %dma_wait3A_2400 : memref<1x16x8x128xf32, #tpu.memory_space<hbm>> -> memref<16x8x128xf32, #tpu.memory_space<hbm>>
        tpu.wait_dma2 semaphore(%run_scoped3A : memref<!tpu.dma_semaphore, #tpu.memory_space<semaphore_mem>>) src(%dma_wait3A_2401 : memref<16x8x128xf32, #tpu.memory_space<hbm>>) dst(%arg10 : memref<16x8x128xf32, #tpu.memory_space<vmem>>)
        tpu.yield
      }) : () -> ()
    } else {
    }
    %dma_start3A_1819 = arith.constant 0 : i32
    %dma_start3A_1820 = arith.constant 0 : i32
    %dma_start3A_1821 = tpu.memref_slice %arg5[%select_n3A_1778, %mul3A_1796, %dma_start3A_1819, %dma_start3A_1820] : memref<8x1024x8x128xf32, #tpu.memory_space<hbm>> -> memref<1x16x8x128xf32, #tpu.memory_space<hbm>>
    %dma_start3A_1822 = tpu.memref_squeeze %dma_start3A_1821 : memref<1x16x8x128xf32, #tpu.memory_space<hbm>> -> memref<16x8x128xf32, #tpu.memory_space<hbm>>
    %dma_start3A_1823 = arith.constant 0 : i32
    %dma_start3A_1824 = arith.constant 0 : i32
    %dma_start3A_1825 = tpu.memref_slice %arg5[%select_n3A_1778, %mul3A_1796, %dma_start3A_1823, %dma_start3A_1824] : memref<8x1024x8x128xf32, #tpu.memory_space<hbm>> -> memref<1x16x8x128xf32, #tpu.memory_space<hbm>>
    %dma_start3A_1826 = tpu.memref_squeeze %dma_start3A_1825 : memref<1x16x8x128xf32, #tpu.memory_space<hbm>> -> memref<16x8x128xf32, #tpu.memory_space<hbm>>
    tpu.enqueue_dma source(%arg10 : memref<16x8x128xf32, #tpu.memory_space<vmem>>) target(%dma_start3A_1826 : memref<16x8x128xf32, #tpu.memory_space<hbm>>) target_semaphore(%arg18 : memref<!tpu.dma_semaphore, #tpu.memory_space<semaphore_mem>>)
    %dma_wait3A_1827 = arith.constant 0 : i32
    %dma_wait3A_1828 = arith.constant 0 : i32
    %dma_wait3A_1829 = tpu.memref_slice %arg5[%select_n3A_1480, %mul3A_1498, %dma_wait3A_1827, %dma_wait3A_1828] : memref<8x1024x8x128xf32, #tpu.memory_space<hbm>> -> memref<1x16x8x128xf32, #tpu.memory_space<hbm>>
    %dma_wait3A_1830 = tpu.memref_squeeze %dma_wait3A_1829 : memref<1x16x8x128xf32, #tpu.memory_space<hbm>> -> memref<16x8x128xf32, #tpu.memory_space<hbm>>
    %dma_wait3A_1831 = arith.constant 0 : i32
    %dma_wait3A_1832 = arith.constant 0 : i32
    %dma_wait3A_1833 = tpu.memref_slice %arg5[%select_n3A_1480, %mul3A_1498, %dma_wait3A_1831, %dma_wait3A_1832] : memref<8x1024x8x128xf32, #tpu.memory_space<hbm>> -> memref<1x16x8x128xf32, #tpu.memory_space<hbm>>
    %dma_wait3A_1834 = tpu.memref_squeeze %dma_wait3A_1833 : memref<1x16x8x128xf32, #tpu.memory_space<hbm>> -> memref<16x8x128xf32, #tpu.memory_space<hbm>>
    tpu.wait_dma2 semaphore(%arg16 : memref<!tpu.dma_semaphore, #tpu.memory_space<semaphore_mem>>) src(%arg8 : memref<16x8x128xf32, #tpu.memory_space<vmem>>) dst(%dma_wait3A_1834 : memref<16x8x128xf32, #tpu.memory_space<hbm>>)
    %mul3A_1835 = arith.constant 16 : i32
    %mul3A_1836 = arith.muli %add3A, %mul3A_1835 : i32
    %add3A_1837 = arith.constant 13 : i32
    %add3A_1838 = arith.addi %mul3A_1836, %add3A_1837 : i32
    %jit3A_1839 = arith.constant 64 : i32
    %div3A_1840 = arith.divsi %add3A_1838, %jit3A_1839 : i32
    %sign3A_1841 = arith.constant 0 : i32
    %sign3A_1842 = arith.cmpi sgt, %add3A_1838, %sign3A_1841 : i32
    %sign3A_1843 = arith.extui %sign3A_1842 : i1 to i32
    %sign3A_1844 = arith.constant 0 : i32
    %sign3A_1845 = arith.cmpi slt, %add3A_1838, %sign3A_1844 : i32
    %sign3A_1846 = arith.extui %sign3A_1845 : i1 to i32
    %sign3A_1847 = arith.subi %sign3A_1843, %sign3A_1846 : i32
    %sign3A_1848 = arith.constant 0 : i32
    %sign3A_1849 = arith.cmpi sgt, %jit3A_1839, %sign3A_1848 : i32
    %sign3A_1850 = arith.extui %sign3A_1849 : i1 to i32
    %sign3A_1851 = arith.constant 0 : i32
    %sign3A_1852 = arith.cmpi slt, %jit3A_1839, %sign3A_1851 : i32
    %sign3A_1853 = arith.extui %sign3A_1852 : i1 to i32
    %sign3A_1854 = arith.subi %sign3A_1850, %sign3A_1853 : i32
    %ne3A_1855 = arith.cmpi ne, %sign3A_1847, %sign3A_1854 : i32
    %rem3A_1856 = arith.remsi %add3A_1838, %jit3A_1839 : i32
    %ne3A_1857 = arith.constant 0 : i32
    %ne3A_1858 = arith.cmpi ne, %rem3A_1856, %ne3A_1857 : i32
    %and3A_1859 = arith.andi %ne3A_1855, %ne3A_1858 : i1
    %sub3A_1860 = arith.constant 1 : i32
    %sub3A_1861 = arith.subi %div3A_1840, %sub3A_1860 : i32
    %select_n3A_1862 = arith.select %and3A_1859, %sub3A_1861, %div3A_1840 : i32
    %jit3A_1863 = arith.constant 64 : i32
    %eq3A_1864 = arith.constant 0 : i32
    %eq3A_1865 = arith.cmpi eq, %jit3A_1863, %eq3A_1864 : i32
    %jit3A_1866 = arith.constant 1 : i32
    %select_n3A_1867 = arith.select %eq3A_1865, %jit3A_1866, %jit3A_1863 : i32
    %rem3A_1868 = arith.remsi %add3A_1838, %select_n3A_1867 : i32
    %ne3A_1869 = arith.constant 0 : i32
    %ne3A_1870 = arith.cmpi ne, %rem3A_1868, %ne3A_1869 : i32
    %lt3A_1871 = arith.constant 0 : i32
    %lt3A_1872 = arith.cmpi slt, %rem3A_1868, %lt3A_1871 : i32
    %lt3A_1873 = arith.constant 0 : i32
    %lt3A_1874 = arith.cmpi slt, %select_n3A_1867, %lt3A_1873 : i32
    %ne3A_1875 = arith.xori %lt3A_1872, %lt3A_1874 : i1
    %and3A_1876 = arith.andi %ne3A_1875, %ne3A_1870 : i1
    %add3A_1877 = arith.addi %rem3A_1868, %select_n3A_1867 : i32
    %select_n3A_1878 = arith.select %and3A_1876, %add3A_1877, %rem3A_1868 : i32
    %mul3A_1879 = arith.constant 16 : i32
    %mul3A_1880 = arith.muli %select_n3A_1878, %mul3A_1879 : i32
    %add3A_1881 = arith.addi %squeeze3A, %mul3A_1880 : i32
    %ge3A_1882 = arith.constant 4 : i32
    %ge3A_1883 = arith.cmpi sge, %add3A_1881, %ge3A_1882 : i32
    %lt3A_1884 = arith.cmpi slt, %add3A_1881, %squeeze3A_12 : i32
    %and3A_1885 = arith.andi %ge3A_1883, %lt3A_1884 : i1
    %jit3A_1886 = arith.constant 0 : i32
    %select_n3A_1887 = arith.select %and3A_1885, %squeeze3A_7, %jit3A_1886 : i32
    %add3A_1888 = arith.addi %add3A_1881, %select_n3A_1887 : i32
    %min3A_1889 = arith.constant 2032 : i32
    %min3A_1890 = arith.minsi %add3A_1888, %min3A_1889 : i32
    %eq3A_1891 = arith.cmpi eq, %mul3A_1880, %sub3A : i32
    %dma_start3A_1892 = arith.constant 0 : i32
    %dma_start3A_1893 = arith.constant 0 : i32
    %dma_start3A_1894 = tpu.memref_slice %arg2[%select_n3A_1862, %min3A_1890, %dma_start3A_1892, %dma_start3A_1893] : memref<8x2048x8x128xf32, #tpu.memory_space<hbm>> -> memref<1x16x8x128xf32, #tpu.memory_space<hbm>>
    %dma_start3A_1895 = tpu.memref_squeeze %dma_start3A_1894 : memref<1x16x8x128xf32, #tpu.memory_space<hbm>> -> memref<16x8x128xf32, #tpu.memory_space<hbm>>
    %dma_start3A_1896 = arith.constant 0 : i32
    %dma_start3A_1897 = arith.constant 0 : i32
    %dma_start3A_1898 = tpu.memref_slice %arg2[%select_n3A_1862, %min3A_1890, %dma_start3A_1896, %dma_start3A_1897] : memref<8x2048x8x128xf32, #tpu.memory_space<hbm>> -> memref<1x16x8x128xf32, #tpu.memory_space<hbm>>
    %dma_start3A_1899 = tpu.memref_squeeze %dma_start3A_1898 : memref<1x16x8x128xf32, #tpu.memory_space<hbm>> -> memref<16x8x128xf32, #tpu.memory_space<hbm>>
    tpu.enqueue_dma source(%dma_start3A_1899 : memref<16x8x128xf32, #tpu.memory_space<hbm>>) target(%arg8 : memref<16x8x128xf32, #tpu.memory_space<vmem>>) target_semaphore(%arg12 : memref<!tpu.dma_semaphore, #tpu.memory_space<semaphore_mem>>)
    %mul3A_1900 = arith.constant 16 : i32
    %mul3A_1901 = arith.muli %add3A, %mul3A_1900 : i32
    %add3A_1902 = arith.constant 12 : i32
    %add3A_1903 = arith.addi %mul3A_1901, %add3A_1902 : i32
    %jit3A_1904 = arith.constant 64 : i32
    %div3A_1905 = arith.divsi %add3A_1903, %jit3A_1904 : i32
    %sign3A_1906 = arith.constant 0 : i32
    %sign3A_1907 = arith.cmpi sgt, %add3A_1903, %sign3A_1906 : i32
    %sign3A_1908 = arith.extui %sign3A_1907 : i1 to i32
    %sign3A_1909 = arith.constant 0 : i32
    %sign3A_1910 = arith.cmpi slt, %add3A_1903, %sign3A_1909 : i32
    %sign3A_1911 = arith.extui %sign3A_1910 : i1 to i32
    %sign3A_1912 = arith.subi %sign3A_1908, %sign3A_1911 : i32
    %sign3A_1913 = arith.constant 0 : i32
    %sign3A_1914 = arith.cmpi sgt, %jit3A_1904, %sign3A_1913 : i32
    %sign3A_1915 = arith.extui %sign3A_1914 : i1 to i32
    %sign3A_1916 = arith.constant 0 : i32
    %sign3A_1917 = arith.cmpi slt, %jit3A_1904, %sign3A_1916 : i32
    %sign3A_1918 = arith.extui %sign3A_1917 : i1 to i32
    %sign3A_1919 = arith.subi %sign3A_1915, %sign3A_1918 : i32
    %ne3A_1920 = arith.cmpi ne, %sign3A_1912, %sign3A_1919 : i32
    %rem3A_1921 = arith.remsi %add3A_1903, %jit3A_1904 : i32
    %ne3A_1922 = arith.constant 0 : i32
    %ne3A_1923 = arith.cmpi ne, %rem3A_1921, %ne3A_1922 : i32
    %and3A_1924 = arith.andi %ne3A_1920, %ne3A_1923 : i1
    %sub3A_1925 = arith.constant 1 : i32
    %sub3A_1926 = arith.subi %div3A_1905, %sub3A_1925 : i32
    %select_n3A_1927 = arith.select %and3A_1924, %sub3A_1926, %div3A_1905 : i32
    %jit3A_1928 = arith.constant 64 : i32
    %eq3A_1929 = arith.constant 0 : i32
    %eq3A_1930 = arith.cmpi eq, %jit3A_1928, %eq3A_1929 : i32
    %jit3A_1931 = arith.constant 1 : i32
    %select_n3A_1932 = arith.select %eq3A_1930, %jit3A_1931, %jit3A_1928 : i32
    %rem3A_1933 = arith.remsi %add3A_1903, %select_n3A_1932 : i32
    %ne3A_1934 = arith.constant 0 : i32
    %ne3A_1935 = arith.cmpi ne, %rem3A_1933, %ne3A_1934 : i32
    %lt3A_1936 = arith.constant 0 : i32
    %lt3A_1937 = arith.cmpi slt, %rem3A_1933, %lt3A_1936 : i32
    %lt3A_1938 = arith.constant 0 : i32
    %lt3A_1939 = arith.cmpi slt, %select_n3A_1932, %lt3A_1938 : i32
    %ne3A_1940 = arith.xori %lt3A_1937, %lt3A_1939 : i1
    %and3A_1941 = arith.andi %ne3A_1940, %ne3A_1935 : i1
    %add3A_1942 = arith.addi %rem3A_1933, %select_n3A_1932 : i32
    %select_n3A_1943 = arith.select %and3A_1941, %add3A_1942, %rem3A_1933 : i32
    %mul3A_1944 = arith.constant 16 : i32
    %mul3A_1945 = arith.muli %select_n3A_1943, %mul3A_1944 : i32
    %add3A_1946 = arith.addi %squeeze3A, %mul3A_1945 : i32
    %ge3A_1947 = arith.constant 4 : i32
    %ge3A_1948 = arith.cmpi sge, %add3A_1946, %ge3A_1947 : i32
    %lt3A_1949 = arith.cmpi slt, %add3A_1946, %squeeze3A_12 : i32
    %and3A_1950 = arith.andi %ge3A_1948, %lt3A_1949 : i1
    %jit3A_1951 = arith.constant 0 : i32
    %select_n3A_1952 = arith.select %and3A_1950, %squeeze3A_7, %jit3A_1951 : i32
    %add3A_1953 = arith.addi %add3A_1946, %select_n3A_1952 : i32
    %min3A_1954 = arith.constant 2032 : i32
    %min3A_1955 = arith.minsi %add3A_1953, %min3A_1954 : i32
    %eq3A_1956 = arith.cmpi eq, %mul3A_1945, %sub3A : i32
    %dma_wait3A_1957 = arith.constant 0 : i32
    %dma_wait3A_1958 = arith.constant 0 : i32
    %dma_wait3A_1959 = tpu.memref_slice %arg2[%select_n3A_1713, %min3A_1741, %dma_wait3A_1957, %dma_wait3A_1958] : memref<8x2048x8x128xf32, #tpu.memory_space<hbm>> -> memref<1x16x8x128xf32, #tpu.memory_space<hbm>>
    %dma_wait3A_1960 = tpu.memref_squeeze %dma_wait3A_1959 : memref<1x16x8x128xf32, #tpu.memory_space<hbm>> -> memref<16x8x128xf32, #tpu.memory_space<hbm>>
    %dma_wait3A_1961 = arith.constant 0 : i32
    %dma_wait3A_1962 = arith.constant 0 : i32
    %dma_wait3A_1963 = tpu.memref_slice %arg2[%select_n3A_1713, %min3A_1741, %dma_wait3A_1961, %dma_wait3A_1962] : memref<8x2048x8x128xf32, #tpu.memory_space<hbm>> -> memref<1x16x8x128xf32, #tpu.memory_space<hbm>>
    %dma_wait3A_1964 = tpu.memref_squeeze %dma_wait3A_1963 : memref<1x16x8x128xf32, #tpu.memory_space<hbm>> -> memref<16x8x128xf32, #tpu.memory_space<hbm>>
    tpu.wait_dma2 semaphore(%arg11 : memref<!tpu.dma_semaphore, #tpu.memory_space<semaphore_mem>>) src(%dma_wait3A_1964 : memref<16x8x128xf32, #tpu.memory_space<hbm>>) dst(%arg7 : memref<16x8x128xf32, #tpu.memory_space<vmem>>)
    %convert_element_type3A_1965 = arith.extui %eq3A_1956 : i1 to i32
    %cond3A_1966 = arith.constant 0 : i32
    %cond3A_1967 = arith.cmpi ne, %convert_element_type3A_1965, %cond3A_1966 : i32
    scf.if %cond3A_1967 {
      "tpu.region"() ({
        %run_scoped3A = tpu.sem_alloc : memref<!tpu.dma_semaphore, #tpu.memory_space<semaphore_mem>>
        %dma_start3A_2382 = arith.constant 0 : i32
        %dma_start3A_2383 = arith.constant 0 : i32
        %dma_start3A_2384 = arith.constant 0 : i32
        %dma_start3A_2385 = tpu.memref_slice %arg3[%select_n3A_1927, %dma_start3A_2382, %dma_start3A_2383, %dma_start3A_2384] : memref<8x16x8x128xf32, #tpu.memory_space<hbm>> -> memref<1x16x8x128xf32, #tpu.memory_space<hbm>>
        %dma_start3A_2386 = tpu.memref_squeeze %dma_start3A_2385 : memref<1x16x8x128xf32, #tpu.memory_space<hbm>> -> memref<16x8x128xf32, #tpu.memory_space<hbm>>
        %dma_start3A_2387 = arith.constant 0 : i32
        %dma_start3A_2388 = arith.constant 0 : i32
        %dma_start3A_2389 = arith.constant 0 : i32
        %dma_start3A_2390 = tpu.memref_slice %arg3[%select_n3A_1927, %dma_start3A_2387, %dma_start3A_2388, %dma_start3A_2389] : memref<8x16x8x128xf32, #tpu.memory_space<hbm>> -> memref<1x16x8x128xf32, #tpu.memory_space<hbm>>
        %dma_start3A_2391 = tpu.memref_squeeze %dma_start3A_2390 : memref<1x16x8x128xf32, #tpu.memory_space<hbm>> -> memref<16x8x128xf32, #tpu.memory_space<hbm>>
        tpu.enqueue_dma source(%dma_start3A_2391 : memref<16x8x128xf32, #tpu.memory_space<hbm>>) target(%arg7 : memref<16x8x128xf32, #tpu.memory_space<vmem>>) target_semaphore(%run_scoped3A : memref<!tpu.dma_semaphore, #tpu.memory_space<semaphore_mem>>)
        %dma_wait3A_2392 = arith.constant 0 : i32
        %dma_wait3A_2393 = arith.constant 0 : i32
        %dma_wait3A_2394 = arith.constant 0 : i32
        %dma_wait3A_2395 = tpu.memref_slice %arg3[%select_n3A_1927, %dma_wait3A_2392, %dma_wait3A_2393, %dma_wait3A_2394] : memref<8x16x8x128xf32, #tpu.memory_space<hbm>> -> memref<1x16x8x128xf32, #tpu.memory_space<hbm>>
        %dma_wait3A_2396 = tpu.memref_squeeze %dma_wait3A_2395 : memref<1x16x8x128xf32, #tpu.memory_space<hbm>> -> memref<16x8x128xf32, #tpu.memory_space<hbm>>
        %dma_wait3A_2397 = arith.constant 0 : i32
        %dma_wait3A_2398 = arith.constant 0 : i32
        %dma_wait3A_2399 = arith.constant 0 : i32
        %dma_wait3A_2400 = tpu.memref_slice %arg3[%select_n3A_1927, %dma_wait3A_2397, %dma_wait3A_2398, %dma_wait3A_2399] : memref<8x16x8x128xf32, #tpu.memory_space<hbm>> -> memref<1x16x8x128xf32, #tpu.memory_space<hbm>>
        %dma_wait3A_2401 = tpu.memref_squeeze %dma_wait3A_2400 : memref<1x16x8x128xf32, #tpu.memory_space<hbm>> -> memref<16x8x128xf32, #tpu.memory_space<hbm>>
        tpu.wait_dma2 semaphore(%run_scoped3A : memref<!tpu.dma_semaphore, #tpu.memory_space<semaphore_mem>>) src(%dma_wait3A_2401 : memref<16x8x128xf32, #tpu.memory_space<hbm>>) dst(%arg7 : memref<16x8x128xf32, #tpu.memory_space<vmem>>)
        tpu.yield
      }) : () -> ()
    } else {
    }
    %dma_start3A_1968 = arith.constant 0 : i32
    %dma_start3A_1969 = arith.constant 0 : i32
    %dma_start3A_1970 = tpu.memref_slice %arg5[%select_n3A_1927, %mul3A_1945, %dma_start3A_1968, %dma_start3A_1969] : memref<8x1024x8x128xf32, #tpu.memory_space<hbm>> -> memref<1x16x8x128xf32, #tpu.memory_space<hbm>>
    %dma_start3A_1971 = tpu.memref_squeeze %dma_start3A_1970 : memref<1x16x8x128xf32, #tpu.memory_space<hbm>> -> memref<16x8x128xf32, #tpu.memory_space<hbm>>
    %dma_start3A_1972 = arith.constant 0 : i32
    %dma_start3A_1973 = arith.constant 0 : i32
    %dma_start3A_1974 = tpu.memref_slice %arg5[%select_n3A_1927, %mul3A_1945, %dma_start3A_1972, %dma_start3A_1973] : memref<8x1024x8x128xf32, #tpu.memory_space<hbm>> -> memref<1x16x8x128xf32, #tpu.memory_space<hbm>>
    %dma_start3A_1975 = tpu.memref_squeeze %dma_start3A_1974 : memref<1x16x8x128xf32, #tpu.memory_space<hbm>> -> memref<16x8x128xf32, #tpu.memory_space<hbm>>
    tpu.enqueue_dma source(%arg7 : memref<16x8x128xf32, #tpu.memory_space<vmem>>) target(%dma_start3A_1975 : memref<16x8x128xf32, #tpu.memory_space<hbm>>) target_semaphore(%arg15 : memref<!tpu.dma_semaphore, #tpu.memory_space<semaphore_mem>>)
    %dma_wait3A_1976 = arith.constant 0 : i32
    %dma_wait3A_1977 = arith.constant 0 : i32
    %dma_wait3A_1978 = tpu.memref_slice %arg5[%select_n3A_1629, %mul3A_1647, %dma_wait3A_1976, %dma_wait3A_1977] : memref<8x1024x8x128xf32, #tpu.memory_space<hbm>> -> memref<1x16x8x128xf32, #tpu.memory_space<hbm>>
    %dma_wait3A_1979 = tpu.memref_squeeze %dma_wait3A_1978 : memref<1x16x8x128xf32, #tpu.memory_space<hbm>> -> memref<16x8x128xf32, #tpu.memory_space<hbm>>
    %dma_wait3A_1980 = arith.constant 0 : i32
    %dma_wait3A_1981 = arith.constant 0 : i32
    %dma_wait3A_1982 = tpu.memref_slice %arg5[%select_n3A_1629, %mul3A_1647, %dma_wait3A_1980, %dma_wait3A_1981] : memref<8x1024x8x128xf32, #tpu.memory_space<hbm>> -> memref<1x16x8x128xf32, #tpu.memory_space<hbm>>
    %dma_wait3A_1983 = tpu.memref_squeeze %dma_wait3A_1982 : memref<1x16x8x128xf32, #tpu.memory_space<hbm>> -> memref<16x8x128xf32, #tpu.memory_space<hbm>>
    tpu.wait_dma2 semaphore(%arg17 : memref<!tpu.dma_semaphore, #tpu.memory_space<semaphore_mem>>) src(%arg9 : memref<16x8x128xf32, #tpu.memory_space<vmem>>) dst(%dma_wait3A_1983 : memref<16x8x128xf32, #tpu.memory_space<hbm>>)
    %mul3A_1984 = arith.constant 16 : i32
    %mul3A_1985 = arith.muli %add3A, %mul3A_1984 : i32
    %add3A_1986 = arith.constant 14 : i32
    %add3A_1987 = arith.addi %mul3A_1985, %add3A_1986 : i32
    %jit3A_1988 = arith.constant 64 : i32
    %div3A_1989 = arith.divsi %add3A_1987, %jit3A_1988 : i32
    %sign3A_1990 = arith.constant 0 : i32
    %sign3A_1991 = arith.cmpi sgt, %add3A_1987, %sign3A_1990 : i32
    %sign3A_1992 = arith.extui %sign3A_1991 : i1 to i32
    %sign3A_1993 = arith.constant 0 : i32
    %sign3A_1994 = arith.cmpi slt, %add3A_1987, %sign3A_1993 : i32
    %sign3A_1995 = arith.extui %sign3A_1994 : i1 to i32
    %sign3A_1996 = arith.subi %sign3A_1992, %sign3A_1995 : i32
    %sign3A_1997 = arith.constant 0 : i32
    %sign3A_1998 = arith.cmpi sgt, %jit3A_1988, %sign3A_1997 : i32
    %sign3A_1999 = arith.extui %sign3A_1998 : i1 to i32
    %sign3A_2000 = arith.constant 0 : i32
    %sign3A_2001 = arith.cmpi slt, %jit3A_1988, %sign3A_2000 : i32
    %sign3A_2002 = arith.extui %sign3A_2001 : i1 to i32
    %sign3A_2003 = arith.subi %sign3A_1999, %sign3A_2002 : i32
    %ne3A_2004 = arith.cmpi ne, %sign3A_1996, %sign3A_2003 : i32
    %rem3A_2005 = arith.remsi %add3A_1987, %jit3A_1988 : i32
    %ne3A_2006 = arith.constant 0 : i32
    %ne3A_2007 = arith.cmpi ne, %rem3A_2005, %ne3A_2006 : i32
    %and3A_2008 = arith.andi %ne3A_2004, %ne3A_2007 : i1
    %sub3A_2009 = arith.constant 1 : i32
    %sub3A_2010 = arith.subi %div3A_1989, %sub3A_2009 : i32
    %select_n3A_2011 = arith.select %and3A_2008, %sub3A_2010, %div3A_1989 : i32
    %jit3A_2012 = arith.constant 64 : i32
    %eq3A_2013 = arith.constant 0 : i32
    %eq3A_2014 = arith.cmpi eq, %jit3A_2012, %eq3A_2013 : i32
    %jit3A_2015 = arith.constant 1 : i32
    %select_n3A_2016 = arith.select %eq3A_2014, %jit3A_2015, %jit3A_2012 : i32
    %rem3A_2017 = arith.remsi %add3A_1987, %select_n3A_2016 : i32
    %ne3A_2018 = arith.constant 0 : i32
    %ne3A_2019 = arith.cmpi ne, %rem3A_2017, %ne3A_2018 : i32
    %lt3A_2020 = arith.constant 0 : i32
    %lt3A_2021 = arith.cmpi slt, %rem3A_2017, %lt3A_2020 : i32
    %lt3A_2022 = arith.constant 0 : i32
    %lt3A_2023 = arith.cmpi slt, %select_n3A_2016, %lt3A_2022 : i32
    %ne3A_2024 = arith.xori %lt3A_2021, %lt3A_2023 : i1
    %and3A_2025 = arith.andi %ne3A_2024, %ne3A_2019 : i1
    %add3A_2026 = arith.addi %rem3A_2017, %select_n3A_2016 : i32
    %select_n3A_2027 = arith.select %and3A_2025, %add3A_2026, %rem3A_2017 : i32
    %mul3A_2028 = arith.constant 16 : i32
    %mul3A_2029 = arith.muli %select_n3A_2027, %mul3A_2028 : i32
    %add3A_2030 = arith.addi %squeeze3A, %mul3A_2029 : i32
    %ge3A_2031 = arith.constant 4 : i32
    %ge3A_2032 = arith.cmpi sge, %add3A_2030, %ge3A_2031 : i32
    %lt3A_2033 = arith.cmpi slt, %add3A_2030, %squeeze3A_12 : i32
    %and3A_2034 = arith.andi %ge3A_2032, %lt3A_2033 : i1
    %jit3A_2035 = arith.constant 0 : i32
    %select_n3A_2036 = arith.select %and3A_2034, %squeeze3A_7, %jit3A_2035 : i32
    %add3A_2037 = arith.addi %add3A_2030, %select_n3A_2036 : i32
    %min3A_2038 = arith.constant 2032 : i32
    %min3A_2039 = arith.minsi %add3A_2037, %min3A_2038 : i32
    %eq3A_2040 = arith.cmpi eq, %mul3A_2029, %sub3A : i32
    %dma_start3A_2041 = arith.constant 0 : i32
    %dma_start3A_2042 = arith.constant 0 : i32
    %dma_start3A_2043 = tpu.memref_slice %arg2[%select_n3A_2011, %min3A_2039, %dma_start3A_2041, %dma_start3A_2042] : memref<8x2048x8x128xf32, #tpu.memory_space<hbm>> -> memref<1x16x8x128xf32, #tpu.memory_space<hbm>>
    %dma_start3A_2044 = tpu.memref_squeeze %dma_start3A_2043 : memref<1x16x8x128xf32, #tpu.memory_space<hbm>> -> memref<16x8x128xf32, #tpu.memory_space<hbm>>
    %dma_start3A_2045 = arith.constant 0 : i32
    %dma_start3A_2046 = arith.constant 0 : i32
    %dma_start3A_2047 = tpu.memref_slice %arg2[%select_n3A_2011, %min3A_2039, %dma_start3A_2045, %dma_start3A_2046] : memref<8x2048x8x128xf32, #tpu.memory_space<hbm>> -> memref<1x16x8x128xf32, #tpu.memory_space<hbm>>
    %dma_start3A_2048 = tpu.memref_squeeze %dma_start3A_2047 : memref<1x16x8x128xf32, #tpu.memory_space<hbm>> -> memref<16x8x128xf32, #tpu.memory_space<hbm>>
    tpu.enqueue_dma source(%dma_start3A_2048 : memref<16x8x128xf32, #tpu.memory_space<hbm>>) target(%arg9 : memref<16x8x128xf32, #tpu.memory_space<vmem>>) target_semaphore(%arg13 : memref<!tpu.dma_semaphore, #tpu.memory_space<semaphore_mem>>)
    %mul3A_2049 = arith.constant 16 : i32
    %mul3A_2050 = arith.muli %add3A, %mul3A_2049 : i32
    %add3A_2051 = arith.constant 13 : i32
    %add3A_2052 = arith.addi %mul3A_2050, %add3A_2051 : i32
    %jit3A_2053 = arith.constant 64 : i32
    %div3A_2054 = arith.divsi %add3A_2052, %jit3A_2053 : i32
    %sign3A_2055 = arith.constant 0 : i32
    %sign3A_2056 = arith.cmpi sgt, %add3A_2052, %sign3A_2055 : i32
    %sign3A_2057 = arith.extui %sign3A_2056 : i1 to i32
    %sign3A_2058 = arith.constant 0 : i32
    %sign3A_2059 = arith.cmpi slt, %add3A_2052, %sign3A_2058 : i32
    %sign3A_2060 = arith.extui %sign3A_2059 : i1 to i32
    %sign3A_2061 = arith.subi %sign3A_2057, %sign3A_2060 : i32
    %sign3A_2062 = arith.constant 0 : i32
    %sign3A_2063 = arith.cmpi sgt, %jit3A_2053, %sign3A_2062 : i32
    %sign3A_2064 = arith.extui %sign3A_2063 : i1 to i32
    %sign3A_2065 = arith.constant 0 : i32
    %sign3A_2066 = arith.cmpi slt, %jit3A_2053, %sign3A_2065 : i32
    %sign3A_2067 = arith.extui %sign3A_2066 : i1 to i32
    %sign3A_2068 = arith.subi %sign3A_2064, %sign3A_2067 : i32
    %ne3A_2069 = arith.cmpi ne, %sign3A_2061, %sign3A_2068 : i32
    %rem3A_2070 = arith.remsi %add3A_2052, %jit3A_2053 : i32
    %ne3A_2071 = arith.constant 0 : i32
    %ne3A_2072 = arith.cmpi ne, %rem3A_2070, %ne3A_2071 : i32
    %and3A_2073 = arith.andi %ne3A_2069, %ne3A_2072 : i1
    %sub3A_2074 = arith.constant 1 : i32
    %sub3A_2075 = arith.subi %div3A_2054, %sub3A_2074 : i32
    %select_n3A_2076 = arith.select %and3A_2073, %sub3A_2075, %div3A_2054 : i32
    %jit3A_2077 = arith.constant 64 : i32
    %eq3A_2078 = arith.constant 0 : i32
    %eq3A_2079 = arith.cmpi eq, %jit3A_2077, %eq3A_2078 : i32
    %jit3A_2080 = arith.constant 1 : i32
    %select_n3A_2081 = arith.select %eq3A_2079, %jit3A_2080, %jit3A_2077 : i32
    %rem3A_2082 = arith.remsi %add3A_2052, %select_n3A_2081 : i32
    %ne3A_2083 = arith.constant 0 : i32
    %ne3A_2084 = arith.cmpi ne, %rem3A_2082, %ne3A_2083 : i32
    %lt3A_2085 = arith.constant 0 : i32
    %lt3A_2086 = arith.cmpi slt, %rem3A_2082, %lt3A_2085 : i32
    %lt3A_2087 = arith.constant 0 : i32
    %lt3A_2088 = arith.cmpi slt, %select_n3A_2081, %lt3A_2087 : i32
    %ne3A_2089 = arith.xori %lt3A_2086, %lt3A_2088 : i1
    %and3A_2090 = arith.andi %ne3A_2089, %ne3A_2084 : i1
    %add3A_2091 = arith.addi %rem3A_2082, %select_n3A_2081 : i32
    %select_n3A_2092 = arith.select %and3A_2090, %add3A_2091, %rem3A_2082 : i32
    %mul3A_2093 = arith.constant 16 : i32
    %mul3A_2094 = arith.muli %select_n3A_2092, %mul3A_2093 : i32
    %add3A_2095 = arith.addi %squeeze3A, %mul3A_2094 : i32
    %ge3A_2096 = arith.constant 4 : i32
    %ge3A_2097 = arith.cmpi sge, %add3A_2095, %ge3A_2096 : i32
    %lt3A_2098 = arith.cmpi slt, %add3A_2095, %squeeze3A_12 : i32
    %and3A_2099 = arith.andi %ge3A_2097, %lt3A_2098 : i1
    %jit3A_2100 = arith.constant 0 : i32
    %select_n3A_2101 = arith.select %and3A_2099, %squeeze3A_7, %jit3A_2100 : i32
    %add3A_2102 = arith.addi %add3A_2095, %select_n3A_2101 : i32
    %min3A_2103 = arith.constant 2032 : i32
    %min3A_2104 = arith.minsi %add3A_2102, %min3A_2103 : i32
    %eq3A_2105 = arith.cmpi eq, %mul3A_2094, %sub3A : i32
    %dma_wait3A_2106 = arith.constant 0 : i32
    %dma_wait3A_2107 = arith.constant 0 : i32
    %dma_wait3A_2108 = tpu.memref_slice %arg2[%select_n3A_1862, %min3A_1890, %dma_wait3A_2106, %dma_wait3A_2107] : memref<8x2048x8x128xf32, #tpu.memory_space<hbm>> -> memref<1x16x8x128xf32, #tpu.memory_space<hbm>>
    %dma_wait3A_2109 = tpu.memref_squeeze %dma_wait3A_2108 : memref<1x16x8x128xf32, #tpu.memory_space<hbm>> -> memref<16x8x128xf32, #tpu.memory_space<hbm>>
    %dma_wait3A_2110 = arith.constant 0 : i32
    %dma_wait3A_2111 = arith.constant 0 : i32
    %dma_wait3A_2112 = tpu.memref_slice %arg2[%select_n3A_1862, %min3A_1890, %dma_wait3A_2110, %dma_wait3A_2111] : memref<8x2048x8x128xf32, #tpu.memory_space<hbm>> -> memref<1x16x8x128xf32, #tpu.memory_space<hbm>>
    %dma_wait3A_2113 = tpu.memref_squeeze %dma_wait3A_2112 : memref<1x16x8x128xf32, #tpu.memory_space<hbm>> -> memref<16x8x128xf32, #tpu.memory_space<hbm>>
    tpu.wait_dma2 semaphore(%arg12 : memref<!tpu.dma_semaphore, #tpu.memory_space<semaphore_mem>>) src(%dma_wait3A_2113 : memref<16x8x128xf32, #tpu.memory_space<hbm>>) dst(%arg8 : memref<16x8x128xf32, #tpu.memory_space<vmem>>)
    %convert_element_type3A_2114 = arith.extui %eq3A_2105 : i1 to i32
    %cond3A_2115 = arith.constant 0 : i32
    %cond3A_2116 = arith.cmpi ne, %convert_element_type3A_2114, %cond3A_2115 : i32
    scf.if %cond3A_2116 {
      "tpu.region"() ({
        %run_scoped3A = tpu.sem_alloc : memref<!tpu.dma_semaphore, #tpu.memory_space<semaphore_mem>>
        %dma_start3A_2382 = arith.constant 0 : i32
        %dma_start3A_2383 = arith.constant 0 : i32
        %dma_start3A_2384 = arith.constant 0 : i32
        %dma_start3A_2385 = tpu.memref_slice %arg3[%select_n3A_2076, %dma_start3A_2382, %dma_start3A_2383, %dma_start3A_2384] : memref<8x16x8x128xf32, #tpu.memory_space<hbm>> -> memref<1x16x8x128xf32, #tpu.memory_space<hbm>>
        %dma_start3A_2386 = tpu.memref_squeeze %dma_start3A_2385 : memref<1x16x8x128xf32, #tpu.memory_space<hbm>> -> memref<16x8x128xf32, #tpu.memory_space<hbm>>
        %dma_start3A_2387 = arith.constant 0 : i32
        %dma_start3A_2388 = arith.constant 0 : i32
        %dma_start3A_2389 = arith.constant 0 : i32
        %dma_start3A_2390 = tpu.memref_slice %arg3[%select_n3A_2076, %dma_start3A_2387, %dma_start3A_2388, %dma_start3A_2389] : memref<8x16x8x128xf32, #tpu.memory_space<hbm>> -> memref<1x16x8x128xf32, #tpu.memory_space<hbm>>
        %dma_start3A_2391 = tpu.memref_squeeze %dma_start3A_2390 : memref<1x16x8x128xf32, #tpu.memory_space<hbm>> -> memref<16x8x128xf32, #tpu.memory_space<hbm>>
        tpu.enqueue_dma source(%dma_start3A_2391 : memref<16x8x128xf32, #tpu.memory_space<hbm>>) target(%arg8 : memref<16x8x128xf32, #tpu.memory_space<vmem>>) target_semaphore(%run_scoped3A : memref<!tpu.dma_semaphore, #tpu.memory_space<semaphore_mem>>)
        %dma_wait3A_2392 = arith.constant 0 : i32
        %dma_wait3A_2393 = arith.constant 0 : i32
        %dma_wait3A_2394 = arith.constant 0 : i32
        %dma_wait3A_2395 = tpu.memref_slice %arg3[%select_n3A_2076, %dma_wait3A_2392, %dma_wait3A_2393, %dma_wait3A_2394] : memref<8x16x8x128xf32, #tpu.memory_space<hbm>> -> memref<1x16x8x128xf32, #tpu.memory_space<hbm>>
        %dma_wait3A_2396 = tpu.memref_squeeze %dma_wait3A_2395 : memref<1x16x8x128xf32, #tpu.memory_space<hbm>> -> memref<16x8x128xf32, #tpu.memory_space<hbm>>
        %dma_wait3A_2397 = arith.constant 0 : i32
        %dma_wait3A_2398 = arith.constant 0 : i32
        %dma_wait3A_2399 = arith.constant 0 : i32
        %dma_wait3A_2400 = tpu.memref_slice %arg3[%select_n3A_2076, %dma_wait3A_2397, %dma_wait3A_2398, %dma_wait3A_2399] : memref<8x16x8x128xf32, #tpu.memory_space<hbm>> -> memref<1x16x8x128xf32, #tpu.memory_space<hbm>>
        %dma_wait3A_2401 = tpu.memref_squeeze %dma_wait3A_2400 : memref<1x16x8x128xf32, #tpu.memory_space<hbm>> -> memref<16x8x128xf32, #tpu.memory_space<hbm>>
        tpu.wait_dma2 semaphore(%run_scoped3A : memref<!tpu.dma_semaphore, #tpu.memory_space<semaphore_mem>>) src(%dma_wait3A_2401 : memref<16x8x128xf32, #tpu.memory_space<hbm>>) dst(%arg8 : memref<16x8x128xf32, #tpu.memory_space<vmem>>)
        tpu.yield
      }) : () -> ()
    } else {
    }
    %dma_start3A_2117 = arith.constant 0 : i32
    %dma_start3A_2118 = arith.constant 0 : i32
    %dma_start3A_2119 = tpu.memref_slice %arg5[%select_n3A_2076, %mul3A_2094, %dma_start3A_2117, %dma_start3A_2118] : memref<8x1024x8x128xf32, #tpu.memory_space<hbm>> -> memref<1x16x8x128xf32, #tpu.memory_space<hbm>>
    %dma_start3A_2120 = tpu.memref_squeeze %dma_start3A_2119 : memref<1x16x8x128xf32, #tpu.memory_space<hbm>> -> memref<16x8x128xf32, #tpu.memory_space<hbm>>
    %dma_start3A_2121 = arith.constant 0 : i32
    %dma_start3A_2122 = arith.constant 0 : i32
    %dma_start3A_2123 = tpu.memref_slice %arg5[%select_n3A_2076, %mul3A_2094, %dma_start3A_2121, %dma_start3A_2122] : memref<8x1024x8x128xf32, #tpu.memory_space<hbm>> -> memref<1x16x8x128xf32, #tpu.memory_space<hbm>>
    %dma_start3A_2124 = tpu.memref_squeeze %dma_start3A_2123 : memref<1x16x8x128xf32, #tpu.memory_space<hbm>> -> memref<16x8x128xf32, #tpu.memory_space<hbm>>
    tpu.enqueue_dma source(%arg8 : memref<16x8x128xf32, #tpu.memory_space<vmem>>) target(%dma_start3A_2124 : memref<16x8x128xf32, #tpu.memory_space<hbm>>) target_semaphore(%arg16 : memref<!tpu.dma_semaphore, #tpu.memory_space<semaphore_mem>>)
    %dma_wait3A_2125 = arith.constant 0 : i32
    %dma_wait3A_2126 = arith.constant 0 : i32
    %dma_wait3A_2127 = tpu.memref_slice %arg5[%select_n3A_1778, %mul3A_1796, %dma_wait3A_2125, %dma_wait3A_2126] : memref<8x1024x8x128xf32, #tpu.memory_space<hbm>> -> memref<1x16x8x128xf32, #tpu.memory_space<hbm>>
    %dma_wait3A_2128 = tpu.memref_squeeze %dma_wait3A_2127 : memref<1x16x8x128xf32, #tpu.memory_space<hbm>> -> memref<16x8x128xf32, #tpu.memory_space<hbm>>
    %dma_wait3A_2129 = arith.constant 0 : i32
    %dma_wait3A_2130 = arith.constant 0 : i32
    %dma_wait3A_2131 = tpu.memref_slice %arg5[%select_n3A_1778, %mul3A_1796, %dma_wait3A_2129, %dma_wait3A_2130] : memref<8x1024x8x128xf32, #tpu.memory_space<hbm>> -> memref<1x16x8x128xf32, #tpu.memory_space<hbm>>
    %dma_wait3A_2132 = tpu.memref_squeeze %dma_wait3A_2131 : memref<1x16x8x128xf32, #tpu.memory_space<hbm>> -> memref<16x8x128xf32, #tpu.memory_space<hbm>>
    tpu.wait_dma2 semaphore(%arg18 : memref<!tpu.dma_semaphore, #tpu.memory_space<semaphore_mem>>) src(%arg10 : memref<16x8x128xf32, #tpu.memory_space<vmem>>) dst(%dma_wait3A_2132 : memref<16x8x128xf32, #tpu.memory_space<hbm>>)
    %mul3A_2133 = arith.constant 16 : i32
    %mul3A_2134 = arith.muli %add3A, %mul3A_2133 : i32
    %add3A_2135 = arith.constant 15 : i32
    %add3A_2136 = arith.addi %mul3A_2134, %add3A_2135 : i32
    %jit3A_2137 = arith.constant 64 : i32
    %div3A_2138 = arith.divsi %add3A_2136, %jit3A_2137 : i32
    %sign3A_2139 = arith.constant 0 : i32
    %sign3A_2140 = arith.cmpi sgt, %add3A_2136, %sign3A_2139 : i32
    %sign3A_2141 = arith.extui %sign3A_2140 : i1 to i32
    %sign3A_2142 = arith.constant 0 : i32
    %sign3A_2143 = arith.cmpi slt, %add3A_2136, %sign3A_2142 : i32
    %sign3A_2144 = arith.extui %sign3A_2143 : i1 to i32
    %sign3A_2145 = arith.subi %sign3A_2141, %sign3A_2144 : i32
    %sign3A_2146 = arith.constant 0 : i32
    %sign3A_2147 = arith.cmpi sgt, %jit3A_2137, %sign3A_2146 : i32
    %sign3A_2148 = arith.extui %sign3A_2147 : i1 to i32
    %sign3A_2149 = arith.constant 0 : i32
    %sign3A_2150 = arith.cmpi slt, %jit3A_2137, %sign3A_2149 : i32
    %sign3A_2151 = arith.extui %sign3A_2150 : i1 to i32
    %sign3A_2152 = arith.subi %sign3A_2148, %sign3A_2151 : i32
    %ne3A_2153 = arith.cmpi ne, %sign3A_2145, %sign3A_2152 : i32
    %rem3A_2154 = arith.remsi %add3A_2136, %jit3A_2137 : i32
    %ne3A_2155 = arith.constant 0 : i32
    %ne3A_2156 = arith.cmpi ne, %rem3A_2154, %ne3A_2155 : i32
    %and3A_2157 = arith.andi %ne3A_2153, %ne3A_2156 : i1
    %sub3A_2158 = arith.constant 1 : i32
    %sub3A_2159 = arith.subi %div3A_2138, %sub3A_2158 : i32
    %select_n3A_2160 = arith.select %and3A_2157, %sub3A_2159, %div3A_2138 : i32
    %jit3A_2161 = arith.constant 64 : i32
    %eq3A_2162 = arith.constant 0 : i32
    %eq3A_2163 = arith.cmpi eq, %jit3A_2161, %eq3A_2162 : i32
    %jit3A_2164 = arith.constant 1 : i32
    %select_n3A_2165 = arith.select %eq3A_2163, %jit3A_2164, %jit3A_2161 : i32
    %rem3A_2166 = arith.remsi %add3A_2136, %select_n3A_2165 : i32
    %ne3A_2167 = arith.constant 0 : i32
    %ne3A_2168 = arith.cmpi ne, %rem3A_2166, %ne3A_2167 : i32
    %lt3A_2169 = arith.constant 0 : i32
    %lt3A_2170 = arith.cmpi slt, %rem3A_2166, %lt3A_2169 : i32
    %lt3A_2171 = arith.constant 0 : i32
    %lt3A_2172 = arith.cmpi slt, %select_n3A_2165, %lt3A_2171 : i32
    %ne3A_2173 = arith.xori %lt3A_2170, %lt3A_2172 : i1
    %and3A_2174 = arith.andi %ne3A_2173, %ne3A_2168 : i1
    %add3A_2175 = arith.addi %rem3A_2166, %select_n3A_2165 : i32
    %select_n3A_2176 = arith.select %and3A_2174, %add3A_2175, %rem3A_2166 : i32
    %mul3A_2177 = arith.constant 16 : i32
    %mul3A_2178 = arith.muli %select_n3A_2176, %mul3A_2177 : i32
    %add3A_2179 = arith.addi %squeeze3A, %mul3A_2178 : i32
    %ge3A_2180 = arith.constant 4 : i32
    %ge3A_2181 = arith.cmpi sge, %add3A_2179, %ge3A_2180 : i32
    %lt3A_2182 = arith.cmpi slt, %add3A_2179, %squeeze3A_12 : i32
    %and3A_2183 = arith.andi %ge3A_2181, %lt3A_2182 : i1
    %jit3A_2184 = arith.constant 0 : i32
    %select_n3A_2185 = arith.select %and3A_2183, %squeeze3A_7, %jit3A_2184 : i32
    %add3A_2186 = arith.addi %add3A_2179, %select_n3A_2185 : i32
    %min3A_2187 = arith.constant 2032 : i32
    %min3A_2188 = arith.minsi %add3A_2186, %min3A_2187 : i32
    %eq3A_2189 = arith.cmpi eq, %mul3A_2178, %sub3A : i32
    %dma_start3A_2190 = arith.constant 0 : i32
    %dma_start3A_2191 = arith.constant 0 : i32
    %dma_start3A_2192 = tpu.memref_slice %arg2[%select_n3A_2160, %min3A_2188, %dma_start3A_2190, %dma_start3A_2191] : memref<8x2048x8x128xf32, #tpu.memory_space<hbm>> -> memref<1x16x8x128xf32, #tpu.memory_space<hbm>>
    %dma_start3A_2193 = tpu.memref_squeeze %dma_start3A_2192 : memref<1x16x8x128xf32, #tpu.memory_space<hbm>> -> memref<16x8x128xf32, #tpu.memory_space<hbm>>
    %dma_start3A_2194 = arith.constant 0 : i32
    %dma_start3A_2195 = arith.constant 0 : i32
    %dma_start3A_2196 = tpu.memref_slice %arg2[%select_n3A_2160, %min3A_2188, %dma_start3A_2194, %dma_start3A_2195] : memref<8x2048x8x128xf32, #tpu.memory_space<hbm>> -> memref<1x16x8x128xf32, #tpu.memory_space<hbm>>
    %dma_start3A_2197 = tpu.memref_squeeze %dma_start3A_2196 : memref<1x16x8x128xf32, #tpu.memory_space<hbm>> -> memref<16x8x128xf32, #tpu.memory_space<hbm>>
    tpu.enqueue_dma source(%dma_start3A_2197 : memref<16x8x128xf32, #tpu.memory_space<hbm>>) target(%arg10 : memref<16x8x128xf32, #tpu.memory_space<vmem>>) target_semaphore(%arg14 : memref<!tpu.dma_semaphore, #tpu.memory_space<semaphore_mem>>)
    %mul3A_2198 = arith.constant 16 : i32
    %mul3A_2199 = arith.muli %add3A, %mul3A_2198 : i32
    %add3A_2200 = arith.constant 14 : i32
    %add3A_2201 = arith.addi %mul3A_2199, %add3A_2200 : i32
    %jit3A_2202 = arith.constant 64 : i32
    %div3A_2203 = arith.divsi %add3A_2201, %jit3A_2202 : i32
    %sign3A_2204 = arith.constant 0 : i32
    %sign3A_2205 = arith.cmpi sgt, %add3A_2201, %sign3A_2204 : i32
    %sign3A_2206 = arith.extui %sign3A_2205 : i1 to i32
    %sign3A_2207 = arith.constant 0 : i32
    %sign3A_2208 = arith.cmpi slt, %add3A_2201, %sign3A_2207 : i32
    %sign3A_2209 = arith.extui %sign3A_2208 : i1 to i32
    %sign3A_2210 = arith.subi %sign3A_2206, %sign3A_2209 : i32
    %sign3A_2211 = arith.constant 0 : i32
    %sign3A_2212 = arith.cmpi sgt, %jit3A_2202, %sign3A_2211 : i32
    %sign3A_2213 = arith.extui %sign3A_2212 : i1 to i32
    %sign3A_2214 = arith.constant 0 : i32
    %sign3A_2215 = arith.cmpi slt, %jit3A_2202, %sign3A_2214 : i32
    %sign3A_2216 = arith.extui %sign3A_2215 : i1 to i32
    %sign3A_2217 = arith.subi %sign3A_2213, %sign3A_2216 : i32
    %ne3A_2218 = arith.cmpi ne, %sign3A_2210, %sign3A_2217 : i32
    %rem3A_2219 = arith.remsi %add3A_2201, %jit3A_2202 : i32
    %ne3A_2220 = arith.constant 0 : i32
    %ne3A_2221 = arith.cmpi ne, %rem3A_2219, %ne3A_2220 : i32
    %and3A_2222 = arith.andi %ne3A_2218, %ne3A_2221 : i1
    %sub3A_2223 = arith.constant 1 : i32
    %sub3A_2224 = arith.subi %div3A_2203, %sub3A_2223 : i32
    %select_n3A_2225 = arith.select %and3A_2222, %sub3A_2224, %div3A_2203 : i32
    %jit3A_2226 = arith.constant 64 : i32
    %eq3A_2227 = arith.constant 0 : i32
    %eq3A_2228 = arith.cmpi eq, %jit3A_2226, %eq3A_2227 : i32
    %jit3A_2229 = arith.constant 1 : i32
    %select_n3A_2230 = arith.select %eq3A_2228, %jit3A_2229, %jit3A_2226 : i32
    %rem3A_2231 = arith.remsi %add3A_2201, %select_n3A_2230 : i32
    %ne3A_2232 = arith.constant 0 : i32
    %ne3A_2233 = arith.cmpi ne, %rem3A_2231, %ne3A_2232 : i32
    %lt3A_2234 = arith.constant 0 : i32
    %lt3A_2235 = arith.cmpi slt, %rem3A_2231, %lt3A_2234 : i32
    %lt3A_2236 = arith.constant 0 : i32
    %lt3A_2237 = arith.cmpi slt, %select_n3A_2230, %lt3A_2236 : i32
    %ne3A_2238 = arith.xori %lt3A_2235, %lt3A_2237 : i1
    %and3A_2239 = arith.andi %ne3A_2238, %ne3A_2233 : i1
    %add3A_2240 = arith.addi %rem3A_2231, %select_n3A_2230 : i32
    %select_n3A_2241 = arith.select %and3A_2239, %add3A_2240, %rem3A_2231 : i32
    %mul3A_2242 = arith.constant 16 : i32
    %mul3A_2243 = arith.muli %select_n3A_2241, %mul3A_2242 : i32
    %add3A_2244 = arith.addi %squeeze3A, %mul3A_2243 : i32
    %ge3A_2245 = arith.constant 4 : i32
    %ge3A_2246 = arith.cmpi sge, %add3A_2244, %ge3A_2245 : i32
    %lt3A_2247 = arith.cmpi slt, %add3A_2244, %squeeze3A_12 : i32
    %and3A_2248 = arith.andi %ge3A_2246, %lt3A_2247 : i1
    %jit3A_2249 = arith.constant 0 : i32
    %select_n3A_2250 = arith.select %and3A_2248, %squeeze3A_7, %jit3A_2249 : i32
    %add3A_2251 = arith.addi %add3A_2244, %select_n3A_2250 : i32
    %min3A_2252 = arith.constant 2032 : i32
    %min3A_2253 = arith.minsi %add3A_2251, %min3A_2252 : i32
    %eq3A_2254 = arith.cmpi eq, %mul3A_2243, %sub3A : i32
    %dma_wait3A_2255 = arith.constant 0 : i32
    %dma_wait3A_2256 = arith.constant 0 : i32
    %dma_wait3A_2257 = tpu.memref_slice %arg2[%select_n3A_2011, %min3A_2039, %dma_wait3A_2255, %dma_wait3A_2256] : memref<8x2048x8x128xf32, #tpu.memory_space<hbm>> -> memref<1x16x8x128xf32, #tpu.memory_space<hbm>>
    %dma_wait3A_2258 = tpu.memref_squeeze %dma_wait3A_2257 : memref<1x16x8x128xf32, #tpu.memory_space<hbm>> -> memref<16x8x128xf32, #tpu.memory_space<hbm>>
    %dma_wait3A_2259 = arith.constant 0 : i32
    %dma_wait3A_2260 = arith.constant 0 : i32
    %dma_wait3A_2261 = tpu.memref_slice %arg2[%select_n3A_2011, %min3A_2039, %dma_wait3A_2259, %dma_wait3A_2260] : memref<8x2048x8x128xf32, #tpu.memory_space<hbm>> -> memref<1x16x8x128xf32, #tpu.memory_space<hbm>>
    %dma_wait3A_2262 = tpu.memref_squeeze %dma_wait3A_2261 : memref<1x16x8x128xf32, #tpu.memory_space<hbm>> -> memref<16x8x128xf32, #tpu.memory_space<hbm>>
    tpu.wait_dma2 semaphore(%arg13 : memref<!tpu.dma_semaphore, #tpu.memory_space<semaphore_mem>>) src(%dma_wait3A_2262 : memref<16x8x128xf32, #tpu.memory_space<hbm>>) dst(%arg9 : memref<16x8x128xf32, #tpu.memory_space<vmem>>)
    %convert_element_type3A_2263 = arith.extui %eq3A_2254 : i1 to i32
    %cond3A_2264 = arith.constant 0 : i32
    %cond3A_2265 = arith.cmpi ne, %convert_element_type3A_2263, %cond3A_2264 : i32
    scf.if %cond3A_2265 {
      "tpu.region"() ({
        %run_scoped3A = tpu.sem_alloc : memref<!tpu.dma_semaphore, #tpu.memory_space<semaphore_mem>>
        %dma_start3A_2382 = arith.constant 0 : i32
        %dma_start3A_2383 = arith.constant 0 : i32
        %dma_start3A_2384 = arith.constant 0 : i32
        %dma_start3A_2385 = tpu.memref_slice %arg3[%select_n3A_2225, %dma_start3A_2382, %dma_start3A_2383, %dma_start3A_2384] : memref<8x16x8x128xf32, #tpu.memory_space<hbm>> -> memref<1x16x8x128xf32, #tpu.memory_space<hbm>>
        %dma_start3A_2386 = tpu.memref_squeeze %dma_start3A_2385 : memref<1x16x8x128xf32, #tpu.memory_space<hbm>> -> memref<16x8x128xf32, #tpu.memory_space<hbm>>
        %dma_start3A_2387 = arith.constant 0 : i32
        %dma_start3A_2388 = arith.constant 0 : i32
        %dma_start3A_2389 = arith.constant 0 : i32
        %dma_start3A_2390 = tpu.memref_slice %arg3[%select_n3A_2225, %dma_start3A_2387, %dma_start3A_2388, %dma_start3A_2389] : memref<8x16x8x128xf32, #tpu.memory_space<hbm>> -> memref<1x16x8x128xf32, #tpu.memory_space<hbm>>
        %dma_start3A_2391 = tpu.memref_squeeze %dma_start3A_2390 : memref<1x16x8x128xf32, #tpu.memory_space<hbm>> -> memref<16x8x128xf32, #tpu.memory_space<hbm>>
        tpu.enqueue_dma source(%dma_start3A_2391 : memref<16x8x128xf32, #tpu.memory_space<hbm>>) target(%arg9 : memref<16x8x128xf32, #tpu.memory_space<vmem>>) target_semaphore(%run_scoped3A : memref<!tpu.dma_semaphore, #tpu.memory_space<semaphore_mem>>)
        %dma_wait3A_2392 = arith.constant 0 : i32
        %dma_wait3A_2393 = arith.constant 0 : i32
        %dma_wait3A_2394 = arith.constant 0 : i32
        %dma_wait3A_2395 = tpu.memref_slice %arg3[%select_n3A_2225, %dma_wait3A_2392, %dma_wait3A_2393, %dma_wait3A_2394] : memref<8x16x8x128xf32, #tpu.memory_space<hbm>> -> memref<1x16x8x128xf32, #tpu.memory_space<hbm>>
        %dma_wait3A_2396 = tpu.memref_squeeze %dma_wait3A_2395 : memref<1x16x8x128xf32, #tpu.memory_space<hbm>> -> memref<16x8x128xf32, #tpu.memory_space<hbm>>
        %dma_wait3A_2397 = arith.constant 0 : i32
        %dma_wait3A_2398 = arith.constant 0 : i32
        %dma_wait3A_2399 = arith.constant 0 : i32
        %dma_wait3A_2400 = tpu.memref_slice %arg3[%select_n3A_2225, %dma_wait3A_2397, %dma_wait3A_2398, %dma_wait3A_2399] : memref<8x16x8x128xf32, #tpu.memory_space<hbm>> -> memref<1x16x8x128xf32, #tpu.memory_space<hbm>>
        %dma_wait3A_2401 = tpu.memref_squeeze %dma_wait3A_2400 : memref<1x16x8x128xf32, #tpu.memory_space<hbm>> -> memref<16x8x128xf32, #tpu.memory_space<hbm>>
        tpu.wait_dma2 semaphore(%run_scoped3A : memref<!tpu.dma_semaphore, #tpu.memory_space<semaphore_mem>>) src(%dma_wait3A_2401 : memref<16x8x128xf32, #tpu.memory_space<hbm>>) dst(%arg9 : memref<16x8x128xf32, #tpu.memory_space<vmem>>)
        tpu.yield
      }) : () -> ()
    } else {
    }
    %dma_start3A_2266 = arith.constant 0 : i32
    %dma_start3A_2267 = arith.constant 0 : i32
    %dma_start3A_2268 = tpu.memref_slice %arg5[%select_n3A_2225, %mul3A_2243, %dma_start3A_2266, %dma_start3A_2267] : memref<8x1024x8x128xf32, #tpu.memory_space<hbm>> -> memref<1x16x8x128xf32, #tpu.memory_space<hbm>>
    %dma_start3A_2269 = tpu.memref_squeeze %dma_start3A_2268 : memref<1x16x8x128xf32, #tpu.memory_space<hbm>> -> memref<16x8x128xf32, #tpu.memory_space<hbm>>
    %dma_start3A_2270 = arith.constant 0 : i32
    %dma_start3A_2271 = arith.constant 0 : i32
    %dma_start3A_2272 = tpu.memref_slice %arg5[%select_n3A_2225, %mul3A_2243, %dma_start3A_2270, %dma_start3A_2271] : memref<8x1024x8x128xf32, #tpu.memory_space<hbm>> -> memref<1x16x8x128xf32, #tpu.memory_space<hbm>>
    %dma_start3A_2273 = tpu.memref_squeeze %dma_start3A_2272 : memref<1x16x8x128xf32, #tpu.memory_space<hbm>> -> memref<16x8x128xf32, #tpu.memory_space<hbm>>
    tpu.enqueue_dma source(%arg9 : memref<16x8x128xf32, #tpu.memory_space<vmem>>) target(%dma_start3A_2273 : memref<16x8x128xf32, #tpu.memory_space<hbm>>) target_semaphore(%arg17 : memref<!tpu.dma_semaphore, #tpu.memory_space<semaphore_mem>>)
    %mul3A_2274 = arith.constant 16 : i32
    %mul3A_2275 = arith.muli %add3A, %mul3A_2274 : i32
    %add3A_2276 = arith.constant 15 : i32
    %add3A_2277 = arith.addi %mul3A_2275, %add3A_2276 : i32
    %jit3A_2278 = arith.constant 64 : i32
    %div3A_2279 = arith.divsi %add3A_2277, %jit3A_2278 : i32
    %sign3A_2280 = arith.constant 0 : i32
    %sign3A_2281 = arith.cmpi sgt, %add3A_2277, %sign3A_2280 : i32
    %sign3A_2282 = arith.extui %sign3A_2281 : i1 to i32
    %sign3A_2283 = arith.constant 0 : i32
    %sign3A_2284 = arith.cmpi slt, %add3A_2277, %sign3A_2283 : i32
    %sign3A_2285 = arith.extui %sign3A_2284 : i1 to i32
    %sign3A_2286 = arith.subi %sign3A_2282, %sign3A_2285 : i32
    %sign3A_2287 = arith.constant 0 : i32
    %sign3A_2288 = arith.cmpi sgt, %jit3A_2278, %sign3A_2287 : i32
    %sign3A_2289 = arith.extui %sign3A_2288 : i1 to i32
    %sign3A_2290 = arith.constant 0 : i32
    %sign3A_2291 = arith.cmpi slt, %jit3A_2278, %sign3A_2290 : i32
    %sign3A_2292 = arith.extui %sign3A_2291 : i1 to i32
    %sign3A_2293 = arith.subi %sign3A_2289, %sign3A_2292 : i32
    %ne3A_2294 = arith.cmpi ne, %sign3A_2286, %sign3A_2293 : i32
    %rem3A_2295 = arith.remsi %add3A_2277, %jit3A_2278 : i32
    %ne3A_2296 = arith.constant 0 : i32
    %ne3A_2297 = arith.cmpi ne, %rem3A_2295, %ne3A_2296 : i32
    %and3A_2298 = arith.andi %ne3A_2294, %ne3A_2297 : i1
    %sub3A_2299 = arith.constant 1 : i32
    %sub3A_2300 = arith.subi %div3A_2279, %sub3A_2299 : i32
    %select_n3A_2301 = arith.select %and3A_2298, %sub3A_2300, %div3A_2279 : i32
    %jit3A_2302 = arith.constant 64 : i32
    %eq3A_2303 = arith.constant 0 : i32
    %eq3A_2304 = arith.cmpi eq, %jit3A_2302, %eq3A_2303 : i32
    %jit3A_2305 = arith.constant 1 : i32
    %select_n3A_2306 = arith.select %eq3A_2304, %jit3A_2305, %jit3A_2302 : i32
    %rem3A_2307 = arith.remsi %add3A_2277, %select_n3A_2306 : i32
    %ne3A_2308 = arith.constant 0 : i32
    %ne3A_2309 = arith.cmpi ne, %rem3A_2307, %ne3A_2308 : i32
    %lt3A_2310 = arith.constant 0 : i32
    %lt3A_2311 = arith.cmpi slt, %rem3A_2307, %lt3A_2310 : i32
    %lt3A_2312 = arith.constant 0 : i32
    %lt3A_2313 = arith.cmpi slt, %select_n3A_2306, %lt3A_2312 : i32
    %ne3A_2314 = arith.xori %lt3A_2311, %lt3A_2313 : i1
    %and3A_2315 = arith.andi %ne3A_2314, %ne3A_2309 : i1
    %add3A_2316 = arith.addi %rem3A_2307, %select_n3A_2306 : i32
    %select_n3A_2317 = arith.select %and3A_2315, %add3A_2316, %rem3A_2307 : i32
    %mul3A_2318 = arith.constant 16 : i32
    %mul3A_2319 = arith.muli %select_n3A_2317, %mul3A_2318 : i32
    %add3A_2320 = arith.addi %squeeze3A, %mul3A_2319 : i32
    %ge3A_2321 = arith.constant 4 : i32
    %ge3A_2322 = arith.cmpi sge, %add3A_2320, %ge3A_2321 : i32
    %lt3A_2323 = arith.cmpi slt, %add3A_2320, %squeeze3A_12 : i32
    %and3A_2324 = arith.andi %ge3A_2322, %lt3A_2323 : i1
    %jit3A_2325 = arith.constant 0 : i32
    %select_n3A_2326 = arith.select %and3A_2324, %squeeze3A_7, %jit3A_2325 : i32
    %add3A_2327 = arith.addi %add3A_2320, %select_n3A_2326 : i32
    %min3A_2328 = arith.constant 2032 : i32
    %min3A_2329 = arith.minsi %add3A_2327, %min3A_2328 : i32
    %eq3A_2330 = arith.cmpi eq, %mul3A_2319, %sub3A : i32
    %dma_wait3A_2331 = arith.constant 0 : i32
    %dma_wait3A_2332 = arith.constant 0 : i32
    %dma_wait3A_2333 = tpu.memref_slice %arg2[%select_n3A_2160, %min3A_2188, %dma_wait3A_2331, %dma_wait3A_2332] : memref<8x2048x8x128xf32, #tpu.memory_space<hbm>> -> memref<1x16x8x128xf32, #tpu.memory_space<hbm>>
    %dma_wait3A_2334 = tpu.memref_squeeze %dma_wait3A_2333 : memref<1x16x8x128xf32, #tpu.memory_space<hbm>> -> memref<16x8x128xf32, #tpu.memory_space<hbm>>
    %dma_wait3A_2335 = arith.constant 0 : i32
    %dma_wait3A_2336 = arith.constant 0 : i32
    %dma_wait3A_2337 = tpu.memref_slice %arg2[%select_n3A_2160, %min3A_2188, %dma_wait3A_2335, %dma_wait3A_2336] : memref<8x2048x8x128xf32, #tpu.memory_space<hbm>> -> memref<1x16x8x128xf32, #tpu.memory_space<hbm>>
    %dma_wait3A_2338 = tpu.memref_squeeze %dma_wait3A_2337 : memref<1x16x8x128xf32, #tpu.memory_space<hbm>> -> memref<16x8x128xf32, #tpu.memory_space<hbm>>
    tpu.wait_dma2 semaphore(%arg14 : memref<!tpu.dma_semaphore, #tpu.memory_space<semaphore_mem>>) src(%dma_wait3A_2338 : memref<16x8x128xf32, #tpu.memory_space<hbm>>) dst(%arg10 : memref<16x8x128xf32, #tpu.memory_space<vmem>>)
    %convert_element_type3A_2339 = arith.extui %eq3A_2330 : i1 to i32
    %cond3A_2340 = arith.constant 0 : i32
    %cond3A_2341 = arith.cmpi ne, %convert_element_type3A_2339, %cond3A_2340 : i32
    scf.if %cond3A_2341 {
      "tpu.region"() ({
        %run_scoped3A = tpu.sem_alloc : memref<!tpu.dma_semaphore, #tpu.memory_space<semaphore_mem>>
        %dma_start3A_2382 = arith.constant 0 : i32
        %dma_start3A_2383 = arith.constant 0 : i32
        %dma_start3A_2384 = arith.constant 0 : i32
        %dma_start3A_2385 = tpu.memref_slice %arg3[%select_n3A_2301, %dma_start3A_2382, %dma_start3A_2383, %dma_start3A_2384] : memref<8x16x8x128xf32, #tpu.memory_space<hbm>> -> memref<1x16x8x128xf32, #tpu.memory_space<hbm>>
        %dma_start3A_2386 = tpu.memref_squeeze %dma_start3A_2385 : memref<1x16x8x128xf32, #tpu.memory_space<hbm>> -> memref<16x8x128xf32, #tpu.memory_space<hbm>>
        %dma_start3A_2387 = arith.constant 0 : i32
        %dma_start3A_2388 = arith.constant 0 : i32
        %dma_start3A_2389 = arith.constant 0 : i32
        %dma_start3A_2390 = tpu.memref_slice %arg3[%select_n3A_2301, %dma_start3A_2387, %dma_start3A_2388, %dma_start3A_2389] : memref<8x16x8x128xf32, #tpu.memory_space<hbm>> -> memref<1x16x8x128xf32, #tpu.memory_space<hbm>>
        %dma_start3A_2391 = tpu.memref_squeeze %dma_start3A_2390 : memref<1x16x8x128xf32, #tpu.memory_space<hbm>> -> memref<16x8x128xf32, #tpu.memory_space<hbm>>
        tpu.enqueue_dma source(%dma_start3A_2391 : memref<16x8x128xf32, #tpu.memory_space<hbm>>) target(%arg10 : memref<16x8x128xf32, #tpu.memory_space<vmem>>) target_semaphore(%run_scoped3A : memref<!tpu.dma_semaphore, #tpu.memory_space<semaphore_mem>>)
        %dma_wait3A_2392 = arith.constant 0 : i32
        %dma_wait3A_2393 = arith.constant 0 : i32
        %dma_wait3A_2394 = arith.constant 0 : i32
        %dma_wait3A_2395 = tpu.memref_slice %arg3[%select_n3A_2301, %dma_wait3A_2392, %dma_wait3A_2393, %dma_wait3A_2394] : memref<8x16x8x128xf32, #tpu.memory_space<hbm>> -> memref<1x16x8x128xf32, #tpu.memory_space<hbm>>
        %dma_wait3A_2396 = tpu.memref_squeeze %dma_wait3A_2395 : memref<1x16x8x128xf32, #tpu.memory_space<hbm>> -> memref<16x8x128xf32, #tpu.memory_space<hbm>>
        %dma_wait3A_2397 = arith.constant 0 : i32
        %dma_wait3A_2398 = arith.constant 0 : i32
        %dma_wait3A_2399 = arith.constant 0 : i32
        %dma_wait3A_2400 = tpu.memref_slice %arg3[%select_n3A_2301, %dma_wait3A_2397, %dma_wait3A_2398, %dma_wait3A_2399] : memref<8x16x8x128xf32, #tpu.memory_space<hbm>> -> memref<1x16x8x128xf32, #tpu.memory_space<hbm>>
        %dma_wait3A_2401 = tpu.memref_squeeze %dma_wait3A_2400 : memref<1x16x8x128xf32, #tpu.memory_space<hbm>> -> memref<16x8x128xf32, #tpu.memory_space<hbm>>
        tpu.wait_dma2 semaphore(%run_scoped3A : memref<!tpu.dma_semaphore, #tpu.memory_space<semaphore_mem>>) src(%dma_wait3A_2401 : memref<16x8x128xf32, #tpu.memory_space<hbm>>) dst(%arg10 : memref<16x8x128xf32, #tpu.memory_space<vmem>>)
        tpu.yield
      }) : () -> ()
    } else {
    }
    %dma_start3A_2342 = arith.constant 0 : i32
    %dma_start3A_2343 = arith.constant 0 : i32
    %dma_start3A_2344 = tpu.memref_slice %arg5[%select_n3A_2301, %mul3A_2319, %dma_start3A_2342, %dma_start3A_2343] : memref<8x1024x8x128xf32, #tpu.memory_space<hbm>> -> memref<1x16x8x128xf32, #tpu.memory_space<hbm>>
    %dma_start3A_2345 = tpu.memref_squeeze %dma_start3A_2344 : memref<1x16x8x128xf32, #tpu.memory_space<hbm>> -> memref<16x8x128xf32, #tpu.memory_space<hbm>>
    %dma_start3A_2346 = arith.constant 0 : i32
    %dma_start3A_2347 = arith.constant 0 : i32
    %dma_start3A_2348 = tpu.memref_slice %arg5[%select_n3A_2301, %mul3A_2319, %dma_start3A_2346, %dma_start3A_2347] : memref<8x1024x8x128xf32, #tpu.memory_space<hbm>> -> memref<1x16x8x128xf32, #tpu.memory_space<hbm>>
    %dma_start3A_2349 = tpu.memref_squeeze %dma_start3A_2348 : memref<1x16x8x128xf32, #tpu.memory_space<hbm>> -> memref<16x8x128xf32, #tpu.memory_space<hbm>>
    tpu.enqueue_dma source(%arg10 : memref<16x8x128xf32, #tpu.memory_space<vmem>>) target(%dma_start3A_2349 : memref<16x8x128xf32, #tpu.memory_space<hbm>>) target_semaphore(%arg18 : memref<!tpu.dma_semaphore, #tpu.memory_space<semaphore_mem>>)
    %dma_wait3A_2350 = arith.constant 0 : i32
    %dma_wait3A_2351 = arith.constant 0 : i32
    %dma_wait3A_2352 = tpu.memref_slice %arg5[%select_n3A_1927, %mul3A_1945, %dma_wait3A_2350, %dma_wait3A_2351] : memref<8x1024x8x128xf32, #tpu.memory_space<hbm>> -> memref<1x16x8x128xf32, #tpu.memory_space<hbm>>
    %dma_wait3A_2353 = tpu.memref_squeeze %dma_wait3A_2352 : memref<1x16x8x128xf32, #tpu.memory_space<hbm>> -> memref<16x8x128xf32, #tpu.memory_space<hbm>>
    %dma_wait3A_2354 = arith.constant 0 : i32
    %dma_wait3A_2355 = arith.constant 0 : i32
    %dma_wait3A_2356 = tpu.memref_slice %arg5[%select_n3A_1927, %mul3A_1945, %dma_wait3A_2354, %dma_wait3A_2355] : memref<8x1024x8x128xf32, #tpu.memory_space<hbm>> -> memref<1x16x8x128xf32, #tpu.memory_space<hbm>>
    %dma_wait3A_2357 = tpu.memref_squeeze %dma_wait3A_2356 : memref<1x16x8x128xf32, #tpu.memory_space<hbm>> -> memref<16x8x128xf32, #tpu.memory_space<hbm>>
    tpu.wait_dma2 semaphore(%arg15 : memref<!tpu.dma_semaphore, #tpu.memory_space<semaphore_mem>>) src(%arg7 : memref<16x8x128xf32, #tpu.memory_space<vmem>>) dst(%dma_wait3A_2357 : memref<16x8x128xf32, #tpu.memory_space<hbm>>)
    %dma_wait3A_2358 = arith.constant 0 : i32
    %dma_wait3A_2359 = arith.constant 0 : i32
    %dma_wait3A_2360 = tpu.memref_slice %arg5[%select_n3A_2076, %mul3A_2094, %dma_wait3A_2358, %dma_wait3A_2359] : memref<8x1024x8x128xf32, #tpu.memory_space<hbm>> -> memref<1x16x8x128xf32, #tpu.memory_space<hbm>>
    %dma_wait3A_2361 = tpu.memref_squeeze %dma_wait3A_2360 : memref<1x16x8x128xf32, #tpu.memory_space<hbm>> -> memref<16x8x128xf32, #tpu.memory_space<hbm>>
    %dma_wait3A_2362 = arith.constant 0 : i32
    %dma_wait3A_2363 = arith.constant 0 : i32
    %dma_wait3A_2364 = tpu.memref_slice %arg5[%select_n3A_2076, %mul3A_2094, %dma_wait3A_2362, %dma_wait3A_2363] : memref<8x1024x8x128xf32, #tpu.memory_space<hbm>> -> memref<1x16x8x128xf32, #tpu.memory_space<hbm>>
    %dma_wait3A_2365 = tpu.memref_squeeze %dma_wait3A_2364 : memref<1x16x8x128xf32, #tpu.memory_space<hbm>> -> memref<16x8x128xf32, #tpu.memory_space<hbm>>
    tpu.wait_dma2 semaphore(%arg16 : memref<!tpu.dma_semaphore, #tpu.memory_space<semaphore_mem>>) src(%arg8 : memref<16x8x128xf32, #tpu.memory_space<vmem>>) dst(%dma_wait3A_2365 : memref<16x8x128xf32, #tpu.memory_space<hbm>>)
    %dma_wait3A_2366 = arith.constant 0 : i32
    %dma_wait3A_2367 = arith.constant 0 : i32
    %dma_wait3A_2368 = tpu.memref_slice %arg5[%select_n3A_2225, %mul3A_2243, %dma_wait3A_2366, %dma_wait3A_2367] : memref<8x1024x8x128xf32, #tpu.memory_space<hbm>> -> memref<1x16x8x128xf32, #tpu.memory_space<hbm>>
    %dma_wait3A_2369 = tpu.memref_squeeze %dma_wait3A_2368 : memref<1x16x8x128xf32, #tpu.memory_space<hbm>> -> memref<16x8x128xf32, #tpu.memory_space<hbm>>
    %dma_wait3A_2370 = arith.constant 0 : i32
    %dma_wait3A_2371 = arith.constant 0 : i32
    %dma_wait3A_2372 = tpu.memref_slice %arg5[%select_n3A_2225, %mul3A_2243, %dma_wait3A_2370, %dma_wait3A_2371] : memref<8x1024x8x128xf32, #tpu.memory_space<hbm>> -> memref<1x16x8x128xf32, #tpu.memory_space<hbm>>
    %dma_wait3A_2373 = tpu.memref_squeeze %dma_wait3A_2372 : memref<1x16x8x128xf32, #tpu.memory_space<hbm>> -> memref<16x8x128xf32, #tpu.memory_space<hbm>>
    tpu.wait_dma2 semaphore(%arg17 : memref<!tpu.dma_semaphore, #tpu.memory_space<semaphore_mem>>) src(%arg9 : memref<16x8x128xf32, #tpu.memory_space<vmem>>) dst(%dma_wait3A_2373 : memref<16x8x128xf32, #tpu.memory_space<hbm>>)
    %dma_wait3A_2374 = arith.constant 0 : i32
    %dma_wait3A_2375 = arith.constant 0 : i32
    %dma_wait3A_2376 = tpu.memref_slice %arg5[%select_n3A_2301, %mul3A_2319, %dma_wait3A_2374, %dma_wait3A_2375] : memref<8x1024x8x128xf32, #tpu.memory_space<hbm>> -> memref<1x16x8x128xf32, #tpu.memory_space<hbm>>
    %dma_wait3A_2377 = tpu.memref_squeeze %dma_wait3A_2376 : memref<1x16x8x128xf32, #tpu.memory_space<hbm>> -> memref<16x8x128xf32, #tpu.memory_space<hbm>>
    %dma_wait3A_2378 = arith.constant 0 : i32
    %dma_wait3A_2379 = arith.constant 0 : i32
    %dma_wait3A_2380 = tpu.memref_slice %arg5[%select_n3A_2301, %mul3A_2319, %dma_wait3A_2378, %dma_wait3A_2379] : memref<8x1024x8x128xf32, #tpu.memory_space<hbm>> -> memref<1x16x8x128xf32, #tpu.memory_space<hbm>>
    %dma_wait3A_2381 = tpu.memref_squeeze %dma_wait3A_2380 : memref<1x16x8x128xf32, #tpu.memory_space<hbm>> -> memref<16x8x128xf32, #tpu.memory_space<hbm>>
    tpu.wait_dma2 semaphore(%arg18 : memref<!tpu.dma_semaphore, #tpu.memory_space<semaphore_mem>>) src(%arg10 : memref<16x8x128xf32, #tpu.memory_space<vmem>>) dst(%dma_wait3A_2381 : memref<16x8x128xf32, #tpu.memory_space<hbm>>)
    return
  }
}

module attributes {stable_mosaic.version = 14 : i64} {
  func.func @_tc_v_body(%arg0: memref<8x2048x8x128xf32, #tpu.memory_space<hbm>>, %arg1: memref<8x16x8x128xf32, #tpu.memory_space<hbm>>, %arg2: memref<1xi32, #tpu.memory_space<smem>>, %arg3: memref<1xi32, #tpu.memory_space<smem>>, %arg4: memref<1xi32, #tpu.memory_space<smem>>, %arg5: memref<8x1024x8x128xf32, #tpu.memory_space<hbm>>, %arg6: memref<504x8x128xf32, #tpu.memory_space<vmem>>, %arg7: memref<504x8x128xf32, #tpu.memory_space<vmem>>, %arg8: memref<504x8x128xf32, #tpu.memory_space<vmem>>, %arg9: memref<504x8x128xf32, #tpu.memory_space<vmem>>, %arg10: memref<504x8x128xf32, #tpu.memory_space<vmem>>, %arg11: memref<504x8x128xf32, #tpu.memory_space<vmem>>, %arg12: memref<8x16x8x128xf32, #tpu.memory_space<vmem>>, %arg13: memref<!tpu.dma_semaphore, #tpu.memory_space<semaphore_mem>>, %arg14: memref<!tpu.dma_semaphore, #tpu.memory_space<semaphore_mem>>, %arg15: memref<!tpu.dma_semaphore, #tpu.memory_space<semaphore_mem>>, %arg16: memref<!tpu.dma_semaphore, #tpu.memory_space<semaphore_mem>>, %arg17: memref<!tpu.dma_semaphore, #tpu.memory_space<semaphore_mem>>, %arg18: memref<!tpu.dma_semaphore, #tpu.memory_space<semaphore_mem>>, %arg19: memref<!tpu.dma_semaphore, #tpu.memory_space<semaphore_mem>>, %arg20: memref<!tpu.dma_semaphore, #tpu.memory_space<semaphore_mem>>, %arg21: memref<!tpu.dma_semaphore, #tpu.memory_space<semaphore_mem>>, %arg22: memref<!tpu.dma_semaphore, #tpu.memory_space<semaphore_mem>>, %arg23: memref<!tpu.dma_semaphore, #tpu.memory_space<semaphore_mem>>, %arg24: memref<!tpu.dma_semaphore, #tpu.memory_space<semaphore_mem>>, %arg25: memref<!tpu.dma_semaphore, #tpu.memory_space<semaphore_mem>>) attributes {dimension_semantics = [], scalar_prefetch = 0 : i64, scratch_operands = 20 : i64, tpu.core_type = #tpu.core_type<tc>} {
    %get3A = arith.constant 0 : index
    %get3A_0 = memref.load %arg2[%get3A] : memref<1xi32, #tpu.memory_space<smem>>
    %get3A_1 = arith.constant 0 : index
    %get3A_2 = memref.load %arg3[%get3A_1] : memref<1xi32, #tpu.memory_space<smem>>
    %get3A_3 = arith.constant 0 : index
    %get3A_4 = memref.load %arg4[%get3A_3] : memref<1xi32, #tpu.memory_space<smem>>
    %add3A = arith.addi %get3A_0, %get3A_2 : i32
    %add3A_5 = arith.constant 0 : i32
    %add3A_6 = arith.addi %add3A, %add3A_5 : i32
    %dma_start3A = arith.constant 0 : i32
    %dma_start3A_7 = arith.constant 0 : i32
    %dma_start3A_8 = arith.constant 0 : i32
    %dma_start3A_9 = tpu.memref_slice %arg0[%dma_start3A, %add3A_6, %dma_start3A_7, %dma_start3A_8] : memref<8x2048x8x128xf32, #tpu.memory_space<hbm>> -> memref<1x504x8x128xf32, #tpu.memory_space<hbm>>
    %dma_start3A_10 = tpu.memref_squeeze %dma_start3A_9 : memref<1x504x8x128xf32, #tpu.memory_space<hbm>> -> memref<504x8x128xf32, #tpu.memory_space<hbm>>
    tpu.enqueue_dma source(%dma_start3A_10 : memref<504x8x128xf32, #tpu.memory_space<hbm>>) target(%arg6 : memref<504x8x128xf32, #tpu.memory_space<vmem>>) target_semaphore(%arg13 : memref<!tpu.dma_semaphore, #tpu.memory_space<semaphore_mem>>)
    %add3A_11 = arith.constant 504 : i32
    %add3A_12 = arith.addi %add3A, %add3A_11 : i32
    %dma_start3A_13 = arith.constant 0 : i32
    %dma_start3A_14 = arith.constant 0 : i32
    %dma_start3A_15 = arith.constant 0 : i32
    %dma_start3A_16 = tpu.memref_slice %arg0[%dma_start3A_13, %add3A_12, %dma_start3A_14, %dma_start3A_15] : memref<8x2048x8x128xf32, #tpu.memory_space<hbm>> -> memref<1x504x8x128xf32, #tpu.memory_space<hbm>>
    %dma_start3A_17 = tpu.memref_squeeze %dma_start3A_16 : memref<1x504x8x128xf32, #tpu.memory_space<hbm>> -> memref<504x8x128xf32, #tpu.memory_space<hbm>>
    tpu.enqueue_dma source(%dma_start3A_17 : memref<504x8x128xf32, #tpu.memory_space<hbm>>) target(%arg7 : memref<504x8x128xf32, #tpu.memory_space<vmem>>) target_semaphore(%arg14 : memref<!tpu.dma_semaphore, #tpu.memory_space<semaphore_mem>>)
    %add3A_18 = arith.constant 0 : i32
    %add3A_19 = arith.addi %add3A, %add3A_18 : i32
    %dma_start3A_20 = arith.constant 1 : i32
    %dma_start3A_21 = arith.constant 0 : i32
    %dma_start3A_22 = arith.constant 0 : i32
    %dma_start3A_23 = tpu.memref_slice %arg0[%dma_start3A_20, %add3A_19, %dma_start3A_21, %dma_start3A_22] : memref<8x2048x8x128xf32, #tpu.memory_space<hbm>> -> memref<1x504x8x128xf32, #tpu.memory_space<hbm>>
    %dma_start3A_24 = tpu.memref_squeeze %dma_start3A_23 : memref<1x504x8x128xf32, #tpu.memory_space<hbm>> -> memref<504x8x128xf32, #tpu.memory_space<hbm>>
    tpu.enqueue_dma source(%dma_start3A_24 : memref<504x8x128xf32, #tpu.memory_space<hbm>>) target(%arg8 : memref<504x8x128xf32, #tpu.memory_space<vmem>>) target_semaphore(%arg15 : memref<!tpu.dma_semaphore, #tpu.memory_space<semaphore_mem>>)
    %dma_wait3A = arith.constant 0 : i32
    %dma_wait3A_25 = arith.constant 0 : i32
    %dma_wait3A_26 = arith.constant 0 : i32
    %dma_wait3A_27 = tpu.memref_slice %arg0[%dma_wait3A, %add3A_6, %dma_wait3A_25, %dma_wait3A_26] : memref<8x2048x8x128xf32, #tpu.memory_space<hbm>> -> memref<1x504x8x128xf32, #tpu.memory_space<hbm>>
    %dma_wait3A_28 = tpu.memref_squeeze %dma_wait3A_27 : memref<1x504x8x128xf32, #tpu.memory_space<hbm>> -> memref<504x8x128xf32, #tpu.memory_space<hbm>>
    tpu.wait_dma2 semaphore(%arg13 : memref<!tpu.dma_semaphore, #tpu.memory_space<semaphore_mem>>) src(%dma_wait3A_28 : memref<504x8x128xf32, #tpu.memory_space<hbm>>) dst(%arg6 : memref<504x8x128xf32, #tpu.memory_space<vmem>>)
    %dma_start3A_29 = arith.constant 0 : i32
    %dma_start3A_30 = arith.constant 0 : i32
    %dma_start3A_31 = arith.constant 0 : i32
    %dma_start3A_32 = arith.constant 0 : i32
    %dma_start3A_33 = tpu.memref_slice %arg5[%dma_start3A_29, %dma_start3A_30, %dma_start3A_31, %dma_start3A_32] : memref<8x1024x8x128xf32, #tpu.memory_space<hbm>> -> memref<1x504x8x128xf32, #tpu.memory_space<hbm>>
    %dma_start3A_34 = tpu.memref_squeeze %dma_start3A_33 : memref<1x504x8x128xf32, #tpu.memory_space<hbm>> -> memref<504x8x128xf32, #tpu.memory_space<hbm>>
    tpu.enqueue_dma source(%arg6 : memref<504x8x128xf32, #tpu.memory_space<vmem>>) target(%dma_start3A_34 : memref<504x8x128xf32, #tpu.memory_space<hbm>>) target_semaphore(%arg19 : memref<!tpu.dma_semaphore, #tpu.memory_space<semaphore_mem>>)
    %add3A_35 = arith.constant 504 : i32
    %add3A_36 = arith.addi %add3A, %add3A_35 : i32
    %dma_start3A_37 = arith.constant 1 : i32
    %dma_start3A_38 = arith.constant 0 : i32
    %dma_start3A_39 = arith.constant 0 : i32
    %dma_start3A_40 = tpu.memref_slice %arg0[%dma_start3A_37, %add3A_36, %dma_start3A_38, %dma_start3A_39] : memref<8x2048x8x128xf32, #tpu.memory_space<hbm>> -> memref<1x504x8x128xf32, #tpu.memory_space<hbm>>
    %dma_start3A_41 = tpu.memref_squeeze %dma_start3A_40 : memref<1x504x8x128xf32, #tpu.memory_space<hbm>> -> memref<504x8x128xf32, #tpu.memory_space<hbm>>
    tpu.enqueue_dma source(%dma_start3A_41 : memref<504x8x128xf32, #tpu.memory_space<hbm>>) target(%arg9 : memref<504x8x128xf32, #tpu.memory_space<vmem>>) target_semaphore(%arg16 : memref<!tpu.dma_semaphore, #tpu.memory_space<semaphore_mem>>)
    %dma_wait3A_42 = arith.constant 0 : i32
    %dma_wait3A_43 = arith.constant 0 : i32
    %dma_wait3A_44 = arith.constant 0 : i32
    %dma_wait3A_45 = tpu.memref_slice %arg0[%dma_wait3A_42, %add3A_12, %dma_wait3A_43, %dma_wait3A_44] : memref<8x2048x8x128xf32, #tpu.memory_space<hbm>> -> memref<1x504x8x128xf32, #tpu.memory_space<hbm>>
    %dma_wait3A_46 = tpu.memref_squeeze %dma_wait3A_45 : memref<1x504x8x128xf32, #tpu.memory_space<hbm>> -> memref<504x8x128xf32, #tpu.memory_space<hbm>>
    tpu.wait_dma2 semaphore(%arg14 : memref<!tpu.dma_semaphore, #tpu.memory_space<semaphore_mem>>) src(%dma_wait3A_46 : memref<504x8x128xf32, #tpu.memory_space<hbm>>) dst(%arg7 : memref<504x8x128xf32, #tpu.memory_space<vmem>>)
    %dma_start3A_47 = arith.constant 0 : i32
    %dma_start3A_48 = arith.constant 504 : i32
    %dma_start3A_49 = arith.constant 0 : i32
    %dma_start3A_50 = arith.constant 0 : i32
    %dma_start3A_51 = tpu.memref_slice %arg5[%dma_start3A_47, %dma_start3A_48, %dma_start3A_49, %dma_start3A_50] : memref<8x1024x8x128xf32, #tpu.memory_space<hbm>> -> memref<1x504x8x128xf32, #tpu.memory_space<hbm>>
    %dma_start3A_52 = tpu.memref_squeeze %dma_start3A_51 : memref<1x504x8x128xf32, #tpu.memory_space<hbm>> -> memref<504x8x128xf32, #tpu.memory_space<hbm>>
    tpu.enqueue_dma source(%arg7 : memref<504x8x128xf32, #tpu.memory_space<vmem>>) target(%dma_start3A_52 : memref<504x8x128xf32, #tpu.memory_space<hbm>>) target_semaphore(%arg20 : memref<!tpu.dma_semaphore, #tpu.memory_space<semaphore_mem>>)
    %add3A_53 = arith.constant 0 : i32
    %add3A_54 = arith.addi %add3A, %add3A_53 : i32
    %dma_start3A_55 = arith.constant 2 : i32
    %dma_start3A_56 = arith.constant 0 : i32
    %dma_start3A_57 = arith.constant 0 : i32
    %dma_start3A_58 = tpu.memref_slice %arg0[%dma_start3A_55, %add3A_54, %dma_start3A_56, %dma_start3A_57] : memref<8x2048x8x128xf32, #tpu.memory_space<hbm>> -> memref<1x504x8x128xf32, #tpu.memory_space<hbm>>
    %dma_start3A_59 = tpu.memref_squeeze %dma_start3A_58 : memref<1x504x8x128xf32, #tpu.memory_space<hbm>> -> memref<504x8x128xf32, #tpu.memory_space<hbm>>
    tpu.enqueue_dma source(%dma_start3A_59 : memref<504x8x128xf32, #tpu.memory_space<hbm>>) target(%arg10 : memref<504x8x128xf32, #tpu.memory_space<vmem>>) target_semaphore(%arg17 : memref<!tpu.dma_semaphore, #tpu.memory_space<semaphore_mem>>)
    %dma_wait3A_60 = arith.constant 1 : i32
    %dma_wait3A_61 = arith.constant 0 : i32
    %dma_wait3A_62 = arith.constant 0 : i32
    %dma_wait3A_63 = tpu.memref_slice %arg0[%dma_wait3A_60, %add3A_19, %dma_wait3A_61, %dma_wait3A_62] : memref<8x2048x8x128xf32, #tpu.memory_space<hbm>> -> memref<1x504x8x128xf32, #tpu.memory_space<hbm>>
    %dma_wait3A_64 = tpu.memref_squeeze %dma_wait3A_63 : memref<1x504x8x128xf32, #tpu.memory_space<hbm>> -> memref<504x8x128xf32, #tpu.memory_space<hbm>>
    tpu.wait_dma2 semaphore(%arg15 : memref<!tpu.dma_semaphore, #tpu.memory_space<semaphore_mem>>) src(%dma_wait3A_64 : memref<504x8x128xf32, #tpu.memory_space<hbm>>) dst(%arg8 : memref<504x8x128xf32, #tpu.memory_space<vmem>>)
    %dma_start3A_65 = arith.constant 1 : i32
    %dma_start3A_66 = arith.constant 0 : i32
    %dma_start3A_67 = arith.constant 0 : i32
    %dma_start3A_68 = arith.constant 0 : i32
    %dma_start3A_69 = tpu.memref_slice %arg5[%dma_start3A_65, %dma_start3A_66, %dma_start3A_67, %dma_start3A_68] : memref<8x1024x8x128xf32, #tpu.memory_space<hbm>> -> memref<1x504x8x128xf32, #tpu.memory_space<hbm>>
    %dma_start3A_70 = tpu.memref_squeeze %dma_start3A_69 : memref<1x504x8x128xf32, #tpu.memory_space<hbm>> -> memref<504x8x128xf32, #tpu.memory_space<hbm>>
    tpu.enqueue_dma source(%arg8 : memref<504x8x128xf32, #tpu.memory_space<vmem>>) target(%dma_start3A_70 : memref<504x8x128xf32, #tpu.memory_space<hbm>>) target_semaphore(%arg21 : memref<!tpu.dma_semaphore, #tpu.memory_space<semaphore_mem>>)
    %add3A_71 = arith.constant 504 : i32
    %add3A_72 = arith.addi %add3A, %add3A_71 : i32
    %dma_start3A_73 = arith.constant 2 : i32
    %dma_start3A_74 = arith.constant 0 : i32
    %dma_start3A_75 = arith.constant 0 : i32
    %dma_start3A_76 = tpu.memref_slice %arg0[%dma_start3A_73, %add3A_72, %dma_start3A_74, %dma_start3A_75] : memref<8x2048x8x128xf32, #tpu.memory_space<hbm>> -> memref<1x504x8x128xf32, #tpu.memory_space<hbm>>
    %dma_start3A_77 = tpu.memref_squeeze %dma_start3A_76 : memref<1x504x8x128xf32, #tpu.memory_space<hbm>> -> memref<504x8x128xf32, #tpu.memory_space<hbm>>
    tpu.enqueue_dma source(%dma_start3A_77 : memref<504x8x128xf32, #tpu.memory_space<hbm>>) target(%arg11 : memref<504x8x128xf32, #tpu.memory_space<vmem>>) target_semaphore(%arg18 : memref<!tpu.dma_semaphore, #tpu.memory_space<semaphore_mem>>)
    %dma_wait3A_78 = arith.constant 1 : i32
    %dma_wait3A_79 = arith.constant 0 : i32
    %dma_wait3A_80 = arith.constant 0 : i32
    %dma_wait3A_81 = tpu.memref_slice %arg0[%dma_wait3A_78, %add3A_36, %dma_wait3A_79, %dma_wait3A_80] : memref<8x2048x8x128xf32, #tpu.memory_space<hbm>> -> memref<1x504x8x128xf32, #tpu.memory_space<hbm>>
    %dma_wait3A_82 = tpu.memref_squeeze %dma_wait3A_81 : memref<1x504x8x128xf32, #tpu.memory_space<hbm>> -> memref<504x8x128xf32, #tpu.memory_space<hbm>>
    tpu.wait_dma2 semaphore(%arg16 : memref<!tpu.dma_semaphore, #tpu.memory_space<semaphore_mem>>) src(%dma_wait3A_82 : memref<504x8x128xf32, #tpu.memory_space<hbm>>) dst(%arg9 : memref<504x8x128xf32, #tpu.memory_space<vmem>>)
    %dma_start3A_83 = arith.constant 1 : i32
    %dma_start3A_84 = arith.constant 504 : i32
    %dma_start3A_85 = arith.constant 0 : i32
    %dma_start3A_86 = arith.constant 0 : i32
    %dma_start3A_87 = tpu.memref_slice %arg5[%dma_start3A_83, %dma_start3A_84, %dma_start3A_85, %dma_start3A_86] : memref<8x1024x8x128xf32, #tpu.memory_space<hbm>> -> memref<1x504x8x128xf32, #tpu.memory_space<hbm>>
    %dma_start3A_88 = tpu.memref_squeeze %dma_start3A_87 : memref<1x504x8x128xf32, #tpu.memory_space<hbm>> -> memref<504x8x128xf32, #tpu.memory_space<hbm>>
    tpu.enqueue_dma source(%arg9 : memref<504x8x128xf32, #tpu.memory_space<vmem>>) target(%dma_start3A_88 : memref<504x8x128xf32, #tpu.memory_space<hbm>>) target_semaphore(%arg22 : memref<!tpu.dma_semaphore, #tpu.memory_space<semaphore_mem>>)
    %dma_wait3A_89 = arith.constant 0 : i32
    %dma_wait3A_90 = arith.constant 0 : i32
    %dma_wait3A_91 = arith.constant 0 : i32
    %dma_wait3A_92 = arith.constant 0 : i32
    %dma_wait3A_93 = tpu.memref_slice %arg5[%dma_wait3A_89, %dma_wait3A_90, %dma_wait3A_91, %dma_wait3A_92] : memref<8x1024x8x128xf32, #tpu.memory_space<hbm>> -> memref<1x504x8x128xf32, #tpu.memory_space<hbm>>
    %dma_wait3A_94 = tpu.memref_squeeze %dma_wait3A_93 : memref<1x504x8x128xf32, #tpu.memory_space<hbm>> -> memref<504x8x128xf32, #tpu.memory_space<hbm>>
    tpu.wait_dma2 semaphore(%arg19 : memref<!tpu.dma_semaphore, #tpu.memory_space<semaphore_mem>>) src(%arg6 : memref<504x8x128xf32, #tpu.memory_space<vmem>>) dst(%dma_wait3A_94 : memref<504x8x128xf32, #tpu.memory_space<hbm>>)
    %add3A_95 = arith.constant 0 : i32
    %add3A_96 = arith.addi %add3A, %add3A_95 : i32
    %dma_start3A_97 = arith.constant 3 : i32
    %dma_start3A_98 = arith.constant 0 : i32
    %dma_start3A_99 = arith.constant 0 : i32
    %dma_start3A_100 = tpu.memref_slice %arg0[%dma_start3A_97, %add3A_96, %dma_start3A_98, %dma_start3A_99] : memref<8x2048x8x128xf32, #tpu.memory_space<hbm>> -> memref<1x504x8x128xf32, #tpu.memory_space<hbm>>
    %dma_start3A_101 = tpu.memref_squeeze %dma_start3A_100 : memref<1x504x8x128xf32, #tpu.memory_space<hbm>> -> memref<504x8x128xf32, #tpu.memory_space<hbm>>
    tpu.enqueue_dma source(%dma_start3A_101 : memref<504x8x128xf32, #tpu.memory_space<hbm>>) target(%arg6 : memref<504x8x128xf32, #tpu.memory_space<vmem>>) target_semaphore(%arg13 : memref<!tpu.dma_semaphore, #tpu.memory_space<semaphore_mem>>)
    %dma_wait3A_102 = arith.constant 2 : i32
    %dma_wait3A_103 = arith.constant 0 : i32
    %dma_wait3A_104 = arith.constant 0 : i32
    %dma_wait3A_105 = tpu.memref_slice %arg0[%dma_wait3A_102, %add3A_54, %dma_wait3A_103, %dma_wait3A_104] : memref<8x2048x8x128xf32, #tpu.memory_space<hbm>> -> memref<1x504x8x128xf32, #tpu.memory_space<hbm>>
    %dma_wait3A_106 = tpu.memref_squeeze %dma_wait3A_105 : memref<1x504x8x128xf32, #tpu.memory_space<hbm>> -> memref<504x8x128xf32, #tpu.memory_space<hbm>>
    tpu.wait_dma2 semaphore(%arg17 : memref<!tpu.dma_semaphore, #tpu.memory_space<semaphore_mem>>) src(%dma_wait3A_106 : memref<504x8x128xf32, #tpu.memory_space<hbm>>) dst(%arg10 : memref<504x8x128xf32, #tpu.memory_space<vmem>>)
    %dma_start3A_107 = arith.constant 2 : i32
    %dma_start3A_108 = arith.constant 0 : i32
    %dma_start3A_109 = arith.constant 0 : i32
    %dma_start3A_110 = arith.constant 0 : i32
    %dma_start3A_111 = tpu.memref_slice %arg5[%dma_start3A_107, %dma_start3A_108, %dma_start3A_109, %dma_start3A_110] : memref<8x1024x8x128xf32, #tpu.memory_space<hbm>> -> memref<1x504x8x128xf32, #tpu.memory_space<hbm>>
    %dma_start3A_112 = tpu.memref_squeeze %dma_start3A_111 : memref<1x504x8x128xf32, #tpu.memory_space<hbm>> -> memref<504x8x128xf32, #tpu.memory_space<hbm>>
    tpu.enqueue_dma source(%arg10 : memref<504x8x128xf32, #tpu.memory_space<vmem>>) target(%dma_start3A_112 : memref<504x8x128xf32, #tpu.memory_space<hbm>>) target_semaphore(%arg23 : memref<!tpu.dma_semaphore, #tpu.memory_space<semaphore_mem>>)
    %dma_wait3A_113 = arith.constant 0 : i32
    %dma_wait3A_114 = arith.constant 504 : i32
    %dma_wait3A_115 = arith.constant 0 : i32
    %dma_wait3A_116 = arith.constant 0 : i32
    %dma_wait3A_117 = tpu.memref_slice %arg5[%dma_wait3A_113, %dma_wait3A_114, %dma_wait3A_115, %dma_wait3A_116] : memref<8x1024x8x128xf32, #tpu.memory_space<hbm>> -> memref<1x504x8x128xf32, #tpu.memory_space<hbm>>
    %dma_wait3A_118 = tpu.memref_squeeze %dma_wait3A_117 : memref<1x504x8x128xf32, #tpu.memory_space<hbm>> -> memref<504x8x128xf32, #tpu.memory_space<hbm>>
    tpu.wait_dma2 semaphore(%arg20 : memref<!tpu.dma_semaphore, #tpu.memory_space<semaphore_mem>>) src(%arg7 : memref<504x8x128xf32, #tpu.memory_space<vmem>>) dst(%dma_wait3A_118 : memref<504x8x128xf32, #tpu.memory_space<hbm>>)
    %add3A_119 = arith.constant 504 : i32
    %add3A_120 = arith.addi %add3A, %add3A_119 : i32
    %dma_start3A_121 = arith.constant 3 : i32
    %dma_start3A_122 = arith.constant 0 : i32
    %dma_start3A_123 = arith.constant 0 : i32
    %dma_start3A_124 = tpu.memref_slice %arg0[%dma_start3A_121, %add3A_120, %dma_start3A_122, %dma_start3A_123] : memref<8x2048x8x128xf32, #tpu.memory_space<hbm>> -> memref<1x504x8x128xf32, #tpu.memory_space<hbm>>
    %dma_start3A_125 = tpu.memref_squeeze %dma_start3A_124 : memref<1x504x8x128xf32, #tpu.memory_space<hbm>> -> memref<504x8x128xf32, #tpu.memory_space<hbm>>
    tpu.enqueue_dma source(%dma_start3A_125 : memref<504x8x128xf32, #tpu.memory_space<hbm>>) target(%arg7 : memref<504x8x128xf32, #tpu.memory_space<vmem>>) target_semaphore(%arg14 : memref<!tpu.dma_semaphore, #tpu.memory_space<semaphore_mem>>)
    %dma_wait3A_126 = arith.constant 2 : i32
    %dma_wait3A_127 = arith.constant 0 : i32
    %dma_wait3A_128 = arith.constant 0 : i32
    %dma_wait3A_129 = tpu.memref_slice %arg0[%dma_wait3A_126, %add3A_72, %dma_wait3A_127, %dma_wait3A_128] : memref<8x2048x8x128xf32, #tpu.memory_space<hbm>> -> memref<1x504x8x128xf32, #tpu.memory_space<hbm>>
    %dma_wait3A_130 = tpu.memref_squeeze %dma_wait3A_129 : memref<1x504x8x128xf32, #tpu.memory_space<hbm>> -> memref<504x8x128xf32, #tpu.memory_space<hbm>>
    tpu.wait_dma2 semaphore(%arg18 : memref<!tpu.dma_semaphore, #tpu.memory_space<semaphore_mem>>) src(%dma_wait3A_130 : memref<504x8x128xf32, #tpu.memory_space<hbm>>) dst(%arg11 : memref<504x8x128xf32, #tpu.memory_space<vmem>>)
    %dma_start3A_131 = arith.constant 2 : i32
    %dma_start3A_132 = arith.constant 504 : i32
    %dma_start3A_133 = arith.constant 0 : i32
    %dma_start3A_134 = arith.constant 0 : i32
    %dma_start3A_135 = tpu.memref_slice %arg5[%dma_start3A_131, %dma_start3A_132, %dma_start3A_133, %dma_start3A_134] : memref<8x1024x8x128xf32, #tpu.memory_space<hbm>> -> memref<1x504x8x128xf32, #tpu.memory_space<hbm>>
    %dma_start3A_136 = tpu.memref_squeeze %dma_start3A_135 : memref<1x504x8x128xf32, #tpu.memory_space<hbm>> -> memref<504x8x128xf32, #tpu.memory_space<hbm>>
    tpu.enqueue_dma source(%arg11 : memref<504x8x128xf32, #tpu.memory_space<vmem>>) target(%dma_start3A_136 : memref<504x8x128xf32, #tpu.memory_space<hbm>>) target_semaphore(%arg24 : memref<!tpu.dma_semaphore, #tpu.memory_space<semaphore_mem>>)
    %dma_wait3A_137 = arith.constant 1 : i32
    %dma_wait3A_138 = arith.constant 0 : i32
    %dma_wait3A_139 = arith.constant 0 : i32
    %dma_wait3A_140 = arith.constant 0 : i32
    %dma_wait3A_141 = tpu.memref_slice %arg5[%dma_wait3A_137, %dma_wait3A_138, %dma_wait3A_139, %dma_wait3A_140] : memref<8x1024x8x128xf32, #tpu.memory_space<hbm>> -> memref<1x504x8x128xf32, #tpu.memory_space<hbm>>
    %dma_wait3A_142 = tpu.memref_squeeze %dma_wait3A_141 : memref<1x504x8x128xf32, #tpu.memory_space<hbm>> -> memref<504x8x128xf32, #tpu.memory_space<hbm>>
    tpu.wait_dma2 semaphore(%arg21 : memref<!tpu.dma_semaphore, #tpu.memory_space<semaphore_mem>>) src(%arg8 : memref<504x8x128xf32, #tpu.memory_space<vmem>>) dst(%dma_wait3A_142 : memref<504x8x128xf32, #tpu.memory_space<hbm>>)
    %add3A_143 = arith.constant 0 : i32
    %add3A_144 = arith.addi %add3A, %add3A_143 : i32
    %dma_start3A_145 = arith.constant 4 : i32
    %dma_start3A_146 = arith.constant 0 : i32
    %dma_start3A_147 = arith.constant 0 : i32
    %dma_start3A_148 = tpu.memref_slice %arg0[%dma_start3A_145, %add3A_144, %dma_start3A_146, %dma_start3A_147] : memref<8x2048x8x128xf32, #tpu.memory_space<hbm>> -> memref<1x504x8x128xf32, #tpu.memory_space<hbm>>
    %dma_start3A_149 = tpu.memref_squeeze %dma_start3A_148 : memref<1x504x8x128xf32, #tpu.memory_space<hbm>> -> memref<504x8x128xf32, #tpu.memory_space<hbm>>
    tpu.enqueue_dma source(%dma_start3A_149 : memref<504x8x128xf32, #tpu.memory_space<hbm>>) target(%arg8 : memref<504x8x128xf32, #tpu.memory_space<vmem>>) target_semaphore(%arg15 : memref<!tpu.dma_semaphore, #tpu.memory_space<semaphore_mem>>)
    %dma_wait3A_150 = arith.constant 3 : i32
    %dma_wait3A_151 = arith.constant 0 : i32
    %dma_wait3A_152 = arith.constant 0 : i32
    %dma_wait3A_153 = tpu.memref_slice %arg0[%dma_wait3A_150, %add3A_96, %dma_wait3A_151, %dma_wait3A_152] : memref<8x2048x8x128xf32, #tpu.memory_space<hbm>> -> memref<1x504x8x128xf32, #tpu.memory_space<hbm>>
    %dma_wait3A_154 = tpu.memref_squeeze %dma_wait3A_153 : memref<1x504x8x128xf32, #tpu.memory_space<hbm>> -> memref<504x8x128xf32, #tpu.memory_space<hbm>>
    tpu.wait_dma2 semaphore(%arg13 : memref<!tpu.dma_semaphore, #tpu.memory_space<semaphore_mem>>) src(%dma_wait3A_154 : memref<504x8x128xf32, #tpu.memory_space<hbm>>) dst(%arg6 : memref<504x8x128xf32, #tpu.memory_space<vmem>>)
    %dma_start3A_155 = arith.constant 3 : i32
    %dma_start3A_156 = arith.constant 0 : i32
    %dma_start3A_157 = arith.constant 0 : i32
    %dma_start3A_158 = arith.constant 0 : i32
    %dma_start3A_159 = tpu.memref_slice %arg5[%dma_start3A_155, %dma_start3A_156, %dma_start3A_157, %dma_start3A_158] : memref<8x1024x8x128xf32, #tpu.memory_space<hbm>> -> memref<1x504x8x128xf32, #tpu.memory_space<hbm>>
    %dma_start3A_160 = tpu.memref_squeeze %dma_start3A_159 : memref<1x504x8x128xf32, #tpu.memory_space<hbm>> -> memref<504x8x128xf32, #tpu.memory_space<hbm>>
    tpu.enqueue_dma source(%arg6 : memref<504x8x128xf32, #tpu.memory_space<vmem>>) target(%dma_start3A_160 : memref<504x8x128xf32, #tpu.memory_space<hbm>>) target_semaphore(%arg19 : memref<!tpu.dma_semaphore, #tpu.memory_space<semaphore_mem>>)
    %dma_wait3A_161 = arith.constant 1 : i32
    %dma_wait3A_162 = arith.constant 504 : i32
    %dma_wait3A_163 = arith.constant 0 : i32
    %dma_wait3A_164 = arith.constant 0 : i32
    %dma_wait3A_165 = tpu.memref_slice %arg5[%dma_wait3A_161, %dma_wait3A_162, %dma_wait3A_163, %dma_wait3A_164] : memref<8x1024x8x128xf32, #tpu.memory_space<hbm>> -> memref<1x504x8x128xf32, #tpu.memory_space<hbm>>
    %dma_wait3A_166 = tpu.memref_squeeze %dma_wait3A_165 : memref<1x504x8x128xf32, #tpu.memory_space<hbm>> -> memref<504x8x128xf32, #tpu.memory_space<hbm>>
    tpu.wait_dma2 semaphore(%arg22 : memref<!tpu.dma_semaphore, #tpu.memory_space<semaphore_mem>>) src(%arg9 : memref<504x8x128xf32, #tpu.memory_space<vmem>>) dst(%dma_wait3A_166 : memref<504x8x128xf32, #tpu.memory_space<hbm>>)
    %add3A_167 = arith.constant 504 : i32
    %add3A_168 = arith.addi %add3A, %add3A_167 : i32
    %dma_start3A_169 = arith.constant 4 : i32
    %dma_start3A_170 = arith.constant 0 : i32
    %dma_start3A_171 = arith.constant 0 : i32
    %dma_start3A_172 = tpu.memref_slice %arg0[%dma_start3A_169, %add3A_168, %dma_start3A_170, %dma_start3A_171] : memref<8x2048x8x128xf32, #tpu.memory_space<hbm>> -> memref<1x504x8x128xf32, #tpu.memory_space<hbm>>
    %dma_start3A_173 = tpu.memref_squeeze %dma_start3A_172 : memref<1x504x8x128xf32, #tpu.memory_space<hbm>> -> memref<504x8x128xf32, #tpu.memory_space<hbm>>
    tpu.enqueue_dma source(%dma_start3A_173 : memref<504x8x128xf32, #tpu.memory_space<hbm>>) target(%arg9 : memref<504x8x128xf32, #tpu.memory_space<vmem>>) target_semaphore(%arg16 : memref<!tpu.dma_semaphore, #tpu.memory_space<semaphore_mem>>)
    %dma_wait3A_174 = arith.constant 3 : i32
    %dma_wait3A_175 = arith.constant 0 : i32
    %dma_wait3A_176 = arith.constant 0 : i32
    %dma_wait3A_177 = tpu.memref_slice %arg0[%dma_wait3A_174, %add3A_120, %dma_wait3A_175, %dma_wait3A_176] : memref<8x2048x8x128xf32, #tpu.memory_space<hbm>> -> memref<1x504x8x128xf32, #tpu.memory_space<hbm>>
    %dma_wait3A_178 = tpu.memref_squeeze %dma_wait3A_177 : memref<1x504x8x128xf32, #tpu.memory_space<hbm>> -> memref<504x8x128xf32, #tpu.memory_space<hbm>>
    tpu.wait_dma2 semaphore(%arg14 : memref<!tpu.dma_semaphore, #tpu.memory_space<semaphore_mem>>) src(%dma_wait3A_178 : memref<504x8x128xf32, #tpu.memory_space<hbm>>) dst(%arg7 : memref<504x8x128xf32, #tpu.memory_space<vmem>>)
    %dma_start3A_179 = arith.constant 3 : i32
    %dma_start3A_180 = arith.constant 504 : i32
    %dma_start3A_181 = arith.constant 0 : i32
    %dma_start3A_182 = arith.constant 0 : i32
    %dma_start3A_183 = tpu.memref_slice %arg5[%dma_start3A_179, %dma_start3A_180, %dma_start3A_181, %dma_start3A_182] : memref<8x1024x8x128xf32, #tpu.memory_space<hbm>> -> memref<1x504x8x128xf32, #tpu.memory_space<hbm>>
    %dma_start3A_184 = tpu.memref_squeeze %dma_start3A_183 : memref<1x504x8x128xf32, #tpu.memory_space<hbm>> -> memref<504x8x128xf32, #tpu.memory_space<hbm>>
    tpu.enqueue_dma source(%arg7 : memref<504x8x128xf32, #tpu.memory_space<vmem>>) target(%dma_start3A_184 : memref<504x8x128xf32, #tpu.memory_space<hbm>>) target_semaphore(%arg20 : memref<!tpu.dma_semaphore, #tpu.memory_space<semaphore_mem>>)
    %dma_wait3A_185 = arith.constant 2 : i32
    %dma_wait3A_186 = arith.constant 0 : i32
    %dma_wait3A_187 = arith.constant 0 : i32
    %dma_wait3A_188 = arith.constant 0 : i32
    %dma_wait3A_189 = tpu.memref_slice %arg5[%dma_wait3A_185, %dma_wait3A_186, %dma_wait3A_187, %dma_wait3A_188] : memref<8x1024x8x128xf32, #tpu.memory_space<hbm>> -> memref<1x504x8x128xf32, #tpu.memory_space<hbm>>
    %dma_wait3A_190 = tpu.memref_squeeze %dma_wait3A_189 : memref<1x504x8x128xf32, #tpu.memory_space<hbm>> -> memref<504x8x128xf32, #tpu.memory_space<hbm>>
    tpu.wait_dma2 semaphore(%arg23 : memref<!tpu.dma_semaphore, #tpu.memory_space<semaphore_mem>>) src(%arg10 : memref<504x8x128xf32, #tpu.memory_space<vmem>>) dst(%dma_wait3A_190 : memref<504x8x128xf32, #tpu.memory_space<hbm>>)
    %add3A_191 = arith.constant 0 : i32
    %add3A_192 = arith.addi %add3A, %add3A_191 : i32
    %dma_start3A_193 = arith.constant 5 : i32
    %dma_start3A_194 = arith.constant 0 : i32
    %dma_start3A_195 = arith.constant 0 : i32
    %dma_start3A_196 = tpu.memref_slice %arg0[%dma_start3A_193, %add3A_192, %dma_start3A_194, %dma_start3A_195] : memref<8x2048x8x128xf32, #tpu.memory_space<hbm>> -> memref<1x504x8x128xf32, #tpu.memory_space<hbm>>
    %dma_start3A_197 = tpu.memref_squeeze %dma_start3A_196 : memref<1x504x8x128xf32, #tpu.memory_space<hbm>> -> memref<504x8x128xf32, #tpu.memory_space<hbm>>
    tpu.enqueue_dma source(%dma_start3A_197 : memref<504x8x128xf32, #tpu.memory_space<hbm>>) target(%arg10 : memref<504x8x128xf32, #tpu.memory_space<vmem>>) target_semaphore(%arg17 : memref<!tpu.dma_semaphore, #tpu.memory_space<semaphore_mem>>)
    %dma_wait3A_198 = arith.constant 4 : i32
    %dma_wait3A_199 = arith.constant 0 : i32
    %dma_wait3A_200 = arith.constant 0 : i32
    %dma_wait3A_201 = tpu.memref_slice %arg0[%dma_wait3A_198, %add3A_144, %dma_wait3A_199, %dma_wait3A_200] : memref<8x2048x8x128xf32, #tpu.memory_space<hbm>> -> memref<1x504x8x128xf32, #tpu.memory_space<hbm>>
    %dma_wait3A_202 = tpu.memref_squeeze %dma_wait3A_201 : memref<1x504x8x128xf32, #tpu.memory_space<hbm>> -> memref<504x8x128xf32, #tpu.memory_space<hbm>>
    tpu.wait_dma2 semaphore(%arg15 : memref<!tpu.dma_semaphore, #tpu.memory_space<semaphore_mem>>) src(%dma_wait3A_202 : memref<504x8x128xf32, #tpu.memory_space<hbm>>) dst(%arg8 : memref<504x8x128xf32, #tpu.memory_space<vmem>>)
    %dma_start3A_203 = arith.constant 4 : i32
    %dma_start3A_204 = arith.constant 0 : i32
    %dma_start3A_205 = arith.constant 0 : i32
    %dma_start3A_206 = arith.constant 0 : i32
    %dma_start3A_207 = tpu.memref_slice %arg5[%dma_start3A_203, %dma_start3A_204, %dma_start3A_205, %dma_start3A_206] : memref<8x1024x8x128xf32, #tpu.memory_space<hbm>> -> memref<1x504x8x128xf32, #tpu.memory_space<hbm>>
    %dma_start3A_208 = tpu.memref_squeeze %dma_start3A_207 : memref<1x504x8x128xf32, #tpu.memory_space<hbm>> -> memref<504x8x128xf32, #tpu.memory_space<hbm>>
    tpu.enqueue_dma source(%arg8 : memref<504x8x128xf32, #tpu.memory_space<vmem>>) target(%dma_start3A_208 : memref<504x8x128xf32, #tpu.memory_space<hbm>>) target_semaphore(%arg21 : memref<!tpu.dma_semaphore, #tpu.memory_space<semaphore_mem>>)
    %dma_wait3A_209 = arith.constant 2 : i32
    %dma_wait3A_210 = arith.constant 504 : i32
    %dma_wait3A_211 = arith.constant 0 : i32
    %dma_wait3A_212 = arith.constant 0 : i32
    %dma_wait3A_213 = tpu.memref_slice %arg5[%dma_wait3A_209, %dma_wait3A_210, %dma_wait3A_211, %dma_wait3A_212] : memref<8x1024x8x128xf32, #tpu.memory_space<hbm>> -> memref<1x504x8x128xf32, #tpu.memory_space<hbm>>
    %dma_wait3A_214 = tpu.memref_squeeze %dma_wait3A_213 : memref<1x504x8x128xf32, #tpu.memory_space<hbm>> -> memref<504x8x128xf32, #tpu.memory_space<hbm>>
    tpu.wait_dma2 semaphore(%arg24 : memref<!tpu.dma_semaphore, #tpu.memory_space<semaphore_mem>>) src(%arg11 : memref<504x8x128xf32, #tpu.memory_space<vmem>>) dst(%dma_wait3A_214 : memref<504x8x128xf32, #tpu.memory_space<hbm>>)
    %add3A_215 = arith.constant 504 : i32
    %add3A_216 = arith.addi %add3A, %add3A_215 : i32
    %dma_start3A_217 = arith.constant 5 : i32
    %dma_start3A_218 = arith.constant 0 : i32
    %dma_start3A_219 = arith.constant 0 : i32
    %dma_start3A_220 = tpu.memref_slice %arg0[%dma_start3A_217, %add3A_216, %dma_start3A_218, %dma_start3A_219] : memref<8x2048x8x128xf32, #tpu.memory_space<hbm>> -> memref<1x504x8x128xf32, #tpu.memory_space<hbm>>
    %dma_start3A_221 = tpu.memref_squeeze %dma_start3A_220 : memref<1x504x8x128xf32, #tpu.memory_space<hbm>> -> memref<504x8x128xf32, #tpu.memory_space<hbm>>
    tpu.enqueue_dma source(%dma_start3A_221 : memref<504x8x128xf32, #tpu.memory_space<hbm>>) target(%arg11 : memref<504x8x128xf32, #tpu.memory_space<vmem>>) target_semaphore(%arg18 : memref<!tpu.dma_semaphore, #tpu.memory_space<semaphore_mem>>)
    %dma_wait3A_222 = arith.constant 4 : i32
    %dma_wait3A_223 = arith.constant 0 : i32
    %dma_wait3A_224 = arith.constant 0 : i32
    %dma_wait3A_225 = tpu.memref_slice %arg0[%dma_wait3A_222, %add3A_168, %dma_wait3A_223, %dma_wait3A_224] : memref<8x2048x8x128xf32, #tpu.memory_space<hbm>> -> memref<1x504x8x128xf32, #tpu.memory_space<hbm>>
    %dma_wait3A_226 = tpu.memref_squeeze %dma_wait3A_225 : memref<1x504x8x128xf32, #tpu.memory_space<hbm>> -> memref<504x8x128xf32, #tpu.memory_space<hbm>>
    tpu.wait_dma2 semaphore(%arg16 : memref<!tpu.dma_semaphore, #tpu.memory_space<semaphore_mem>>) src(%dma_wait3A_226 : memref<504x8x128xf32, #tpu.memory_space<hbm>>) dst(%arg9 : memref<504x8x128xf32, #tpu.memory_space<vmem>>)
    %dma_start3A_227 = arith.constant 4 : i32
    %dma_start3A_228 = arith.constant 504 : i32
    %dma_start3A_229 = arith.constant 0 : i32
    %dma_start3A_230 = arith.constant 0 : i32
    %dma_start3A_231 = tpu.memref_slice %arg5[%dma_start3A_227, %dma_start3A_228, %dma_start3A_229, %dma_start3A_230] : memref<8x1024x8x128xf32, #tpu.memory_space<hbm>> -> memref<1x504x8x128xf32, #tpu.memory_space<hbm>>
    %dma_start3A_232 = tpu.memref_squeeze %dma_start3A_231 : memref<1x504x8x128xf32, #tpu.memory_space<hbm>> -> memref<504x8x128xf32, #tpu.memory_space<hbm>>
    tpu.enqueue_dma source(%arg9 : memref<504x8x128xf32, #tpu.memory_space<vmem>>) target(%dma_start3A_232 : memref<504x8x128xf32, #tpu.memory_space<hbm>>) target_semaphore(%arg22 : memref<!tpu.dma_semaphore, #tpu.memory_space<semaphore_mem>>)
    %dma_wait3A_233 = arith.constant 3 : i32
    %dma_wait3A_234 = arith.constant 0 : i32
    %dma_wait3A_235 = arith.constant 0 : i32
    %dma_wait3A_236 = arith.constant 0 : i32
    %dma_wait3A_237 = tpu.memref_slice %arg5[%dma_wait3A_233, %dma_wait3A_234, %dma_wait3A_235, %dma_wait3A_236] : memref<8x1024x8x128xf32, #tpu.memory_space<hbm>> -> memref<1x504x8x128xf32, #tpu.memory_space<hbm>>
    %dma_wait3A_238 = tpu.memref_squeeze %dma_wait3A_237 : memref<1x504x8x128xf32, #tpu.memory_space<hbm>> -> memref<504x8x128xf32, #tpu.memory_space<hbm>>
    tpu.wait_dma2 semaphore(%arg19 : memref<!tpu.dma_semaphore, #tpu.memory_space<semaphore_mem>>) src(%arg6 : memref<504x8x128xf32, #tpu.memory_space<vmem>>) dst(%dma_wait3A_238 : memref<504x8x128xf32, #tpu.memory_space<hbm>>)
    %add3A_239 = arith.constant 0 : i32
    %add3A_240 = arith.addi %add3A, %add3A_239 : i32
    %dma_start3A_241 = arith.constant 6 : i32
    %dma_start3A_242 = arith.constant 0 : i32
    %dma_start3A_243 = arith.constant 0 : i32
    %dma_start3A_244 = tpu.memref_slice %arg0[%dma_start3A_241, %add3A_240, %dma_start3A_242, %dma_start3A_243] : memref<8x2048x8x128xf32, #tpu.memory_space<hbm>> -> memref<1x504x8x128xf32, #tpu.memory_space<hbm>>
    %dma_start3A_245 = tpu.memref_squeeze %dma_start3A_244 : memref<1x504x8x128xf32, #tpu.memory_space<hbm>> -> memref<504x8x128xf32, #tpu.memory_space<hbm>>
    tpu.enqueue_dma source(%dma_start3A_245 : memref<504x8x128xf32, #tpu.memory_space<hbm>>) target(%arg6 : memref<504x8x128xf32, #tpu.memory_space<vmem>>) target_semaphore(%arg13 : memref<!tpu.dma_semaphore, #tpu.memory_space<semaphore_mem>>)
    %dma_wait3A_246 = arith.constant 5 : i32
    %dma_wait3A_247 = arith.constant 0 : i32
    %dma_wait3A_248 = arith.constant 0 : i32
    %dma_wait3A_249 = tpu.memref_slice %arg0[%dma_wait3A_246, %add3A_192, %dma_wait3A_247, %dma_wait3A_248] : memref<8x2048x8x128xf32, #tpu.memory_space<hbm>> -> memref<1x504x8x128xf32, #tpu.memory_space<hbm>>
    %dma_wait3A_250 = tpu.memref_squeeze %dma_wait3A_249 : memref<1x504x8x128xf32, #tpu.memory_space<hbm>> -> memref<504x8x128xf32, #tpu.memory_space<hbm>>
    tpu.wait_dma2 semaphore(%arg17 : memref<!tpu.dma_semaphore, #tpu.memory_space<semaphore_mem>>) src(%dma_wait3A_250 : memref<504x8x128xf32, #tpu.memory_space<hbm>>) dst(%arg10 : memref<504x8x128xf32, #tpu.memory_space<vmem>>)
    %dma_start3A_251 = arith.constant 5 : i32
    %dma_start3A_252 = arith.constant 0 : i32
    %dma_start3A_253 = arith.constant 0 : i32
    %dma_start3A_254 = arith.constant 0 : i32
    %dma_start3A_255 = tpu.memref_slice %arg5[%dma_start3A_251, %dma_start3A_252, %dma_start3A_253, %dma_start3A_254] : memref<8x1024x8x128xf32, #tpu.memory_space<hbm>> -> memref<1x504x8x128xf32, #tpu.memory_space<hbm>>
    %dma_start3A_256 = tpu.memref_squeeze %dma_start3A_255 : memref<1x504x8x128xf32, #tpu.memory_space<hbm>> -> memref<504x8x128xf32, #tpu.memory_space<hbm>>
    tpu.enqueue_dma source(%arg10 : memref<504x8x128xf32, #tpu.memory_space<vmem>>) target(%dma_start3A_256 : memref<504x8x128xf32, #tpu.memory_space<hbm>>) target_semaphore(%arg23 : memref<!tpu.dma_semaphore, #tpu.memory_space<semaphore_mem>>)
    %dma_wait3A_257 = arith.constant 3 : i32
    %dma_wait3A_258 = arith.constant 504 : i32
    %dma_wait3A_259 = arith.constant 0 : i32
    %dma_wait3A_260 = arith.constant 0 : i32
    %dma_wait3A_261 = tpu.memref_slice %arg5[%dma_wait3A_257, %dma_wait3A_258, %dma_wait3A_259, %dma_wait3A_260] : memref<8x1024x8x128xf32, #tpu.memory_space<hbm>> -> memref<1x504x8x128xf32, #tpu.memory_space<hbm>>
    %dma_wait3A_262 = tpu.memref_squeeze %dma_wait3A_261 : memref<1x504x8x128xf32, #tpu.memory_space<hbm>> -> memref<504x8x128xf32, #tpu.memory_space<hbm>>
    tpu.wait_dma2 semaphore(%arg20 : memref<!tpu.dma_semaphore, #tpu.memory_space<semaphore_mem>>) src(%arg7 : memref<504x8x128xf32, #tpu.memory_space<vmem>>) dst(%dma_wait3A_262 : memref<504x8x128xf32, #tpu.memory_space<hbm>>)
    %add3A_263 = arith.constant 504 : i32
    %add3A_264 = arith.addi %add3A, %add3A_263 : i32
    %dma_start3A_265 = arith.constant 6 : i32
    %dma_start3A_266 = arith.constant 0 : i32
    %dma_start3A_267 = arith.constant 0 : i32
    %dma_start3A_268 = tpu.memref_slice %arg0[%dma_start3A_265, %add3A_264, %dma_start3A_266, %dma_start3A_267] : memref<8x2048x8x128xf32, #tpu.memory_space<hbm>> -> memref<1x504x8x128xf32, #tpu.memory_space<hbm>>
    %dma_start3A_269 = tpu.memref_squeeze %dma_start3A_268 : memref<1x504x8x128xf32, #tpu.memory_space<hbm>> -> memref<504x8x128xf32, #tpu.memory_space<hbm>>
    tpu.enqueue_dma source(%dma_start3A_269 : memref<504x8x128xf32, #tpu.memory_space<hbm>>) target(%arg7 : memref<504x8x128xf32, #tpu.memory_space<vmem>>) target_semaphore(%arg14 : memref<!tpu.dma_semaphore, #tpu.memory_space<semaphore_mem>>)
    %dma_wait3A_270 = arith.constant 5 : i32
    %dma_wait3A_271 = arith.constant 0 : i32
    %dma_wait3A_272 = arith.constant 0 : i32
    %dma_wait3A_273 = tpu.memref_slice %arg0[%dma_wait3A_270, %add3A_216, %dma_wait3A_271, %dma_wait3A_272] : memref<8x2048x8x128xf32, #tpu.memory_space<hbm>> -> memref<1x504x8x128xf32, #tpu.memory_space<hbm>>
    %dma_wait3A_274 = tpu.memref_squeeze %dma_wait3A_273 : memref<1x504x8x128xf32, #tpu.memory_space<hbm>> -> memref<504x8x128xf32, #tpu.memory_space<hbm>>
    tpu.wait_dma2 semaphore(%arg18 : memref<!tpu.dma_semaphore, #tpu.memory_space<semaphore_mem>>) src(%dma_wait3A_274 : memref<504x8x128xf32, #tpu.memory_space<hbm>>) dst(%arg11 : memref<504x8x128xf32, #tpu.memory_space<vmem>>)
    %dma_start3A_275 = arith.constant 5 : i32
    %dma_start3A_276 = arith.constant 504 : i32
    %dma_start3A_277 = arith.constant 0 : i32
    %dma_start3A_278 = arith.constant 0 : i32
    %dma_start3A_279 = tpu.memref_slice %arg5[%dma_start3A_275, %dma_start3A_276, %dma_start3A_277, %dma_start3A_278] : memref<8x1024x8x128xf32, #tpu.memory_space<hbm>> -> memref<1x504x8x128xf32, #tpu.memory_space<hbm>>
    %dma_start3A_280 = tpu.memref_squeeze %dma_start3A_279 : memref<1x504x8x128xf32, #tpu.memory_space<hbm>> -> memref<504x8x128xf32, #tpu.memory_space<hbm>>
    tpu.enqueue_dma source(%arg11 : memref<504x8x128xf32, #tpu.memory_space<vmem>>) target(%dma_start3A_280 : memref<504x8x128xf32, #tpu.memory_space<hbm>>) target_semaphore(%arg24 : memref<!tpu.dma_semaphore, #tpu.memory_space<semaphore_mem>>)
    %dma_wait3A_281 = arith.constant 4 : i32
    %dma_wait3A_282 = arith.constant 0 : i32
    %dma_wait3A_283 = arith.constant 0 : i32
    %dma_wait3A_284 = arith.constant 0 : i32
    %dma_wait3A_285 = tpu.memref_slice %arg5[%dma_wait3A_281, %dma_wait3A_282, %dma_wait3A_283, %dma_wait3A_284] : memref<8x1024x8x128xf32, #tpu.memory_space<hbm>> -> memref<1x504x8x128xf32, #tpu.memory_space<hbm>>
    %dma_wait3A_286 = tpu.memref_squeeze %dma_wait3A_285 : memref<1x504x8x128xf32, #tpu.memory_space<hbm>> -> memref<504x8x128xf32, #tpu.memory_space<hbm>>
    tpu.wait_dma2 semaphore(%arg21 : memref<!tpu.dma_semaphore, #tpu.memory_space<semaphore_mem>>) src(%arg8 : memref<504x8x128xf32, #tpu.memory_space<vmem>>) dst(%dma_wait3A_286 : memref<504x8x128xf32, #tpu.memory_space<hbm>>)
    %add3A_287 = arith.constant 0 : i32
    %add3A_288 = arith.addi %add3A, %add3A_287 : i32
    %dma_start3A_289 = arith.constant 7 : i32
    %dma_start3A_290 = arith.constant 0 : i32
    %dma_start3A_291 = arith.constant 0 : i32
    %dma_start3A_292 = tpu.memref_slice %arg0[%dma_start3A_289, %add3A_288, %dma_start3A_290, %dma_start3A_291] : memref<8x2048x8x128xf32, #tpu.memory_space<hbm>> -> memref<1x504x8x128xf32, #tpu.memory_space<hbm>>
    %dma_start3A_293 = tpu.memref_squeeze %dma_start3A_292 : memref<1x504x8x128xf32, #tpu.memory_space<hbm>> -> memref<504x8x128xf32, #tpu.memory_space<hbm>>
    tpu.enqueue_dma source(%dma_start3A_293 : memref<504x8x128xf32, #tpu.memory_space<hbm>>) target(%arg8 : memref<504x8x128xf32, #tpu.memory_space<vmem>>) target_semaphore(%arg15 : memref<!tpu.dma_semaphore, #tpu.memory_space<semaphore_mem>>)
    %dma_wait3A_294 = arith.constant 6 : i32
    %dma_wait3A_295 = arith.constant 0 : i32
    %dma_wait3A_296 = arith.constant 0 : i32
    %dma_wait3A_297 = tpu.memref_slice %arg0[%dma_wait3A_294, %add3A_240, %dma_wait3A_295, %dma_wait3A_296] : memref<8x2048x8x128xf32, #tpu.memory_space<hbm>> -> memref<1x504x8x128xf32, #tpu.memory_space<hbm>>
    %dma_wait3A_298 = tpu.memref_squeeze %dma_wait3A_297 : memref<1x504x8x128xf32, #tpu.memory_space<hbm>> -> memref<504x8x128xf32, #tpu.memory_space<hbm>>
    tpu.wait_dma2 semaphore(%arg13 : memref<!tpu.dma_semaphore, #tpu.memory_space<semaphore_mem>>) src(%dma_wait3A_298 : memref<504x8x128xf32, #tpu.memory_space<hbm>>) dst(%arg6 : memref<504x8x128xf32, #tpu.memory_space<vmem>>)
    %dma_start3A_299 = arith.constant 6 : i32
    %dma_start3A_300 = arith.constant 0 : i32
    %dma_start3A_301 = arith.constant 0 : i32
    %dma_start3A_302 = arith.constant 0 : i32
    %dma_start3A_303 = tpu.memref_slice %arg5[%dma_start3A_299, %dma_start3A_300, %dma_start3A_301, %dma_start3A_302] : memref<8x1024x8x128xf32, #tpu.memory_space<hbm>> -> memref<1x504x8x128xf32, #tpu.memory_space<hbm>>
    %dma_start3A_304 = tpu.memref_squeeze %dma_start3A_303 : memref<1x504x8x128xf32, #tpu.memory_space<hbm>> -> memref<504x8x128xf32, #tpu.memory_space<hbm>>
    tpu.enqueue_dma source(%arg6 : memref<504x8x128xf32, #tpu.memory_space<vmem>>) target(%dma_start3A_304 : memref<504x8x128xf32, #tpu.memory_space<hbm>>) target_semaphore(%arg19 : memref<!tpu.dma_semaphore, #tpu.memory_space<semaphore_mem>>)
    %dma_wait3A_305 = arith.constant 4 : i32
    %dma_wait3A_306 = arith.constant 504 : i32
    %dma_wait3A_307 = arith.constant 0 : i32
    %dma_wait3A_308 = arith.constant 0 : i32
    %dma_wait3A_309 = tpu.memref_slice %arg5[%dma_wait3A_305, %dma_wait3A_306, %dma_wait3A_307, %dma_wait3A_308] : memref<8x1024x8x128xf32, #tpu.memory_space<hbm>> -> memref<1x504x8x128xf32, #tpu.memory_space<hbm>>
    %dma_wait3A_310 = tpu.memref_squeeze %dma_wait3A_309 : memref<1x504x8x128xf32, #tpu.memory_space<hbm>> -> memref<504x8x128xf32, #tpu.memory_space<hbm>>
    tpu.wait_dma2 semaphore(%arg22 : memref<!tpu.dma_semaphore, #tpu.memory_space<semaphore_mem>>) src(%arg9 : memref<504x8x128xf32, #tpu.memory_space<vmem>>) dst(%dma_wait3A_310 : memref<504x8x128xf32, #tpu.memory_space<hbm>>)
    %add3A_311 = arith.constant 504 : i32
    %add3A_312 = arith.addi %add3A, %add3A_311 : i32
    %dma_start3A_313 = arith.constant 7 : i32
    %dma_start3A_314 = arith.constant 0 : i32
    %dma_start3A_315 = arith.constant 0 : i32
    %dma_start3A_316 = tpu.memref_slice %arg0[%dma_start3A_313, %add3A_312, %dma_start3A_314, %dma_start3A_315] : memref<8x2048x8x128xf32, #tpu.memory_space<hbm>> -> memref<1x504x8x128xf32, #tpu.memory_space<hbm>>
    %dma_start3A_317 = tpu.memref_squeeze %dma_start3A_316 : memref<1x504x8x128xf32, #tpu.memory_space<hbm>> -> memref<504x8x128xf32, #tpu.memory_space<hbm>>
    tpu.enqueue_dma source(%dma_start3A_317 : memref<504x8x128xf32, #tpu.memory_space<hbm>>) target(%arg9 : memref<504x8x128xf32, #tpu.memory_space<vmem>>) target_semaphore(%arg16 : memref<!tpu.dma_semaphore, #tpu.memory_space<semaphore_mem>>)
    %dma_wait3A_318 = arith.constant 6 : i32
    %dma_wait3A_319 = arith.constant 0 : i32
    %dma_wait3A_320 = arith.constant 0 : i32
    %dma_wait3A_321 = tpu.memref_slice %arg0[%dma_wait3A_318, %add3A_264, %dma_wait3A_319, %dma_wait3A_320] : memref<8x2048x8x128xf32, #tpu.memory_space<hbm>> -> memref<1x504x8x128xf32, #tpu.memory_space<hbm>>
    %dma_wait3A_322 = tpu.memref_squeeze %dma_wait3A_321 : memref<1x504x8x128xf32, #tpu.memory_space<hbm>> -> memref<504x8x128xf32, #tpu.memory_space<hbm>>
    tpu.wait_dma2 semaphore(%arg14 : memref<!tpu.dma_semaphore, #tpu.memory_space<semaphore_mem>>) src(%dma_wait3A_322 : memref<504x8x128xf32, #tpu.memory_space<hbm>>) dst(%arg7 : memref<504x8x128xf32, #tpu.memory_space<vmem>>)
    %dma_start3A_323 = arith.constant 6 : i32
    %dma_start3A_324 = arith.constant 504 : i32
    %dma_start3A_325 = arith.constant 0 : i32
    %dma_start3A_326 = arith.constant 0 : i32
    %dma_start3A_327 = tpu.memref_slice %arg5[%dma_start3A_323, %dma_start3A_324, %dma_start3A_325, %dma_start3A_326] : memref<8x1024x8x128xf32, #tpu.memory_space<hbm>> -> memref<1x504x8x128xf32, #tpu.memory_space<hbm>>
    %dma_start3A_328 = tpu.memref_squeeze %dma_start3A_327 : memref<1x504x8x128xf32, #tpu.memory_space<hbm>> -> memref<504x8x128xf32, #tpu.memory_space<hbm>>
    tpu.enqueue_dma source(%arg7 : memref<504x8x128xf32, #tpu.memory_space<vmem>>) target(%dma_start3A_328 : memref<504x8x128xf32, #tpu.memory_space<hbm>>) target_semaphore(%arg20 : memref<!tpu.dma_semaphore, #tpu.memory_space<semaphore_mem>>)
    %dma_wait3A_329 = arith.constant 7 : i32
    %dma_wait3A_330 = arith.constant 0 : i32
    %dma_wait3A_331 = arith.constant 0 : i32
    %dma_wait3A_332 = tpu.memref_slice %arg0[%dma_wait3A_329, %add3A_288, %dma_wait3A_330, %dma_wait3A_331] : memref<8x2048x8x128xf32, #tpu.memory_space<hbm>> -> memref<1x504x8x128xf32, #tpu.memory_space<hbm>>
    %dma_wait3A_333 = tpu.memref_squeeze %dma_wait3A_332 : memref<1x504x8x128xf32, #tpu.memory_space<hbm>> -> memref<504x8x128xf32, #tpu.memory_space<hbm>>
    tpu.wait_dma2 semaphore(%arg15 : memref<!tpu.dma_semaphore, #tpu.memory_space<semaphore_mem>>) src(%dma_wait3A_333 : memref<504x8x128xf32, #tpu.memory_space<hbm>>) dst(%arg8 : memref<504x8x128xf32, #tpu.memory_space<vmem>>)
    %dma_start3A_334 = arith.constant 7 : i32
    %dma_start3A_335 = arith.constant 0 : i32
    %dma_start3A_336 = arith.constant 0 : i32
    %dma_start3A_337 = arith.constant 0 : i32
    %dma_start3A_338 = tpu.memref_slice %arg5[%dma_start3A_334, %dma_start3A_335, %dma_start3A_336, %dma_start3A_337] : memref<8x1024x8x128xf32, #tpu.memory_space<hbm>> -> memref<1x504x8x128xf32, #tpu.memory_space<hbm>>
    %dma_start3A_339 = tpu.memref_squeeze %dma_start3A_338 : memref<1x504x8x128xf32, #tpu.memory_space<hbm>> -> memref<504x8x128xf32, #tpu.memory_space<hbm>>
    tpu.enqueue_dma source(%arg8 : memref<504x8x128xf32, #tpu.memory_space<vmem>>) target(%dma_start3A_339 : memref<504x8x128xf32, #tpu.memory_space<hbm>>) target_semaphore(%arg21 : memref<!tpu.dma_semaphore, #tpu.memory_space<semaphore_mem>>)
    %dma_wait3A_340 = arith.constant 7 : i32
    %dma_wait3A_341 = arith.constant 0 : i32
    %dma_wait3A_342 = arith.constant 0 : i32
    %dma_wait3A_343 = tpu.memref_slice %arg0[%dma_wait3A_340, %add3A_312, %dma_wait3A_341, %dma_wait3A_342] : memref<8x2048x8x128xf32, #tpu.memory_space<hbm>> -> memref<1x504x8x128xf32, #tpu.memory_space<hbm>>
    %dma_wait3A_344 = tpu.memref_squeeze %dma_wait3A_343 : memref<1x504x8x128xf32, #tpu.memory_space<hbm>> -> memref<504x8x128xf32, #tpu.memory_space<hbm>>
    tpu.wait_dma2 semaphore(%arg16 : memref<!tpu.dma_semaphore, #tpu.memory_space<semaphore_mem>>) src(%dma_wait3A_344 : memref<504x8x128xf32, #tpu.memory_space<hbm>>) dst(%arg9 : memref<504x8x128xf32, #tpu.memory_space<vmem>>)
    %dma_start3A_345 = arith.constant 7 : i32
    %dma_start3A_346 = arith.constant 504 : i32
    %dma_start3A_347 = arith.constant 0 : i32
    %dma_start3A_348 = arith.constant 0 : i32
    %dma_start3A_349 = tpu.memref_slice %arg5[%dma_start3A_345, %dma_start3A_346, %dma_start3A_347, %dma_start3A_348] : memref<8x1024x8x128xf32, #tpu.memory_space<hbm>> -> memref<1x504x8x128xf32, #tpu.memory_space<hbm>>
    %dma_start3A_350 = tpu.memref_squeeze %dma_start3A_349 : memref<1x504x8x128xf32, #tpu.memory_space<hbm>> -> memref<504x8x128xf32, #tpu.memory_space<hbm>>
    tpu.enqueue_dma source(%arg9 : memref<504x8x128xf32, #tpu.memory_space<vmem>>) target(%dma_start3A_350 : memref<504x8x128xf32, #tpu.memory_space<hbm>>) target_semaphore(%arg22 : memref<!tpu.dma_semaphore, #tpu.memory_space<semaphore_mem>>)
    tpu.enqueue_dma source(%arg1 : memref<8x16x8x128xf32, #tpu.memory_space<hbm>>) target(%arg12 : memref<8x16x8x128xf32, #tpu.memory_space<vmem>>) target_semaphore(%arg25 : memref<!tpu.dma_semaphore, #tpu.memory_space<semaphore_mem>>)
    tpu.wait_dma2 semaphore(%arg25 : memref<!tpu.dma_semaphore, #tpu.memory_space<semaphore_mem>>) src(%arg1 : memref<8x16x8x128xf32, #tpu.memory_space<hbm>>) dst(%arg12 : memref<8x16x8x128xf32, #tpu.memory_space<vmem>>)
    %dma_start3A_351 = arith.constant 0 : i32
    %dma_start3A_352 = arith.constant 0 : i32
    %dma_start3A_353 = arith.constant 0 : i32
    %dma_start3A_354 = arith.constant 0 : i32
    %dma_start3A_355 = tpu.memref_slice %arg5[%dma_start3A_352, %get3A_4, %dma_start3A_353, %dma_start3A_354] : memref<8x1024x8x128xf32, #tpu.memory_space<hbm>> -> memref<1x16x8x128xf32, #tpu.memory_space<hbm>>
    %dma_start3A_356 = tpu.memref_squeeze %dma_start3A_355 : memref<1x16x8x128xf32, #tpu.memory_space<hbm>> -> memref<16x8x128xf32, #tpu.memory_space<hbm>>
    %dma_start3A_357 = arith.constant 0 : i32
    %dma_start3A_358 = arith.constant 0 : i32
    %dma_start3A_359 = arith.constant 0 : i32
    %dma_start3A_360 = tpu.memref_slice %arg12[%dma_start3A_351, %dma_start3A_357, %dma_start3A_358, %dma_start3A_359] : memref<8x16x8x128xf32, #tpu.memory_space<vmem>> -> memref<1x16x8x128xf32, #tpu.memory_space<vmem>>
    %dma_start3A_361 = tpu.memref_squeeze %dma_start3A_360 : memref<1x16x8x128xf32, #tpu.memory_space<vmem>> -> memref<16x8x128xf32, #tpu.memory_space<vmem>>
    tpu.enqueue_dma source(%dma_start3A_361 : memref<16x8x128xf32, #tpu.memory_space<vmem>>) target(%dma_start3A_356 : memref<16x8x128xf32, #tpu.memory_space<hbm>>) target_semaphore(%arg25 : memref<!tpu.dma_semaphore, #tpu.memory_space<semaphore_mem>>)
    %dma_start3A_362 = arith.constant 1 : i32
    %dma_start3A_363 = arith.constant 1 : i32
    %dma_start3A_364 = arith.constant 0 : i32
    %dma_start3A_365 = arith.constant 0 : i32
    %dma_start3A_366 = tpu.memref_slice %arg5[%dma_start3A_363, %get3A_4, %dma_start3A_364, %dma_start3A_365] : memref<8x1024x8x128xf32, #tpu.memory_space<hbm>> -> memref<1x16x8x128xf32, #tpu.memory_space<hbm>>
    %dma_start3A_367 = tpu.memref_squeeze %dma_start3A_366 : memref<1x16x8x128xf32, #tpu.memory_space<hbm>> -> memref<16x8x128xf32, #tpu.memory_space<hbm>>
    %dma_start3A_368 = arith.constant 0 : i32
    %dma_start3A_369 = arith.constant 0 : i32
    %dma_start3A_370 = arith.constant 0 : i32
    %dma_start3A_371 = tpu.memref_slice %arg12[%dma_start3A_362, %dma_start3A_368, %dma_start3A_369, %dma_start3A_370] : memref<8x16x8x128xf32, #tpu.memory_space<vmem>> -> memref<1x16x8x128xf32, #tpu.memory_space<vmem>>
    %dma_start3A_372 = tpu.memref_squeeze %dma_start3A_371 : memref<1x16x8x128xf32, #tpu.memory_space<vmem>> -> memref<16x8x128xf32, #tpu.memory_space<vmem>>
    tpu.enqueue_dma source(%dma_start3A_372 : memref<16x8x128xf32, #tpu.memory_space<vmem>>) target(%dma_start3A_367 : memref<16x8x128xf32, #tpu.memory_space<hbm>>) target_semaphore(%arg25 : memref<!tpu.dma_semaphore, #tpu.memory_space<semaphore_mem>>)
    %dma_start3A_373 = arith.constant 2 : i32
    %dma_start3A_374 = arith.constant 2 : i32
    %dma_start3A_375 = arith.constant 0 : i32
    %dma_start3A_376 = arith.constant 0 : i32
    %dma_start3A_377 = tpu.memref_slice %arg5[%dma_start3A_374, %get3A_4, %dma_start3A_375, %dma_start3A_376] : memref<8x1024x8x128xf32, #tpu.memory_space<hbm>> -> memref<1x16x8x128xf32, #tpu.memory_space<hbm>>
    %dma_start3A_378 = tpu.memref_squeeze %dma_start3A_377 : memref<1x16x8x128xf32, #tpu.memory_space<hbm>> -> memref<16x8x128xf32, #tpu.memory_space<hbm>>
    %dma_start3A_379 = arith.constant 0 : i32
    %dma_start3A_380 = arith.constant 0 : i32
    %dma_start3A_381 = arith.constant 0 : i32
    %dma_start3A_382 = tpu.memref_slice %arg12[%dma_start3A_373, %dma_start3A_379, %dma_start3A_380, %dma_start3A_381] : memref<8x16x8x128xf32, #tpu.memory_space<vmem>> -> memref<1x16x8x128xf32, #tpu.memory_space<vmem>>
    %dma_start3A_383 = tpu.memref_squeeze %dma_start3A_382 : memref<1x16x8x128xf32, #tpu.memory_space<vmem>> -> memref<16x8x128xf32, #tpu.memory_space<vmem>>
    tpu.enqueue_dma source(%dma_start3A_383 : memref<16x8x128xf32, #tpu.memory_space<vmem>>) target(%dma_start3A_378 : memref<16x8x128xf32, #tpu.memory_space<hbm>>) target_semaphore(%arg25 : memref<!tpu.dma_semaphore, #tpu.memory_space<semaphore_mem>>)
    %dma_start3A_384 = arith.constant 3 : i32
    %dma_start3A_385 = arith.constant 3 : i32
    %dma_start3A_386 = arith.constant 0 : i32
    %dma_start3A_387 = arith.constant 0 : i32
    %dma_start3A_388 = tpu.memref_slice %arg5[%dma_start3A_385, %get3A_4, %dma_start3A_386, %dma_start3A_387] : memref<8x1024x8x128xf32, #tpu.memory_space<hbm>> -> memref<1x16x8x128xf32, #tpu.memory_space<hbm>>
    %dma_start3A_389 = tpu.memref_squeeze %dma_start3A_388 : memref<1x16x8x128xf32, #tpu.memory_space<hbm>> -> memref<16x8x128xf32, #tpu.memory_space<hbm>>
    %dma_start3A_390 = arith.constant 0 : i32
    %dma_start3A_391 = arith.constant 0 : i32
    %dma_start3A_392 = arith.constant 0 : i32
    %dma_start3A_393 = tpu.memref_slice %arg12[%dma_start3A_384, %dma_start3A_390, %dma_start3A_391, %dma_start3A_392] : memref<8x16x8x128xf32, #tpu.memory_space<vmem>> -> memref<1x16x8x128xf32, #tpu.memory_space<vmem>>
    %dma_start3A_394 = tpu.memref_squeeze %dma_start3A_393 : memref<1x16x8x128xf32, #tpu.memory_space<vmem>> -> memref<16x8x128xf32, #tpu.memory_space<vmem>>
    tpu.enqueue_dma source(%dma_start3A_394 : memref<16x8x128xf32, #tpu.memory_space<vmem>>) target(%dma_start3A_389 : memref<16x8x128xf32, #tpu.memory_space<hbm>>) target_semaphore(%arg25 : memref<!tpu.dma_semaphore, #tpu.memory_space<semaphore_mem>>)
    %dma_start3A_395 = arith.constant 4 : i32
    %dma_start3A_396 = arith.constant 4 : i32
    %dma_start3A_397 = arith.constant 0 : i32
    %dma_start3A_398 = arith.constant 0 : i32
    %dma_start3A_399 = tpu.memref_slice %arg5[%dma_start3A_396, %get3A_4, %dma_start3A_397, %dma_start3A_398] : memref<8x1024x8x128xf32, #tpu.memory_space<hbm>> -> memref<1x16x8x128xf32, #tpu.memory_space<hbm>>
    %dma_start3A_400 = tpu.memref_squeeze %dma_start3A_399 : memref<1x16x8x128xf32, #tpu.memory_space<hbm>> -> memref<16x8x128xf32, #tpu.memory_space<hbm>>
    %dma_start3A_401 = arith.constant 0 : i32
    %dma_start3A_402 = arith.constant 0 : i32
    %dma_start3A_403 = arith.constant 0 : i32
    %dma_start3A_404 = tpu.memref_slice %arg12[%dma_start3A_395, %dma_start3A_401, %dma_start3A_402, %dma_start3A_403] : memref<8x16x8x128xf32, #tpu.memory_space<vmem>> -> memref<1x16x8x128xf32, #tpu.memory_space<vmem>>
    %dma_start3A_405 = tpu.memref_squeeze %dma_start3A_404 : memref<1x16x8x128xf32, #tpu.memory_space<vmem>> -> memref<16x8x128xf32, #tpu.memory_space<vmem>>
    tpu.enqueue_dma source(%dma_start3A_405 : memref<16x8x128xf32, #tpu.memory_space<vmem>>) target(%dma_start3A_400 : memref<16x8x128xf32, #tpu.memory_space<hbm>>) target_semaphore(%arg25 : memref<!tpu.dma_semaphore, #tpu.memory_space<semaphore_mem>>)
    %dma_start3A_406 = arith.constant 5 : i32
    %dma_start3A_407 = arith.constant 5 : i32
    %dma_start3A_408 = arith.constant 0 : i32
    %dma_start3A_409 = arith.constant 0 : i32
    %dma_start3A_410 = tpu.memref_slice %arg5[%dma_start3A_407, %get3A_4, %dma_start3A_408, %dma_start3A_409] : memref<8x1024x8x128xf32, #tpu.memory_space<hbm>> -> memref<1x16x8x128xf32, #tpu.memory_space<hbm>>
    %dma_start3A_411 = tpu.memref_squeeze %dma_start3A_410 : memref<1x16x8x128xf32, #tpu.memory_space<hbm>> -> memref<16x8x128xf32, #tpu.memory_space<hbm>>
    %dma_start3A_412 = arith.constant 0 : i32
    %dma_start3A_413 = arith.constant 0 : i32
    %dma_start3A_414 = arith.constant 0 : i32
    %dma_start3A_415 = tpu.memref_slice %arg12[%dma_start3A_406, %dma_start3A_412, %dma_start3A_413, %dma_start3A_414] : memref<8x16x8x128xf32, #tpu.memory_space<vmem>> -> memref<1x16x8x128xf32, #tpu.memory_space<vmem>>
    %dma_start3A_416 = tpu.memref_squeeze %dma_start3A_415 : memref<1x16x8x128xf32, #tpu.memory_space<vmem>> -> memref<16x8x128xf32, #tpu.memory_space<vmem>>
    tpu.enqueue_dma source(%dma_start3A_416 : memref<16x8x128xf32, #tpu.memory_space<vmem>>) target(%dma_start3A_411 : memref<16x8x128xf32, #tpu.memory_space<hbm>>) target_semaphore(%arg25 : memref<!tpu.dma_semaphore, #tpu.memory_space<semaphore_mem>>)
    %dma_start3A_417 = arith.constant 6 : i32
    %dma_start3A_418 = arith.constant 6 : i32
    %dma_start3A_419 = arith.constant 0 : i32
    %dma_start3A_420 = arith.constant 0 : i32
    %dma_start3A_421 = tpu.memref_slice %arg5[%dma_start3A_418, %get3A_4, %dma_start3A_419, %dma_start3A_420] : memref<8x1024x8x128xf32, #tpu.memory_space<hbm>> -> memref<1x16x8x128xf32, #tpu.memory_space<hbm>>
    %dma_start3A_422 = tpu.memref_squeeze %dma_start3A_421 : memref<1x16x8x128xf32, #tpu.memory_space<hbm>> -> memref<16x8x128xf32, #tpu.memory_space<hbm>>
    %dma_start3A_423 = arith.constant 0 : i32
    %dma_start3A_424 = arith.constant 0 : i32
    %dma_start3A_425 = arith.constant 0 : i32
    %dma_start3A_426 = tpu.memref_slice %arg12[%dma_start3A_417, %dma_start3A_423, %dma_start3A_424, %dma_start3A_425] : memref<8x16x8x128xf32, #tpu.memory_space<vmem>> -> memref<1x16x8x128xf32, #tpu.memory_space<vmem>>
    %dma_start3A_427 = tpu.memref_squeeze %dma_start3A_426 : memref<1x16x8x128xf32, #tpu.memory_space<vmem>> -> memref<16x8x128xf32, #tpu.memory_space<vmem>>
    tpu.enqueue_dma source(%dma_start3A_427 : memref<16x8x128xf32, #tpu.memory_space<vmem>>) target(%dma_start3A_422 : memref<16x8x128xf32, #tpu.memory_space<hbm>>) target_semaphore(%arg25 : memref<!tpu.dma_semaphore, #tpu.memory_space<semaphore_mem>>)
    %dma_start3A_428 = arith.constant 7 : i32
    %dma_start3A_429 = arith.constant 7 : i32
    %dma_start3A_430 = arith.constant 0 : i32
    %dma_start3A_431 = arith.constant 0 : i32
    %dma_start3A_432 = tpu.memref_slice %arg5[%dma_start3A_429, %get3A_4, %dma_start3A_430, %dma_start3A_431] : memref<8x1024x8x128xf32, #tpu.memory_space<hbm>> -> memref<1x16x8x128xf32, #tpu.memory_space<hbm>>
    %dma_start3A_433 = tpu.memref_squeeze %dma_start3A_432 : memref<1x16x8x128xf32, #tpu.memory_space<hbm>> -> memref<16x8x128xf32, #tpu.memory_space<hbm>>
    %dma_start3A_434 = arith.constant 0 : i32
    %dma_start3A_435 = arith.constant 0 : i32
    %dma_start3A_436 = arith.constant 0 : i32
    %dma_start3A_437 = tpu.memref_slice %arg12[%dma_start3A_428, %dma_start3A_434, %dma_start3A_435, %dma_start3A_436] : memref<8x16x8x128xf32, #tpu.memory_space<vmem>> -> memref<1x16x8x128xf32, #tpu.memory_space<vmem>>
    %dma_start3A_438 = tpu.memref_squeeze %dma_start3A_437 : memref<1x16x8x128xf32, #tpu.memory_space<vmem>> -> memref<16x8x128xf32, #tpu.memory_space<vmem>>
    tpu.enqueue_dma source(%dma_start3A_438 : memref<16x8x128xf32, #tpu.memory_space<vmem>>) target(%dma_start3A_433 : memref<16x8x128xf32, #tpu.memory_space<hbm>>) target_semaphore(%arg25 : memref<!tpu.dma_semaphore, #tpu.memory_space<semaphore_mem>>)
    %dma_wait3A_439 = arith.constant 0 : i32
    %dma_wait3A_440 = arith.constant 0 : i32
    %dma_wait3A_441 = arith.constant 0 : i32
    %dma_wait3A_442 = arith.constant 0 : i32
    %dma_wait3A_443 = tpu.memref_slice %arg5[%dma_wait3A_440, %get3A_4, %dma_wait3A_441, %dma_wait3A_442] : memref<8x1024x8x128xf32, #tpu.memory_space<hbm>> -> memref<1x16x8x128xf32, #tpu.memory_space<hbm>>
    %dma_wait3A_444 = tpu.memref_squeeze %dma_wait3A_443 : memref<1x16x8x128xf32, #tpu.memory_space<hbm>> -> memref<16x8x128xf32, #tpu.memory_space<hbm>>
    %dma_wait3A_445 = arith.constant 0 : i32
    %dma_wait3A_446 = arith.constant 0 : i32
    %dma_wait3A_447 = arith.constant 0 : i32
    %dma_wait3A_448 = tpu.memref_slice %arg12[%dma_wait3A_439, %dma_wait3A_445, %dma_wait3A_446, %dma_wait3A_447] : memref<8x16x8x128xf32, #tpu.memory_space<vmem>> -> memref<1x16x8x128xf32, #tpu.memory_space<vmem>>
    %dma_wait3A_449 = tpu.memref_squeeze %dma_wait3A_448 : memref<1x16x8x128xf32, #tpu.memory_space<vmem>> -> memref<16x8x128xf32, #tpu.memory_space<vmem>>
    tpu.wait_dma2 semaphore(%arg25 : memref<!tpu.dma_semaphore, #tpu.memory_space<semaphore_mem>>) src(%dma_wait3A_449 : memref<16x8x128xf32, #tpu.memory_space<vmem>>) dst(%dma_wait3A_444 : memref<16x8x128xf32, #tpu.memory_space<hbm>>)
    %dma_wait3A_450 = arith.constant 1 : i32
    %dma_wait3A_451 = arith.constant 1 : i32
    %dma_wait3A_452 = arith.constant 0 : i32
    %dma_wait3A_453 = arith.constant 0 : i32
    %dma_wait3A_454 = tpu.memref_slice %arg5[%dma_wait3A_451, %get3A_4, %dma_wait3A_452, %dma_wait3A_453] : memref<8x1024x8x128xf32, #tpu.memory_space<hbm>> -> memref<1x16x8x128xf32, #tpu.memory_space<hbm>>
    %dma_wait3A_455 = tpu.memref_squeeze %dma_wait3A_454 : memref<1x16x8x128xf32, #tpu.memory_space<hbm>> -> memref<16x8x128xf32, #tpu.memory_space<hbm>>
    %dma_wait3A_456 = arith.constant 0 : i32
    %dma_wait3A_457 = arith.constant 0 : i32
    %dma_wait3A_458 = arith.constant 0 : i32
    %dma_wait3A_459 = tpu.memref_slice %arg12[%dma_wait3A_450, %dma_wait3A_456, %dma_wait3A_457, %dma_wait3A_458] : memref<8x16x8x128xf32, #tpu.memory_space<vmem>> -> memref<1x16x8x128xf32, #tpu.memory_space<vmem>>
    %dma_wait3A_460 = tpu.memref_squeeze %dma_wait3A_459 : memref<1x16x8x128xf32, #tpu.memory_space<vmem>> -> memref<16x8x128xf32, #tpu.memory_space<vmem>>
    tpu.wait_dma2 semaphore(%arg25 : memref<!tpu.dma_semaphore, #tpu.memory_space<semaphore_mem>>) src(%dma_wait3A_460 : memref<16x8x128xf32, #tpu.memory_space<vmem>>) dst(%dma_wait3A_455 : memref<16x8x128xf32, #tpu.memory_space<hbm>>)
    %dma_wait3A_461 = arith.constant 2 : i32
    %dma_wait3A_462 = arith.constant 2 : i32
    %dma_wait3A_463 = arith.constant 0 : i32
    %dma_wait3A_464 = arith.constant 0 : i32
    %dma_wait3A_465 = tpu.memref_slice %arg5[%dma_wait3A_462, %get3A_4, %dma_wait3A_463, %dma_wait3A_464] : memref<8x1024x8x128xf32, #tpu.memory_space<hbm>> -> memref<1x16x8x128xf32, #tpu.memory_space<hbm>>
    %dma_wait3A_466 = tpu.memref_squeeze %dma_wait3A_465 : memref<1x16x8x128xf32, #tpu.memory_space<hbm>> -> memref<16x8x128xf32, #tpu.memory_space<hbm>>
    %dma_wait3A_467 = arith.constant 0 : i32
    %dma_wait3A_468 = arith.constant 0 : i32
    %dma_wait3A_469 = arith.constant 0 : i32
    %dma_wait3A_470 = tpu.memref_slice %arg12[%dma_wait3A_461, %dma_wait3A_467, %dma_wait3A_468, %dma_wait3A_469] : memref<8x16x8x128xf32, #tpu.memory_space<vmem>> -> memref<1x16x8x128xf32, #tpu.memory_space<vmem>>
    %dma_wait3A_471 = tpu.memref_squeeze %dma_wait3A_470 : memref<1x16x8x128xf32, #tpu.memory_space<vmem>> -> memref<16x8x128xf32, #tpu.memory_space<vmem>>
    tpu.wait_dma2 semaphore(%arg25 : memref<!tpu.dma_semaphore, #tpu.memory_space<semaphore_mem>>) src(%dma_wait3A_471 : memref<16x8x128xf32, #tpu.memory_space<vmem>>) dst(%dma_wait3A_466 : memref<16x8x128xf32, #tpu.memory_space<hbm>>)
    %dma_wait3A_472 = arith.constant 3 : i32
    %dma_wait3A_473 = arith.constant 3 : i32
    %dma_wait3A_474 = arith.constant 0 : i32
    %dma_wait3A_475 = arith.constant 0 : i32
    %dma_wait3A_476 = tpu.memref_slice %arg5[%dma_wait3A_473, %get3A_4, %dma_wait3A_474, %dma_wait3A_475] : memref<8x1024x8x128xf32, #tpu.memory_space<hbm>> -> memref<1x16x8x128xf32, #tpu.memory_space<hbm>>
    %dma_wait3A_477 = tpu.memref_squeeze %dma_wait3A_476 : memref<1x16x8x128xf32, #tpu.memory_space<hbm>> -> memref<16x8x128xf32, #tpu.memory_space<hbm>>
    %dma_wait3A_478 = arith.constant 0 : i32
    %dma_wait3A_479 = arith.constant 0 : i32
    %dma_wait3A_480 = arith.constant 0 : i32
    %dma_wait3A_481 = tpu.memref_slice %arg12[%dma_wait3A_472, %dma_wait3A_478, %dma_wait3A_479, %dma_wait3A_480] : memref<8x16x8x128xf32, #tpu.memory_space<vmem>> -> memref<1x16x8x128xf32, #tpu.memory_space<vmem>>
    %dma_wait3A_482 = tpu.memref_squeeze %dma_wait3A_481 : memref<1x16x8x128xf32, #tpu.memory_space<vmem>> -> memref<16x8x128xf32, #tpu.memory_space<vmem>>
    tpu.wait_dma2 semaphore(%arg25 : memref<!tpu.dma_semaphore, #tpu.memory_space<semaphore_mem>>) src(%dma_wait3A_482 : memref<16x8x128xf32, #tpu.memory_space<vmem>>) dst(%dma_wait3A_477 : memref<16x8x128xf32, #tpu.memory_space<hbm>>)
    %dma_wait3A_483 = arith.constant 4 : i32
    %dma_wait3A_484 = arith.constant 4 : i32
    %dma_wait3A_485 = arith.constant 0 : i32
    %dma_wait3A_486 = arith.constant 0 : i32
    %dma_wait3A_487 = tpu.memref_slice %arg5[%dma_wait3A_484, %get3A_4, %dma_wait3A_485, %dma_wait3A_486] : memref<8x1024x8x128xf32, #tpu.memory_space<hbm>> -> memref<1x16x8x128xf32, #tpu.memory_space<hbm>>
    %dma_wait3A_488 = tpu.memref_squeeze %dma_wait3A_487 : memref<1x16x8x128xf32, #tpu.memory_space<hbm>> -> memref<16x8x128xf32, #tpu.memory_space<hbm>>
    %dma_wait3A_489 = arith.constant 0 : i32
    %dma_wait3A_490 = arith.constant 0 : i32
    %dma_wait3A_491 = arith.constant 0 : i32
    %dma_wait3A_492 = tpu.memref_slice %arg12[%dma_wait3A_483, %dma_wait3A_489, %dma_wait3A_490, %dma_wait3A_491] : memref<8x16x8x128xf32, #tpu.memory_space<vmem>> -> memref<1x16x8x128xf32, #tpu.memory_space<vmem>>
    %dma_wait3A_493 = tpu.memref_squeeze %dma_wait3A_492 : memref<1x16x8x128xf32, #tpu.memory_space<vmem>> -> memref<16x8x128xf32, #tpu.memory_space<vmem>>
    tpu.wait_dma2 semaphore(%arg25 : memref<!tpu.dma_semaphore, #tpu.memory_space<semaphore_mem>>) src(%dma_wait3A_493 : memref<16x8x128xf32, #tpu.memory_space<vmem>>) dst(%dma_wait3A_488 : memref<16x8x128xf32, #tpu.memory_space<hbm>>)
    %dma_wait3A_494 = arith.constant 5 : i32
    %dma_wait3A_495 = arith.constant 5 : i32
    %dma_wait3A_496 = arith.constant 0 : i32
    %dma_wait3A_497 = arith.constant 0 : i32
    %dma_wait3A_498 = tpu.memref_slice %arg5[%dma_wait3A_495, %get3A_4, %dma_wait3A_496, %dma_wait3A_497] : memref<8x1024x8x128xf32, #tpu.memory_space<hbm>> -> memref<1x16x8x128xf32, #tpu.memory_space<hbm>>
    %dma_wait3A_499 = tpu.memref_squeeze %dma_wait3A_498 : memref<1x16x8x128xf32, #tpu.memory_space<hbm>> -> memref<16x8x128xf32, #tpu.memory_space<hbm>>
    %dma_wait3A_500 = arith.constant 0 : i32
    %dma_wait3A_501 = arith.constant 0 : i32
    %dma_wait3A_502 = arith.constant 0 : i32
    %dma_wait3A_503 = tpu.memref_slice %arg12[%dma_wait3A_494, %dma_wait3A_500, %dma_wait3A_501, %dma_wait3A_502] : memref<8x16x8x128xf32, #tpu.memory_space<vmem>> -> memref<1x16x8x128xf32, #tpu.memory_space<vmem>>
    %dma_wait3A_504 = tpu.memref_squeeze %dma_wait3A_503 : memref<1x16x8x128xf32, #tpu.memory_space<vmem>> -> memref<16x8x128xf32, #tpu.memory_space<vmem>>
    tpu.wait_dma2 semaphore(%arg25 : memref<!tpu.dma_semaphore, #tpu.memory_space<semaphore_mem>>) src(%dma_wait3A_504 : memref<16x8x128xf32, #tpu.memory_space<vmem>>) dst(%dma_wait3A_499 : memref<16x8x128xf32, #tpu.memory_space<hbm>>)
    %dma_wait3A_505 = arith.constant 6 : i32
    %dma_wait3A_506 = arith.constant 6 : i32
    %dma_wait3A_507 = arith.constant 0 : i32
    %dma_wait3A_508 = arith.constant 0 : i32
    %dma_wait3A_509 = tpu.memref_slice %arg5[%dma_wait3A_506, %get3A_4, %dma_wait3A_507, %dma_wait3A_508] : memref<8x1024x8x128xf32, #tpu.memory_space<hbm>> -> memref<1x16x8x128xf32, #tpu.memory_space<hbm>>
    %dma_wait3A_510 = tpu.memref_squeeze %dma_wait3A_509 : memref<1x16x8x128xf32, #tpu.memory_space<hbm>> -> memref<16x8x128xf32, #tpu.memory_space<hbm>>
    %dma_wait3A_511 = arith.constant 0 : i32
    %dma_wait3A_512 = arith.constant 0 : i32
    %dma_wait3A_513 = arith.constant 0 : i32
    %dma_wait3A_514 = tpu.memref_slice %arg12[%dma_wait3A_505, %dma_wait3A_511, %dma_wait3A_512, %dma_wait3A_513] : memref<8x16x8x128xf32, #tpu.memory_space<vmem>> -> memref<1x16x8x128xf32, #tpu.memory_space<vmem>>
    %dma_wait3A_515 = tpu.memref_squeeze %dma_wait3A_514 : memref<1x16x8x128xf32, #tpu.memory_space<vmem>> -> memref<16x8x128xf32, #tpu.memory_space<vmem>>
    tpu.wait_dma2 semaphore(%arg25 : memref<!tpu.dma_semaphore, #tpu.memory_space<semaphore_mem>>) src(%dma_wait3A_515 : memref<16x8x128xf32, #tpu.memory_space<vmem>>) dst(%dma_wait3A_510 : memref<16x8x128xf32, #tpu.memory_space<hbm>>)
    %dma_wait3A_516 = arith.constant 7 : i32
    %dma_wait3A_517 = arith.constant 7 : i32
    %dma_wait3A_518 = arith.constant 0 : i32
    %dma_wait3A_519 = arith.constant 0 : i32
    %dma_wait3A_520 = tpu.memref_slice %arg5[%dma_wait3A_517, %get3A_4, %dma_wait3A_518, %dma_wait3A_519] : memref<8x1024x8x128xf32, #tpu.memory_space<hbm>> -> memref<1x16x8x128xf32, #tpu.memory_space<hbm>>
    %dma_wait3A_521 = tpu.memref_squeeze %dma_wait3A_520 : memref<1x16x8x128xf32, #tpu.memory_space<hbm>> -> memref<16x8x128xf32, #tpu.memory_space<hbm>>
    %dma_wait3A_522 = arith.constant 0 : i32
    %dma_wait3A_523 = arith.constant 0 : i32
    %dma_wait3A_524 = arith.constant 0 : i32
    %dma_wait3A_525 = tpu.memref_slice %arg12[%dma_wait3A_516, %dma_wait3A_522, %dma_wait3A_523, %dma_wait3A_524] : memref<8x16x8x128xf32, #tpu.memory_space<vmem>> -> memref<1x16x8x128xf32, #tpu.memory_space<vmem>>
    %dma_wait3A_526 = tpu.memref_squeeze %dma_wait3A_525 : memref<1x16x8x128xf32, #tpu.memory_space<vmem>> -> memref<16x8x128xf32, #tpu.memory_space<vmem>>
    tpu.wait_dma2 semaphore(%arg25 : memref<!tpu.dma_semaphore, #tpu.memory_space<semaphore_mem>>) src(%dma_wait3A_526 : memref<16x8x128xf32, #tpu.memory_space<vmem>>) dst(%dma_wait3A_521 : memref<16x8x128xf32, #tpu.memory_space<hbm>>)
    %dma_wait3A_527 = arith.constant 6 : i32
    %dma_wait3A_528 = arith.constant 0 : i32
    %dma_wait3A_529 = arith.constant 0 : i32
    %dma_wait3A_530 = arith.constant 0 : i32
    %dma_wait3A_531 = tpu.memref_slice %arg5[%dma_wait3A_527, %dma_wait3A_528, %dma_wait3A_529, %dma_wait3A_530] : memref<8x1024x8x128xf32, #tpu.memory_space<hbm>> -> memref<1x504x8x128xf32, #tpu.memory_space<hbm>>
    %dma_wait3A_532 = tpu.memref_squeeze %dma_wait3A_531 : memref<1x504x8x128xf32, #tpu.memory_space<hbm>> -> memref<504x8x128xf32, #tpu.memory_space<hbm>>
    tpu.wait_dma2 semaphore(%arg19 : memref<!tpu.dma_semaphore, #tpu.memory_space<semaphore_mem>>) src(%arg6 : memref<504x8x128xf32, #tpu.memory_space<vmem>>) dst(%dma_wait3A_532 : memref<504x8x128xf32, #tpu.memory_space<hbm>>)
    %dma_wait3A_533 = arith.constant 6 : i32
    %dma_wait3A_534 = arith.constant 504 : i32
    %dma_wait3A_535 = arith.constant 0 : i32
    %dma_wait3A_536 = arith.constant 0 : i32
    %dma_wait3A_537 = tpu.memref_slice %arg5[%dma_wait3A_533, %dma_wait3A_534, %dma_wait3A_535, %dma_wait3A_536] : memref<8x1024x8x128xf32, #tpu.memory_space<hbm>> -> memref<1x504x8x128xf32, #tpu.memory_space<hbm>>
    %dma_wait3A_538 = tpu.memref_squeeze %dma_wait3A_537 : memref<1x504x8x128xf32, #tpu.memory_space<hbm>> -> memref<504x8x128xf32, #tpu.memory_space<hbm>>
    tpu.wait_dma2 semaphore(%arg20 : memref<!tpu.dma_semaphore, #tpu.memory_space<semaphore_mem>>) src(%arg7 : memref<504x8x128xf32, #tpu.memory_space<vmem>>) dst(%dma_wait3A_538 : memref<504x8x128xf32, #tpu.memory_space<hbm>>)
    %dma_wait3A_539 = arith.constant 7 : i32
    %dma_wait3A_540 = arith.constant 0 : i32
    %dma_wait3A_541 = arith.constant 0 : i32
    %dma_wait3A_542 = arith.constant 0 : i32
    %dma_wait3A_543 = tpu.memref_slice %arg5[%dma_wait3A_539, %dma_wait3A_540, %dma_wait3A_541, %dma_wait3A_542] : memref<8x1024x8x128xf32, #tpu.memory_space<hbm>> -> memref<1x504x8x128xf32, #tpu.memory_space<hbm>>
    %dma_wait3A_544 = tpu.memref_squeeze %dma_wait3A_543 : memref<1x504x8x128xf32, #tpu.memory_space<hbm>> -> memref<504x8x128xf32, #tpu.memory_space<hbm>>
    tpu.wait_dma2 semaphore(%arg21 : memref<!tpu.dma_semaphore, #tpu.memory_space<semaphore_mem>>) src(%arg8 : memref<504x8x128xf32, #tpu.memory_space<vmem>>) dst(%dma_wait3A_544 : memref<504x8x128xf32, #tpu.memory_space<hbm>>)
    %dma_wait3A_545 = arith.constant 7 : i32
    %dma_wait3A_546 = arith.constant 504 : i32
    %dma_wait3A_547 = arith.constant 0 : i32
    %dma_wait3A_548 = arith.constant 0 : i32
    %dma_wait3A_549 = tpu.memref_slice %arg5[%dma_wait3A_545, %dma_wait3A_546, %dma_wait3A_547, %dma_wait3A_548] : memref<8x1024x8x128xf32, #tpu.memory_space<hbm>> -> memref<1x504x8x128xf32, #tpu.memory_space<hbm>>
    %dma_wait3A_550 = tpu.memref_squeeze %dma_wait3A_549 : memref<1x504x8x128xf32, #tpu.memory_space<hbm>> -> memref<504x8x128xf32, #tpu.memory_space<hbm>>
    tpu.wait_dma2 semaphore(%arg22 : memref<!tpu.dma_semaphore, #tpu.memory_space<semaphore_mem>>) src(%arg9 : memref<504x8x128xf32, #tpu.memory_space<vmem>>) dst(%dma_wait3A_550 : memref<504x8x128xf32, #tpu.memory_space<hbm>>)
    %dma_wait3A_551 = arith.constant 5 : i32
    %dma_wait3A_552 = arith.constant 0 : i32
    %dma_wait3A_553 = arith.constant 0 : i32
    %dma_wait3A_554 = arith.constant 0 : i32
    %dma_wait3A_555 = tpu.memref_slice %arg5[%dma_wait3A_551, %dma_wait3A_552, %dma_wait3A_553, %dma_wait3A_554] : memref<8x1024x8x128xf32, #tpu.memory_space<hbm>> -> memref<1x504x8x128xf32, #tpu.memory_space<hbm>>
    %dma_wait3A_556 = tpu.memref_squeeze %dma_wait3A_555 : memref<1x504x8x128xf32, #tpu.memory_space<hbm>> -> memref<504x8x128xf32, #tpu.memory_space<hbm>>
    tpu.wait_dma2 semaphore(%arg23 : memref<!tpu.dma_semaphore, #tpu.memory_space<semaphore_mem>>) src(%arg10 : memref<504x8x128xf32, #tpu.memory_space<vmem>>) dst(%dma_wait3A_556 : memref<504x8x128xf32, #tpu.memory_space<hbm>>)
    %dma_wait3A_557 = arith.constant 5 : i32
    %dma_wait3A_558 = arith.constant 504 : i32
    %dma_wait3A_559 = arith.constant 0 : i32
    %dma_wait3A_560 = arith.constant 0 : i32
    %dma_wait3A_561 = tpu.memref_slice %arg5[%dma_wait3A_557, %dma_wait3A_558, %dma_wait3A_559, %dma_wait3A_560] : memref<8x1024x8x128xf32, #tpu.memory_space<hbm>> -> memref<1x504x8x128xf32, #tpu.memory_space<hbm>>
    %dma_wait3A_562 = tpu.memref_squeeze %dma_wait3A_561 : memref<1x504x8x128xf32, #tpu.memory_space<hbm>> -> memref<504x8x128xf32, #tpu.memory_space<hbm>>
    tpu.wait_dma2 semaphore(%arg24 : memref<!tpu.dma_semaphore, #tpu.memory_space<semaphore_mem>>) src(%arg11 : memref<504x8x128xf32, #tpu.memory_space<vmem>>) dst(%dma_wait3A_562 : memref<504x8x128xf32, #tpu.memory_space<hbm>>)
    return
  }
}

</mosaic_0001>

<sc_bundles>
// kernel: _windows.4.cloned.1.call-start
scs
__scs_entry_jumppad:
0x0: {  	(pc) =	sbr.rel $0x88, $3  }
0x1: {  	(tag) =	ssettag $0x0;
	lr =	simm.s32 $0x1  }
0x2: {  	[smem:$0x3F99] =	sst lr;
	_ =	strace $0xD0000000  }
0x3: {  	_ = 	snop  }
0x4: {  	_ = 	snop  }
0x5: {  	_ = 	snop  }
0x6: {  	_ = 	snop  }
0x7: {  	_ = 	snop  }
__scs_overlays_trampoline_lowered:
0x8: {  	[smem:$0x3FA8] =	sst s0  }
0x9: {  	[smem:$0x3FA9] =	sst s1  }
0xa: {  	[smem:$0x3FAA] =	sst s2  }
0xb: {  	[smem:$0x3FAB] =	sst s3  }
0xc: {  	[smem:$0x3FAC] =	sst s4  }
0xd: {  	[smem:$0x3FAD] =	sst s5  }
0xe: {  	[smem:$0x3FAE] =	sst s6  }
0xf: {  	[smem:$0x3FAF] =	sst s7  }
0x10: {  	[smem:$0x3FB0] =	sst s8  }
0x11: {  	[smem:$0x3FB1] =	sst s9;
	s0 =	simm.s32 @!p0 $0x0  }
0x12: {  	s1 =	sld [smem:$0x3F97];
	s0 =	simm.s32 @p0 $0x1  }
0x13: {  	[smem:$0x3FB2] =	sst s0;
	s0 =	simm.s32 @!p1 $0x0  }
0x14: {  	s2 =	sld [smem:$0x3F96];
	s0 =	simm.s32 @p1 $0x1  }
0x15: {  	[smem:$0x3FB3] =	sst s0;
	s0 =	simm.s32 @!p2 $0x0  }
0x16: {  	s3 =	sld [smem:$0x3FDB];
	s0 =	simm.s32 @p2 $0x1  }
0x17: {  	s4 =	simm.s32 $0x1BF5;
	[smem:$0x3FB5] =	sst s0  }
0x18: {  	s0 =	sld [smem:$0x3F98];
	_ =	swait.ge [sflag:s4], $0x0  }
0x19: {  	s7 =	sld [smem:$0x3F99]  }
0x1a: {  	s8 =	sadd.s32 $0xFFFFE003, lr  }
0x1b: {  	s9 =	sadd.s32 $0xFFFFFEF7, lr;
	s5 =	simm.s32 $0xFFFFFFFF;
	p2 =	slt.u32 s8, $0xFFFFF086  }
0x1c: {  	p1 =	slt.u32 s9, $0xF7A;
	s5 =	simm.s32 @!p2 $0x0  }
0x1d: {  	s5 =	simm.s32 @p1 $0x1;
	p0 =	seq.s32 s7, s2  }
0x1e: {  	s7 =	smul.u32 @!p0 $0xF7A, s2;
	p2 =	seq.s32 @!p0 s5, $0x0  }
0x1f: {  	s9 =	smul.u32 $0xF7A, s1;
	s8 =	simm.s32 @!p0 $0x1BF5;
	p2 =	por !p2, p0  }
0x20: {  	[sflag:s8] =	ssyncset.s32 @!p0 $0xFFFFF086;
	s6 =	sadd.s32 @!p0 s3, s7;
	s7 =	simm.s32 @!p0 $0x108  }
0x21: {  	s3 =	sadd.s32 s3, s9;
	s6 =	sadd.s32 @!p0 $0x88, s6;
	s7 =	simm.s32 @p2 $0x1082  }
0x22: {  	[simem:s7], [sflag:s8] =	dma.local @!p0 [hbm:s6], $0xF7A  }
0x23: {  	s9 =	sor.u32 $0xD0000000, s2;
	s6 =	simm.s32 $0x108;
	_ =	swait.ge @!p0 [sflag:s8], $0x0  }
0x24: {  	s3 =	sadd.s32 $0x88, s3;
	s6 =	simm.s32 @!p1 $0x1082;
	[sflag:s4] =	ssyncset.s32 $0xFFFFF086  }
0x25: {  	[simem:s6], [sflag:s4] =	dma.local [hbm:s3], $0xF7A  }
0x26: {  	[smem:$0x3F99] =	sst s1;
	(tag) =	ssettag s2;
	_ =	strace s9  }
0x27: {  	s1 =	sld [smem:$0x3FA9]  }
0x28: {  	s2 =	sld [smem:$0x3FAA]  }
0x29: {  	s4 =	sld [smem:$0x3FAC]  }
0x2a: {  	p0 =	seq.s32 s5, $0x0;
	s5 =	sld [smem:$0x3FAD]  }
0x2b: {  	s6 =	sld [smem:$0x3FAE]  }
0x2c: {  	s7 =	sld [smem:$0x3FAF]  }
0x2d: {  	s3 =	simm.s32 $0x108;
	s8 =	sld [smem:$0x3FB0]  }
0x2e: {  	s3 =	simm.s32 @!p0 $0x1082;
	s9 =	sld [smem:$0x3FB1]  }
0x2f: {  	lr =	sadd.s32 s0, s3;
	s0 =	sld [smem:$0x3FA8]  }
0x30: {  	s3 =	sld [smem:$0x3FAB]  }
0x31: {  	[smem:$0x3FB4] =	sst s10  }
0x32: {  	s10 =	sld [smem:$0x3FB2];
	_ =	sdelay $0x3  }
0x33: {  	p0 =	seq.s32 s10, $0x1;
	s10 =	sld [smem:$0x3FB4];
	_ =	sdelay $0x3  }
0x34: {  	[smem:$0x3FB4] =	sst s10  }
0x35: {  	s10 =	sld [smem:$0x3FB3];
	_ =	sdelay $0x3  }
0x36: {  	p1 =	seq.s32 s10, $0x1;
	s10 =	sld [smem:$0x3FB4];
	_ =	sdelay $0x3  }
0x37: {  	[smem:$0x3FB4] =	sst s10  }
0x38: {  	s10 =	sld [smem:$0x3FB5]  }
0x39: {  	_ = 	snop;
	(pc) =	sbr.ind lr, $3  }
0x3a: {  	_ = 	snop  }
0x3b: {  	_ = 	snop  }
0x3c: {  	p2 =	seq.s32 s10, $0x1;
	s10 =	sld [smem:$0x3FB4]  }
0x3d: {  	_ =	shalt  }
0x3e: {  	_ =	shalt  }
0x3f: {  	_ =	shalt  }
0x40: {  	_ =	shalt  }
0x41: {  	_ =	shalt  }
0x42: {  	_ =	shalt  }
0x43: {  	_ =	shalt  }
0x44: {  	_ =	shalt  }
0x45: {  	_ =	shalt  }
0x46: {  	_ =	shalt  }
0x47: {  	_ =	shalt  }
0x48: {  	_ =	shalt  }
0x49: {  	_ =	shalt  }
0x4a: {  	_ =	shalt  }
0x4b: {  	_ =	shalt  }
0x4c: {  	_ =	shalt  }
0x4d: {  	_ =	shalt  }
0x4e: {  	_ =	shalt  }
0x4f: {  	_ =	shalt  }
0x50: {  	_ =	shalt  }
0x51: {  	_ =	shalt  }
0x52: {  	_ =	shalt  }
0x53: {  	_ =	shalt  }
0x54: {  	_ =	shalt  }
0x55: {  	_ =	shalt  }
0x56: {  	_ =	shalt  }
0x57: {  	_ =	shalt  }
0x58: {  	_ =	shalt  }
0x59: {  	_ =	shalt  }
0x5a: {  	_ =	shalt  }
0x5b: {  	_ =	shalt  }
0x5c: {  	_ =	shalt  }
0x5d: {  	_ =	shalt  }
0x5e: {  	_ =	shalt  }
0x5f: {  	_ =	shalt  }
0x60: {  	_ =	shalt  }
0x61: {  	_ =	shalt  }
0x62: {  	_ =	shalt  }
0x63: {  	_ =	shalt  }
0x64: {  	_ =	shalt  }
0x65: {  	_ =	shalt  }
0x66: {  	_ =	shalt  }
0x67: {  	_ =	shalt  }
0x68: {  	_ =	shalt  }
0x69: {  	_ =	shalt  }
0x6a: {  	_ =	shalt  }
0x6b: {  	_ =	shalt  }
0x6c: {  	_ =	shalt  }
0x6d: {  	_ =	shalt  }
0x6e: {  	_ =	shalt  }
0x6f: {  	_ =	shalt  }
0x70: {  	_ =	shalt  }
0x71: {  	_ =	shalt  }
0x72: {  	_ =	shalt  }
0x73: {  	_ =	shalt  }
0x74: {  	_ =	shalt  }
0x75: {  	_ =	shalt  }
0x76: {  	_ =	shalt  }
0x77: {  	_ =	shalt  }
0x78: {  	_ =	shalt  }
0x79: {  	_ =	shalt  }
0x7a: {  	_ =	shalt  }
0x7b: {  	_ =	shalt  }
0x7c: {  	_ =	shalt  }
0x7d: {  	_ =	shalt  }
0x7e: {  	_ =	shalt  }
0x7f: {  	_ =	shalt  }
0x80: {  	_ =	shalt  }
0x81: {  	_ =	shalt  }
0x82: {  	_ =	shalt  }
0x83: {  	_ =	shalt  }
0x84: {  	_ =	shalt  }
0x85: {  	_ =	shalt  }
0x86: {  	_ =	shalt  }
0x87: {  	_ =	shalt  }
.Lfunc_end0:
.L_simem_size_0:
called_computation_lowered:
.L_overlay_start_0:
0x88: {  	s2 =	sld [smem:$0x3FD9]  }
0x89: {  	s3 =	sld [smem:$0x3FFE];
	_ =	sdelay $0x1  }
0x8a: {  	s1 =	srdreg.scid  }
0x8b: {  	s0 =	sand.u32 $0x1, s1  }
0x8c: {  	s15 =	sshll.u32 s0, $0xA;
	s2 =	sadd.s32 s3, s2  }
0x8d: {  	s2 =	sadd.s32 s2, s15  }
0x8e: {  	[smem:$0x3FC0] =	sst s2  }
0x8f: {  	_ = 	snop  }
0x90: {  	s2 =	sld [smem:$0x3FD0]  }
0x91: {  	s16 =	sld [smem:$0x3FC9]  }
0x92: {  	s4 =	sld [smem:$0x3FC7]  }
0x93: {  	s6 =	simm.s32 $0xA;
	s7 =	simm.s32 $0x10;
	s5 =	sld [smem:$0x3FC5]  }
0x94: {  	[smem:s7], [sflag:s6] =	dma.local [hbm:s2], $0x1  }
0x95: {  	_ =	swait.eq [sflag:s6], $0x1  }
0x96: {  	[sflag:s6] =	ssyncset.done $0x0  }
0x97: {  	[sflag:s6] =	ssyncadd.s32 $0xFFFFFFFF  }
0x98: {  	s17 =	sld [smem:$0x10];
	(tm) =	ssettm $0x1  }
0x99: {  	s18 =	sld [smem:$0x3FFB];
	_ =	sdelay $0x3  }
0x9a: {  	_ =	strace s18  }
0x9b: {  	s6 =	sld [smem:$0x3FFC];
	_ =	sdelay $0x3  }
0x9c: {  	_ =	strace s6  }
0x9d: {  	s6 =	sld [smem:$0x3FFD];
	_ =	sdelay $0x3  }
0x9e: {  	_ =	strace s6  }
0x9f: {  	_ =	strace $0x8FFFFFFF  }
0xa0: {  	s19 =	sld [smem:$0x3FDB];
	_ =	sdelay $0x1  }
0xa1: {  	s20 =	simm.s32 $_scs_section_size  }
0xa2: {  	s8 =	simm.s32 $_size__tile_overlayer_lowered;
	s9 =	simm.s32 $_tile_overlayer_lowered  }
0xa3: {  	s23 =	simm.s32 $0x1BFF;
	s22 =	sshll.u32 s9, $0x1;
	s6 =	sadd.s32 s20, s19  }
0xa4: {  	s10 =	simm.s32 $0x0;
	s21 =	sshll.u32 s8, $0x1;
	s8 =	sadd.s32 s22, s6  }
0xa5: {  	[timem:s10], [sflag:s23] =	dma.local [hbm:s8], s21  }
0xa6: {  	_ =	swait.ge [sflag:s23], s21  }
0xa7: {  	s7 =	ssub.s32 $0x0, s21;
	[sflag:s23] =	ssyncset.done $0x0  }
0xa8: {  	[sflag:s23] =	ssyncadd.s32 s7;
	_ =	sdelay $0x1  }
0xa9: {  	s24 =	simm.s32 $0x1B8B  }
0xaa: {  	_ =	swait.ge [sflag:s24], $0x1  }
0xab: {  	[sflag:s24] =	ssyncset.done $0x0  }
0xac: {  	s25 =	simm.s32 $0x1B8E;
	[sflag:s24] =	ssyncadd.s32 $0xFFFFFFFF  }
0xad: {  	s26 =	simm.s32 $execute0_lowered;
	[smem:$0x3FD2] =	sst s25  }
0xae: {  	s7 =	sshll.u32 s26, $0x1;
	_ =	strace $0x80000046;
	[dreg:$0x1] =	wrdreg $0xFFFFFFFF  }
0xaf: {  	s28 =	simm.s32 $_size_execute0_lowered;
	s6 =	sadd.s32 s6, s7;
	[dreg:$0x0] =	wrdreg $0x0  }
0xb0: {  	s7 =	sshll.u32 s28, $0x1;
	[dreg:$0x2] =	wrdreg s6  }
0xb1: {  	[dreg:$0x3] =	wrdreg s7  }
0xb2: {  	[dreg:$0x4] =	wrdreg $0xC0  }
0xb3: {  	_ =	task [dreg:s10], $0x5FFFF  }
0xb4: {  	[dreg:$0x1] =	wrdreg $0xFFFFFFFF  }
0xb5: {  	[dreg:$0x0] =	wrdreg $0x60  }
0xb6: {  	[dreg:$0x2] =	wrdreg s16  }
0xb7: {  	[dreg:$0x3] =	wrdreg s4  }
0xb8: {  	[dreg:$0x4] =	wrdreg s5  }
0xb9: {  	[dreg:$0x5] =	wrdreg s17  }
0xba: {  	[dreg:$0x6] =	wrdreg $0x9  }
0xbb: {  	_ =	task.clear_ibuf [dreg:s10], $0x7FFFF;
	_ =	strace $0x90000046  }
0xbc: {  	s29 =	simm.s32 $0x9;
	_ =	strace $0x80000048  }
0xbd: {  	_ =	swait.ge [sflag:s29], $0x1  }
0xbe: {  	[sflag:s29] =	ssyncadd.s32 $0xFFFFFFFF  }
0xbf: {  	_ =	strace $0x90000048  }
0xc0: {  	_ =	sfence  }
0xc1: {  	s30 =	sld [smem:$0x0];
	_ =	sdelay $0x2  }
0xc2: {  	s31 =	sshll.u32 s1, $0xD;
	s1 =	sshrl.u32 s1, $0x2  }
0xc3: {  	s3 =	sand.u32 $0x4000, s31;
	s1 =	sadd.s32 s1, s30  }
0xc4: {  	s0 =	sor.u32 s3, s0;
	s1 =	sshll.u32 s1, $0x11  }
0xc5: {  	s0 =	sor.u32 s1, s0  }
0xc6: {  	s0 =	sadd.s32 $0x8F2B, s0  }
0xc7: {  	[sflag:s0] =	ssyncadd.remote.s32 $0x1  }
0xc8: {  	_ =	sfence.sel $0xFFFF  }
0xc9: {  	[dreg:$0x0] =	wrdreg $0xFFFFFFFF;
	(pc) =	sbr.abs _section_cstart, $3  }
0xca: {  	[dreg:$0x1] =	wrdreg $0xFFFFFFFF  }
0xcb: {  	_ =	task.clear_ibuf [dreg:s10], $0x2FFFF;
	_ =	strace $0x9FFFFFFF  }
0xcc: {  	(tm) =	ssettm $0x7FFFFFFF  }
0xcd: {  	_ =	shalt  }
tec
execute0_lowered:
.L_overlay_start_1:
0x0: {  	(tag) =	ssettag $0x1  }
0x1: {  	s0 =	rddreg [dreg:$0x0]  }
0x2: {  	s6 =	rddreg [dreg:$0x1]  }
0x3: {  	s1 =	rddreg [dreg:$0x2]  }
0x4: {  	s2 =	srdreg.scid;
	s8 =	stileid.u32;
	s3 =	simm.s32 $0x0  }
0x5: {  	s28 =	simm.s32 $0x8080;
	s29 =	simm.s32 $0x2;
	[dreg:$0x5] =	wrdreg s1  }
0x6: {  	s30 =	simm.s32 $0xC080;
	s31 =	simm.s32 $0x3;
	s1 =	rddreg [dreg:$0x3]  }
0x7: {  	s5 =	sand.u32 $0x1, s2;
	s9 =	sshll.u32 s8, $0x9;
	[smem:$0x7FF] =	sst s3  }
0x8: {  	s2 =	sshrl.u32 s8, $0x1;
	s4 =	sshll.u32 s5, $0x8;
	s7 =	sand.u32 $0x200, s9  }
0x9: {  	s5 =	ssub.s32 $0x2, s5;
	_ =	strace $0x80000047;
	s11 =	sshll.u32 s2, $0xB  }
0xa: {  	s4 =	sor.u32 s4, s7;
	s7 =	sshll.u32 s2, $0x14;
	s9 =	sshrl.u32 s5, $0x1  }
0xb: {  	s6 =	sadd.s32 s6, s11;
	s10 =	sshll.u32 s4, $0xA;
	s12 =	sor.u32 $0x20, s4  }
0xc: {  	s5 =	ssub.s32 s5, s9;
	s14 =	sor.u32 $0x30, s4;
	[dreg:$0x17] =	wrdreg s12  }
0xd: {  	s17 =	sor.u32 $0x40, s4;
	s19 =	sor.u32 $0x50, s4;
	[dreg:$0x18] =	wrdreg s14  }
0xe: {  	s21 =	sor.u32 $0x60, s4;
	s24 =	sor.u32 $0x70, s4;
	[dreg:$0x19] =	wrdreg s17  }
0xf: {  	s26 =	sor.u32 $0x80, s4;
	s8 =	sor.u32 s7, s10;
	[dreg:$0x1a] =	wrdreg s19  }
0x10: {  	s10 =	sor.u32 $0x10, s4;
	s9 =	sshll.u32 s12, $0xA;
	[dreg:$0x1b] =	wrdreg s21  }
0x11: {  	s20 =	sshll.u32 s17, $0xA;
	[dreg:$0x1c] =	wrdreg s24;
	s11 =	sshll.u32 s24, $0xA  }
0x12: {  	s12 =	sor.u32 $0x90, s4;
	[dreg:$0x1d] =	wrdreg s26;
	s8 =	sshrl.u32 s8, $0x3  }
0x13: {  	[dreg:$0x16] =	wrdreg s10;
	s13 =	sshll.u32 s10, $0xA;
	s9 =	sor.u32 s7, s9  }
0x14: {  	s10 =	sshll.u32 s14, $0xA;
	[dreg:$0x1e] =	wrdreg s12;
	s8 =	sadd.s32 s1, s8  }
0x15: {  	s9 =	sshrl.u32 s9, $0x3;
	s10 =	sor.u32 s7, s10;
	[dreg:$0x6] =	wrdreg s8  }
0x16: {  	s8 =	sor.u32 s7, s13;
	s15 =	sadd.s32 s1, s9;
	s16 =	sshrl.u32 s10, $0x3  }
0x17: {  	s9 =	sshll.u32 s19, $0xA;
	s10 =	sshll.u32 s21, $0xA;
	s8 =	sshrl.u32 s8, $0x3  }
0x18: {  	[dreg:$0x8] =	wrdreg s15;
	s18 =	sadd.s32 s1, s16;
	s9 =	sor.u32 s7, s9  }
0x19: {  	s10 =	sor.u32 s7, s10;
	s15 =	sor.u32 $0xA0, s4;
	s8 =	sadd.s32 s1, s8  }
0x1a: {  	[dreg:$0x9] =	wrdreg s18;
	s9 =	sshrl.u32 s9, $0x3;
	s23 =	sshrl.u32 s10, $0x3  }
0x1b: {  	s10 =	sshll.u32 s12, $0xA;
	[dreg:$0x1f] =	wrdreg s15;
	s17 =	sshll.u32 s15, $0xA  }
0x1c: {  	[dreg:$0x7] =	wrdreg s8;
	s8 =	sor.u32 s7, s20;
	s22 =	sadd.s32 s1, s9  }
0x1d: {  	s25 =	sadd.s32 s1, s23;
	s9 =	sshll.u32 s26, $0xA;
	[dreg:$0xb] =	wrdreg s22  }
0x1e: {  	s10 =	sor.u32 s7, s10;
	s8 =	sshrl.u32 s8, $0x3;
	[dreg:$0xc] =	wrdreg s25  }
0x1f: {  	s9 =	sor.u32 s7, s9;
	s14 =	sshrl.u32 s10, $0x3;
	s8 =	sadd.s32 s1, s8  }
0x20: {  	s9 =	sshrl.u32 s9, $0x3;
	s16 =	sadd.s32 s1, s14;
	[dreg:$0xa] =	wrdreg s8  }
0x21: {  	s8 =	sor.u32 s7, s11;
	[dreg:$0xf] =	wrdreg s16;
	s16 =	sor.u32 $0xB0, s4  }
0x22: {  	s13 =	sadd.s32 s1, s9;
	s8 =	sshrl.u32 s8, $0x3;
	s18 =	sshll.u32 s16, $0xA  }
0x23: {  	[dreg:$0xe] =	wrdreg s13;
	s8 =	sadd.s32 s1, s8;
	s9 =	sor.u32 s7, s18  }
0x24: {  	s18 =	sor.u32 $0xD0, s4;
	[dreg:$0xd] =	wrdreg s8;
	s8 =	sor.u32 s7, s17  }
0x25: {  	s17 =	sor.u32 $0xC0, s4;
	s9 =	sshrl.u32 s9, $0x3;
	s23 =	sshll.u32 s18, $0xA  }
0x26: {  	s8 =	sshrl.u32 s8, $0x3;
	s19 =	sshll.u32 s17, $0xA;
	s20 =	sadd.s32 s1, s9  }
0x27: {  	s8 =	sadd.s32 s1, s8;
	s10 =	sor.u32 s7, s19;
	[dreg:$0x11] =	wrdreg s20  }
0x28: {  	s19 =	sor.u32 $0xE0, s4;
	s20 =	sor.u32 $0xF0, s4;
	[dreg:$0x10] =	wrdreg s8  }
0x29: {  	s21 =	sshrl.u32 s10, $0x3;
	s8 =	sor.u32 s7, s23;
	s24 =	sshll.u32 s19, $0xA  }
0x2a: {  	s25 =	sshll.u32 s20, $0xA;
	s23 =	simm.s32 $0x6;
	s22 =	sadd.s32 s1, s21  }
0x2b: {  	s8 =	sshrl.u32 s8, $0x3;
	s9 =	sor.u32 s7, s24;
	s7 =	sor.u32 s7, s25  }
0x2c: {  	s21 =	sshll.u32 s2, $0x15;
	s24 =	simm.s32 $0x80;
	s25 =	simm.s32 $0x4080  }
0x2d: {  	s2 =	simm.s32 $0x4;
	[dreg:$0x12] =	wrdreg s22;
	s8 =	sadd.s32 s1, s8  }
0x2e: {  	s9 =	sshrl.u32 s9, $0x3;
	s7 =	sshrl.u32 s7, $0x3;
	s22 =	smax.u32 s5, $0x1  }
0x2f: {  	s5 =	simm.s32 $0x7;
	[dreg:$0x13] =	wrdreg s8;
	s26 =	sadd.s32 s1, s9  }
0x30: {  	s1 =	sadd.s32 s1, s7;
	s7 =	simm.s32 $0x8;
	[dreg:$0x14] =	wrdreg s26  }
0x31: {  	[dreg:$0x15] =	wrdreg s1;
	s26 =	simm.s32 $0x1;
	s1 =	simm.s32 $0x5  }
.LBB2_1:
0x32: {  	s8 =	rddreg [dreg:$0x5];
	s12 =	simm.s32 $0x9  }
0x33: {  	[tilespmem:s3], [sflag:$0x9] =	stream.linear.gather [hbm4b:s8+s3], $0x80, $0x38;
	[tilespmem:$0x10080] =	vst v63  }
0x34: {  	_ =	swait.ge [sflag:s12], $0x80  }
0x35: {  	[sflag:s12] =	ssyncset.done $0x0  }
0x36: {  	[sflag:s12] =	ssyncadd.s32 $0xFFFFFF80  }
0x37: {  	v0 =	vld [tilespmem:$0x0]  }
0x38: {  	v1 =	vld [tilespmem:$0x10]  }
0x39: {  	v2 =	vld [tilespmem:$0x20];
	_ =	sdelay $0x2  }
0x3a: {  	(v2sf) =	vpush v0, $0x0  }
0x3b: {  	(v2sf) =	vpush v1, $0x0  }
0x3c: {  	(v2sf) =	vpush v2, $0x0;
	_ =	sdelay $0xc  }
0x3d: {  	s9 =	spop (v2sf)  }
0x3e: {  	s12 =	spop (v2sf)  }
0x3f: {  	s11 =	sadd.s32 s4, s9;
	s10 =	spop (v2sf)  }
0x40: {  	s8 =	smov.u32 s12;
	p0 =	slt.s32 s11, s10  }
0x41: {  	p1 =	sgt.s32 s11, $0x3;
	s8 =	simm.s32 @!p0 $0x0  }
0x42: {  	s8 =	simm.s32 @!p1 $0x0  }
0x43: {  	s8 =	sadd.s32 s11, s8  }
0x44: {  	p0 =	slt.s32 s8, $0x7F0  }
0x45: {  	s14 =	rddreg [dreg:$0x16];
	s8 =	simm.s32 @!p0 $0x7F0  }
0x46: {  	s13 =	sadd.s32 s14, s9;
	s8 =	sshll.u32 s8, $0xA  }
0x47: {  	s11 =	smov.u32 s12;
	p0 =	slt.s32 s13, s10;
	s8 =	sadd.s32 s21, s8  }
0x48: {  	p1 =	sgt.s32 s13, $0x3;
	s11 =	simm.s32 @!p0 $0x0;
	s8 =	sshrl.u32 s8, $0x3  }
0x49: {  	s11 =	simm.s32 @!p1 $0x0;
	s8 =	sadd.s32 s0, s8  }
0x4a: {  	[tilespmem:s24], [sflag:$0x1] =	stream.linear.gather [hbm4b:s8+s3], $0x4000, $0x38;
	[tilespmem:$0x10080] =	vst v63  }
0x4b: {  	s8 =	sadd.s32 s13, s11  }
0x4c: {  	p0 =	slt.s32 s8, $0x7F0  }
0x4d: {  	s8 =	simm.s32 @!p0 $0x7F0  }
0x4e: {  	s8 =	sshll.u32 s8, $0xA  }
0x4f: {  	s8 =	sadd.s32 s21, s8  }
0x50: {  	s8 =	sshrl.u32 s8, $0x3  }
0x51: {  	s8 =	sadd.s32 s0, s8  }
0x52: {  	[tilespmem:s25], [sflag:$0x2] =	stream.linear.gather [hbm4b:s8+s3], $0x4000, $0x38;
	[tilespmem:$0x10080] =	vst v63  }
0x53: {  	s11 =	ssub.s32 s10, s9;
	_ =	swait.ge [sflag:s26], $0x4000  }
0x54: {  	p0 =	sne.s32 s4, s11;
	[sflag:s26] =	ssyncset.done $0x0  }
0x55: {  	s13 =	simm.s32 @!p0 $0x80;
	s8 =	simm.s32 @!p0 $0x0;
	[sflag:s26] =	ssyncadd.s32 $0xFFFFC000  }
0x56: {  	[tilespmem:s13], [sflag:$0x9] =	stream.linear.gather @!p0 [hbm4b:s6+s8], $0x4000, $0x38;
	[tilespmem:$0x10080] =	vst v63  }
0x57: {  	s8 =	simm.s32 @!p0 $0x9  }
0x58: {  	_ =	swait.ge @!p0 [sflag:s8], $0x4000  }
0x59: {  	[sflag:s8] =	ssyncset.done @!p0 $0x0  }
0x5a: {  	s15 =	rddreg [dreg:$0x6];
	[sflag:s8] =	ssyncadd.s32 @!p0 $0xFFFFC000  }
0x5b: {  	[hbm4b:s15+s3] =	stream.linear.scatter [tilespmem:s24], [sflag:$0x5], $0x4000, $0x38;
	[tilespmem:$0x10080] =	vst v63  }
0x5c: {  	s15 =	rddreg [dreg:$0x17]  }
0x5d: {  	s8 =	sadd.s32 s15, s9  }
0x5e: {  	s13 =	smov.u32 s12;
	p0 =	slt.s32 s8, s10  }
0x5f: {  	p1 =	sgt.s32 s8, $0x3;
	s13 =	simm.s32 @!p0 $0x0  }
0x60: {  	s13 =	simm.s32 @!p1 $0x0  }
0x61: {  	s8 =	sadd.s32 s8, s13  }
0x62: {  	p0 =	slt.s32 s8, $0x7F0  }
0x63: {  	s8 =	simm.s32 @!p0 $0x7F0  }
0x64: {  	s8 =	sshll.u32 s8, $0xA  }
0x65: {  	s8 =	sadd.s32 s21, s8  }
0x66: {  	s8 =	sshrl.u32 s8, $0x3  }
0x67: {  	s8 =	sadd.s32 s0, s8  }
0x68: {  	[tilespmem:s28], [sflag:$0x3] =	stream.linear.gather [hbm4b:s8+s3], $0x4000, $0x38;
	[tilespmem:$0x10080] =	vst v63  }
0x69: {  	_ =	swait.ge [sflag:s29], $0x4000  }
0x6a: {  	p0 =	sne.s32 s14, s11;
	[sflag:s29] =	ssyncset.done $0x0  }
0x6b: {  	s13 =	simm.s32 @!p0 $0x4080;
	s8 =	simm.s32 @!p0 $0x0;
	[sflag:s29] =	ssyncadd.s32 $0xFFFFC000  }
0x6c: {  	[tilespmem:s13], [sflag:$0x9] =	stream.linear.gather @!p0 [hbm4b:s6+s8], $0x4000, $0x38;
	[tilespmem:$0x10080] =	vst v63  }
0x6d: {  	s8 =	simm.s32 @!p0 $0x9  }
0x6e: {  	_ =	swait.ge @!p0 [sflag:s8], $0x4000  }
0x6f: {  	[sflag:s8] =	ssyncset.done @!p0 $0x0  }
0x70: {  	s14 =	rddreg [dreg:$0x7];
	[sflag:s8] =	ssyncadd.s32 @!p0 $0xFFFFC000  }
0x71: {  	[hbm4b:s14+s3] =	stream.linear.scatter [tilespmem:s25], [sflag:$0x6], $0x4000, $0x38;
	[tilespmem:$0x10080] =	vst v63  }
0x72: {  	s14 =	rddreg [dreg:$0x18]  }
0x73: {  	s8 =	sadd.s32 s14, s9  }
0x74: {  	s13 =	smov.u32 s12;
	p0 =	slt.s32 s8, s10  }
0x75: {  	p1 =	sgt.s32 s8, $0x3;
	s13 =	simm.s32 @!p0 $0x0  }
0x76: {  	s13 =	simm.s32 @!p1 $0x0  }
0x77: {  	s8 =	sadd.s32 s8, s13  }
0x78: {  	p0 =	slt.s32 s8, $0x7F0  }
0x79: {  	s8 =	simm.s32 @!p0 $0x7F0  }
0x7a: {  	s8 =	sshll.u32 s8, $0xA  }
0x7b: {  	s8 =	sadd.s32 s21, s8  }
0x7c: {  	s8 =	sshrl.u32 s8, $0x3  }
0x7d: {  	s8 =	sadd.s32 s0, s8  }
0x7e: {  	[tilespmem:s30], [sflag:$0x4] =	stream.linear.gather [hbm4b:s8+s3], $0x4000, $0x38;
	[tilespmem:$0x10080] =	vst v63  }
0x7f: {  	_ =	swait.ge [sflag:s31], $0x4000  }
0x80: {  	p0 =	sne.s32 s15, s11;
	[sflag:s31] =	ssyncset.done $0x0  }
0x81: {  	s13 =	simm.s32 @!p0 $0x8080;
	s8 =	simm.s32 @!p0 $0x0;
	[sflag:s31] =	ssyncadd.s32 $0xFFFFC000  }
0x82: {  	[tilespmem:s13], [sflag:$0x9] =	stream.linear.gather @!p0 [hbm4b:s6+s8], $0x4000, $0x38;
	[tilespmem:$0x10080] =	vst v63  }
0x83: {  	s8 =	simm.s32 @!p0 $0x9  }
0x84: {  	_ =	swait.ge @!p0 [sflag:s8], $0x4000  }
0x85: {  	[sflag:s8] =	ssyncset.done @!p0 $0x0  }
0x86: {  	s15 =	rddreg [dreg:$0x8];
	[sflag:s8] =	ssyncadd.s32 @!p0 $0xFFFFC000  }
0x87: {  	[hbm4b:s15+s3] =	stream.linear.scatter [tilespmem:s28], [sflag:$0x7], $0x4000, $0x38;
	[tilespmem:$0x10080] =	vst v63  }
0x88: {  	s15 =	rddreg [dreg:$0x19]  }
0x89: {  	s8 =	sadd.s32 s15, s9  }
0x8a: {  	s13 =	smov.u32 s12;
	p0 =	slt.s32 s8, s10  }
0x8b: {  	p1 =	sgt.s32 s8, $0x3;
	s13 =	simm.s32 @!p0 $0x0  }
0x8c: {  	s13 =	simm.s32 @!p1 $0x0  }
0x8d: {  	s8 =	sadd.s32 s8, s13  }
0x8e: {  	p0 =	slt.s32 s8, $0x7F0  }
0x8f: {  	s8 =	simm.s32 @!p0 $0x7F0  }
0x90: {  	s8 =	sshll.u32 s8, $0xA  }
0x91: {  	_ =	swait.ge [sflag:s1], $0x4000;
	s8 =	sadd.s32 s21, s8  }
0x92: {  	[sflag:s1] =	ssyncset.done $0x0;
	s8 =	sshrl.u32 s8, $0x3  }
0x93: {  	[sflag:s1] =	ssyncadd.s32 $0xFFFFC000;
	s8 =	sadd.s32 s0, s8  }
0x94: {  	[tilespmem:s24], [sflag:$0x1] =	stream.linear.gather [hbm4b:s8+s3], $0x4000, $0x38;
	[tilespmem:$0x10080] =	vst v63  }
0x95: {  	_ =	swait.ge [sflag:s2], $0x4000  }
0x96: {  	p0 =	sne.s32 s14, s11;
	[sflag:s2] =	ssyncset.done $0x0  }
0x97: {  	s13 =	simm.s32 @!p0 $0xC080;
	s8 =	simm.s32 @!p0 $0x0;
	[sflag:s2] =	ssyncadd.s32 $0xFFFFC000  }
0x98: {  	[tilespmem:s13], [sflag:$0x9] =	stream.linear.gather @!p0 [hbm4b:s6+s8], $0x4000, $0x38;
	[tilespmem:$0x10080] =	vst v63  }
0x99: {  	s8 =	simm.s32 @!p0 $0x9  }
0x9a: {  	_ =	swait.ge @!p0 [sflag:s8], $0x4000  }
0x9b: {  	[sflag:s8] =	ssyncset.done @!p0 $0x0  }
0x9c: {  	s14 =	rddreg [dreg:$0x9];
	[sflag:s8] =	ssyncadd.s32 @!p0 $0xFFFFC000  }
0x9d: {  	[hbm4b:s14+s3] =	stream.linear.scatter [tilespmem:s30], [sflag:$0x8], $0x4000, $0x38;
	[tilespmem:$0x10080] =	vst v63  }
0x9e: {  	s14 =	rddreg [dreg:$0x1a]  }
0x9f: {  	s8 =	sadd.s32 s14, s9  }
0xa0: {  	s13 =	smov.u32 s12;
	p0 =	slt.s32 s8, s10  }
0xa1: {  	p1 =	sgt.s32 s8, $0x3;
	s13 =	simm.s32 @!p0 $0x0  }
0xa2: {  	s13 =	simm.s32 @!p1 $0x0  }
0xa3: {  	s8 =	sadd.s32 s8, s13  }
0xa4: {  	p0 =	slt.s32 s8, $0x7F0  }
0xa5: {  	s8 =	simm.s32 @!p0 $0x7F0  }
0xa6: {  	s8 =	sshll.u32 s8, $0xA  }
0xa7: {  	_ =	swait.ge [sflag:s23], $0x4000;
	s8 =	sadd.s32 s21, s8  }
0xa8: {  	[sflag:s23] =	ssyncset.done $0x0;
	s8 =	sshrl.u32 s8, $0x3  }
0xa9: {  	[sflag:s23] =	ssyncadd.s32 $0xFFFFC000;
	s8 =	sadd.s32 s0, s8  }
0xaa: {  	[tilespmem:s25], [sflag:$0x2] =	stream.linear.gather [hbm4b:s8+s3], $0x4000, $0x38;
	[tilespmem:$0x10080] =	vst v63  }
0xab: {  	_ =	swait.ge [sflag:s26], $0x4000  }
0xac: {  	p0 =	sne.s32 s15, s11;
	[sflag:s26] =	ssyncset.done $0x0  }
0xad: {  	s13 =	simm.s32 @!p0 $0x80;
	s8 =	simm.s32 @!p0 $0x0;
	[sflag:s26] =	ssyncadd.s32 $0xFFFFC000  }
0xae: {  	[tilespmem:s13], [sflag:$0x9] =	stream.linear.gather @!p0 [hbm4b:s6+s8], $0x4000, $0x38;
	[tilespmem:$0x10080] =	vst v63  }
0xaf: {  	s8 =	simm.s32 @!p0 $0x9  }
0xb0: {  	_ =	swait.ge @!p0 [sflag:s8], $0x4000  }
0xb1: {  	[sflag:s8] =	ssyncset.done @!p0 $0x0  }
0xb2: {  	s15 =	rddreg [dreg:$0xa];
	[sflag:s8] =	ssyncadd.s32 @!p0 $0xFFFFC000  }
0xb3: {  	[hbm4b:s15+s3] =	stream.linear.scatter [tilespmem:s24], [sflag:$0x5], $0x4000, $0x38;
	[tilespmem:$0x10080] =	vst v63  }
0xb4: {  	s15 =	rddreg [dreg:$0x1b]  }
0xb5: {  	s8 =	sadd.s32 s15, s9  }
0xb6: {  	s13 =	smov.u32 s12;
	p0 =	slt.s32 s8, s10  }
0xb7: {  	p1 =	sgt.s32 s8, $0x3;
	s13 =	simm.s32 @!p0 $0x0  }
0xb8: {  	s13 =	simm.s32 @!p1 $0x0  }
0xb9: {  	s8 =	sadd.s32 s8, s13  }
0xba: {  	p0 =	slt.s32 s8, $0x7F0  }
0xbb: {  	s8 =	simm.s32 @!p0 $0x7F0  }
0xbc: {  	s8 =	sshll.u32 s8, $0xA  }
0xbd: {  	_ =	swait.ge [sflag:s5], $0x4000;
	s8 =	sadd.s32 s21, s8  }
0xbe: {  	[sflag:s5] =	ssyncset.done $0x0;
	s8 =	sshrl.u32 s8, $0x3  }
0xbf: {  	[sflag:s5] =	ssyncadd.s32 $0xFFFFC000;
	s8 =	sadd.s32 s0, s8  }
0xc0: {  	[tilespmem:s28], [sflag:$0x3] =	stream.linear.gather [hbm4b:s8+s3], $0x4000, $0x38;
	[tilespmem:$0x10080] =	vst v63  }
0xc1: {  	_ =	swait.ge [sflag:s29], $0x4000  }
0xc2: {  	p0 =	sne.s32 s14, s11;
	[sflag:s29] =	ssyncset.done $0x0  }
0xc3: {  	s13 =	simm.s32 @!p0 $0x4080;
	s8 =	simm.s32 @!p0 $0x0;
	[sflag:s29] =	ssyncadd.s32 $0xFFFFC000  }
0xc4: {  	[tilespmem:s13], [sflag:$0x9] =	stream.linear.gather @!p0 [hbm4b:s6+s8], $0x4000, $0x38;
	[tilespmem:$0x10080] =	vst v63  }
0xc5: {  	s8 =	simm.s32 @!p0 $0x9  }
0xc6: {  	_ =	swait.ge @!p0 [sflag:s8], $0x4000  }
0xc7: {  	[sflag:s8] =	ssyncset.done @!p0 $0x0  }
0xc8: {  	s14 =	rddreg [dreg:$0xb];
	[sflag:s8] =	ssyncadd.s32 @!p0 $0xFFFFC000  }
0xc9: {  	[hbm4b:s14+s3] =	stream.linear.scatter [tilespmem:s25], [sflag:$0x6], $0x4000, $0x38;
	[tilespmem:$0x10080] =	vst v63  }
0xca: {  	s14 =	rddreg [dreg:$0x1c]  }
0xcb: {  	s8 =	sadd.s32 s14, s9  }
0xcc: {  	s13 =	smov.u32 s12;
	p0 =	slt.s32 s8, s10  }
0xcd: {  	p1 =	sgt.s32 s8, $0x3;
	s13 =	simm.s32 @!p0 $0x0  }
0xce: {  	s13 =	simm.s32 @!p1 $0x0  }
0xcf: {  	s8 =	sadd.s32 s8, s13  }
0xd0: {  	p0 =	slt.s32 s8, $0x7F0  }
0xd1: {  	s8 =	simm.s32 @!p0 $0x7F0  }
0xd2: {  	s8 =	sshll.u32 s8, $0xA  }
0xd3: {  	_ =	swait.ge [sflag:s7], $0x4000;
	s8 =	sadd.s32 s21, s8  }
0xd4: {  	[sflag:s7] =	ssyncset.done $0x0;
	s8 =	sshrl.u32 s8, $0x3  }
0xd5: {  	[sflag:s7] =	ssyncadd.s32 $0xFFFFC000;
	s8 =	sadd.s32 s0, s8  }
0xd6: {  	[tilespmem:s30], [sflag:$0x4] =	stream.linear.gather [hbm4b:s8+s3], $0x4000, $0x38;
	[tilespmem:$0x10080] =	vst v63  }
0xd7: {  	_ =	swait.ge [sflag:s31], $0x4000  }
0xd8: {  	p0 =	sne.s32 s15, s11;
	[sflag:s31] =	ssyncset.done $0x0  }
0xd9: {  	s13 =	simm.s32 @!p0 $0x8080;
	s8 =	simm.s32 @!p0 $0x0;
	[sflag:s31] =	ssyncadd.s32 $0xFFFFC000  }
0xda: {  	[tilespmem:s13], [sflag:$0x9] =	stream.linear.gather @!p0 [hbm4b:s6+s8], $0x4000, $0x38;
	[tilespmem:$0x10080] =	vst v63  }
0xdb: {  	s8 =	simm.s32 @!p0 $0x9  }
0xdc: {  	_ =	swait.ge @!p0 [sflag:s8], $0x4000  }
0xdd: {  	[sflag:s8] =	ssyncset.done @!p0 $0x0  }
0xde: {  	s15 =	rddreg [dreg:$0xc];
	[sflag:s8] =	ssyncadd.s32 @!p0 $0xFFFFC000  }
0xdf: {  	[hbm4b:s15+s3] =	stream.linear.scatter [tilespmem:s28], [sflag:$0x7], $0x4000, $0x38;
	[tilespmem:$0x10080] =	vst v63  }
0xe0: {  	s15 =	rddreg [dreg:$0x1d]  }
0xe1: {  	s8 =	sadd.s32 s15, s9  }
0xe2: {  	s13 =	smov.u32 s12;
	p0 =	slt.s32 s8, s10  }
0xe3: {  	p1 =	sgt.s32 s8, $0x3;
	s13 =	simm.s32 @!p0 $0x0  }
0xe4: {  	s13 =	simm.s32 @!p1 $0x0  }
0xe5: {  	s8 =	sadd.s32 s8, s13  }
0xe6: {  	p0 =	slt.s32 s8, $0x7F0  }
0xe7: {  	s8 =	simm.s32 @!p0 $0x7F0  }
0xe8: {  	s8 =	sshll.u32 s8, $0xA  }
0xe9: {  	_ =	swait.ge [sflag:s1], $0x4000;
	s8 =	sadd.s32 s21, s8  }
0xea: {  	[sflag:s1] =	ssyncset.done $0x0;
	s8 =	sshrl.u32 s8, $0x3  }
0xeb: {  	[sflag:s1] =	ssyncadd.s32 $0xFFFFC000;
	s8 =	sadd.s32 s0, s8  }
0xec: {  	[tilespmem:s24], [sflag:$0x1] =	stream.linear.gather [hbm4b:s8+s3], $0x4000, $0x38;
	[tilespmem:$0x10080] =	vst v63  }
0xed: {  	_ =	swait.ge [sflag:s2], $0x4000  }
0xee: {  	p0 =	sne.s32 s14, s11;
	[sflag:s2] =	ssyncset.done $0x0  }
0xef: {  	s13 =	simm.s32 @!p0 $0xC080;
	s8 =	simm.s32 @!p0 $0x0;
	[sflag:s2] =	ssyncadd.s32 $0xFFFFC000  }
0xf0: {  	[tilespmem:s13], [sflag:$0x9] =	stream.linear.gather @!p0 [hbm4b:s6+s8], $0x4000, $0x38;
	[tilespmem:$0x10080] =	vst v63  }
0xf1: {  	s8 =	simm.s32 @!p0 $0x9  }
0xf2: {  	_ =	swait.ge @!p0 [sflag:s8], $0x4000  }
0xf3: {  	[sflag:s8] =	ssyncset.done @!p0 $0x0  }
0xf4: {  	s14 =	rddreg [dreg:$0xd];
	[sflag:s8] =	ssyncadd.s32 @!p0 $0xFFFFC000  }
0xf5: {  	[hbm4b:s14+s3] =	stream.linear.scatter [tilespmem:s30], [sflag:$0x8], $0x4000, $0x38;
	[tilespmem:$0x10080] =	vst v63  }
0xf6: {  	s14 =	rddreg [dreg:$0x1e]  }
0xf7: {  	s8 =	sadd.s32 s14, s9  }
0xf8: {  	s13 =	smov.u32 s12;
	p0 =	slt.s32 s8, s10  }
0xf9: {  	p1 =	sgt.s32 s8, $0x3;
	s13 =	simm.s32 @!p0 $0x0  }
0xfa: {  	s13 =	simm.s32 @!p1 $0x0  }
0xfb: {  	s8 =	sadd.s32 s8, s13  }
0xfc: {  	p0 =	slt.s32 s8, $0x7F0  }
0xfd: {  	s8 =	simm.s32 @!p0 $0x7F0  }
0xfe: {  	s8 =	sshll.u32 s8, $0xA  }
0xff: {  	_ =	swait.ge [sflag:s23], $0x4000;
	s8 =	sadd.s32 s21, s8  }
0x100: {  	[sflag:s23] =	ssyncset.done $0x0;
	s8 =	sshrl.u32 s8, $0x3  }
0x101: {  	[sflag:s23] =	ssyncadd.s32 $0xFFFFC000;
	s8 =	sadd.s32 s0, s8  }
0x102: {  	[tilespmem:s25], [sflag:$0x2] =	stream.linear.gather [hbm4b:s8+s3], $0x4000, $0x38;
	[tilespmem:$0x10080] =	vst v63  }
0x103: {  	_ =	swait.ge [sflag:s26], $0x4000  }
0x104: {  	p0 =	sne.s32 s15, s11;
	[sflag:s26] =	ssyncset.done $0x0  }
0x105: {  	s13 =	simm.s32 @!p0 $0x80;
	s8 =	simm.s32 @!p0 $0x0;
	[sflag:s26] =	ssyncadd.s32 $0xFFFFC000  }
0x106: {  	[tilespmem:s13], [sflag:$0x9] =	stream.linear.gather @!p0 [hbm4b:s6+s8], $0x4000, $0x38;
	[tilespmem:$0x10080] =	vst v63  }
0x107: {  	s8 =	simm.s32 @!p0 $0x9  }
0x108: {  	_ =	swait.ge @!p0 [sflag:s8], $0x4000  }
0x109: {  	[sflag:s8] =	ssyncset.done @!p0 $0x0  }
0x10a: {  	s15 =	rddreg [dreg:$0xe];
	[sflag:s8] =	ssyncadd.s32 @!p0 $0xFFFFC000  }
0x10b: {  	[hbm4b:s15+s3] =	stream.linear.scatter [tilespmem:s24], [sflag:$0x5], $0x4000, $0x38;
	[tilespmem:$0x10080] =	vst v63  }
0x10c: {  	s15 =	rddreg [dreg:$0x1f]  }
0x10d: {  	s8 =	sadd.s32 s15, s9  }
0x10e: {  	s13 =	smov.u32 s12;
	p0 =	slt.s32 s8, s10  }
0x10f: {  	p1 =	sgt.s32 s8, $0x3;
	s13 =	simm.s32 @!p0 $0x0  }
0x110: {  	s13 =	simm.s32 @!p1 $0x0  }
0x111: {  	s8 =	sadd.s32 s8, s13  }
0x112: {  	p0 =	slt.s32 s8, $0x7F0  }
0x113: {  	s8 =	simm.s32 @!p0 $0x7F0  }
0x114: {  	s8 =	sshll.u32 s8, $0xA  }
0x115: {  	_ =	swait.ge [sflag:s5], $0x4000;
	s8 =	sadd.s32 s21, s8  }
0x116: {  	[sflag:s5] =	ssyncset.done $0x0;
	s8 =	sshrl.u32 s8, $0x3  }
0x117: {  	[sflag:s5] =	ssyncadd.s32 $0xFFFFC000;
	s8 =	sadd.s32 s0, s8  }
0x118: {  	[tilespmem:s28], [sflag:$0x3] =	stream.linear.gather [hbm4b:s8+s3], $0x4000, $0x38;
	[tilespmem:$0x10080] =	vst v63  }
0x119: {  	_ =	swait.ge [sflag:s29], $0x4000  }
0x11a: {  	p0 =	sne.s32 s14, s11;
	[sflag:s29] =	ssyncset.done $0x0  }
0x11b: {  	s13 =	simm.s32 @!p0 $0x4080;
	s8 =	simm.s32 @!p0 $0x0;
	[sflag:s29] =	ssyncadd.s32 $0xFFFFC000  }
0x11c: {  	[tilespmem:s13], [sflag:$0x9] =	stream.linear.gather @!p0 [hbm4b:s6+s8], $0x4000, $0x38;
	[tilespmem:$0x10080] =	vst v63  }
0x11d: {  	s8 =	simm.s32 @!p0 $0x9  }
0x11e: {  	_ =	swait.ge @!p0 [sflag:s8], $0x4000  }
0x11f: {  	[sflag:s8] =	ssyncset.done @!p0 $0x0  }
0x120: {  	s14 =	rddreg [dreg:$0xf];
	[sflag:s8] =	ssyncadd.s32 @!p0 $0xFFFFC000  }
0x121: {  	[hbm4b:s14+s3] =	stream.linear.scatter [tilespmem:s25], [sflag:$0x6], $0x4000, $0x38;
	[tilespmem:$0x10080] =	vst v63  }
0x122: {  	s14 =	sadd.s32 s16, s9  }
0x123: {  	s13 =	smov.u32 s12;
	p0 =	slt.s32 s14, s10  }
0x124: {  	p1 =	sgt.s32 s14, $0x3;
	s13 =	simm.s32 @!p0 $0x0  }
0x125: {  	s13 =	simm.s32 @!p1 $0x0  }
0x126: {  	s8 =	sadd.s32 s14, s13  }
0x127: {  	p0 =	slt.s32 s8, $0x7F0  }
0x128: {  	s8 =	simm.s32 @!p0 $0x7F0  }
0x129: {  	s8 =	sshll.u32 s8, $0xA  }
0x12a: {  	_ =	swait.ge [sflag:s7], $0x4000;
	s8 =	sadd.s32 s21, s8  }
0x12b: {  	[sflag:s7] =	ssyncset.done $0x0;
	s8 =	sshrl.u32 s8, $0x3  }
0x12c: {  	[sflag:s7] =	ssyncadd.s32 $0xFFFFC000;
	s8 =	sadd.s32 s0, s8  }
0x12d: {  	[tilespmem:s30], [sflag:$0x4] =	stream.linear.gather [hbm4b:s8+s3], $0x4000, $0x38;
	[tilespmem:$0x10080] =	vst v63  }
0x12e: {  	_ =	swait.ge [sflag:s31], $0x4000  }
0x12f: {  	p0 =	sne.s32 s15, s11;
	[sflag:s31] =	ssyncset.done $0x0  }
0x130: {  	s13 =	simm.s32 @!p0 $0x8080;
	s8 =	simm.s32 @!p0 $0x0;
	[sflag:s31] =	ssyncadd.s32 $0xFFFFC000  }
0x131: {  	[tilespmem:s13], [sflag:$0x9] =	stream.linear.gather @!p0 [hbm4b:s6+s8], $0x4000, $0x38;
	[tilespmem:$0x10080] =	vst v63  }
0x132: {  	s8 =	simm.s32 @!p0 $0x9  }
0x133: {  	_ =	swait.ge @!p0 [sflag:s8], $0x4000  }
0x134: {  	s14 =	sadd.s32 s17, s9;
	s13 =	smov.u32 s12;
	[sflag:s8] =	ssyncset.done @!p0 $0x0  }
0x135: {  	s15 =	rddreg [dreg:$0x10];
	[sflag:s8] =	ssyncadd.s32 @!p0 $0xFFFFC000;
	p0 =	slt.s32 s14, s10  }
0x136: {  	[hbm4b:s15+s3] =	stream.linear.scatter [tilespmem:s28], [sflag:$0x7], $0x4000, $0x38;
	[tilespmem:$0x10080] =	vst v63  }
0x137: {  	p1 =	sgt.s32 s14, $0x3;
	s13 =	simm.s32 @!p0 $0x0  }
0x138: {  	s13 =	simm.s32 @!p1 $0x0  }
0x139: {  	s8 =	sadd.s32 s14, s13  }
0x13a: {  	p0 =	slt.s32 s8, $0x7F0  }
0x13b: {  	s8 =	simm.s32 @!p0 $0x7F0  }
0x13c: {  	s8 =	sshll.u32 s8, $0xA  }
0x13d: {  	_ =	swait.ge [sflag:s1], $0x4000;
	s8 =	sadd.s32 s21, s8  }
0x13e: {  	[sflag:s1] =	ssyncset.done $0x0;
	s8 =	sshrl.u32 s8, $0x3  }
0x13f: {  	[sflag:s1] =	ssyncadd.s32 $0xFFFFC000;
	s8 =	sadd.s32 s0, s8  }
0x140: {  	[tilespmem:s24], [sflag:$0x1] =	stream.linear.gather [hbm4b:s8+s3], $0x4000, $0x38;
	[tilespmem:$0x10080] =	vst v63  }
0x141: {  	_ =	swait.ge [sflag:s2], $0x4000  }
0x142: {  	p0 =	sne.s32 s16, s11;
	[sflag:s2] =	ssyncset.done $0x0  }
0x143: {  	s13 =	simm.s32 @!p0 $0xC080;
	s8 =	simm.s32 @!p0 $0x0;
	[sflag:s2] =	ssyncadd.s32 $0xFFFFC000  }
0x144: {  	[tilespmem:s13], [sflag:$0x9] =	stream.linear.gather @!p0 [hbm4b:s6+s8], $0x4000, $0x38;
	[tilespmem:$0x10080] =	vst v63  }
0x145: {  	s8 =	simm.s32 @!p0 $0x9  }
0x146: {  	_ =	swait.ge @!p0 [sflag:s8], $0x4000  }
0x147: {  	s14 =	sadd.s32 s18, s9;
	s13 =	smov.u32 s12;
	[sflag:s8] =	ssyncset.done @!p0 $0x0  }
0x148: {  	s15 =	rddreg [dreg:$0x11];
	[sflag:s8] =	ssyncadd.s32 @!p0 $0xFFFFC000;
	p0 =	slt.s32 s14, s10  }
0x149: {  	[hbm4b:s15+s3] =	stream.linear.scatter [tilespmem:s30], [sflag:$0x8], $0x4000, $0x38;
	[tilespmem:$0x10080] =	vst v63  }
0x14a: {  	p1 =	sgt.s32 s14, $0x3;
	s13 =	simm.s32 @!p0 $0x0  }
0x14b: {  	s13 =	simm.s32 @!p1 $0x0  }
0x14c: {  	s8 =	sadd.s32 s14, s13  }
0x14d: {  	p0 =	slt.s32 s8, $0x7F0  }
0x14e: {  	s8 =	simm.s32 @!p0 $0x7F0  }
0x14f: {  	s8 =	sshll.u32 s8, $0xA  }
0x150: {  	_ =	swait.ge [sflag:s23], $0x4000;
	s8 =	sadd.s32 s21, s8  }
0x151: {  	[sflag:s23] =	ssyncset.done $0x0;
	s8 =	sshrl.u32 s8, $0x3  }
0x152: {  	[sflag:s23] =	ssyncadd.s32 $0xFFFFC000;
	s8 =	sadd.s32 s0, s8  }
0x153: {  	[tilespmem:s25], [sflag:$0x2] =	stream.linear.gather [hbm4b:s8+s3], $0x4000, $0x38;
	[tilespmem:$0x10080] =	vst v63  }
0x154: {  	_ =	swait.ge [sflag:s26], $0x4000  }
0x155: {  	p0 =	sne.s32 s17, s11;
	[sflag:s26] =	ssyncset.done $0x0  }
0x156: {  	s13 =	simm.s32 @!p0 $0x80;
	s8 =	simm.s32 @!p0 $0x0;
	[sflag:s26] =	ssyncadd.s32 $0xFFFFC000  }
0x157: {  	[tilespmem:s13], [sflag:$0x9] =	stream.linear.gather @!p0 [hbm4b:s6+s8], $0x4000, $0x38;
	[tilespmem:$0x10080] =	vst v63  }
0x158: {  	s8 =	simm.s32 @!p0 $0x9  }
0x159: {  	_ =	swait.ge @!p0 [sflag:s8], $0x4000  }
0x15a: {  	s14 =	sadd.s32 s19, s9;
	s13 =	smov.u32 s12;
	[sflag:s8] =	ssyncset.done @!p0 $0x0  }
0x15b: {  	s15 =	rddreg [dreg:$0x12];
	[sflag:s8] =	ssyncadd.s32 @!p0 $0xFFFFC000;
	p0 =	slt.s32 s14, s10  }
0x15c: {  	[hbm4b:s15+s3] =	stream.linear.scatter [tilespmem:s24], [sflag:$0x5], $0x4000, $0x38;
	[tilespmem:$0x10080] =	vst v63  }
0x15d: {  	p1 =	sgt.s32 s14, $0x3;
	s13 =	simm.s32 @!p0 $0x0  }
0x15e: {  	s13 =	simm.s32 @!p1 $0x0  }
0x15f: {  	s8 =	sadd.s32 s14, s13  }
0x160: {  	p0 =	slt.s32 s8, $0x7F0  }
0x161: {  	s8 =	simm.s32 @!p0 $0x7F0  }
0x162: {  	s8 =	sshll.u32 s8, $0xA  }
0x163: {  	_ =	swait.ge [sflag:s5], $0x4000;
	s8 =	sadd.s32 s21, s8  }
0x164: {  	[sflag:s5] =	ssyncset.done $0x0;
	s8 =	sshrl.u32 s8, $0x3  }
0x165: {  	[sflag:s5] =	ssyncadd.s32 $0xFFFFC000;
	s8 =	sadd.s32 s0, s8  }
0x166: {  	[tilespmem:s28], [sflag:$0x3] =	stream.linear.gather [hbm4b:s8+s3], $0x4000, $0x38;
	[tilespmem:$0x10080] =	vst v63  }
0x167: {  	_ =	swait.ge [sflag:s29], $0x4000  }
0x168: {  	p0 =	sne.s32 s18, s11;
	[sflag:s29] =	ssyncset.done $0x0  }
0x169: {  	s13 =	simm.s32 @!p0 $0x4080;
	s8 =	simm.s32 @!p0 $0x0;
	[sflag:s29] =	ssyncadd.s32 $0xFFFFC000  }
0x16a: {  	[tilespmem:s13], [sflag:$0x9] =	stream.linear.gather @!p0 [hbm4b:s6+s8], $0x4000, $0x38;
	[tilespmem:$0x10080] =	vst v63  }
0x16b: {  	s8 =	simm.s32 @!p0 $0x9  }
0x16c: {  	_ =	swait.ge @!p0 [sflag:s8], $0x4000  }
0x16d: {  	s13 =	sadd.s32 s20, s9;
	[sflag:s8] =	ssyncset.done @!p0 $0x0  }
0x16e: {  	s15 =	rddreg [dreg:$0x13];
	[sflag:s8] =	ssyncadd.s32 @!p0 $0xFFFFC000;
	p0 =	slt.s32 s13, s10  }
0x16f: {  	[hbm4b:s15+s3] =	stream.linear.scatter [tilespmem:s25], [sflag:$0x6], $0x4000, $0x38;
	[tilespmem:$0x10080] =	vst v63  }
0x170: {  	p1 =	sgt.s32 s13, $0x3;
	s12 =	simm.s32 @!p0 $0x0  }
0x171: {  	s12 =	simm.s32 @!p1 $0x0  }
0x172: {  	s8 =	sadd.s32 s13, s12  }
0x173: {  	p0 =	slt.s32 s8, $0x7F0  }
0x174: {  	s8 =	simm.s32 @!p0 $0x7F0  }
0x175: {  	s8 =	sshll.u32 s8, $0xA  }
0x176: {  	_ =	swait.ge [sflag:s7], $0x4000;
	s8 =	sadd.s32 s21, s8  }
0x177: {  	[sflag:s7] =	ssyncset.done $0x0;
	s8 =	sshrl.u32 s8, $0x3  }
0x178: {  	[sflag:s7] =	ssyncadd.s32 $0xFFFFC000;
	s8 =	sadd.s32 s0, s8  }
0x179: {  	[tilespmem:s30], [sflag:$0x4] =	stream.linear.gather [hbm4b:s8+s3], $0x4000, $0x38;
	[tilespmem:$0x10080] =	vst v63  }
0x17a: {  	_ =	swait.ge [sflag:s31], $0x4000  }
0x17b: {  	p0 =	sne.s32 s19, s11;
	[sflag:s31] =	ssyncset.done $0x0  }
0x17c: {  	s9 =	simm.s32 @!p0 $0x8080;
	s8 =	simm.s32 @!p0 $0x0;
	[sflag:s31] =	ssyncadd.s32 $0xFFFFC000  }
0x17d: {  	[tilespmem:s9], [sflag:$0x9] =	stream.linear.gather @!p0 [hbm4b:s6+s8], $0x4000, $0x38;
	[tilespmem:$0x10080] =	vst v63  }
0x17e: {  	s8 =	simm.s32 @!p0 $0x9  }
0x17f: {  	_ =	swait.ge @!p0 [sflag:s8], $0x4000  }
0x180: {  	[sflag:s8] =	ssyncset.done @!p0 $0x0  }
0x181: {  	s14 =	rddreg [dreg:$0x14];
	[sflag:s8] =	ssyncadd.s32 @!p0 $0xFFFFC000  }
0x182: {  	[hbm4b:s14+s3] =	stream.linear.scatter [tilespmem:s28], [sflag:$0x7], $0x4000, $0x38;
	[tilespmem:$0x10080] =	vst v63  }
0x183: {  	_ =	swait.ge [sflag:s2], $0x4000  }
0x184: {  	p0 =	sne.s32 s20, s11;
	[sflag:s2] =	ssyncset.done $0x0  }
0x185: {  	s8 =	simm.s32 @!p0 $0x0;
	s9 =	simm.s32 @!p0 $0xC080;
	[sflag:s2] =	ssyncadd.s32 $0xFFFFC000  }
0x186: {  	[tilespmem:s9], [sflag:$0x9] =	stream.linear.gather @!p0 [hbm4b:s6+s8], $0x4000, $0x38;
	[tilespmem:$0x10080] =	vst v63  }
0x187: {  	s8 =	simm.s32 @!p0 $0x9  }
0x188: {  	_ =	swait.ge @!p0 [sflag:s8], $0x4000  }
0x189: {  	[sflag:s8] =	ssyncset.done @!p0 $0x0  }
0x18a: {  	s15 =	rddreg [dreg:$0x15];
	[sflag:s8] =	ssyncadd.s32 @!p0 $0xFFFFC000  }
0x18b: {  	[hbm4b:s15+s3] =	stream.linear.scatter [tilespmem:s30], [sflag:$0x8], $0x4000, $0x38;
	[tilespmem:$0x10080] =	vst v63  }
0x18c: {  	_ =	swait.ge [sflag:s1], $0x4000  }
0x18d: {  	[sflag:s1] =	ssyncset.done $0x0  }
0x18e: {  	[sflag:s1] =	ssyncadd.s32 $0xFFFFC000  }
0x18f: {  	_ =	swait.ge [sflag:s23], $0x4000  }
0x190: {  	[sflag:s23] =	ssyncset.done $0x0  }
0x191: {  	s22 =	sadd.s32 $0xFFFFFFFF, s22;
	[sflag:s23] =	ssyncadd.s32 $0xFFFFC000  }
0x192: {  	p0 =	sne.s32 s22, $0x0;
	_ =	swait.ge [sflag:s5], $0x4000  }
.Ltmp0:
0x193: {  	[sflag:s5] =	ssyncset.done $0x0;
	(pc) =	sbr.rel @p0 .LBB2_1-.Ltmp0, $4  }
0x194: {  	[sflag:s5] =	ssyncadd.s32 $0xFFFFC000  }
0x195: {  	_ =	swait.ge [sflag:s7], $0x4000  }
0x196: {  	[sflag:s7] =	ssyncset.done $0x0  }
0x197: {  	[sflag:s7] =	ssyncadd.s32 $0xFFFFC000  }
0x198: {  	_ =	sfence.sel $0x180000  }
0x199: {  	[bflag:$0x0] =	sbarrier.arrive $0xFFFF  }
0x19a: {  	_ =	strace $0x90000047  }
0x19b: {  	s0 =	stileid.u32;
	[bflag:$0x2] =	sbarrier.arrive $0xFFFF  }
0x19c: {  	p0 =	sne.s32 s0, $0x0;
	s0 =	rddreg [dreg:$0x4]  }
0x19d: {  	s0 =	sadd.s32 @!p0 $0x100000, s0  }
0x19e: {  	[sflag:s0] =	ssyncadd.tile.s32 @!p0 $0x1;
	_ =	shalt  }
.Lfunc_end2:
_tile_overlayer_lowered:
.L_overlay_start_2:
0x19f: {  	(tag) =	ssettag $0x2  }
0x1a0: {  	s0 =	rddreg [dreg:$0x0];
	s2 =	stileid.u32  }
0x1a1: {  	s1 =	rddreg [dreg:$0x1];
	p0 =	sne.s32 s2, $0x0  }
0x1a2: {  	s3 =	rddreg [dreg:$0x2];
	[bflag:$0x3] =	sbarrier.arrive $0xFFFF;
	s2 =	simm.s32 @!p0 $0x1C09  }
0x1a3: {  	[timem:s3], [sflag:s2] =	dma.local @!p0 [hbm:s0], s1  }
0x1a4: {  	s0 =	simm.s32 @!p0 $0x9  }
0x1a5: {  	_ =	swait.ge @!p0 [sflag:s0], s1  }
0x1a6: {  	s1 =	ssub.s32 @!p0 $0x0, s1;
	[sflag:s0] =	ssyncset.done @!p0 $0x0  }
0x1a7: {  	[sflag:s0] =	ssyncadd.s32 @!p0 s1  }
0x1a8: {  	[bflag:$0x3] =	sbarrier.arrive $0xFFFF  }
0x1a9: {  	_ =	shalt  }

</sc_bundles>
